<compile_context>
chip_gen: v7x
topology: tpu7x:2x2x1
jax: 0.10.2.dev20260603
libtpu: 0.0.44.dev20260713+nightly
codegen_flags: <defaults>
</compile_context>

<pallas_src>
import functools

import jax
import jax.numpy as jnp
from jax import lax
from jax.experimental import pallas as pl
from jax.experimental.pallas import tpu as pltpu
from jax.experimental.pallas import tpu_sc as plsc

HIDDEN = 1024
BATCH = 4
SEQ = 4096
TOTAL = BATCH * SEQ

NC = 2
NS = 16
NW = NC * NS
B_PER_W = TOTAL // NW
W_PER_SEQ = SEQ // B_PER_W
CHUNK = 16
N_CHUNKS = B_PER_W // CHUNK
NBUF = 7
LEAD = 5

_mesh = plsc.VectorSubcoreMesh(core_axis_name="c", subcore_axis_name="s")


@functools.partial(
    pl.kernel,
    mesh=_mesh,
    out_type=jax.ShapeDtypeStruct((BATCH, SEQ, HIDDEN), jnp.float32),
    scratch_types=[
        pltpu.VMEM((B_PER_W,), jnp.int32),
        pltpu.VMEM((NBUF, CHUNK, HIDDEN), jnp.float32),
        pltpu.SemaphoreType.DMA((NBUF,)),
        pltpu.SemaphoreType.DMA((NBUF,)),
        pltpu.SemaphoreType.DMA((2,)),
    ],
)
def _embed_kernel(idx_hbm, table_hbm, out_hbm, idx_v, rows_v, gsem, osem, isem):
    wid = lax.axis_index("s") * NC + lax.axis_index("c")
    b = wid // W_PER_SEQ
    scol = (wid % W_PER_SEQ) * B_PER_W
    split = 128
    head = pltpu.async_copy(
        idx_hbm.at[b, pl.ds(scol, split)], idx_v.at[pl.ds(0, split)], isem.at[0]
    )
    tail = pltpu.async_copy(
        idx_hbm.at[b, pl.ds(scol + split, B_PER_W - split)],
        idx_v.at[pl.ds(split, B_PER_W - split)],
        isem.at[1],
    )

    def gather(c, buf):
        pltpu.async_copy(
            table_hbm.at[idx_v.at[pl.ds(c * CHUNK, CHUNK)]],
            rows_v.at[buf],
            gsem.at[buf],
        )

    def wait_gather(c, buf):
        pltpu.make_async_copy(
            table_hbm.at[idx_v.at[pl.ds(c * CHUNK, CHUNK)]],
            rows_v.at[buf],
            gsem.at[buf],
        ).wait()

    def write(c, buf):
        return pltpu.async_copy(
            rows_v.at[buf],
            out_hbm.at[b, pl.ds(scol + c * CHUNK, CHUNK)],
            osem.at[buf],
        )

    head.wait()
    for p in range(LEAD):
        gather(p, p)
    tail.wait()
    writes = [None] * NBUF
    for t in range(N_CHUNKS):
        buf = t % NBUF
        wait_gather(t, buf)
        writes[buf] = write(t, buf)
        m = t + LEAD
        if m < N_CHUNKS:
            mbuf = m % NBUF
            if writes[mbuf] is not None:
                writes[mbuf].wait()
            gather(m, mbuf)
    for w in writes:
        if w is not None:
            w.wait()


def kernel(input_ids, table):
    return _embed_kernel(input_ids.astype(jnp.int32), table)

# --- scband reference (transcript-rebuilt; emitter-appended) ---
"""Pipeline reference for scband-multi-modal-embedding-67448166416823 (READ-ONLY COPY).

The authoritative reference and input builder live on the scoring server;
editing this copy changes nothing except your own understanding.
"""

import jax, jax.numpy as jnp
import numpy as np

VOCAB = 100000
HIDDEN = 1024
BATCH = 4
SEQ = 4096
PAD_ID = 0

def setup_inputs(seed: int = 0) -> dict:
    key = jax.random.key(seed)
    k1, k2 = jax.random.split(key)
    input_ids = jax.random.randint(k1, (BATCH, SEQ), 0, VOCAB, dtype=jnp.int64 if jax.config.jax_enable_x64 else jnp.int32)
    table = jax.random.normal(k2, (VOCAB, HIDDEN), dtype=jnp.float32) * 0.02
    # padding_idx row initialized to zero, as nn.Embedding does
    table = table.at[PAD_ID].set(0.0)
    return {"input_ids": input_ids, "table": table}

def reference(input_ids, table):
    # nn.Embedding forward: plain row gather (padding_idx only affects init/grad)
    embeddings = jnp.take(table, input_ids, axis=0)
    # dropout with p = hidden_dropout = 0.0 (identity; also identity in eval mode)
    return embeddings

if __name__ == "__main__":
    import jax
    _d = setup_inputs()
    print(jax.jit(kernel)(*tuple(_d.values())))

</pallas_src>

<mosaic_0001>
#map = affine_map<(d0, d1) -> (0, 0)>
#map1 = affine_map<(d0, d1) -> (0, 0, 0)>
module attributes {stable_mosaic.version = 14 : i64} {
  func.func @_embed_kernel(%arg0: i32, %arg1: i32, %arg2: memref<4x4096xi32, #tpu.memory_space<hbm>>, %arg3: memref<100000x1024xf32, #tpu.memory_space<hbm>>, %arg4: memref<4x4096x1024xf32, #tpu.memory_space<hbm>>, %arg5: memref<512xi32, #tpu.memory_space<vmem>>, %arg6: memref<7x16x1024xf32, #tpu.memory_space<vmem>>, %arg7: memref<7x!tpu.dma_semaphore, #tpu.memory_space<semaphore_mem>>, %arg8: memref<7x!tpu.dma_semaphore, #tpu.memory_space<semaphore_mem>>, %arg9: memref<2x!tpu.dma_semaphore, #tpu.memory_space<semaphore_mem>>) attributes {dimension_semantics = [#tpu.dimension_semantics<core_parallel>, #tpu.dimension_semantics<subcore_parallel>], iteration_bounds = array<i64: 2, 16>, scalar_prefetch = 0 : i64, scratch_operands = 5 : i64, tpu.core_type = #tpu.core_type<sc_vector_subcore>, window_params = [{transform_indices = #map}, {transform_indices = #map}, {transform_indices = #map1}]} {
    %mul3A = arith.constant 2 : i32
    %mul3A_0 = arith.muli %arg1, %mul3A : i32
    %add3A = arith.addi %mul3A_0, %arg0 : i32
    %jit3A = arith.constant 8 : i32
    %div3A = arith.divsi %add3A, %jit3A : i32
    %sign3A = arith.constant 0 : i32
    %sign3A_1 = arith.cmpi sgt, %add3A, %sign3A : i32
    %sign3A_2 = arith.extui %sign3A_1 : i1 to i32
    %sign3A_3 = arith.constant 0 : i32
    %sign3A_4 = arith.cmpi slt, %add3A, %sign3A_3 : i32
    %sign3A_5 = arith.extui %sign3A_4 : i1 to i32
    %sign3A_6 = arith.subi %sign3A_2, %sign3A_5 : i32
    %sign3A_7 = arith.constant 0 : i32
    %sign3A_8 = arith.cmpi sgt, %jit3A, %sign3A_7 : i32
    %sign3A_9 = arith.extui %sign3A_8 : i1 to i32
    %sign3A_10 = arith.constant 0 : i32
    %sign3A_11 = arith.cmpi slt, %jit3A, %sign3A_10 : i32
    %sign3A_12 = arith.extui %sign3A_11 : i1 to i32
    %sign3A_13 = arith.subi %sign3A_9, %sign3A_12 : i32
    %ne3A = arith.cmpi ne, %sign3A_6, %sign3A_13 : i32
    %rem3A = arith.remsi %add3A, %jit3A : i32
    %ne3A_14 = arith.constant 0 : i32
    %ne3A_15 = arith.cmpi ne, %rem3A, %ne3A_14 : i32
    %and3A = arith.andi %ne3A, %ne3A_15 : i1
    %sub3A = arith.constant 1 : i32
    %sub3A_16 = arith.subi %div3A, %sub3A : i32
    %select_n3A = arith.select %and3A, %sub3A_16, %div3A : i32
    %jit3A_17 = arith.constant 8 : i32
    %eq3A = arith.constant 0 : i32
    %eq3A_18 = arith.cmpi eq, %jit3A_17, %eq3A : i32
    %jit3A_19 = arith.constant 1 : i32
    %select_n3A_20 = arith.select %eq3A_18, %jit3A_19, %jit3A_17 : i32
    %rem3A_21 = arith.remsi %add3A, %select_n3A_20 : i32
    %ne3A_22 = arith.constant 0 : i32
    %ne3A_23 = arith.cmpi ne, %rem3A_21, %ne3A_22 : i32
    %lt3A = arith.constant 0 : i32
    %lt3A_24 = arith.cmpi slt, %rem3A_21, %lt3A : i32
    %lt3A_25 = arith.constant 0 : i32
    %lt3A_26 = arith.cmpi slt, %select_n3A_20, %lt3A_25 : i32
    %ne3A_27 = arith.xori %lt3A_24, %lt3A_26 : i1
    %and3A_28 = arith.andi %ne3A_27, %ne3A_23 : i1
    %add3A_29 = arith.addi %rem3A_21, %select_n3A_20 : i32
    %select_n3A_30 = arith.select %and3A_28, %add3A_29, %rem3A_21 : i32
    %mul3A_31 = arith.constant 512 : i32
    %mul3A_32 = arith.muli %select_n3A_30, %mul3A_31 : i32
    %dma_start3A = arith.constant 0 : i32
    %dma_start3A_33 = arith.constant 0 : i32
    %dma_start3A_34 = tpu.memref_slice %arg5[%dma_start3A_33] : memref<512xi32, #tpu.memory_space<vmem>> -> memref<128xi32, #tpu.memory_space<vmem>>
    %dma_start3A_35 = tpu.memref_slice %arg2[%select_n3A, %mul3A_32] : memref<4x4096xi32, #tpu.memory_space<hbm>> -> memref<1x128xi32, #tpu.memory_space<hbm>>
    %dma_start3A_36 = tpu.memref_squeeze %dma_start3A_35 : memref<1x128xi32, #tpu.memory_space<hbm>> -> memref<128xi32, #tpu.memory_space<hbm>>
    %dma_start3A_37 = tpu.memref_slice %arg9[%dma_start3A] : memref<2x!tpu.dma_semaphore, #tpu.memory_space<semaphore_mem>> -> memref<1x!tpu.dma_semaphore, #tpu.memory_space<semaphore_mem>>
    %dma_start3A_38 = tpu.memref_squeeze %dma_start3A_37 : memref<1x!tpu.dma_semaphore, #tpu.memory_space<semaphore_mem>> -> memref<!tpu.dma_semaphore, #tpu.memory_space<semaphore_mem>>
    %dma_start3A_39 = arith.constant 0 : i32
    %dma_start3A_40 = tpu.memref_slice %arg5[%dma_start3A_39] : memref<512xi32, #tpu.memory_space<vmem>> -> memref<128xi32, #tpu.memory_space<vmem>>
    %dma_start3A_41 = tpu.memref_slice %arg2[%select_n3A, %mul3A_32] : memref<4x4096xi32, #tpu.memory_space<hbm>> -> memref<1x128xi32, #tpu.memory_space<hbm>>
    %dma_start3A_42 = tpu.memref_squeeze %dma_start3A_41 : memref<1x128xi32, #tpu.memory_space<hbm>> -> memref<128xi32, #tpu.memory_space<hbm>>
    tpu.enqueue_dma source(%dma_start3A_42 : memref<128xi32, #tpu.memory_space<hbm>>) target(%dma_start3A_40 : memref<128xi32, #tpu.memory_space<vmem>>) target_semaphore(%dma_start3A_38 : memref<!tpu.dma_semaphore, #tpu.memory_space<semaphore_mem>>)
    %add3A_43 = arith.constant 128 : i32
    %add3A_44 = arith.addi %mul3A_32, %add3A_43 : i32
    %dma_start3A_45 = arith.constant 1 : i32
    %dma_start3A_46 = arith.constant 128 : i32
    %dma_start3A_47 = tpu.memref_slice %arg5[%dma_start3A_46] : memref<512xi32, #tpu.memory_space<vmem>> -> memref<384xi32, #tpu.memory_space<vmem>>
    %dma_start3A_48 = tpu.memref_slice %arg2[%select_n3A, %add3A_44] : memref<4x4096xi32, #tpu.memory_space<hbm>> -> memref<1x384xi32, #tpu.memory_space<hbm>>
    %dma_start3A_49 = tpu.memref_squeeze %dma_start3A_48 : memref<1x384xi32, #tpu.memory_space<hbm>> -> memref<384xi32, #tpu.memory_space<hbm>>
    %dma_start3A_50 = tpu.memref_slice %arg9[%dma_start3A_45] : memref<2x!tpu.dma_semaphore, #tpu.memory_space<semaphore_mem>> -> memref<1x!tpu.dma_semaphore, #tpu.memory_space<semaphore_mem>>
    %dma_start3A_51 = tpu.memref_squeeze %dma_start3A_50 : memref<1x!tpu.dma_semaphore, #tpu.memory_space<semaphore_mem>> -> memref<!tpu.dma_semaphore, #tpu.memory_space<semaphore_mem>>
    %dma_start3A_52 = arith.constant 128 : i32
    %dma_start3A_53 = tpu.memref_slice %arg5[%dma_start3A_52] : memref<512xi32, #tpu.memory_space<vmem>> -> memref<384xi32, #tpu.memory_space<vmem>>
    %dma_start3A_54 = tpu.memref_slice %arg2[%select_n3A, %add3A_44] : memref<4x4096xi32, #tpu.memory_space<hbm>> -> memref<1x384xi32, #tpu.memory_space<hbm>>
    %dma_start3A_55 = tpu.memref_squeeze %dma_start3A_54 : memref<1x384xi32, #tpu.memory_space<hbm>> -> memref<384xi32, #tpu.memory_space<hbm>>
    tpu.enqueue_dma source(%dma_start3A_55 : memref<384xi32, #tpu.memory_space<hbm>>) target(%dma_start3A_53 : memref<384xi32, #tpu.memory_space<vmem>>) target_semaphore(%dma_start3A_51 : memref<!tpu.dma_semaphore, #tpu.memory_space<semaphore_mem>>)
    %dma_wait3A = arith.constant 0 : i32
    %dma_wait3A_56 = arith.constant 0 : i32
    %dma_wait3A_57 = tpu.memref_slice %arg5[%dma_wait3A_56] : memref<512xi32, #tpu.memory_space<vmem>> -> memref<128xi32, #tpu.memory_space<vmem>>
    %dma_wait3A_58 = tpu.memref_slice %arg2[%select_n3A, %mul3A_32] : memref<4x4096xi32, #tpu.memory_space<hbm>> -> memref<1x128xi32, #tpu.memory_space<hbm>>
    %dma_wait3A_59 = tpu.memref_squeeze %dma_wait3A_58 : memref<1x128xi32, #tpu.memory_space<hbm>> -> memref<128xi32, #tpu.memory_space<hbm>>
    %dma_wait3A_60 = tpu.memref_slice %arg9[%dma_wait3A] : memref<2x!tpu.dma_semaphore, #tpu.memory_space<semaphore_mem>> -> memref<1x!tpu.dma_semaphore, #tpu.memory_space<semaphore_mem>>
    %dma_wait3A_61 = tpu.memref_squeeze %dma_wait3A_60 : memref<1x!tpu.dma_semaphore, #tpu.memory_space<semaphore_mem>> -> memref<!tpu.dma_semaphore, #tpu.memory_space<semaphore_mem>>
    %dma_wait3A_62 = arith.constant 0 : i32
    %dma_wait3A_63 = tpu.memref_slice %arg5[%dma_wait3A_62] : memref<512xi32, #tpu.memory_space<vmem>> -> memref<128xi32, #tpu.memory_space<vmem>>
    %dma_wait3A_64 = tpu.memref_slice %arg2[%select_n3A, %mul3A_32] : memref<4x4096xi32, #tpu.memory_space<hbm>> -> memref<1x128xi32, #tpu.memory_space<hbm>>
    %dma_wait3A_65 = tpu.memref_squeeze %dma_wait3A_64 : memref<1x128xi32, #tpu.memory_space<hbm>> -> memref<128xi32, #tpu.memory_space<hbm>>
    tpu.wait_dma2 semaphore(%dma_wait3A_61 : memref<!tpu.dma_semaphore, #tpu.memory_space<semaphore_mem>>) src(%dma_wait3A_65 : memref<128xi32, #tpu.memory_space<hbm>>) dst(%dma_wait3A_63 : memref<128xi32, #tpu.memory_space<vmem>>)
    %dma_start3A_66 = arith.constant 0 : i32
    %dma_start3A_67 = arith.constant 0 : i32
    %dma_start3A_68 = arith.constant 0 : i32
    %dma_start3A_69 = arith.constant 0 : i32
    %dma_start3A_70 = tpu.memref_slice %arg6[%dma_start3A_66, %dma_start3A_68, %dma_start3A_69] : memref<7x16x1024xf32, #tpu.memory_space<vmem>> -> memref<1x16x1024xf32, #tpu.memory_space<vmem>>
    %dma_start3A_71 = tpu.memref_squeeze %dma_start3A_70 : memref<1x16x1024xf32, #tpu.memory_space<vmem>> -> memref<16x1024xf32, #tpu.memory_space<vmem>>
    %dma_start3A_72 = arith.constant 0 : i32
    %dma_start3A_73 = tpu.memref_slice %arg5[%dma_start3A_72] : memref<512xi32, #tpu.memory_space<vmem>> -> memref<16xi32, #tpu.memory_space<vmem>>
    %dma_start3A_74 = arith.constant 0 : i32
    %dma_start3A_75 = arith.constant 0 : i32
    %dma_start3A_76 = tpu.memref_slice %arg3[%dma_start3A_74, %dma_start3A_75] : memref<100000x1024xf32, #tpu.memory_space<hbm>> -> memref<100000x1024xf32, #tpu.memory_space<hbm>>
    %dma_start3A_77 = tpu.memref_slice %arg7[%dma_start3A_67] : memref<7x!tpu.dma_semaphore, #tpu.memory_space<semaphore_mem>> -> memref<1x!tpu.dma_semaphore, #tpu.memory_space<semaphore_mem>>
    %dma_start3A_78 = tpu.memref_squeeze %dma_start3A_77 : memref<1x!tpu.dma_semaphore, #tpu.memory_space<semaphore_mem>> -> memref<!tpu.dma_semaphore, #tpu.memory_space<semaphore_mem>>
    tpu.enqueue_indirect_dma source(%dma_start3A_76 : memref<100000x1024xf32, #tpu.memory_space<hbm>>) target(%dma_start3A_71 : memref<16x1024xf32, #tpu.memory_space<vmem>>) offsets(%dma_start3A_73 : memref<16xi32, #tpu.memory_space<vmem>>) semaphore(%dma_start3A_78 : memref<!tpu.dma_semaphore, #tpu.memory_space<semaphore_mem>>)
    %dma_start3A_79 = arith.constant 1 : i32
    %dma_start3A_80 = arith.constant 1 : i32
    %dma_start3A_81 = arith.constant 0 : i32
    %dma_start3A_82 = arith.constant 0 : i32
    %dma_start3A_83 = tpu.memref_slice %arg6[%dma_start3A_79, %dma_start3A_81, %dma_start3A_82] : memref<7x16x1024xf32, #tpu.memory_space<vmem>> -> memref<1x16x1024xf32, #tpu.memory_space<vmem>>
    %dma_start3A_84 = tpu.memref_squeeze %dma_start3A_83 : memref<1x16x1024xf32, #tpu.memory_space<vmem>> -> memref<16x1024xf32, #tpu.memory_space<vmem>>
    %dma_start3A_85 = arith.constant 16 : i32
    %dma_start3A_86 = tpu.memref_slice %arg5[%dma_start3A_85] : memref<512xi32, #tpu.memory_space<vmem>> -> memref<16xi32, #tpu.memory_space<vmem>>
    %dma_start3A_87 = arith.constant 0 : i32
    %dma_start3A_88 = arith.constant 0 : i32
    %dma_start3A_89 = tpu.memref_slice %arg3[%dma_start3A_87, %dma_start3A_88] : memref<100000x1024xf32, #tpu.memory_space<hbm>> -> memref<100000x1024xf32, #tpu.memory_space<hbm>>
    %dma_start3A_90 = tpu.memref_slice %arg7[%dma_start3A_80] : memref<7x!tpu.dma_semaphore, #tpu.memory_space<semaphore_mem>> -> memref<1x!tpu.dma_semaphore, #tpu.memory_space<semaphore_mem>>
    %dma_start3A_91 = tpu.memref_squeeze %dma_start3A_90 : memref<1x!tpu.dma_semaphore, #tpu.memory_space<semaphore_mem>> -> memref<!tpu.dma_semaphore, #tpu.memory_space<semaphore_mem>>
    tpu.enqueue_indirect_dma source(%dma_start3A_89 : memref<100000x1024xf32, #tpu.memory_space<hbm>>) target(%dma_start3A_84 : memref<16x1024xf32, #tpu.memory_space<vmem>>) offsets(%dma_start3A_86 : memref<16xi32, #tpu.memory_space<vmem>>) semaphore(%dma_start3A_91 : memref<!tpu.dma_semaphore, #tpu.memory_space<semaphore_mem>>)
    %dma_start3A_92 = arith.constant 2 : i32
    %dma_start3A_93 = arith.constant 2 : i32
    %dma_start3A_94 = arith.constant 0 : i32
    %dma_start3A_95 = arith.constant 0 : i32
    %dma_start3A_96 = tpu.memref_slice %arg6[%dma_start3A_92, %dma_start3A_94, %dma_start3A_95] : memref<7x16x1024xf32, #tpu.memory_space<vmem>> -> memref<1x16x1024xf32, #tpu.memory_space<vmem>>
    %dma_start3A_97 = tpu.memref_squeeze %dma_start3A_96 : memref<1x16x1024xf32, #tpu.memory_space<vmem>> -> memref<16x1024xf32, #tpu.memory_space<vmem>>
    %dma_start3A_98 = arith.constant 32 : i32
    %dma_start3A_99 = tpu.memref_slice %arg5[%dma_start3A_98] : memref<512xi32, #tpu.memory_space<vmem>> -> memref<16xi32, #tpu.memory_space<vmem>>
    %dma_start3A_100 = arith.constant 0 : i32
    %dma_start3A_101 = arith.constant 0 : i32
    %dma_start3A_102 = tpu.memref_slice %arg3[%dma_start3A_100, %dma_start3A_101] : memref<100000x1024xf32, #tpu.memory_space<hbm>> -> memref<100000x1024xf32, #tpu.memory_space<hbm>>
    %dma_start3A_103 = tpu.memref_slice %arg7[%dma_start3A_93] : memref<7x!tpu.dma_semaphore, #tpu.memory_space<semaphore_mem>> -> memref<1x!tpu.dma_semaphore, #tpu.memory_space<semaphore_mem>>
    %dma_start3A_104 = tpu.memref_squeeze %dma_start3A_103 : memref<1x!tpu.dma_semaphore, #tpu.memory_space<semaphore_mem>> -> memref<!tpu.dma_semaphore, #tpu.memory_space<semaphore_mem>>
    tpu.enqueue_indirect_dma source(%dma_start3A_102 : memref<100000x1024xf32, #tpu.memory_space<hbm>>) target(%dma_start3A_97 : memref<16x1024xf32, #tpu.memory_space<vmem>>) offsets(%dma_start3A_99 : memref<16xi32, #tpu.memory_space<vmem>>) semaphore(%dma_start3A_104 : memref<!tpu.dma_semaphore, #tpu.memory_space<semaphore_mem>>)
    %dma_start3A_105 = arith.constant 3 : i32
    %dma_start3A_106 = arith.constant 3 : i32
    %dma_start3A_107 = arith.constant 0 : i32
    %dma_start3A_108 = arith.constant 0 : i32
    %dma_start3A_109 = tpu.memref_slice %arg6[%dma_start3A_105, %dma_start3A_107, %dma_start3A_108] : memref<7x16x1024xf32, #tpu.memory_space<vmem>> -> memref<1x16x1024xf32, #tpu.memory_space<vmem>>
    %dma_start3A_110 = tpu.memref_squeeze %dma_start3A_109 : memref<1x16x1024xf32, #tpu.memory_space<vmem>> -> memref<16x1024xf32, #tpu.memory_space<vmem>>
    %dma_start3A_111 = arith.constant 48 : i32
    %dma_start3A_112 = tpu.memref_slice %arg5[%dma_start3A_111] : memref<512xi32, #tpu.memory_space<vmem>> -> memref<16xi32, #tpu.memory_space<vmem>>
    %dma_start3A_113 = arith.constant 0 : i32
    %dma_start3A_114 = arith.constant 0 : i32
    %dma_start3A_115 = tpu.memref_slice %arg3[%dma_start3A_113, %dma_start3A_114] : memref<100000x1024xf32, #tpu.memory_space<hbm>> -> memref<100000x1024xf32, #tpu.memory_space<hbm>>
    %dma_start3A_116 = tpu.memref_slice %arg7[%dma_start3A_106] : memref<7x!tpu.dma_semaphore, #tpu.memory_space<semaphore_mem>> -> memref<1x!tpu.dma_semaphore, #tpu.memory_space<semaphore_mem>>
    %dma_start3A_117 = tpu.memref_squeeze %dma_start3A_116 : memref<1x!tpu.dma_semaphore, #tpu.memory_space<semaphore_mem>> -> memref<!tpu.dma_semaphore, #tpu.memory_space<semaphore_mem>>
    tpu.enqueue_indirect_dma source(%dma_start3A_115 : memref<100000x1024xf32, #tpu.memory_space<hbm>>) target(%dma_start3A_110 : memref<16x1024xf32, #tpu.memory_space<vmem>>) offsets(%dma_start3A_112 : memref<16xi32, #tpu.memory_space<vmem>>) semaphore(%dma_start3A_117 : memref<!tpu.dma_semaphore, #tpu.memory_space<semaphore_mem>>)
    %dma_start3A_118 = arith.constant 4 : i32
    %dma_start3A_119 = arith.constant 4 : i32
    %dma_start3A_120 = arith.constant 0 : i32
    %dma_start3A_121 = arith.constant 0 : i32
    %dma_start3A_122 = tpu.memref_slice %arg6[%dma_start3A_118, %dma_start3A_120, %dma_start3A_121] : memref<7x16x1024xf32, #tpu.memory_space<vmem>> -> memref<1x16x1024xf32, #tpu.memory_space<vmem>>
    %dma_start3A_123 = tpu.memref_squeeze %dma_start3A_122 : memref<1x16x1024xf32, #tpu.memory_space<vmem>> -> memref<16x1024xf32, #tpu.memory_space<vmem>>
    %dma_start3A_124 = arith.constant 64 : i32
    %dma_start3A_125 = tpu.memref_slice %arg5[%dma_start3A_124] : memref<512xi32, #tpu.memory_space<vmem>> -> memref<16xi32, #tpu.memory_space<vmem>>
    %dma_start3A_126 = arith.constant 0 : i32
    %dma_start3A_127 = arith.constant 0 : i32
    %dma_start3A_128 = tpu.memref_slice %arg3[%dma_start3A_126, %dma_start3A_127] : memref<100000x1024xf32, #tpu.memory_space<hbm>> -> memref<100000x1024xf32, #tpu.memory_space<hbm>>
    %dma_start3A_129 = tpu.memref_slice %arg7[%dma_start3A_119] : memref<7x!tpu.dma_semaphore, #tpu.memory_space<semaphore_mem>> -> memref<1x!tpu.dma_semaphore, #tpu.memory_space<semaphore_mem>>
    %dma_start3A_130 = tpu.memref_squeeze %dma_start3A_129 : memref<1x!tpu.dma_semaphore, #tpu.memory_space<semaphore_mem>> -> memref<!tpu.dma_semaphore, #tpu.memory_space<semaphore_mem>>
    tpu.enqueue_indirect_dma source(%dma_start3A_128 : memref<100000x1024xf32, #tpu.memory_space<hbm>>) target(%dma_start3A_123 : memref<16x1024xf32, #tpu.memory_space<vmem>>) offsets(%dma_start3A_125 : memref<16xi32, #tpu.memory_space<vmem>>) semaphore(%dma_start3A_130 : memref<!tpu.dma_semaphore, #tpu.memory_space<semaphore_mem>>)
    %dma_wait3A_131 = arith.constant 1 : i32
    %dma_wait3A_132 = arith.constant 128 : i32
    %dma_wait3A_133 = tpu.memref_slice %arg5[%dma_wait3A_132] : memref<512xi32, #tpu.memory_space<vmem>> -> memref<384xi32, #tpu.memory_space<vmem>>
    %dma_wait3A_134 = tpu.memref_slice %arg2[%select_n3A, %add3A_44] : memref<4x4096xi32, #tpu.memory_space<hbm>> -> memref<1x384xi32, #tpu.memory_space<hbm>>
    %dma_wait3A_135 = tpu.memref_squeeze %dma_wait3A_134 : memref<1x384xi32, #tpu.memory_space<hbm>> -> memref<384xi32, #tpu.memory_space<hbm>>
    %dma_wait3A_136 = tpu.memref_slice %arg9[%dma_wait3A_131] : memref<2x!tpu.dma_semaphore, #tpu.memory_space<semaphore_mem>> -> memref<1x!tpu.dma_semaphore, #tpu.memory_space<semaphore_mem>>
    %dma_wait3A_137 = tpu.memref_squeeze %dma_wait3A_136 : memref<1x!tpu.dma_semaphore, #tpu.memory_space<semaphore_mem>> -> memref<!tpu.dma_semaphore, #tpu.memory_space<semaphore_mem>>
    %dma_wait3A_138 = arith.constant 128 : i32
    %dma_wait3A_139 = tpu.memref_slice %arg5[%dma_wait3A_138] : memref<512xi32, #tpu.memory_space<vmem>> -> memref<384xi32, #tpu.memory_space<vmem>>
    %dma_wait3A_140 = tpu.memref_slice %arg2[%select_n3A, %add3A_44] : memref<4x4096xi32, #tpu.memory_space<hbm>> -> memref<1x384xi32, #tpu.memory_space<hbm>>
    %dma_wait3A_141 = tpu.memref_squeeze %dma_wait3A_140 : memref<1x384xi32, #tpu.memory_space<hbm>> -> memref<384xi32, #tpu.memory_space<hbm>>
    tpu.wait_dma2 semaphore(%dma_wait3A_137 : memref<!tpu.dma_semaphore, #tpu.memory_space<semaphore_mem>>) src(%dma_wait3A_141 : memref<384xi32, #tpu.memory_space<hbm>>) dst(%dma_wait3A_139 : memref<384xi32, #tpu.memory_space<vmem>>)
    %dma_wait3A_142 = arith.constant 0 : i32
    %dma_wait3A_143 = arith.constant 0 : i32
    %dma_wait3A_144 = arith.constant 0 : i32
    %dma_wait3A_145 = arith.constant 0 : i32
    %dma_wait3A_146 = tpu.memref_slice %arg6[%dma_wait3A_142, %dma_wait3A_144, %dma_wait3A_145] : memref<7x16x1024xf32, #tpu.memory_space<vmem>> -> memref<1x16x1024xf32, #tpu.memory_space<vmem>>
    %dma_wait3A_147 = tpu.memref_squeeze %dma_wait3A_146 : memref<1x16x1024xf32, #tpu.memory_space<vmem>> -> memref<16x1024xf32, #tpu.memory_space<vmem>>
    %dma_wait3A_148 = arith.constant 0 : i32
    %dma_wait3A_149 = tpu.memref_slice %arg5[%dma_wait3A_148] : memref<512xi32, #tpu.memory_space<vmem>> -> memref<16xi32, #tpu.memory_space<vmem>>
    %dma_wait3A_150 = arith.constant 0 : i32
    %dma_wait3A_151 = arith.constant 0 : i32
    %dma_wait3A_152 = tpu.memref_slice %arg3[%dma_wait3A_150, %dma_wait3A_151] : memref<100000x1024xf32, #tpu.memory_space<hbm>> -> memref<100000x1024xf32, #tpu.memory_space<hbm>>
    %dma_wait3A_153 = tpu.memref_slice %arg7[%dma_wait3A_143] : memref<7x!tpu.dma_semaphore, #tpu.memory_space<semaphore_mem>> -> memref<1x!tpu.dma_semaphore, #tpu.memory_space<semaphore_mem>>
    %dma_wait3A_154 = tpu.memref_squeeze %dma_wait3A_153 : memref<1x!tpu.dma_semaphore, #tpu.memory_space<semaphore_mem>> -> memref<!tpu.dma_semaphore, #tpu.memory_space<semaphore_mem>>
    tpu.wait_indirect_dma semaphore(%dma_wait3A_154 : memref<!tpu.dma_semaphore, #tpu.memory_space<semaphore_mem>>) src(%dma_wait3A_152 : memref<100000x1024xf32, #tpu.memory_space<hbm>>) dst(%dma_wait3A_147 : memref<16x1024xf32, #tpu.memory_space<vmem>>)
    %add3A_155 = arith.constant 0 : i32
    %add3A_156 = arith.addi %mul3A_32, %add3A_155 : i32
    %dma_start3A_157 = arith.constant 0 : i32
    %dma_start3A_158 = arith.constant 0 : i32
    %dma_start3A_159 = arith.constant 0 : i32
    %dma_start3A_160 = arith.constant 0 : i32
    %dma_start3A_161 = tpu.memref_slice %arg6[%dma_start3A_157, %dma_start3A_159, %dma_start3A_160] : memref<7x16x1024xf32, #tpu.memory_space<vmem>> -> memref<1x16x1024xf32, #tpu.memory_space<vmem>>
    %dma_start3A_162 = tpu.memref_squeeze %dma_start3A_161 : memref<1x16x1024xf32, #tpu.memory_space<vmem>> -> memref<16x1024xf32, #tpu.memory_space<vmem>>
    %dma_start3A_163 = arith.constant 0 : i32
    %dma_start3A_164 = tpu.memref_slice %arg4[%select_n3A, %add3A_156, %dma_start3A_163] : memref<4x4096x1024xf32, #tpu.memory_space<hbm>> -> memref<1x16x1024xf32, #tpu.memory_space<hbm>>
    %dma_start3A_165 = tpu.memref_squeeze %dma_start3A_164 : memref<1x16x1024xf32, #tpu.memory_space<hbm>> -> memref<16x1024xf32, #tpu.memory_space<hbm>>
    %dma_start3A_166 = tpu.memref_slice %arg8[%dma_start3A_158] : memref<7x!tpu.dma_semaphore, #tpu.memory_space<semaphore_mem>> -> memref<1x!tpu.dma_semaphore, #tpu.memory_space<semaphore_mem>>
    %dma_start3A_167 = tpu.memref_squeeze %dma_start3A_166 : memref<1x!tpu.dma_semaphore, #tpu.memory_space<semaphore_mem>> -> memref<!tpu.dma_semaphore, #tpu.memory_space<semaphore_mem>>
    %dma_start3A_168 = arith.constant 0 : i32
    %dma_start3A_169 = tpu.memref_slice %arg4[%select_n3A, %add3A_156, %dma_start3A_168] : memref<4x4096x1024xf32, #tpu.memory_space<hbm>> -> memref<1x16x1024xf32, #tpu.memory_space<hbm>>
    %dma_start3A_170 = tpu.memref_squeeze %dma_start3A_169 : memref<1x16x1024xf32, #tpu.memory_space<hbm>> -> memref<16x1024xf32, #tpu.memory_space<hbm>>
    %dma_start3A_171 = arith.constant 0 : i32
    %dma_start3A_172 = arith.constant 0 : i32
    %dma_start3A_173 = tpu.memref_slice %arg6[%dma_start3A_157, %dma_start3A_171, %dma_start3A_172] : memref<7x16x1024xf32, #tpu.memory_space<vmem>> -> memref<1x16x1024xf32, #tpu.memory_space<vmem>>
    %dma_start3A_174 = tpu.memref_squeeze %dma_start3A_173 : memref<1x16x1024xf32, #tpu.memory_space<vmem>> -> memref<16x1024xf32, #tpu.memory_space<vmem>>
    tpu.enqueue_dma source(%dma_start3A_174 : memref<16x1024xf32, #tpu.memory_space<vmem>>) target(%dma_start3A_170 : memref<16x1024xf32, #tpu.memory_space<hbm>>) target_semaphore(%dma_start3A_167 : memref<!tpu.dma_semaphore, #tpu.memory_space<semaphore_mem>>)
    %dma_start3A_175 = arith.constant 5 : i32
    %dma_start3A_176 = arith.constant 5 : i32
    %dma_start3A_177 = arith.constant 0 : i32
    %dma_start3A_178 = arith.constant 0 : i32
    %dma_start3A_179 = tpu.memref_slice %arg6[%dma_start3A_175, %dma_start3A_177, %dma_start3A_178] : memref<7x16x1024xf32, #tpu.memory_space<vmem>> -> memref<1x16x1024xf32, #tpu.memory_space<vmem>>
    %dma_start3A_180 = tpu.memref_squeeze %dma_start3A_179 : memref<1x16x1024xf32, #tpu.memory_space<vmem>> -> memref<16x1024xf32, #tpu.memory_space<vmem>>
    %dma_start3A_181 = arith.constant 80 : i32
    %dma_start3A_182 = tpu.memref_slice %arg5[%dma_start3A_181] : memref<512xi32, #tpu.memory_space<vmem>> -> memref<16xi32, #tpu.memory_space<vmem>>
    %dma_start3A_183 = arith.constant 0 : i32
    %dma_start3A_184 = arith.constant 0 : i32
    %dma_start3A_185 = tpu.memref_slice %arg3[%dma_start3A_183, %dma_start3A_184] : memref<100000x1024xf32, #tpu.memory_space<hbm>> -> memref<100000x1024xf32, #tpu.memory_space<hbm>>
    %dma_start3A_186 = tpu.memref_slice %arg7[%dma_start3A_176] : memref<7x!tpu.dma_semaphore, #tpu.memory_space<semaphore_mem>> -> memref<1x!tpu.dma_semaphore, #tpu.memory_space<semaphore_mem>>
    %dma_start3A_187 = tpu.memref_squeeze %dma_start3A_186 : memref<1x!tpu.dma_semaphore, #tpu.memory_space<semaphore_mem>> -> memref<!tpu.dma_semaphore, #tpu.memory_space<semaphore_mem>>
    tpu.enqueue_indirect_dma source(%dma_start3A_185 : memref<100000x1024xf32, #tpu.memory_space<hbm>>) target(%dma_start3A_180 : memref<16x1024xf32, #tpu.memory_space<vmem>>) offsets(%dma_start3A_182 : memref<16xi32, #tpu.memory_space<vmem>>) semaphore(%dma_start3A_187 : memref<!tpu.dma_semaphore, #tpu.memory_space<semaphore_mem>>)
    %dma_wait3A_188 = arith.constant 1 : i32
    %dma_wait3A_189 = arith.constant 1 : i32
    %dma_wait3A_190 = arith.constant 0 : i32
    %dma_wait3A_191 = arith.constant 0 : i32
    %dma_wait3A_192 = tpu.memref_slice %arg6[%dma_wait3A_188, %dma_wait3A_190, %dma_wait3A_191] : memref<7x16x1024xf32, #tpu.memory_space<vmem>> -> memref<1x16x1024xf32, #tpu.memory_space<vmem>>
    %dma_wait3A_193 = tpu.memref_squeeze %dma_wait3A_192 : memref<1x16x1024xf32, #tpu.memory_space<vmem>> -> memref<16x1024xf32, #tpu.memory_space<vmem>>
    %dma_wait3A_194 = arith.constant 16 : i32
    %dma_wait3A_195 = tpu.memref_slice %arg5[%dma_wait3A_194] : memref<512xi32, #tpu.memory_space<vmem>> -> memref<16xi32, #tpu.memory_space<vmem>>
    %dma_wait3A_196 = arith.constant 0 : i32
    %dma_wait3A_197 = arith.constant 0 : i32
    %dma_wait3A_198 = tpu.memref_slice %arg3[%dma_wait3A_196, %dma_wait3A_197] : memref<100000x1024xf32, #tpu.memory_space<hbm>> -> memref<100000x1024xf32, #tpu.memory_space<hbm>>
    %dma_wait3A_199 = tpu.memref_slice %arg7[%dma_wait3A_189] : memref<7x!tpu.dma_semaphore, #tpu.memory_space<semaphore_mem>> -> memref<1x!tpu.dma_semaphore, #tpu.memory_space<semaphore_mem>>
    %dma_wait3A_200 = tpu.memref_squeeze %dma_wait3A_199 : memref<1x!tpu.dma_semaphore, #tpu.memory_space<semaphore_mem>> -> memref<!tpu.dma_semaphore, #tpu.memory_space<semaphore_mem>>
    tpu.wait_indirect_dma semaphore(%dma_wait3A_200 : memref<!tpu.dma_semaphore, #tpu.memory_space<semaphore_mem>>) src(%dma_wait3A_198 : memref<100000x1024xf32, #tpu.memory_space<hbm>>) dst(%dma_wait3A_193 : memref<16x1024xf32, #tpu.memory_space<vmem>>)
    %add3A_201 = arith.constant 16 : i32
    %add3A_202 = arith.addi %mul3A_32, %add3A_201 : i32
    %dma_start3A_203 = arith.constant 1 : i32
    %dma_start3A_204 = arith.constant 1 : i32
    %dma_start3A_205 = arith.constant 0 : i32
    %dma_start3A_206 = arith.constant 0 : i32
    %dma_start3A_207 = tpu.memref_slice %arg6[%dma_start3A_203, %dma_start3A_205, %dma_start3A_206] : memref<7x16x1024xf32, #tpu.memory_space<vmem>> -> memref<1x16x1024xf32, #tpu.memory_space<vmem>>
    %dma_start3A_208 = tpu.memref_squeeze %dma_start3A_207 : memref<1x16x1024xf32, #tpu.memory_space<vmem>> -> memref<16x1024xf32, #tpu.memory_space<vmem>>
    %dma_start3A_209 = arith.constant 0 : i32
    %dma_start3A_210 = tpu.memref_slice %arg4[%select_n3A, %add3A_202, %dma_start3A_209] : memref<4x4096x1024xf32, #tpu.memory_space<hbm>> -> memref<1x16x1024xf32, #tpu.memory_space<hbm>>
    %dma_start3A_211 = tpu.memref_squeeze %dma_start3A_210 : memref<1x16x1024xf32, #tpu.memory_space<hbm>> -> memref<16x1024xf32, #tpu.memory_space<hbm>>
    %dma_start3A_212 = tpu.memref_slice %arg8[%dma_start3A_204] : memref<7x!tpu.dma_semaphore, #tpu.memory_space<semaphore_mem>> -> memref<1x!tpu.dma_semaphore, #tpu.memory_space<semaphore_mem>>
    %dma_start3A_213 = tpu.memref_squeeze %dma_start3A_212 : memref<1x!tpu.dma_semaphore, #tpu.memory_space<semaphore_mem>> -> memref<!tpu.dma_semaphore, #tpu.memory_space<semaphore_mem>>
    %dma_start3A_214 = arith.constant 0 : i32
    %dma_start3A_215 = tpu.memref_slice %arg4[%select_n3A, %add3A_202, %dma_start3A_214] : memref<4x4096x1024xf32, #tpu.memory_space<hbm>> -> memref<1x16x1024xf32, #tpu.memory_space<hbm>>
    %dma_start3A_216 = tpu.memref_squeeze %dma_start3A_215 : memref<1x16x1024xf32, #tpu.memory_space<hbm>> -> memref<16x1024xf32, #tpu.memory_space<hbm>>
    %dma_start3A_217 = arith.constant 0 : i32
    %dma_start3A_218 = arith.constant 0 : i32
    %dma_start3A_219 = tpu.memref_slice %arg6[%dma_start3A_203, %dma_start3A_217, %dma_start3A_218] : memref<7x16x1024xf32, #tpu.memory_space<vmem>> -> memref<1x16x1024xf32, #tpu.memory_space<vmem>>
    %dma_start3A_220 = tpu.memref_squeeze %dma_start3A_219 : memref<1x16x1024xf32, #tpu.memory_space<vmem>> -> memref<16x1024xf32, #tpu.memory_space<vmem>>
    tpu.enqueue_dma source(%dma_start3A_220 : memref<16x1024xf32, #tpu.memory_space<vmem>>) target(%dma_start3A_216 : memref<16x1024xf32, #tpu.memory_space<hbm>>) target_semaphore(%dma_start3A_213 : memref<!tpu.dma_semaphore, #tpu.memory_space<semaphore_mem>>)
    %dma_start3A_221 = arith.constant 6 : i32
    %dma_start3A_222 = arith.constant 6 : i32
    %dma_start3A_223 = arith.constant 0 : i32
    %dma_start3A_224 = arith.constant 0 : i32
    %dma_start3A_225 = tpu.memref_slice %arg6[%dma_start3A_221, %dma_start3A_223, %dma_start3A_224] : memref<7x16x1024xf32, #tpu.memory_space<vmem>> -> memref<1x16x1024xf32, #tpu.memory_space<vmem>>
    %dma_start3A_226 = tpu.memref_squeeze %dma_start3A_225 : memref<1x16x1024xf32, #tpu.memory_space<vmem>> -> memref<16x1024xf32, #tpu.memory_space<vmem>>
    %dma_start3A_227 = arith.constant 96 : i32
    %dma_start3A_228 = tpu.memref_slice %arg5[%dma_start3A_227] : memref<512xi32, #tpu.memory_space<vmem>> -> memref<16xi32, #tpu.memory_space<vmem>>
    %dma_start3A_229 = arith.constant 0 : i32
    %dma_start3A_230 = arith.constant 0 : i32
    %dma_start3A_231 = tpu.memref_slice %arg3[%dma_start3A_229, %dma_start3A_230] : memref<100000x1024xf32, #tpu.memory_space<hbm>> -> memref<100000x1024xf32, #tpu.memory_space<hbm>>
    %dma_start3A_232 = tpu.memref_slice %arg7[%dma_start3A_222] : memref<7x!tpu.dma_semaphore, #tpu.memory_space<semaphore_mem>> -> memref<1x!tpu.dma_semaphore, #tpu.memory_space<semaphore_mem>>
    %dma_start3A_233 = tpu.memref_squeeze %dma_start3A_232 : memref<1x!tpu.dma_semaphore, #tpu.memory_space<semaphore_mem>> -> memref<!tpu.dma_semaphore, #tpu.memory_space<semaphore_mem>>
    tpu.enqueue_indirect_dma source(%dma_start3A_231 : memref<100000x1024xf32, #tpu.memory_space<hbm>>) target(%dma_start3A_226 : memref<16x1024xf32, #tpu.memory_space<vmem>>) offsets(%dma_start3A_228 : memref<16xi32, #tpu.memory_space<vmem>>) semaphore(%dma_start3A_233 : memref<!tpu.dma_semaphore, #tpu.memory_space<semaphore_mem>>)
    %dma_wait3A_234 = arith.constant 2 : i32
    %dma_wait3A_235 = arith.constant 2 : i32
    %dma_wait3A_236 = arith.constant 0 : i32
    %dma_wait3A_237 = arith.constant 0 : i32
    %dma_wait3A_238 = tpu.memref_slice %arg6[%dma_wait3A_234, %dma_wait3A_236, %dma_wait3A_237] : memref<7x16x1024xf32, #tpu.memory_space<vmem>> -> memref<1x16x1024xf32, #tpu.memory_space<vmem>>
    %dma_wait3A_239 = tpu.memref_squeeze %dma_wait3A_238 : memref<1x16x1024xf32, #tpu.memory_space<vmem>> -> memref<16x1024xf32, #tpu.memory_space<vmem>>
    %dma_wait3A_240 = arith.constant 32 : i32
    %dma_wait3A_241 = tpu.memref_slice %arg5[%dma_wait3A_240] : memref<512xi32, #tpu.memory_space<vmem>> -> memref<16xi32, #tpu.memory_space<vmem>>
    %dma_wait3A_242 = arith.constant 0 : i32
    %dma_wait3A_243 = arith.constant 0 : i32
    %dma_wait3A_244 = tpu.memref_slice %arg3[%dma_wait3A_242, %dma_wait3A_243] : memref<100000x1024xf32, #tpu.memory_space<hbm>> -> memref<100000x1024xf32, #tpu.memory_space<hbm>>
    %dma_wait3A_245 = tpu.memref_slice %arg7[%dma_wait3A_235] : memref<7x!tpu.dma_semaphore, #tpu.memory_space<semaphore_mem>> -> memref<1x!tpu.dma_semaphore, #tpu.memory_space<semaphore_mem>>
    %dma_wait3A_246 = tpu.memref_squeeze %dma_wait3A_245 : memref<1x!tpu.dma_semaphore, #tpu.memory_space<semaphore_mem>> -> memref<!tpu.dma_semaphore, #tpu.memory_space<semaphore_mem>>
    tpu.wait_indirect_dma semaphore(%dma_wait3A_246 : memref<!tpu.dma_semaphore, #tpu.memory_space<semaphore_mem>>) src(%dma_wait3A_244 : memref<100000x1024xf32, #tpu.memory_space<hbm>>) dst(%dma_wait3A_239 : memref<16x1024xf32, #tpu.memory_space<vmem>>)
    %add3A_247 = arith.constant 32 : i32
    %add3A_248 = arith.addi %mul3A_32, %add3A_247 : i32
    %dma_start3A_249 = arith.constant 2 : i32
    %dma_start3A_250 = arith.constant 2 : i32
    %dma_start3A_251 = arith.constant 0 : i32
    %dma_start3A_252 = arith.constant 0 : i32
    %dma_start3A_253 = tpu.memref_slice %arg6[%dma_start3A_249, %dma_start3A_251, %dma_start3A_252] : memref<7x16x1024xf32, #tpu.memory_space<vmem>> -> memref<1x16x1024xf32, #tpu.memory_space<vmem>>
    %dma_start3A_254 = tpu.memref_squeeze %dma_start3A_253 : memref<1x16x1024xf32, #tpu.memory_space<vmem>> -> memref<16x1024xf32, #tpu.memory_space<vmem>>
    %dma_start3A_255 = arith.constant 0 : i32
    %dma_start3A_256 = tpu.memref_slice %arg4[%select_n3A, %add3A_248, %dma_start3A_255] : memref<4x4096x1024xf32, #tpu.memory_space<hbm>> -> memref<1x16x1024xf32, #tpu.memory_space<hbm>>
    %dma_start3A_257 = tpu.memref_squeeze %dma_start3A_256 : memref<1x16x1024xf32, #tpu.memory_space<hbm>> -> memref<16x1024xf32, #tpu.memory_space<hbm>>
    %dma_start3A_258 = tpu.memref_slice %arg8[%dma_start3A_250] : memref<7x!tpu.dma_semaphore, #tpu.memory_space<semaphore_mem>> -> memref<1x!tpu.dma_semaphore, #tpu.memory_space<semaphore_mem>>
    %dma_start3A_259 = tpu.memref_squeeze %dma_start3A_258 : memref<1x!tpu.dma_semaphore, #tpu.memory_space<semaphore_mem>> -> memref<!tpu.dma_semaphore, #tpu.memory_space<semaphore_mem>>
    %dma_start3A_260 = arith.constant 0 : i32
    %dma_start3A_261 = tpu.memref_slice %arg4[%select_n3A, %add3A_248, %dma_start3A_260] : memref<4x4096x1024xf32, #tpu.memory_space<hbm>> -> memref<1x16x1024xf32, #tpu.memory_space<hbm>>
    %dma_start3A_262 = tpu.memref_squeeze %dma_start3A_261 : memref<1x16x1024xf32, #tpu.memory_space<hbm>> -> memref<16x1024xf32, #tpu.memory_space<hbm>>
    %dma_start3A_263 = arith.constant 0 : i32
    %dma_start3A_264 = arith.constant 0 : i32
    %dma_start3A_265 = tpu.memref_slice %arg6[%dma_start3A_249, %dma_start3A_263, %dma_start3A_264] : memref<7x16x1024xf32, #tpu.memory_space<vmem>> -> memref<1x16x1024xf32, #tpu.memory_space<vmem>>
    %dma_start3A_266 = tpu.memref_squeeze %dma_start3A_265 : memref<1x16x1024xf32, #tpu.memory_space<vmem>> -> memref<16x1024xf32, #tpu.memory_space<vmem>>
    tpu.enqueue_dma source(%dma_start3A_266 : memref<16x1024xf32, #tpu.memory_space<vmem>>) target(%dma_start3A_262 : memref<16x1024xf32, #tpu.memory_space<hbm>>) target_semaphore(%dma_start3A_259 : memref<!tpu.dma_semaphore, #tpu.memory_space<semaphore_mem>>)
    %dma_wait3A_267 = arith.constant 0 : i32
    %dma_wait3A_268 = arith.constant 0 : i32
    %dma_wait3A_269 = arith.constant 0 : i32
    %dma_wait3A_270 = arith.constant 0 : i32
    %dma_wait3A_271 = tpu.memref_slice %arg6[%dma_wait3A_267, %dma_wait3A_269, %dma_wait3A_270] : memref<7x16x1024xf32, #tpu.memory_space<vmem>> -> memref<1x16x1024xf32, #tpu.memory_space<vmem>>
    %dma_wait3A_272 = tpu.memref_squeeze %dma_wait3A_271 : memref<1x16x1024xf32, #tpu.memory_space<vmem>> -> memref<16x1024xf32, #tpu.memory_space<vmem>>
    %dma_wait3A_273 = arith.constant 0 : i32
    %dma_wait3A_274 = tpu.memref_slice %arg4[%select_n3A, %add3A_156, %dma_wait3A_273] : memref<4x4096x1024xf32, #tpu.memory_space<hbm>> -> memref<1x16x1024xf32, #tpu.memory_space<hbm>>
    %dma_wait3A_275 = tpu.memref_squeeze %dma_wait3A_274 : memref<1x16x1024xf32, #tpu.memory_space<hbm>> -> memref<16x1024xf32, #tpu.memory_space<hbm>>
    %dma_wait3A_276 = tpu.memref_slice %arg8[%dma_wait3A_268] : memref<7x!tpu.dma_semaphore, #tpu.memory_space<semaphore_mem>> -> memref<1x!tpu.dma_semaphore, #tpu.memory_space<semaphore_mem>>
    %dma_wait3A_277 = tpu.memref_squeeze %dma_wait3A_276 : memref<1x!tpu.dma_semaphore, #tpu.memory_space<semaphore_mem>> -> memref<!tpu.dma_semaphore, #tpu.memory_space<semaphore_mem>>
    %dma_wait3A_278 = arith.constant 0 : i32
    %dma_wait3A_279 = tpu.memref_slice %arg4[%select_n3A, %add3A_156, %dma_wait3A_278] : memref<4x4096x1024xf32, #tpu.memory_space<hbm>> -> memref<1x16x1024xf32, #tpu.memory_space<hbm>>
    %dma_wait3A_280 = tpu.memref_squeeze %dma_wait3A_279 : memref<1x16x1024xf32, #tpu.memory_space<hbm>> -> memref<16x1024xf32, #tpu.memory_space<hbm>>
    %dma_wait3A_281 = arith.constant 0 : i32
    %dma_wait3A_282 = arith.constant 0 : i32
    %dma_wait3A_283 = tpu.memref_slice %arg6[%dma_wait3A_267, %dma_wait3A_281, %dma_wait3A_282] : memref<7x16x1024xf32, #tpu.memory_space<vmem>> -> memref<1x16x1024xf32, #tpu.memory_space<vmem>>
    %dma_wait3A_284 = tpu.memref_squeeze %dma_wait3A_283 : memref<1x16x1024xf32, #tpu.memory_space<vmem>> -> memref<16x1024xf32, #tpu.memory_space<vmem>>
    tpu.wait_dma2 semaphore(%dma_wait3A_277 : memref<!tpu.dma_semaphore, #tpu.memory_space<semaphore_mem>>) src(%dma_wait3A_284 : memref<16x1024xf32, #tpu.memory_space<vmem>>) dst(%dma_wait3A_280 : memref<16x1024xf32, #tpu.memory_space<hbm>>)
    %dma_start3A_285 = arith.constant 0 : i32
    %dma_start3A_286 = arith.constant 0 : i32
    %dma_start3A_287 = arith.constant 0 : i32
    %dma_start3A_288 = arith.constant 0 : i32
    %dma_start3A_289 = tpu.memref_slice %arg6[%dma_start3A_285, %dma_start3A_287, %dma_start3A_288] : memref<7x16x1024xf32, #tpu.memory_space<vmem>> -> memref<1x16x1024xf32, #tpu.memory_space<vmem>>
    %dma_start3A_290 = tpu.memref_squeeze %dma_start3A_289 : memref<1x16x1024xf32, #tpu.memory_space<vmem>> -> memref<16x1024xf32, #tpu.memory_space<vmem>>
    %dma_start3A_291 = arith.constant 112 : i32
    %dma_start3A_292 = tpu.memref_slice %arg5[%dma_start3A_291] : memref<512xi32, #tpu.memory_space<vmem>> -> memref<16xi32, #tpu.memory_space<vmem>>
    %dma_start3A_293 = arith.constant 0 : i32
    %dma_start3A_294 = arith.constant 0 : i32
    %dma_start3A_295 = tpu.memref_slice %arg3[%dma_start3A_293, %dma_start3A_294] : memref<100000x1024xf32, #tpu.memory_space<hbm>> -> memref<100000x1024xf32, #tpu.memory_space<hbm>>
    %dma_start3A_296 = tpu.memref_slice %arg7[%dma_start3A_286] : memref<7x!tpu.dma_semaphore, #tpu.memory_space<semaphore_mem>> -> memref<1x!tpu.dma_semaphore, #tpu.memory_space<semaphore_mem>>
    %dma_start3A_297 = tpu.memref_squeeze %dma_start3A_296 : memref<1x!tpu.dma_semaphore, #tpu.memory_space<semaphore_mem>> -> memref<!tpu.dma_semaphore, #tpu.memory_space<semaphore_mem>>
    tpu.enqueue_indirect_dma source(%dma_start3A_295 : memref<100000x1024xf32, #tpu.memory_space<hbm>>) target(%dma_start3A_290 : memref<16x1024xf32, #tpu.memory_space<vmem>>) offsets(%dma_start3A_292 : memref<16xi32, #tpu.memory_space<vmem>>) semaphore(%dma_start3A_297 : memref<!tpu.dma_semaphore, #tpu.memory_space<semaphore_mem>>)
    %dma_wait3A_298 = arith.constant 3 : i32
    %dma_wait3A_299 = arith.constant 3 : i32
    %dma_wait3A_300 = arith.constant 0 : i32
    %dma_wait3A_301 = arith.constant 0 : i32
    %dma_wait3A_302 = tpu.memref_slice %arg6[%dma_wait3A_298, %dma_wait3A_300, %dma_wait3A_301] : memref<7x16x1024xf32, #tpu.memory_space<vmem>> -> memref<1x16x1024xf32, #tpu.memory_space<vmem>>
    %dma_wait3A_303 = tpu.memref_squeeze %dma_wait3A_302 : memref<1x16x1024xf32, #tpu.memory_space<vmem>> -> memref<16x1024xf32, #tpu.memory_space<vmem>>
    %dma_wait3A_304 = arith.constant 48 : i32
    %dma_wait3A_305 = tpu.memref_slice %arg5[%dma_wait3A_304] : memref<512xi32, #tpu.memory_space<vmem>> -> memref<16xi32, #tpu.memory_space<vmem>>
    %dma_wait3A_306 = arith.constant 0 : i32
    %dma_wait3A_307 = arith.constant 0 : i32
    %dma_wait3A_308 = tpu.memref_slice %arg3[%dma_wait3A_306, %dma_wait3A_307] : memref<100000x1024xf32, #tpu.memory_space<hbm>> -> memref<100000x1024xf32, #tpu.memory_space<hbm>>
    %dma_wait3A_309 = tpu.memref_slice %arg7[%dma_wait3A_299] : memref<7x!tpu.dma_semaphore, #tpu.memory_space<semaphore_mem>> -> memref<1x!tpu.dma_semaphore, #tpu.memory_space<semaphore_mem>>
    %dma_wait3A_310 = tpu.memref_squeeze %dma_wait3A_309 : memref<1x!tpu.dma_semaphore, #tpu.memory_space<semaphore_mem>> -> memref<!tpu.dma_semaphore, #tpu.memory_space<semaphore_mem>>
    tpu.wait_indirect_dma semaphore(%dma_wait3A_310 : memref<!tpu.dma_semaphore, #tpu.memory_space<semaphore_mem>>) src(%dma_wait3A_308 : memref<100000x1024xf32, #tpu.memory_space<hbm>>) dst(%dma_wait3A_303 : memref<16x1024xf32, #tpu.memory_space<vmem>>)
    %add3A_311 = arith.constant 48 : i32
    %add3A_312 = arith.addi %mul3A_32, %add3A_311 : i32
    %dma_start3A_313 = arith.constant 3 : i32
    %dma_start3A_314 = arith.constant 3 : i32
    %dma_start3A_315 = arith.constant 0 : i32
    %dma_start3A_316 = arith.constant 0 : i32
    %dma_start3A_317 = tpu.memref_slice %arg6[%dma_start3A_313, %dma_start3A_315, %dma_start3A_316] : memref<7x16x1024xf32, #tpu.memory_space<vmem>> -> memref<1x16x1024xf32, #tpu.memory_space<vmem>>
    %dma_start3A_318 = tpu.memref_squeeze %dma_start3A_317 : memref<1x16x1024xf32, #tpu.memory_space<vmem>> -> memref<16x1024xf32, #tpu.memory_space<vmem>>
    %dma_start3A_319 = arith.constant 0 : i32
    %dma_start3A_320 = tpu.memref_slice %arg4[%select_n3A, %add3A_312, %dma_start3A_319] : memref<4x4096x1024xf32, #tpu.memory_space<hbm>> -> memref<1x16x1024xf32, #tpu.memory_space<hbm>>
    %dma_start3A_321 = tpu.memref_squeeze %dma_start3A_320 : memref<1x16x1024xf32, #tpu.memory_space<hbm>> -> memref<16x1024xf32, #tpu.memory_space<hbm>>
    %dma_start3A_322 = tpu.memref_slice %arg8[%dma_start3A_314] : memref<7x!tpu.dma_semaphore, #tpu.memory_space<semaphore_mem>> -> memref<1x!tpu.dma_semaphore, #tpu.memory_space<semaphore_mem>>
    %dma_start3A_323 = tpu.memref_squeeze %dma_start3A_322 : memref<1x!tpu.dma_semaphore, #tpu.memory_space<semaphore_mem>> -> memref<!tpu.dma_semaphore, #tpu.memory_space<semaphore_mem>>
    %dma_start3A_324 = arith.constant 0 : i32
    %dma_start3A_325 = tpu.memref_slice %arg4[%select_n3A, %add3A_312, %dma_start3A_324] : memref<4x4096x1024xf32, #tpu.memory_space<hbm>> -> memref<1x16x1024xf32, #tpu.memory_space<hbm>>
    %dma_start3A_326 = tpu.memref_squeeze %dma_start3A_325 : memref<1x16x1024xf32, #tpu.memory_space<hbm>> -> memref<16x1024xf32, #tpu.memory_space<hbm>>
    %dma_start3A_327 = arith.constant 0 : i32
    %dma_start3A_328 = arith.constant 0 : i32
    %dma_start3A_329 = tpu.memref_slice %arg6[%dma_start3A_313, %dma_start3A_327, %dma_start3A_328] : memref<7x16x1024xf32, #tpu.memory_space<vmem>> -> memref<1x16x1024xf32, #tpu.memory_space<vmem>>
    %dma_start3A_330 = tpu.memref_squeeze %dma_start3A_329 : memref<1x16x1024xf32, #tpu.memory_space<vmem>> -> memref<16x1024xf32, #tpu.memory_space<vmem>>
    tpu.enqueue_dma source(%dma_start3A_330 : memref<16x1024xf32, #tpu.memory_space<vmem>>) target(%dma_start3A_326 : memref<16x1024xf32, #tpu.memory_space<hbm>>) target_semaphore(%dma_start3A_323 : memref<!tpu.dma_semaphore, #tpu.memory_space<semaphore_mem>>)
    %dma_wait3A_331 = arith.constant 1 : i32
    %dma_wait3A_332 = arith.constant 1 : i32
    %dma_wait3A_333 = arith.constant 0 : i32
    %dma_wait3A_334 = arith.constant 0 : i32
    %dma_wait3A_335 = tpu.memref_slice %arg6[%dma_wait3A_331, %dma_wait3A_333, %dma_wait3A_334] : memref<7x16x1024xf32, #tpu.memory_space<vmem>> -> memref<1x16x1024xf32, #tpu.memory_space<vmem>>
    %dma_wait3A_336 = tpu.memref_squeeze %dma_wait3A_335 : memref<1x16x1024xf32, #tpu.memory_space<vmem>> -> memref<16x1024xf32, #tpu.memory_space<vmem>>
    %dma_wait3A_337 = arith.constant 0 : i32
    %dma_wait3A_338 = tpu.memref_slice %arg4[%select_n3A, %add3A_202, %dma_wait3A_337] : memref<4x4096x1024xf32, #tpu.memory_space<hbm>> -> memref<1x16x1024xf32, #tpu.memory_space<hbm>>
    %dma_wait3A_339 = tpu.memref_squeeze %dma_wait3A_338 : memref<1x16x1024xf32, #tpu.memory_space<hbm>> -> memref<16x1024xf32, #tpu.memory_space<hbm>>
    %dma_wait3A_340 = tpu.memref_slice %arg8[%dma_wait3A_332] : memref<7x!tpu.dma_semaphore, #tpu.memory_space<semaphore_mem>> -> memref<1x!tpu.dma_semaphore, #tpu.memory_space<semaphore_mem>>
    %dma_wait3A_341 = tpu.memref_squeeze %dma_wait3A_340 : memref<1x!tpu.dma_semaphore, #tpu.memory_space<semaphore_mem>> -> memref<!tpu.dma_semaphore, #tpu.memory_space<semaphore_mem>>
    %dma_wait3A_342 = arith.constant 0 : i32
    %dma_wait3A_343 = tpu.memref_slice %arg4[%select_n3A, %add3A_202, %dma_wait3A_342] : memref<4x4096x1024xf32, #tpu.memory_space<hbm>> -> memref<1x16x1024xf32, #tpu.memory_space<hbm>>
    %dma_wait3A_344 = tpu.memref_squeeze %dma_wait3A_343 : memref<1x16x1024xf32, #tpu.memory_space<hbm>> -> memref<16x1024xf32, #tpu.memory_space<hbm>>
    %dma_wait3A_345 = arith.constant 0 : i32
    %dma_wait3A_346 = arith.constant 0 : i32
    %dma_wait3A_347 = tpu.memref_slice %arg6[%dma_wait3A_331, %dma_wait3A_345, %dma_wait3A_346] : memref<7x16x1024xf32, #tpu.memory_space<vmem>> -> memref<1x16x1024xf32, #tpu.memory_space<vmem>>
    %dma_wait3A_348 = tpu.memref_squeeze %dma_wait3A_347 : memref<1x16x1024xf32, #tpu.memory_space<vmem>> -> memref<16x1024xf32, #tpu.memory_space<vmem>>
    tpu.wait_dma2 semaphore(%dma_wait3A_341 : memref<!tpu.dma_semaphore, #tpu.memory_space<semaphore_mem>>) src(%dma_wait3A_348 : memref<16x1024xf32, #tpu.memory_space<vmem>>) dst(%dma_wait3A_344 : memref<16x1024xf32, #tpu.memory_space<hbm>>)
    %dma_start3A_349 = arith.constant 1 : i32
    %dma_start3A_350 = arith.constant 1 : i32
    %dma_start3A_351 = arith.constant 0 : i32
    %dma_start3A_352 = arith.constant 0 : i32
    %dma_start3A_353 = tpu.memref_slice %arg6[%dma_start3A_349, %dma_start3A_351, %dma_start3A_352] : memref<7x16x1024xf32, #tpu.memory_space<vmem>> -> memref<1x16x1024xf32, #tpu.memory_space<vmem>>
    %dma_start3A_354 = tpu.memref_squeeze %dma_start3A_353 : memref<1x16x1024xf32, #tpu.memory_space<vmem>> -> memref<16x1024xf32, #tpu.memory_space<vmem>>
    %dma_start3A_355 = arith.constant 128 : i32
    %dma_start3A_356 = tpu.memref_slice %arg5[%dma_start3A_355] : memref<512xi32, #tpu.memory_space<vmem>> -> memref<16xi32, #tpu.memory_space<vmem>>
    %dma_start3A_357 = arith.constant 0 : i32
    %dma_start3A_358 = arith.constant 0 : i32
    %dma_start3A_359 = tpu.memref_slice %arg3[%dma_start3A_357, %dma_start3A_358] : memref<100000x1024xf32, #tpu.memory_space<hbm>> -> memref<100000x1024xf32, #tpu.memory_space<hbm>>
    %dma_start3A_360 = tpu.memref_slice %arg7[%dma_start3A_350] : memref<7x!tpu.dma_semaphore, #tpu.memory_space<semaphore_mem>> -> memref<1x!tpu.dma_semaphore, #tpu.memory_space<semaphore_mem>>
    %dma_start3A_361 = tpu.memref_squeeze %dma_start3A_360 : memref<1x!tpu.dma_semaphore, #tpu.memory_space<semaphore_mem>> -> memref<!tpu.dma_semaphore, #tpu.memory_space<semaphore_mem>>
    tpu.enqueue_indirect_dma source(%dma_start3A_359 : memref<100000x1024xf32, #tpu.memory_space<hbm>>) target(%dma_start3A_354 : memref<16x1024xf32, #tpu.memory_space<vmem>>) offsets(%dma_start3A_356 : memref<16xi32, #tpu.memory_space<vmem>>) semaphore(%dma_start3A_361 : memref<!tpu.dma_semaphore, #tpu.memory_space<semaphore_mem>>)
    %dma_wait3A_362 = arith.constant 4 : i32
    %dma_wait3A_363 = arith.constant 4 : i32
    %dma_wait3A_364 = arith.constant 0 : i32
    %dma_wait3A_365 = arith.constant 0 : i32
    %dma_wait3A_366 = tpu.memref_slice %arg6[%dma_wait3A_362, %dma_wait3A_364, %dma_wait3A_365] : memref<7x16x1024xf32, #tpu.memory_space<vmem>> -> memref<1x16x1024xf32, #tpu.memory_space<vmem>>
    %dma_wait3A_367 = tpu.memref_squeeze %dma_wait3A_366 : memref<1x16x1024xf32, #tpu.memory_space<vmem>> -> memref<16x1024xf32, #tpu.memory_space<vmem>>
    %dma_wait3A_368 = arith.constant 64 : i32
    %dma_wait3A_369 = tpu.memref_slice %arg5[%dma_wait3A_368] : memref<512xi32, #tpu.memory_space<vmem>> -> memref<16xi32, #tpu.memory_space<vmem>>
    %dma_wait3A_370 = arith.constant 0 : i32
    %dma_wait3A_371 = arith.constant 0 : i32
    %dma_wait3A_372 = tpu.memref_slice %arg3[%dma_wait3A_370, %dma_wait3A_371] : memref<100000x1024xf32, #tpu.memory_space<hbm>> -> memref<100000x1024xf32, #tpu.memory_space<hbm>>
    %dma_wait3A_373 = tpu.memref_slice %arg7[%dma_wait3A_363] : memref<7x!tpu.dma_semaphore, #tpu.memory_space<semaphore_mem>> -> memref<1x!tpu.dma_semaphore, #tpu.memory_space<semaphore_mem>>
    %dma_wait3A_374 = tpu.memref_squeeze %dma_wait3A_373 : memref<1x!tpu.dma_semaphore, #tpu.memory_space<semaphore_mem>> -> memref<!tpu.dma_semaphore, #tpu.memory_space<semaphore_mem>>
    tpu.wait_indirect_dma semaphore(%dma_wait3A_374 : memref<!tpu.dma_semaphore, #tpu.memory_space<semaphore_mem>>) src(%dma_wait3A_372 : memref<100000x1024xf32, #tpu.memory_space<hbm>>) dst(%dma_wait3A_367 : memref<16x1024xf32, #tpu.memory_space<vmem>>)
    %add3A_375 = arith.constant 64 : i32
    %add3A_376 = arith.addi %mul3A_32, %add3A_375 : i32
    %dma_start3A_377 = arith.constant 4 : i32
    %dma_start3A_378 = arith.constant 4 : i32
    %dma_start3A_379 = arith.constant 0 : i32
    %dma_start3A_380 = arith.constant 0 : i32
    %dma_start3A_381 = tpu.memref_slice %arg6[%dma_start3A_377, %dma_start3A_379, %dma_start3A_380] : memref<7x16x1024xf32, #tpu.memory_space<vmem>> -> memref<1x16x1024xf32, #tpu.memory_space<vmem>>
    %dma_start3A_382 = tpu.memref_squeeze %dma_start3A_381 : memref<1x16x1024xf32, #tpu.memory_space<vmem>> -> memref<16x1024xf32, #tpu.memory_space<vmem>>
    %dma_start3A_383 = arith.constant 0 : i32
    %dma_start3A_384 = tpu.memref_slice %arg4[%select_n3A, %add3A_376, %dma_start3A_383] : memref<4x4096x1024xf32, #tpu.memory_space<hbm>> -> memref<1x16x1024xf32, #tpu.memory_space<hbm>>
    %dma_start3A_385 = tpu.memref_squeeze %dma_start3A_384 : memref<1x16x1024xf32, #tpu.memory_space<hbm>> -> memref<16x1024xf32, #tpu.memory_space<hbm>>
    %dma_start3A_386 = tpu.memref_slice %arg8[%dma_start3A_378] : memref<7x!tpu.dma_semaphore, #tpu.memory_space<semaphore_mem>> -> memref<1x!tpu.dma_semaphore, #tpu.memory_space<semaphore_mem>>
    %dma_start3A_387 = tpu.memref_squeeze %dma_start3A_386 : memref<1x!tpu.dma_semaphore, #tpu.memory_space<semaphore_mem>> -> memref<!tpu.dma_semaphore, #tpu.memory_space<semaphore_mem>>
    %dma_start3A_388 = arith.constant 0 : i32
    %dma_start3A_389 = tpu.memref_slice %arg4[%select_n3A, %add3A_376, %dma_start3A_388] : memref<4x4096x1024xf32, #tpu.memory_space<hbm>> -> memref<1x16x1024xf32, #tpu.memory_space<hbm>>
    %dma_start3A_390 = tpu.memref_squeeze %dma_start3A_389 : memref<1x16x1024xf32, #tpu.memory_space<hbm>> -> memref<16x1024xf32, #tpu.memory_space<hbm>>
    %dma_start3A_391 = arith.constant 0 : i32
    %dma_start3A_392 = arith.constant 0 : i32
    %dma_start3A_393 = tpu.memref_slice %arg6[%dma_start3A_377, %dma_start3A_391, %dma_start3A_392] : memref<7x16x1024xf32, #tpu.memory_space<vmem>> -> memref<1x16x1024xf32, #tpu.memory_space<vmem>>
    %dma_start3A_394 = tpu.memref_squeeze %dma_start3A_393 : memref<1x16x1024xf32, #tpu.memory_space<vmem>> -> memref<16x1024xf32, #tpu.memory_space<vmem>>
    tpu.enqueue_dma source(%dma_start3A_394 : memref<16x1024xf32, #tpu.memory_space<vmem>>) target(%dma_start3A_390 : memref<16x1024xf32, #tpu.memory_space<hbm>>) target_semaphore(%dma_start3A_387 : memref<!tpu.dma_semaphore, #tpu.memory_space<semaphore_mem>>)
    %dma_wait3A_395 = arith.constant 2 : i32
    %dma_wait3A_396 = arith.constant 2 : i32
    %dma_wait3A_397 = arith.constant 0 : i32
    %dma_wait3A_398 = arith.constant 0 : i32
    %dma_wait3A_399 = tpu.memref_slice %arg6[%dma_wait3A_395, %dma_wait3A_397, %dma_wait3A_398] : memref<7x16x1024xf32, #tpu.memory_space<vmem>> -> memref<1x16x1024xf32, #tpu.memory_space<vmem>>
    %dma_wait3A_400 = tpu.memref_squeeze %dma_wait3A_399 : memref<1x16x1024xf32, #tpu.memory_space<vmem>> -> memref<16x1024xf32, #tpu.memory_space<vmem>>
    %dma_wait3A_401 = arith.constant 0 : i32
    %dma_wait3A_402 = tpu.memref_slice %arg4[%select_n3A, %add3A_248, %dma_wait3A_401] : memref<4x4096x1024xf32, #tpu.memory_space<hbm>> -> memref<1x16x1024xf32, #tpu.memory_space<hbm>>
    %dma_wait3A_403 = tpu.memref_squeeze %dma_wait3A_402 : memref<1x16x1024xf32, #tpu.memory_space<hbm>> -> memref<16x1024xf32, #tpu.memory_space<hbm>>
    %dma_wait3A_404 = tpu.memref_slice %arg8[%dma_wait3A_396] : memref<7x!tpu.dma_semaphore, #tpu.memory_space<semaphore_mem>> -> memref<1x!tpu.dma_semaphore, #tpu.memory_space<semaphore_mem>>
    %dma_wait3A_405 = tpu.memref_squeeze %dma_wait3A_404 : memref<1x!tpu.dma_semaphore, #tpu.memory_space<semaphore_mem>> -> memref<!tpu.dma_semaphore, #tpu.memory_space<semaphore_mem>>
    %dma_wait3A_406 = arith.constant 0 : i32
    %dma_wait3A_407 = tpu.memref_slice %arg4[%select_n3A, %add3A_248, %dma_wait3A_406] : memref<4x4096x1024xf32, #tpu.memory_space<hbm>> -> memref<1x16x1024xf32, #tpu.memory_space<hbm>>
    %dma_wait3A_408 = tpu.memref_squeeze %dma_wait3A_407 : memref<1x16x1024xf32, #tpu.memory_space<hbm>> -> memref<16x1024xf32, #tpu.memory_space<hbm>>
    %dma_wait3A_409 = arith.constant 0 : i32
    %dma_wait3A_410 = arith.constant 0 : i32
    %dma_wait3A_411 = tpu.memref_slice %arg6[%dma_wait3A_395, %dma_wait3A_409, %dma_wait3A_410] : memref<7x16x1024xf32, #tpu.memory_space<vmem>> -> memref<1x16x1024xf32, #tpu.memory_space<vmem>>
    %dma_wait3A_412 = tpu.memref_squeeze %dma_wait3A_411 : memref<1x16x1024xf32, #tpu.memory_space<vmem>> -> memref<16x1024xf32, #tpu.memory_space<vmem>>
    tpu.wait_dma2 semaphore(%dma_wait3A_405 : memref<!tpu.dma_semaphore, #tpu.memory_space<semaphore_mem>>) src(%dma_wait3A_412 : memref<16x1024xf32, #tpu.memory_space<vmem>>) dst(%dma_wait3A_408 : memref<16x1024xf32, #tpu.memory_space<hbm>>)
    %dma_start3A_413 = arith.constant 2 : i32
    %dma_start3A_414 = arith.constant 2 : i32
    %dma_start3A_415 = arith.constant 0 : i32
    %dma_start3A_416 = arith.constant 0 : i32
    %dma_start3A_417 = tpu.memref_slice %arg6[%dma_start3A_413, %dma_start3A_415, %dma_start3A_416] : memref<7x16x1024xf32, #tpu.memory_space<vmem>> -> memref<1x16x1024xf32, #tpu.memory_space<vmem>>
    %dma_start3A_418 = tpu.memref_squeeze %dma_start3A_417 : memref<1x16x1024xf32, #tpu.memory_space<vmem>> -> memref<16x1024xf32, #tpu.memory_space<vmem>>
    %dma_start3A_419 = arith.constant 144 : i32
    %dma_start3A_420 = tpu.memref_slice %arg5[%dma_start3A_419] : memref<512xi32, #tpu.memory_space<vmem>> -> memref<16xi32, #tpu.memory_space<vmem>>
    %dma_start3A_421 = arith.constant 0 : i32
    %dma_start3A_422 = arith.constant 0 : i32
    %dma_start3A_423 = tpu.memref_slice %arg3[%dma_start3A_421, %dma_start3A_422] : memref<100000x1024xf32, #tpu.memory_space<hbm>> -> memref<100000x1024xf32, #tpu.memory_space<hbm>>
    %dma_start3A_424 = tpu.memref_slice %arg7[%dma_start3A_414] : memref<7x!tpu.dma_semaphore, #tpu.memory_space<semaphore_mem>> -> memref<1x!tpu.dma_semaphore, #tpu.memory_space<semaphore_mem>>
    %dma_start3A_425 = tpu.memref_squeeze %dma_start3A_424 : memref<1x!tpu.dma_semaphore, #tpu.memory_space<semaphore_mem>> -> memref<!tpu.dma_semaphore, #tpu.memory_space<semaphore_mem>>
    tpu.enqueue_indirect_dma source(%dma_start3A_423 : memref<100000x1024xf32, #tpu.memory_space<hbm>>) target(%dma_start3A_418 : memref<16x1024xf32, #tpu.memory_space<vmem>>) offsets(%dma_start3A_420 : memref<16xi32, #tpu.memory_space<vmem>>) semaphore(%dma_start3A_425 : memref<!tpu.dma_semaphore, #tpu.memory_space<semaphore_mem>>)
    %dma_wait3A_426 = arith.constant 5 : i32
    %dma_wait3A_427 = arith.constant 5 : i32
    %dma_wait3A_428 = arith.constant 0 : i32
    %dma_wait3A_429 = arith.constant 0 : i32
    %dma_wait3A_430 = tpu.memref_slice %arg6[%dma_wait3A_426, %dma_wait3A_428, %dma_wait3A_429] : memref<7x16x1024xf32, #tpu.memory_space<vmem>> -> memref<1x16x1024xf32, #tpu.memory_space<vmem>>
    %dma_wait3A_431 = tpu.memref_squeeze %dma_wait3A_430 : memref<1x16x1024xf32, #tpu.memory_space<vmem>> -> memref<16x1024xf32, #tpu.memory_space<vmem>>
    %dma_wait3A_432 = arith.constant 80 : i32
    %dma_wait3A_433 = tpu.memref_slice %arg5[%dma_wait3A_432] : memref<512xi32, #tpu.memory_space<vmem>> -> memref<16xi32, #tpu.memory_space<vmem>>
    %dma_wait3A_434 = arith.constant 0 : i32
    %dma_wait3A_435 = arith.constant 0 : i32
    %dma_wait3A_436 = tpu.memref_slice %arg3[%dma_wait3A_434, %dma_wait3A_435] : memref<100000x1024xf32, #tpu.memory_space<hbm>> -> memref<100000x1024xf32, #tpu.memory_space<hbm>>
    %dma_wait3A_437 = tpu.memref_slice %arg7[%dma_wait3A_427] : memref<7x!tpu.dma_semaphore, #tpu.memory_space<semaphore_mem>> -> memref<1x!tpu.dma_semaphore, #tpu.memory_space<semaphore_mem>>
    %dma_wait3A_438 = tpu.memref_squeeze %dma_wait3A_437 : memref<1x!tpu.dma_semaphore, #tpu.memory_space<semaphore_mem>> -> memref<!tpu.dma_semaphore, #tpu.memory_space<semaphore_mem>>
    tpu.wait_indirect_dma semaphore(%dma_wait3A_438 : memref<!tpu.dma_semaphore, #tpu.memory_space<semaphore_mem>>) src(%dma_wait3A_436 : memref<100000x1024xf32, #tpu.memory_space<hbm>>) dst(%dma_wait3A_431 : memref<16x1024xf32, #tpu.memory_space<vmem>>)
    %add3A_439 = arith.constant 80 : i32
    %add3A_440 = arith.addi %mul3A_32, %add3A_439 : i32
    %dma_start3A_441 = arith.constant 5 : i32
    %dma_start3A_442 = arith.constant 5 : i32
    %dma_start3A_443 = arith.constant 0 : i32
    %dma_start3A_444 = arith.constant 0 : i32
    %dma_start3A_445 = tpu.memref_slice %arg6[%dma_start3A_441, %dma_start3A_443, %dma_start3A_444] : memref<7x16x1024xf32, #tpu.memory_space<vmem>> -> memref<1x16x1024xf32, #tpu.memory_space<vmem>>
    %dma_start3A_446 = tpu.memref_squeeze %dma_start3A_445 : memref<1x16x1024xf32, #tpu.memory_space<vmem>> -> memref<16x1024xf32, #tpu.memory_space<vmem>>
    %dma_start3A_447 = arith.constant 0 : i32
    %dma_start3A_448 = tpu.memref_slice %arg4[%select_n3A, %add3A_440, %dma_start3A_447] : memref<4x4096x1024xf32, #tpu.memory_space<hbm>> -> memref<1x16x1024xf32, #tpu.memory_space<hbm>>
    %dma_start3A_449 = tpu.memref_squeeze %dma_start3A_448 : memref<1x16x1024xf32, #tpu.memory_space<hbm>> -> memref<16x1024xf32, #tpu.memory_space<hbm>>
    %dma_start3A_450 = tpu.memref_slice %arg8[%dma_start3A_442] : memref<7x!tpu.dma_semaphore, #tpu.memory_space<semaphore_mem>> -> memref<1x!tpu.dma_semaphore, #tpu.memory_space<semaphore_mem>>
    %dma_start3A_451 = tpu.memref_squeeze %dma_start3A_450 : memref<1x!tpu.dma_semaphore, #tpu.memory_space<semaphore_mem>> -> memref<!tpu.dma_semaphore, #tpu.memory_space<semaphore_mem>>
    %dma_start3A_452 = arith.constant 0 : i32
    %dma_start3A_453 = tpu.memref_slice %arg4[%select_n3A, %add3A_440, %dma_start3A_452] : memref<4x4096x1024xf32, #tpu.memory_space<hbm>> -> memref<1x16x1024xf32, #tpu.memory_space<hbm>>
    %dma_start3A_454 = tpu.memref_squeeze %dma_start3A_453 : memref<1x16x1024xf32, #tpu.memory_space<hbm>> -> memref<16x1024xf32, #tpu.memory_space<hbm>>
    %dma_start3A_455 = arith.constant 0 : i32
    %dma_start3A_456 = arith.constant 0 : i32
    %dma_start3A_457 = tpu.memref_slice %arg6[%dma_start3A_441, %dma_start3A_455, %dma_start3A_456] : memref<7x16x1024xf32, #tpu.memory_space<vmem>> -> memref<1x16x1024xf32, #tpu.memory_space<vmem>>
    %dma_start3A_458 = tpu.memref_squeeze %dma_start3A_457 : memref<1x16x1024xf32, #tpu.memory_space<vmem>> -> memref<16x1024xf32, #tpu.memory_space<vmem>>
    tpu.enqueue_dma source(%dma_start3A_458 : memref<16x1024xf32, #tpu.memory_space<vmem>>) target(%dma_start3A_454 : memref<16x1024xf32, #tpu.memory_space<hbm>>) target_semaphore(%dma_start3A_451 : memref<!tpu.dma_semaphore, #tpu.memory_space<semaphore_mem>>)
    %dma_wait3A_459 = arith.constant 3 : i32
    %dma_wait3A_460 = arith.constant 3 : i32
    %dma_wait3A_461 = arith.constant 0 : i32
    %dma_wait3A_462 = arith.constant 0 : i32
    %dma_wait3A_463 = tpu.memref_slice %arg6[%dma_wait3A_459, %dma_wait3A_461, %dma_wait3A_462] : memref<7x16x1024xf32, #tpu.memory_space<vmem>> -> memref<1x16x1024xf32, #tpu.memory_space<vmem>>
    %dma_wait3A_464 = tpu.memref_squeeze %dma_wait3A_463 : memref<1x16x1024xf32, #tpu.memory_space<vmem>> -> memref<16x1024xf32, #tpu.memory_space<vmem>>
    %dma_wait3A_465 = arith.constant 0 : i32
    %dma_wait3A_466 = tpu.memref_slice %arg4[%select_n3A, %add3A_312, %dma_wait3A_465] : memref<4x4096x1024xf32, #tpu.memory_space<hbm>> -> memref<1x16x1024xf32, #tpu.memory_space<hbm>>
    %dma_wait3A_467 = tpu.memref_squeeze %dma_wait3A_466 : memref<1x16x1024xf32, #tpu.memory_space<hbm>> -> memref<16x1024xf32, #tpu.memory_space<hbm>>
    %dma_wait3A_468 = tpu.memref_slice %arg8[%dma_wait3A_460] : memref<7x!tpu.dma_semaphore, #tpu.memory_space<semaphore_mem>> -> memref<1x!tpu.dma_semaphore, #tpu.memory_space<semaphore_mem>>
    %dma_wait3A_469 = tpu.memref_squeeze %dma_wait3A_468 : memref<1x!tpu.dma_semaphore, #tpu.memory_space<semaphore_mem>> -> memref<!tpu.dma_semaphore, #tpu.memory_space<semaphore_mem>>
    %dma_wait3A_470 = arith.constant 0 : i32
    %dma_wait3A_471 = tpu.memref_slice %arg4[%select_n3A, %add3A_312, %dma_wait3A_470] : memref<4x4096x1024xf32, #tpu.memory_space<hbm>> -> memref<1x16x1024xf32, #tpu.memory_space<hbm>>
    %dma_wait3A_472 = tpu.memref_squeeze %dma_wait3A_471 : memref<1x16x1024xf32, #tpu.memory_space<hbm>> -> memref<16x1024xf32, #tpu.memory_space<hbm>>
    %dma_wait3A_473 = arith.constant 0 : i32
    %dma_wait3A_474 = arith.constant 0 : i32
    %dma_wait3A_475 = tpu.memref_slice %arg6[%dma_wait3A_459, %dma_wait3A_473, %dma_wait3A_474] : memref<7x16x1024xf32, #tpu.memory_space<vmem>> -> memref<1x16x1024xf32, #tpu.memory_space<vmem>>
    %dma_wait3A_476 = tpu.memref_squeeze %dma_wait3A_475 : memref<1x16x1024xf32, #tpu.memory_space<vmem>> -> memref<16x1024xf32, #tpu.memory_space<vmem>>
    tpu.wait_dma2 semaphore(%dma_wait3A_469 : memref<!tpu.dma_semaphore, #tpu.memory_space<semaphore_mem>>) src(%dma_wait3A_476 : memref<16x1024xf32, #tpu.memory_space<vmem>>) dst(%dma_wait3A_472 : memref<16x1024xf32, #tpu.memory_space<hbm>>)
    %dma_start3A_477 = arith.constant 3 : i32
    %dma_start3A_478 = arith.constant 3 : i32
    %dma_start3A_479 = arith.constant 0 : i32
    %dma_start3A_480 = arith.constant 0 : i32
    %dma_start3A_481 = tpu.memref_slice %arg6[%dma_start3A_477, %dma_start3A_479, %dma_start3A_480] : memref<7x16x1024xf32, #tpu.memory_space<vmem>> -> memref<1x16x1024xf32, #tpu.memory_space<vmem>>
    %dma_start3A_482 = tpu.memref_squeeze %dma_start3A_481 : memref<1x16x1024xf32, #tpu.memory_space<vmem>> -> memref<16x1024xf32, #tpu.memory_space<vmem>>
    %dma_start3A_483 = arith.constant 160 : i32
    %dma_start3A_484 = tpu.memref_slice %arg5[%dma_start3A_483] : memref<512xi32, #tpu.memory_space<vmem>> -> memref<16xi32, #tpu.memory_space<vmem>>
    %dma_start3A_485 = arith.constant 0 : i32
    %dma_start3A_486 = arith.constant 0 : i32
    %dma_start3A_487 = tpu.memref_slice %arg3[%dma_start3A_485, %dma_start3A_486] : memref<100000x1024xf32, #tpu.memory_space<hbm>> -> memref<100000x1024xf32, #tpu.memory_space<hbm>>
    %dma_start3A_488 = tpu.memref_slice %arg7[%dma_start3A_478] : memref<7x!tpu.dma_semaphore, #tpu.memory_space<semaphore_mem>> -> memref<1x!tpu.dma_semaphore, #tpu.memory_space<semaphore_mem>>
    %dma_start3A_489 = tpu.memref_squeeze %dma_start3A_488 : memref<1x!tpu.dma_semaphore, #tpu.memory_space<semaphore_mem>> -> memref<!tpu.dma_semaphore, #tpu.memory_space<semaphore_mem>>
    tpu.enqueue_indirect_dma source(%dma_start3A_487 : memref<100000x1024xf32, #tpu.memory_space<hbm>>) target(%dma_start3A_482 : memref<16x1024xf32, #tpu.memory_space<vmem>>) offsets(%dma_start3A_484 : memref<16xi32, #tpu.memory_space<vmem>>) semaphore(%dma_start3A_489 : memref<!tpu.dma_semaphore, #tpu.memory_space<semaphore_mem>>)
    %dma_wait3A_490 = arith.constant 6 : i32
    %dma_wait3A_491 = arith.constant 6 : i32
    %dma_wait3A_492 = arith.constant 0 : i32
    %dma_wait3A_493 = arith.constant 0 : i32
    %dma_wait3A_494 = tpu.memref_slice %arg6[%dma_wait3A_490, %dma_wait3A_492, %dma_wait3A_493] : memref<7x16x1024xf32, #tpu.memory_space<vmem>> -> memref<1x16x1024xf32, #tpu.memory_space<vmem>>
    %dma_wait3A_495 = tpu.memref_squeeze %dma_wait3A_494 : memref<1x16x1024xf32, #tpu.memory_space<vmem>> -> memref<16x1024xf32, #tpu.memory_space<vmem>>
    %dma_wait3A_496 = arith.constant 96 : i32
    %dma_wait3A_497 = tpu.memref_slice %arg5[%dma_wait3A_496] : memref<512xi32, #tpu.memory_space<vmem>> -> memref<16xi32, #tpu.memory_space<vmem>>
    %dma_wait3A_498 = arith.constant 0 : i32
    %dma_wait3A_499 = arith.constant 0 : i32
    %dma_wait3A_500 = tpu.memref_slice %arg3[%dma_wait3A_498, %dma_wait3A_499] : memref<100000x1024xf32, #tpu.memory_space<hbm>> -> memref<100000x1024xf32, #tpu.memory_space<hbm>>
    %dma_wait3A_501 = tpu.memref_slice %arg7[%dma_wait3A_491] : memref<7x!tpu.dma_semaphore, #tpu.memory_space<semaphore_mem>> -> memref<1x!tpu.dma_semaphore, #tpu.memory_space<semaphore_mem>>
    %dma_wait3A_502 = tpu.memref_squeeze %dma_wait3A_501 : memref<1x!tpu.dma_semaphore, #tpu.memory_space<semaphore_mem>> -> memref<!tpu.dma_semaphore, #tpu.memory_space<semaphore_mem>>
    tpu.wait_indirect_dma semaphore(%dma_wait3A_502 : memref<!tpu.dma_semaphore, #tpu.memory_space<semaphore_mem>>) src(%dma_wait3A_500 : memref<100000x1024xf32, #tpu.memory_space<hbm>>) dst(%dma_wait3A_495 : memref<16x1024xf32, #tpu.memory_space<vmem>>)
    %add3A_503 = arith.constant 96 : i32
    %add3A_504 = arith.addi %mul3A_32, %add3A_503 : i32
    %dma_start3A_505 = arith.constant 6 : i32
    %dma_start3A_506 = arith.constant 6 : i32
    %dma_start3A_507 = arith.constant 0 : i32
    %dma_start3A_508 = arith.constant 0 : i32
    %dma_start3A_509 = tpu.memref_slice %arg6[%dma_start3A_505, %dma_start3A_507, %dma_start3A_508] : memref<7x16x1024xf32, #tpu.memory_space<vmem>> -> memref<1x16x1024xf32, #tpu.memory_space<vmem>>
    %dma_start3A_510 = tpu.memref_squeeze %dma_start3A_509 : memref<1x16x1024xf32, #tpu.memory_space<vmem>> -> memref<16x1024xf32, #tpu.memory_space<vmem>>
    %dma_start3A_511 = arith.constant 0 : i32
    %dma_start3A_512 = tpu.memref_slice %arg4[%select_n3A, %add3A_504, %dma_start3A_511] : memref<4x4096x1024xf32, #tpu.memory_space<hbm>> -> memref<1x16x1024xf32, #tpu.memory_space<hbm>>
    %dma_start3A_513 = tpu.memref_squeeze %dma_start3A_512 : memref<1x16x1024xf32, #tpu.memory_space<hbm>> -> memref<16x1024xf32, #tpu.memory_space<hbm>>
    %dma_start3A_514 = tpu.memref_slice %arg8[%dma_start3A_506] : memref<7x!tpu.dma_semaphore, #tpu.memory_space<semaphore_mem>> -> memref<1x!tpu.dma_semaphore, #tpu.memory_space<semaphore_mem>>
    %dma_start3A_515 = tpu.memref_squeeze %dma_start3A_514 : memref<1x!tpu.dma_semaphore, #tpu.memory_space<semaphore_mem>> -> memref<!tpu.dma_semaphore, #tpu.memory_space<semaphore_mem>>
    %dma_start3A_516 = arith.constant 0 : i32
    %dma_start3A_517 = tpu.memref_slice %arg4[%select_n3A, %add3A_504, %dma_start3A_516] : memref<4x4096x1024xf32, #tpu.memory_space<hbm>> -> memref<1x16x1024xf32, #tpu.memory_space<hbm>>
    %dma_start3A_518 = tpu.memref_squeeze %dma_start3A_517 : memref<1x16x1024xf32, #tpu.memory_space<hbm>> -> memref<16x1024xf32, #tpu.memory_space<hbm>>
    %dma_start3A_519 = arith.constant 0 : i32
    %dma_start3A_520 = arith.constant 0 : i32
    %dma_start3A_521 = tpu.memref_slice %arg6[%dma_start3A_505, %dma_start3A_519, %dma_start3A_520] : memref<7x16x1024xf32, #tpu.memory_space<vmem>> -> memref<1x16x1024xf32, #tpu.memory_space<vmem>>
    %dma_start3A_522 = tpu.memref_squeeze %dma_start3A_521 : memref<1x16x1024xf32, #tpu.memory_space<vmem>> -> memref<16x1024xf32, #tpu.memory_space<vmem>>
    tpu.enqueue_dma source(%dma_start3A_522 : memref<16x1024xf32, #tpu.memory_space<vmem>>) target(%dma_start3A_518 : memref<16x1024xf32, #tpu.memory_space<hbm>>) target_semaphore(%dma_start3A_515 : memref<!tpu.dma_semaphore, #tpu.memory_space<semaphore_mem>>)
    %dma_wait3A_523 = arith.constant 4 : i32
    %dma_wait3A_524 = arith.constant 4 : i32
    %dma_wait3A_525 = arith.constant 0 : i32
    %dma_wait3A_526 = arith.constant 0 : i32
    %dma_wait3A_527 = tpu.memref_slice %arg6[%dma_wait3A_523, %dma_wait3A_525, %dma_wait3A_526] : memref<7x16x1024xf32, #tpu.memory_space<vmem>> -> memref<1x16x1024xf32, #tpu.memory_space<vmem>>
    %dma_wait3A_528 = tpu.memref_squeeze %dma_wait3A_527 : memref<1x16x1024xf32, #tpu.memory_space<vmem>> -> memref<16x1024xf32, #tpu.memory_space<vmem>>
    %dma_wait3A_529 = arith.constant 0 : i32
    %dma_wait3A_530 = tpu.memref_slice %arg4[%select_n3A, %add3A_376, %dma_wait3A_529] : memref<4x4096x1024xf32, #tpu.memory_space<hbm>> -> memref<1x16x1024xf32, #tpu.memory_space<hbm>>
    %dma_wait3A_531 = tpu.memref_squeeze %dma_wait3A_530 : memref<1x16x1024xf32, #tpu.memory_space<hbm>> -> memref<16x1024xf32, #tpu.memory_space<hbm>>
    %dma_wait3A_532 = tpu.memref_slice %arg8[%dma_wait3A_524] : memref<7x!tpu.dma_semaphore, #tpu.memory_space<semaphore_mem>> -> memref<1x!tpu.dma_semaphore, #tpu.memory_space<semaphore_mem>>
    %dma_wait3A_533 = tpu.memref_squeeze %dma_wait3A_532 : memref<1x!tpu.dma_semaphore, #tpu.memory_space<semaphore_mem>> -> memref<!tpu.dma_semaphore, #tpu.memory_space<semaphore_mem>>
    %dma_wait3A_534 = arith.constant 0 : i32
    %dma_wait3A_535 = tpu.memref_slice %arg4[%select_n3A, %add3A_376, %dma_wait3A_534] : memref<4x4096x1024xf32, #tpu.memory_space<hbm>> -> memref<1x16x1024xf32, #tpu.memory_space<hbm>>
    %dma_wait3A_536 = tpu.memref_squeeze %dma_wait3A_535 : memref<1x16x1024xf32, #tpu.memory_space<hbm>> -> memref<16x1024xf32, #tpu.memory_space<hbm>>
    %dma_wait3A_537 = arith.constant 0 : i32
    %dma_wait3A_538 = arith.constant 0 : i32
    %dma_wait3A_539 = tpu.memref_slice %arg6[%dma_wait3A_523, %dma_wait3A_537, %dma_wait3A_538] : memref<7x16x1024xf32, #tpu.memory_space<vmem>> -> memref<1x16x1024xf32, #tpu.memory_space<vmem>>
    %dma_wait3A_540 = tpu.memref_squeeze %dma_wait3A_539 : memref<1x16x1024xf32, #tpu.memory_space<vmem>> -> memref<16x1024xf32, #tpu.memory_space<vmem>>
    tpu.wait_dma2 semaphore(%dma_wait3A_533 : memref<!tpu.dma_semaphore, #tpu.memory_space<semaphore_mem>>) src(%dma_wait3A_540 : memref<16x1024xf32, #tpu.memory_space<vmem>>) dst(%dma_wait3A_536 : memref<16x1024xf32, #tpu.memory_space<hbm>>)
    %dma_start3A_541 = arith.constant 4 : i32
    %dma_start3A_542 = arith.constant 4 : i32
    %dma_start3A_543 = arith.constant 0 : i32
    %dma_start3A_544 = arith.constant 0 : i32
    %dma_start3A_545 = tpu.memref_slice %arg6[%dma_start3A_541, %dma_start3A_543, %dma_start3A_544] : memref<7x16x1024xf32, #tpu.memory_space<vmem>> -> memref<1x16x1024xf32, #tpu.memory_space<vmem>>
    %dma_start3A_546 = tpu.memref_squeeze %dma_start3A_545 : memref<1x16x1024xf32, #tpu.memory_space<vmem>> -> memref<16x1024xf32, #tpu.memory_space<vmem>>
    %dma_start3A_547 = arith.constant 176 : i32
    %dma_start3A_548 = tpu.memref_slice %arg5[%dma_start3A_547] : memref<512xi32, #tpu.memory_space<vmem>> -> memref<16xi32, #tpu.memory_space<vmem>>
    %dma_start3A_549 = arith.constant 0 : i32
    %dma_start3A_550 = arith.constant 0 : i32
    %dma_start3A_551 = tpu.memref_slice %arg3[%dma_start3A_549, %dma_start3A_550] : memref<100000x1024xf32, #tpu.memory_space<hbm>> -> memref<100000x1024xf32, #tpu.memory_space<hbm>>
    %dma_start3A_552 = tpu.memref_slice %arg7[%dma_start3A_542] : memref<7x!tpu.dma_semaphore, #tpu.memory_space<semaphore_mem>> -> memref<1x!tpu.dma_semaphore, #tpu.memory_space<semaphore_mem>>
    %dma_start3A_553 = tpu.memref_squeeze %dma_start3A_552 : memref<1x!tpu.dma_semaphore, #tpu.memory_space<semaphore_mem>> -> memref<!tpu.dma_semaphore, #tpu.memory_space<semaphore_mem>>
    tpu.enqueue_indirect_dma source(%dma_start3A_551 : memref<100000x1024xf32, #tpu.memory_space<hbm>>) target(%dma_start3A_546 : memref<16x1024xf32, #tpu.memory_space<vmem>>) offsets(%dma_start3A_548 : memref<16xi32, #tpu.memory_space<vmem>>) semaphore(%dma_start3A_553 : memref<!tpu.dma_semaphore, #tpu.memory_space<semaphore_mem>>)
    %dma_wait3A_554 = arith.constant 0 : i32
    %dma_wait3A_555 = arith.constant 0 : i32
    %dma_wait3A_556 = arith.constant 0 : i32
    %dma_wait3A_557 = arith.constant 0 : i32
    %dma_wait3A_558 = tpu.memref_slice %arg6[%dma_wait3A_554, %dma_wait3A_556, %dma_wait3A_557] : memref<7x16x1024xf32, #tpu.memory_space<vmem>> -> memref<1x16x1024xf32, #tpu.memory_space<vmem>>
    %dma_wait3A_559 = tpu.memref_squeeze %dma_wait3A_558 : memref<1x16x1024xf32, #tpu.memory_space<vmem>> -> memref<16x1024xf32, #tpu.memory_space<vmem>>
    %dma_wait3A_560 = arith.constant 112 : i32
    %dma_wait3A_561 = tpu.memref_slice %arg5[%dma_wait3A_560] : memref<512xi32, #tpu.memory_space<vmem>> -> memref<16xi32, #tpu.memory_space<vmem>>
    %dma_wait3A_562 = arith.constant 0 : i32
    %dma_wait3A_563 = arith.constant 0 : i32
    %dma_wait3A_564 = tpu.memref_slice %arg3[%dma_wait3A_562, %dma_wait3A_563] : memref<100000x1024xf32, #tpu.memory_space<hbm>> -> memref<100000x1024xf32, #tpu.memory_space<hbm>>
    %dma_wait3A_565 = tpu.memref_slice %arg7[%dma_wait3A_555] : memref<7x!tpu.dma_semaphore, #tpu.memory_space<semaphore_mem>> -> memref<1x!tpu.dma_semaphore, #tpu.memory_space<semaphore_mem>>
    %dma_wait3A_566 = tpu.memref_squeeze %dma_wait3A_565 : memref<1x!tpu.dma_semaphore, #tpu.memory_space<semaphore_mem>> -> memref<!tpu.dma_semaphore, #tpu.memory_space<semaphore_mem>>
    tpu.wait_indirect_dma semaphore(%dma_wait3A_566 : memref<!tpu.dma_semaphore, #tpu.memory_space<semaphore_mem>>) src(%dma_wait3A_564 : memref<100000x1024xf32, #tpu.memory_space<hbm>>) dst(%dma_wait3A_559 : memref<16x1024xf32, #tpu.memory_space<vmem>>)
    %add3A_567 = arith.constant 112 : i32
    %add3A_568 = arith.addi %mul3A_32, %add3A_567 : i32
    %dma_start3A_569 = arith.constant 0 : i32
    %dma_start3A_570 = arith.constant 0 : i32
    %dma_start3A_571 = arith.constant 0 : i32
    %dma_start3A_572 = arith.constant 0 : i32
    %dma_start3A_573 = tpu.memref_slice %arg6[%dma_start3A_569, %dma_start3A_571, %dma_start3A_572] : memref<7x16x1024xf32, #tpu.memory_space<vmem>> -> memref<1x16x1024xf32, #tpu.memory_space<vmem>>
    %dma_start3A_574 = tpu.memref_squeeze %dma_start3A_573 : memref<1x16x1024xf32, #tpu.memory_space<vmem>> -> memref<16x1024xf32, #tpu.memory_space<vmem>>
    %dma_start3A_575 = arith.constant 0 : i32
    %dma_start3A_576 = tpu.memref_slice %arg4[%select_n3A, %add3A_568, %dma_start3A_575] : memref<4x4096x1024xf32, #tpu.memory_space<hbm>> -> memref<1x16x1024xf32, #tpu.memory_space<hbm>>
    %dma_start3A_577 = tpu.memref_squeeze %dma_start3A_576 : memref<1x16x1024xf32, #tpu.memory_space<hbm>> -> memref<16x1024xf32, #tpu.memory_space<hbm>>
    %dma_start3A_578 = tpu.memref_slice %arg8[%dma_start3A_570] : memref<7x!tpu.dma_semaphore, #tpu.memory_space<semaphore_mem>> -> memref<1x!tpu.dma_semaphore, #tpu.memory_space<semaphore_mem>>
    %dma_start3A_579 = tpu.memref_squeeze %dma_start3A_578 : memref<1x!tpu.dma_semaphore, #tpu.memory_space<semaphore_mem>> -> memref<!tpu.dma_semaphore, #tpu.memory_space<semaphore_mem>>
    %dma_start3A_580 = arith.constant 0 : i32
    %dma_start3A_581 = tpu.memref_slice %arg4[%select_n3A, %add3A_568, %dma_start3A_580] : memref<4x4096x1024xf32, #tpu.memory_space<hbm>> -> memref<1x16x1024xf32, #tpu.memory_space<hbm>>
    %dma_start3A_582 = tpu.memref_squeeze %dma_start3A_581 : memref<1x16x1024xf32, #tpu.memory_space<hbm>> -> memref<16x1024xf32, #tpu.memory_space<hbm>>
    %dma_start3A_583 = arith.constant 0 : i32
    %dma_start3A_584 = arith.constant 0 : i32
    %dma_start3A_585 = tpu.memref_slice %arg6[%dma_start3A_569, %dma_start3A_583, %dma_start3A_584] : memref<7x16x1024xf32, #tpu.memory_space<vmem>> -> memref<1x16x1024xf32, #tpu.memory_space<vmem>>
    %dma_start3A_586 = tpu.memref_squeeze %dma_start3A_585 : memref<1x16x1024xf32, #tpu.memory_space<vmem>> -> memref<16x1024xf32, #tpu.memory_space<vmem>>
    tpu.enqueue_dma source(%dma_start3A_586 : memref<16x1024xf32, #tpu.memory_space<vmem>>) target(%dma_start3A_582 : memref<16x1024xf32, #tpu.memory_space<hbm>>) target_semaphore(%dma_start3A_579 : memref<!tpu.dma_semaphore, #tpu.memory_space<semaphore_mem>>)
    %dma_wait3A_587 = arith.constant 5 : i32
    %dma_wait3A_588 = arith.constant 5 : i32
    %dma_wait3A_589 = arith.constant 0 : i32
    %dma_wait3A_590 = arith.constant 0 : i32
    %dma_wait3A_591 = tpu.memref_slice %arg6[%dma_wait3A_587, %dma_wait3A_589, %dma_wait3A_590] : memref<7x16x1024xf32, #tpu.memory_space<vmem>> -> memref<1x16x1024xf32, #tpu.memory_space<vmem>>
    %dma_wait3A_592 = tpu.memref_squeeze %dma_wait3A_591 : memref<1x16x1024xf32, #tpu.memory_space<vmem>> -> memref<16x1024xf32, #tpu.memory_space<vmem>>
    %dma_wait3A_593 = arith.constant 0 : i32
    %dma_wait3A_594 = tpu.memref_slice %arg4[%select_n3A, %add3A_440, %dma_wait3A_593] : memref<4x4096x1024xf32, #tpu.memory_space<hbm>> -> memref<1x16x1024xf32, #tpu.memory_space<hbm>>
    %dma_wait3A_595 = tpu.memref_squeeze %dma_wait3A_594 : memref<1x16x1024xf32, #tpu.memory_space<hbm>> -> memref<16x1024xf32, #tpu.memory_space<hbm>>
    %dma_wait3A_596 = tpu.memref_slice %arg8[%dma_wait3A_588] : memref<7x!tpu.dma_semaphore, #tpu.memory_space<semaphore_mem>> -> memref<1x!tpu.dma_semaphore, #tpu.memory_space<semaphore_mem>>
    %dma_wait3A_597 = tpu.memref_squeeze %dma_wait3A_596 : memref<1x!tpu.dma_semaphore, #tpu.memory_space<semaphore_mem>> -> memref<!tpu.dma_semaphore, #tpu.memory_space<semaphore_mem>>
    %dma_wait3A_598 = arith.constant 0 : i32
    %dma_wait3A_599 = tpu.memref_slice %arg4[%select_n3A, %add3A_440, %dma_wait3A_598] : memref<4x4096x1024xf32, #tpu.memory_space<hbm>> -> memref<1x16x1024xf32, #tpu.memory_space<hbm>>
    %dma_wait3A_600 = tpu.memref_squeeze %dma_wait3A_599 : memref<1x16x1024xf32, #tpu.memory_space<hbm>> -> memref<16x1024xf32, #tpu.memory_space<hbm>>
    %dma_wait3A_601 = arith.constant 0 : i32
    %dma_wait3A_602 = arith.constant 0 : i32
    %dma_wait3A_603 = tpu.memref_slice %arg6[%dma_wait3A_587, %dma_wait3A_601, %dma_wait3A_602] : memref<7x16x1024xf32, #tpu.memory_space<vmem>> -> memref<1x16x1024xf32, #tpu.memory_space<vmem>>
    %dma_wait3A_604 = tpu.memref_squeeze %dma_wait3A_603 : memref<1x16x1024xf32, #tpu.memory_space<vmem>> -> memref<16x1024xf32, #tpu.memory_space<vmem>>
    tpu.wait_dma2 semaphore(%dma_wait3A_597 : memref<!tpu.dma_semaphore, #tpu.memory_space<semaphore_mem>>) src(%dma_wait3A_604 : memref<16x1024xf32, #tpu.memory_space<vmem>>) dst(%dma_wait3A_600 : memref<16x1024xf32, #tpu.memory_space<hbm>>)
    %dma_start3A_605 = arith.constant 5 : i32
    %dma_start3A_606 = arith.constant 5 : i32
    %dma_start3A_607 = arith.constant 0 : i32
    %dma_start3A_608 = arith.constant 0 : i32
    %dma_start3A_609 = tpu.memref_slice %arg6[%dma_start3A_605, %dma_start3A_607, %dma_start3A_608] : memref<7x16x1024xf32, #tpu.memory_space<vmem>> -> memref<1x16x1024xf32, #tpu.memory_space<vmem>>
    %dma_start3A_610 = tpu.memref_squeeze %dma_start3A_609 : memref<1x16x1024xf32, #tpu.memory_space<vmem>> -> memref<16x1024xf32, #tpu.memory_space<vmem>>
    %dma_start3A_611 = arith.constant 192 : i32
    %dma_start3A_612 = tpu.memref_slice %arg5[%dma_start3A_611] : memref<512xi32, #tpu.memory_space<vmem>> -> memref<16xi32, #tpu.memory_space<vmem>>
    %dma_start3A_613 = arith.constant 0 : i32
    %dma_start3A_614 = arith.constant 0 : i32
    %dma_start3A_615 = tpu.memref_slice %arg3[%dma_start3A_613, %dma_start3A_614] : memref<100000x1024xf32, #tpu.memory_space<hbm>> -> memref<100000x1024xf32, #tpu.memory_space<hbm>>
    %dma_start3A_616 = tpu.memref_slice %arg7[%dma_start3A_606] : memref<7x!tpu.dma_semaphore, #tpu.memory_space<semaphore_mem>> -> memref<1x!tpu.dma_semaphore, #tpu.memory_space<semaphore_mem>>
    %dma_start3A_617 = tpu.memref_squeeze %dma_start3A_616 : memref<1x!tpu.dma_semaphore, #tpu.memory_space<semaphore_mem>> -> memref<!tpu.dma_semaphore, #tpu.memory_space<semaphore_mem>>
    tpu.enqueue_indirect_dma source(%dma_start3A_615 : memref<100000x1024xf32, #tpu.memory_space<hbm>>) target(%dma_start3A_610 : memref<16x1024xf32, #tpu.memory_space<vmem>>) offsets(%dma_start3A_612 : memref<16xi32, #tpu.memory_space<vmem>>) semaphore(%dma_start3A_617 : memref<!tpu.dma_semaphore, #tpu.memory_space<semaphore_mem>>)
    %dma_wait3A_618 = arith.constant 1 : i32
    %dma_wait3A_619 = arith.constant 1 : i32
    %dma_wait3A_620 = arith.constant 0 : i32
    %dma_wait3A_621 = arith.constant 0 : i32
    %dma_wait3A_622 = tpu.memref_slice %arg6[%dma_wait3A_618, %dma_wait3A_620, %dma_wait3A_621] : memref<7x16x1024xf32, #tpu.memory_space<vmem>> -> memref<1x16x1024xf32, #tpu.memory_space<vmem>>
    %dma_wait3A_623 = tpu.memref_squeeze %dma_wait3A_622 : memref<1x16x1024xf32, #tpu.memory_space<vmem>> -> memref<16x1024xf32, #tpu.memory_space<vmem>>
    %dma_wait3A_624 = arith.constant 128 : i32
    %dma_wait3A_625 = tpu.memref_slice %arg5[%dma_wait3A_624] : memref<512xi32, #tpu.memory_space<vmem>> -> memref<16xi32, #tpu.memory_space<vmem>>
    %dma_wait3A_626 = arith.constant 0 : i32
    %dma_wait3A_627 = arith.constant 0 : i32
    %dma_wait3A_628 = tpu.memref_slice %arg3[%dma_wait3A_626, %dma_wait3A_627] : memref<100000x1024xf32, #tpu.memory_space<hbm>> -> memref<100000x1024xf32, #tpu.memory_space<hbm>>
    %dma_wait3A_629 = tpu.memref_slice %arg7[%dma_wait3A_619] : memref<7x!tpu.dma_semaphore, #tpu.memory_space<semaphore_mem>> -> memref<1x!tpu.dma_semaphore, #tpu.memory_space<semaphore_mem>>
    %dma_wait3A_630 = tpu.memref_squeeze %dma_wait3A_629 : memref<1x!tpu.dma_semaphore, #tpu.memory_space<semaphore_mem>> -> memref<!tpu.dma_semaphore, #tpu.memory_space<semaphore_mem>>
    tpu.wait_indirect_dma semaphore(%dma_wait3A_630 : memref<!tpu.dma_semaphore, #tpu.memory_space<semaphore_mem>>) src(%dma_wait3A_628 : memref<100000x1024xf32, #tpu.memory_space<hbm>>) dst(%dma_wait3A_623 : memref<16x1024xf32, #tpu.memory_space<vmem>>)
    %add3A_631 = arith.constant 128 : i32
    %add3A_632 = arith.addi %mul3A_32, %add3A_631 : i32
    %dma_start3A_633 = arith.constant 1 : i32
    %dma_start3A_634 = arith.constant 1 : i32
    %dma_start3A_635 = arith.constant 0 : i32
    %dma_start3A_636 = arith.constant 0 : i32
    %dma_start3A_637 = tpu.memref_slice %arg6[%dma_start3A_633, %dma_start3A_635, %dma_start3A_636] : memref<7x16x1024xf32, #tpu.memory_space<vmem>> -> memref<1x16x1024xf32, #tpu.memory_space<vmem>>
    %dma_start3A_638 = tpu.memref_squeeze %dma_start3A_637 : memref<1x16x1024xf32, #tpu.memory_space<vmem>> -> memref<16x1024xf32, #tpu.memory_space<vmem>>
    %dma_start3A_639 = arith.constant 0 : i32
    %dma_start3A_640 = tpu.memref_slice %arg4[%select_n3A, %add3A_632, %dma_start3A_639] : memref<4x4096x1024xf32, #tpu.memory_space<hbm>> -> memref<1x16x1024xf32, #tpu.memory_space<hbm>>
    %dma_start3A_641 = tpu.memref_squeeze %dma_start3A_640 : memref<1x16x1024xf32, #tpu.memory_space<hbm>> -> memref<16x1024xf32, #tpu.memory_space<hbm>>
    %dma_start3A_642 = tpu.memref_slice %arg8[%dma_start3A_634] : memref<7x!tpu.dma_semaphore, #tpu.memory_space<semaphore_mem>> -> memref<1x!tpu.dma_semaphore, #tpu.memory_space<semaphore_mem>>
    %dma_start3A_643 = tpu.memref_squeeze %dma_start3A_642 : memref<1x!tpu.dma_semaphore, #tpu.memory_space<semaphore_mem>> -> memref<!tpu.dma_semaphore, #tpu.memory_space<semaphore_mem>>
    %dma_start3A_644 = arith.constant 0 : i32
    %dma_start3A_645 = tpu.memref_slice %arg4[%select_n3A, %add3A_632, %dma_start3A_644] : memref<4x4096x1024xf32, #tpu.memory_space<hbm>> -> memref<1x16x1024xf32, #tpu.memory_space<hbm>>
    %dma_start3A_646 = tpu.memref_squeeze %dma_start3A_645 : memref<1x16x1024xf32, #tpu.memory_space<hbm>> -> memref<16x1024xf32, #tpu.memory_space<hbm>>
    %dma_start3A_647 = arith.constant 0 : i32
    %dma_start3A_648 = arith.constant 0 : i32
    %dma_start3A_649 = tpu.memref_slice %arg6[%dma_start3A_633, %dma_start3A_647, %dma_start3A_648] : memref<7x16x1024xf32, #tpu.memory_space<vmem>> -> memref<1x16x1024xf32, #tpu.memory_space<vmem>>
    %dma_start3A_650 = tpu.memref_squeeze %dma_start3A_649 : memref<1x16x1024xf32, #tpu.memory_space<vmem>> -> memref<16x1024xf32, #tpu.memory_space<vmem>>
    tpu.enqueue_dma source(%dma_start3A_650 : memref<16x1024xf32, #tpu.memory_space<vmem>>) target(%dma_start3A_646 : memref<16x1024xf32, #tpu.memory_space<hbm>>) target_semaphore(%dma_start3A_643 : memref<!tpu.dma_semaphore, #tpu.memory_space<semaphore_mem>>)
    %dma_wait3A_651 = arith.constant 6 : i32
    %dma_wait3A_652 = arith.constant 6 : i32
    %dma_wait3A_653 = arith.constant 0 : i32
    %dma_wait3A_654 = arith.constant 0 : i32
    %dma_wait3A_655 = tpu.memref_slice %arg6[%dma_wait3A_651, %dma_wait3A_653, %dma_wait3A_654] : memref<7x16x1024xf32, #tpu.memory_space<vmem>> -> memref<1x16x1024xf32, #tpu.memory_space<vmem>>
    %dma_wait3A_656 = tpu.memref_squeeze %dma_wait3A_655 : memref<1x16x1024xf32, #tpu.memory_space<vmem>> -> memref<16x1024xf32, #tpu.memory_space<vmem>>
    %dma_wait3A_657 = arith.constant 0 : i32
    %dma_wait3A_658 = tpu.memref_slice %arg4[%select_n3A, %add3A_504, %dma_wait3A_657] : memref<4x4096x1024xf32, #tpu.memory_space<hbm>> -> memref<1x16x1024xf32, #tpu.memory_space<hbm>>
    %dma_wait3A_659 = tpu.memref_squeeze %dma_wait3A_658 : memref<1x16x1024xf32, #tpu.memory_space<hbm>> -> memref<16x1024xf32, #tpu.memory_space<hbm>>
    %dma_wait3A_660 = tpu.memref_slice %arg8[%dma_wait3A_652] : memref<7x!tpu.dma_semaphore, #tpu.memory_space<semaphore_mem>> -> memref<1x!tpu.dma_semaphore, #tpu.memory_space<semaphore_mem>>
    %dma_wait3A_661 = tpu.memref_squeeze %dma_wait3A_660 : memref<1x!tpu.dma_semaphore, #tpu.memory_space<semaphore_mem>> -> memref<!tpu.dma_semaphore, #tpu.memory_space<semaphore_mem>>
    %dma_wait3A_662 = arith.constant 0 : i32
    %dma_wait3A_663 = tpu.memref_slice %arg4[%select_n3A, %add3A_504, %dma_wait3A_662] : memref<4x4096x1024xf32, #tpu.memory_space<hbm>> -> memref<1x16x1024xf32, #tpu.memory_space<hbm>>
    %dma_wait3A_664 = tpu.memref_squeeze %dma_wait3A_663 : memref<1x16x1024xf32, #tpu.memory_space<hbm>> -> memref<16x1024xf32, #tpu.memory_space<hbm>>
    %dma_wait3A_665 = arith.constant 0 : i32
    %dma_wait3A_666 = arith.constant 0 : i32
    %dma_wait3A_667 = tpu.memref_slice %arg6[%dma_wait3A_651, %dma_wait3A_665, %dma_wait3A_666] : memref<7x16x1024xf32, #tpu.memory_space<vmem>> -> memref<1x16x1024xf32, #tpu.memory_space<vmem>>
    %dma_wait3A_668 = tpu.memref_squeeze %dma_wait3A_667 : memref<1x16x1024xf32, #tpu.memory_space<vmem>> -> memref<16x1024xf32, #tpu.memory_space<vmem>>
    tpu.wait_dma2 semaphore(%dma_wait3A_661 : memref<!tpu.dma_semaphore, #tpu.memory_space<semaphore_mem>>) src(%dma_wait3A_668 : memref<16x1024xf32, #tpu.memory_space<vmem>>) dst(%dma_wait3A_664 : memref<16x1024xf32, #tpu.memory_space<hbm>>)
    %dma_start3A_669 = arith.constant 6 : i32
    %dma_start3A_670 = arith.constant 6 : i32
    %dma_start3A_671 = arith.constant 0 : i32
    %dma_start3A_672 = arith.constant 0 : i32
    %dma_start3A_673 = tpu.memref_slice %arg6[%dma_start3A_669, %dma_start3A_671, %dma_start3A_672] : memref<7x16x1024xf32, #tpu.memory_space<vmem>> -> memref<1x16x1024xf32, #tpu.memory_space<vmem>>
    %dma_start3A_674 = tpu.memref_squeeze %dma_start3A_673 : memref<1x16x1024xf32, #tpu.memory_space<vmem>> -> memref<16x1024xf32, #tpu.memory_space<vmem>>
    %dma_start3A_675 = arith.constant 208 : i32
    %dma_start3A_676 = tpu.memref_slice %arg5[%dma_start3A_675] : memref<512xi32, #tpu.memory_space<vmem>> -> memref<16xi32, #tpu.memory_space<vmem>>
    %dma_start3A_677 = arith.constant 0 : i32
    %dma_start3A_678 = arith.constant 0 : i32
    %dma_start3A_679 = tpu.memref_slice %arg3[%dma_start3A_677, %dma_start3A_678] : memref<100000x1024xf32, #tpu.memory_space<hbm>> -> memref<100000x1024xf32, #tpu.memory_space<hbm>>
    %dma_start3A_680 = tpu.memref_slice %arg7[%dma_start3A_670] : memref<7x!tpu.dma_semaphore, #tpu.memory_space<semaphore_mem>> -> memref<1x!tpu.dma_semaphore, #tpu.memory_space<semaphore_mem>>
    %dma_start3A_681 = tpu.memref_squeeze %dma_start3A_680 : memref<1x!tpu.dma_semaphore, #tpu.memory_space<semaphore_mem>> -> memref<!tpu.dma_semaphore, #tpu.memory_space<semaphore_mem>>
    tpu.enqueue_indirect_dma source(%dma_start3A_679 : memref<100000x1024xf32, #tpu.memory_space<hbm>>) target(%dma_start3A_674 : memref<16x1024xf32, #tpu.memory_space<vmem>>) offsets(%dma_start3A_676 : memref<16xi32, #tpu.memory_space<vmem>>) semaphore(%dma_start3A_681 : memref<!tpu.dma_semaphore, #tpu.memory_space<semaphore_mem>>)
    %dma_wait3A_682 = arith.constant 2 : i32
    %dma_wait3A_683 = arith.constant 2 : i32
    %dma_wait3A_684 = arith.constant 0 : i32
    %dma_wait3A_685 = arith.constant 0 : i32
    %dma_wait3A_686 = tpu.memref_slice %arg6[%dma_wait3A_682, %dma_wait3A_684, %dma_wait3A_685] : memref<7x16x1024xf32, #tpu.memory_space<vmem>> -> memref<1x16x1024xf32, #tpu.memory_space<vmem>>
    %dma_wait3A_687 = tpu.memref_squeeze %dma_wait3A_686 : memref<1x16x1024xf32, #tpu.memory_space<vmem>> -> memref<16x1024xf32, #tpu.memory_space<vmem>>
    %dma_wait3A_688 = arith.constant 144 : i32
    %dma_wait3A_689 = tpu.memref_slice %arg5[%dma_wait3A_688] : memref<512xi32, #tpu.memory_space<vmem>> -> memref<16xi32, #tpu.memory_space<vmem>>
    %dma_wait3A_690 = arith.constant 0 : i32
    %dma_wait3A_691 = arith.constant 0 : i32
    %dma_wait3A_692 = tpu.memref_slice %arg3[%dma_wait3A_690, %dma_wait3A_691] : memref<100000x1024xf32, #tpu.memory_space<hbm>> -> memref<100000x1024xf32, #tpu.memory_space<hbm>>
    %dma_wait3A_693 = tpu.memref_slice %arg7[%dma_wait3A_683] : memref<7x!tpu.dma_semaphore, #tpu.memory_space<semaphore_mem>> -> memref<1x!tpu.dma_semaphore, #tpu.memory_space<semaphore_mem>>
    %dma_wait3A_694 = tpu.memref_squeeze %dma_wait3A_693 : memref<1x!tpu.dma_semaphore, #tpu.memory_space<semaphore_mem>> -> memref<!tpu.dma_semaphore, #tpu.memory_space<semaphore_mem>>
    tpu.wait_indirect_dma semaphore(%dma_wait3A_694 : memref<!tpu.dma_semaphore, #tpu.memory_space<semaphore_mem>>) src(%dma_wait3A_692 : memref<100000x1024xf32, #tpu.memory_space<hbm>>) dst(%dma_wait3A_687 : memref<16x1024xf32, #tpu.memory_space<vmem>>)
    %add3A_695 = arith.constant 144 : i32
    %add3A_696 = arith.addi %mul3A_32, %add3A_695 : i32
    %dma_start3A_697 = arith.constant 2 : i32
    %dma_start3A_698 = arith.constant 2 : i32
    %dma_start3A_699 = arith.constant 0 : i32
    %dma_start3A_700 = arith.constant 0 : i32
    %dma_start3A_701 = tpu.memref_slice %arg6[%dma_start3A_697, %dma_start3A_699, %dma_start3A_700] : memref<7x16x1024xf32, #tpu.memory_space<vmem>> -> memref<1x16x1024xf32, #tpu.memory_space<vmem>>
    %dma_start3A_702 = tpu.memref_squeeze %dma_start3A_701 : memref<1x16x1024xf32, #tpu.memory_space<vmem>> -> memref<16x1024xf32, #tpu.memory_space<vmem>>
    %dma_start3A_703 = arith.constant 0 : i32
    %dma_start3A_704 = tpu.memref_slice %arg4[%select_n3A, %add3A_696, %dma_start3A_703] : memref<4x4096x1024xf32, #tpu.memory_space<hbm>> -> memref<1x16x1024xf32, #tpu.memory_space<hbm>>
    %dma_start3A_705 = tpu.memref_squeeze %dma_start3A_704 : memref<1x16x1024xf32, #tpu.memory_space<hbm>> -> memref<16x1024xf32, #tpu.memory_space<hbm>>
    %dma_start3A_706 = tpu.memref_slice %arg8[%dma_start3A_698] : memref<7x!tpu.dma_semaphore, #tpu.memory_space<semaphore_mem>> -> memref<1x!tpu.dma_semaphore, #tpu.memory_space<semaphore_mem>>
    %dma_start3A_707 = tpu.memref_squeeze %dma_start3A_706 : memref<1x!tpu.dma_semaphore, #tpu.memory_space<semaphore_mem>> -> memref<!tpu.dma_semaphore, #tpu.memory_space<semaphore_mem>>
    %dma_start3A_708 = arith.constant 0 : i32
    %dma_start3A_709 = tpu.memref_slice %arg4[%select_n3A, %add3A_696, %dma_start3A_708] : memref<4x4096x1024xf32, #tpu.memory_space<hbm>> -> memref<1x16x1024xf32, #tpu.memory_space<hbm>>
    %dma_start3A_710 = tpu.memref_squeeze %dma_start3A_709 : memref<1x16x1024xf32, #tpu.memory_space<hbm>> -> memref<16x1024xf32, #tpu.memory_space<hbm>>
    %dma_start3A_711 = arith.constant 0 : i32
    %dma_start3A_712 = arith.constant 0 : i32
    %dma_start3A_713 = tpu.memref_slice %arg6[%dma_start3A_697, %dma_start3A_711, %dma_start3A_712] : memref<7x16x1024xf32, #tpu.memory_space<vmem>> -> memref<1x16x1024xf32, #tpu.memory_space<vmem>>
    %dma_start3A_714 = tpu.memref_squeeze %dma_start3A_713 : memref<1x16x1024xf32, #tpu.memory_space<vmem>> -> memref<16x1024xf32, #tpu.memory_space<vmem>>
    tpu.enqueue_dma source(%dma_start3A_714 : memref<16x1024xf32, #tpu.memory_space<vmem>>) target(%dma_start3A_710 : memref<16x1024xf32, #tpu.memory_space<hbm>>) target_semaphore(%dma_start3A_707 : memref<!tpu.dma_semaphore, #tpu.memory_space<semaphore_mem>>)
    %dma_wait3A_715 = arith.constant 0 : i32
    %dma_wait3A_716 = arith.constant 0 : i32
    %dma_wait3A_717 = arith.constant 0 : i32
    %dma_wait3A_718 = arith.constant 0 : i32
    %dma_wait3A_719 = tpu.memref_slice %arg6[%dma_wait3A_715, %dma_wait3A_717, %dma_wait3A_718] : memref<7x16x1024xf32, #tpu.memory_space<vmem>> -> memref<1x16x1024xf32, #tpu.memory_space<vmem>>
    %dma_wait3A_720 = tpu.memref_squeeze %dma_wait3A_719 : memref<1x16x1024xf32, #tpu.memory_space<vmem>> -> memref<16x1024xf32, #tpu.memory_space<vmem>>
    %dma_wait3A_721 = arith.constant 0 : i32
    %dma_wait3A_722 = tpu.memref_slice %arg4[%select_n3A, %add3A_568, %dma_wait3A_721] : memref<4x4096x1024xf32, #tpu.memory_space<hbm>> -> memref<1x16x1024xf32, #tpu.memory_space<hbm>>
    %dma_wait3A_723 = tpu.memref_squeeze %dma_wait3A_722 : memref<1x16x1024xf32, #tpu.memory_space<hbm>> -> memref<16x1024xf32, #tpu.memory_space<hbm>>
    %dma_wait3A_724 = tpu.memref_slice %arg8[%dma_wait3A_716] : memref<7x!tpu.dma_semaphore, #tpu.memory_space<semaphore_mem>> -> memref<1x!tpu.dma_semaphore, #tpu.memory_space<semaphore_mem>>
    %dma_wait3A_725 = tpu.memref_squeeze %dma_wait3A_724 : memref<1x!tpu.dma_semaphore, #tpu.memory_space<semaphore_mem>> -> memref<!tpu.dma_semaphore, #tpu.memory_space<semaphore_mem>>
    %dma_wait3A_726 = arith.constant 0 : i32
    %dma_wait3A_727 = tpu.memref_slice %arg4[%select_n3A, %add3A_568, %dma_wait3A_726] : memref<4x4096x1024xf32, #tpu.memory_space<hbm>> -> memref<1x16x1024xf32, #tpu.memory_space<hbm>>
    %dma_wait3A_728 = tpu.memref_squeeze %dma_wait3A_727 : memref<1x16x1024xf32, #tpu.memory_space<hbm>> -> memref<16x1024xf32, #tpu.memory_space<hbm>>
    %dma_wait3A_729 = arith.constant 0 : i32
    %dma_wait3A_730 = arith.constant 0 : i32
    %dma_wait3A_731 = tpu.memref_slice %arg6[%dma_wait3A_715, %dma_wait3A_729, %dma_wait3A_730] : memref<7x16x1024xf32, #tpu.memory_space<vmem>> -> memref<1x16x1024xf32, #tpu.memory_space<vmem>>
    %dma_wait3A_732 = tpu.memref_squeeze %dma_wait3A_731 : memref<1x16x1024xf32, #tpu.memory_space<vmem>> -> memref<16x1024xf32, #tpu.memory_space<vmem>>
    tpu.wait_dma2 semaphore(%dma_wait3A_725 : memref<!tpu.dma_semaphore, #tpu.memory_space<semaphore_mem>>) src(%dma_wait3A_732 : memref<16x1024xf32, #tpu.memory_space<vmem>>) dst(%dma_wait3A_728 : memref<16x1024xf32, #tpu.memory_space<hbm>>)
    %dma_start3A_733 = arith.constant 0 : i32
    %dma_start3A_734 = arith.constant 0 : i32
    %dma_start3A_735 = arith.constant 0 : i32
    %dma_start3A_736 = arith.constant 0 : i32
    %dma_start3A_737 = tpu.memref_slice %arg6[%dma_start3A_733, %dma_start3A_735, %dma_start3A_736] : memref<7x16x1024xf32, #tpu.memory_space<vmem>> -> memref<1x16x1024xf32, #tpu.memory_space<vmem>>
    %dma_start3A_738 = tpu.memref_squeeze %dma_start3A_737 : memref<1x16x1024xf32, #tpu.memory_space<vmem>> -> memref<16x1024xf32, #tpu.memory_space<vmem>>
    %dma_start3A_739 = arith.constant 224 : i32
    %dma_start3A_740 = tpu.memref_slice %arg5[%dma_start3A_739] : memref<512xi32, #tpu.memory_space<vmem>> -> memref<16xi32, #tpu.memory_space<vmem>>
    %dma_start3A_741 = arith.constant 0 : i32
    %dma_start3A_742 = arith.constant 0 : i32
    %dma_start3A_743 = tpu.memref_slice %arg3[%dma_start3A_741, %dma_start3A_742] : memref<100000x1024xf32, #tpu.memory_space<hbm>> -> memref<100000x1024xf32, #tpu.memory_space<hbm>>
    %dma_start3A_744 = tpu.memref_slice %arg7[%dma_start3A_734] : memref<7x!tpu.dma_semaphore, #tpu.memory_space<semaphore_mem>> -> memref<1x!tpu.dma_semaphore, #tpu.memory_space<semaphore_mem>>
    %dma_start3A_745 = tpu.memref_squeeze %dma_start3A_744 : memref<1x!tpu.dma_semaphore, #tpu.memory_space<semaphore_mem>> -> memref<!tpu.dma_semaphore, #tpu.memory_space<semaphore_mem>>
    tpu.enqueue_indirect_dma source(%dma_start3A_743 : memref<100000x1024xf32, #tpu.memory_space<hbm>>) target(%dma_start3A_738 : memref<16x1024xf32, #tpu.memory_space<vmem>>) offsets(%dma_start3A_740 : memref<16xi32, #tpu.memory_space<vmem>>) semaphore(%dma_start3A_745 : memref<!tpu.dma_semaphore, #tpu.memory_space<semaphore_mem>>)
    %dma_wait3A_746 = arith.constant 3 : i32
    %dma_wait3A_747 = arith.constant 3 : i32
    %dma_wait3A_748 = arith.constant 0 : i32
    %dma_wait3A_749 = arith.constant 0 : i32
    %dma_wait3A_750 = tpu.memref_slice %arg6[%dma_wait3A_746, %dma_wait3A_748, %dma_wait3A_749] : memref<7x16x1024xf32, #tpu.memory_space<vmem>> -> memref<1x16x1024xf32, #tpu.memory_space<vmem>>
    %dma_wait3A_751 = tpu.memref_squeeze %dma_wait3A_750 : memref<1x16x1024xf32, #tpu.memory_space<vmem>> -> memref<16x1024xf32, #tpu.memory_space<vmem>>
    %dma_wait3A_752 = arith.constant 160 : i32
    %dma_wait3A_753 = tpu.memref_slice %arg5[%dma_wait3A_752] : memref<512xi32, #tpu.memory_space<vmem>> -> memref<16xi32, #tpu.memory_space<vmem>>
    %dma_wait3A_754 = arith.constant 0 : i32
    %dma_wait3A_755 = arith.constant 0 : i32
    %dma_wait3A_756 = tpu.memref_slice %arg3[%dma_wait3A_754, %dma_wait3A_755] : memref<100000x1024xf32, #tpu.memory_space<hbm>> -> memref<100000x1024xf32, #tpu.memory_space<hbm>>
    %dma_wait3A_757 = tpu.memref_slice %arg7[%dma_wait3A_747] : memref<7x!tpu.dma_semaphore, #tpu.memory_space<semaphore_mem>> -> memref<1x!tpu.dma_semaphore, #tpu.memory_space<semaphore_mem>>
    %dma_wait3A_758 = tpu.memref_squeeze %dma_wait3A_757 : memref<1x!tpu.dma_semaphore, #tpu.memory_space<semaphore_mem>> -> memref<!tpu.dma_semaphore, #tpu.memory_space<semaphore_mem>>
    tpu.wait_indirect_dma semaphore(%dma_wait3A_758 : memref<!tpu.dma_semaphore, #tpu.memory_space<semaphore_mem>>) src(%dma_wait3A_756 : memref<100000x1024xf32, #tpu.memory_space<hbm>>) dst(%dma_wait3A_751 : memref<16x1024xf32, #tpu.memory_space<vmem>>)
    %add3A_759 = arith.constant 160 : i32
    %add3A_760 = arith.addi %mul3A_32, %add3A_759 : i32
    %dma_start3A_761 = arith.constant 3 : i32
    %dma_start3A_762 = arith.constant 3 : i32
    %dma_start3A_763 = arith.constant 0 : i32
    %dma_start3A_764 = arith.constant 0 : i32
    %dma_start3A_765 = tpu.memref_slice %arg6[%dma_start3A_761, %dma_start3A_763, %dma_start3A_764] : memref<7x16x1024xf32, #tpu.memory_space<vmem>> -> memref<1x16x1024xf32, #tpu.memory_space<vmem>>
    %dma_start3A_766 = tpu.memref_squeeze %dma_start3A_765 : memref<1x16x1024xf32, #tpu.memory_space<vmem>> -> memref<16x1024xf32, #tpu.memory_space<vmem>>
    %dma_start3A_767 = arith.constant 0 : i32
    %dma_start3A_768 = tpu.memref_slice %arg4[%select_n3A, %add3A_760, %dma_start3A_767] : memref<4x4096x1024xf32, #tpu.memory_space<hbm>> -> memref<1x16x1024xf32, #tpu.memory_space<hbm>>
    %dma_start3A_769 = tpu.memref_squeeze %dma_start3A_768 : memref<1x16x1024xf32, #tpu.memory_space<hbm>> -> memref<16x1024xf32, #tpu.memory_space<hbm>>
    %dma_start3A_770 = tpu.memref_slice %arg8[%dma_start3A_762] : memref<7x!tpu.dma_semaphore, #tpu.memory_space<semaphore_mem>> -> memref<1x!tpu.dma_semaphore, #tpu.memory_space<semaphore_mem>>
    %dma_start3A_771 = tpu.memref_squeeze %dma_start3A_770 : memref<1x!tpu.dma_semaphore, #tpu.memory_space<semaphore_mem>> -> memref<!tpu.dma_semaphore, #tpu.memory_space<semaphore_mem>>
    %dma_start3A_772 = arith.constant 0 : i32
    %dma_start3A_773 = tpu.memref_slice %arg4[%select_n3A, %add3A_760, %dma_start3A_772] : memref<4x4096x1024xf32, #tpu.memory_space<hbm>> -> memref<1x16x1024xf32, #tpu.memory_space<hbm>>
    %dma_start3A_774 = tpu.memref_squeeze %dma_start3A_773 : memref<1x16x1024xf32, #tpu.memory_space<hbm>> -> memref<16x1024xf32, #tpu.memory_space<hbm>>
    %dma_start3A_775 = arith.constant 0 : i32
    %dma_start3A_776 = arith.constant 0 : i32
    %dma_start3A_777 = tpu.memref_slice %arg6[%dma_start3A_761, %dma_start3A_775, %dma_start3A_776] : memref<7x16x1024xf32, #tpu.memory_space<vmem>> -> memref<1x16x1024xf32, #tpu.memory_space<vmem>>
    %dma_start3A_778 = tpu.memref_squeeze %dma_start3A_777 : memref<1x16x1024xf32, #tpu.memory_space<vmem>> -> memref<16x1024xf32, #tpu.memory_space<vmem>>
    tpu.enqueue_dma source(%dma_start3A_778 : memref<16x1024xf32, #tpu.memory_space<vmem>>) target(%dma_start3A_774 : memref<16x1024xf32, #tpu.memory_space<hbm>>) target_semaphore(%dma_start3A_771 : memref<!tpu.dma_semaphore, #tpu.memory_space<semaphore_mem>>)
    %dma_wait3A_779 = arith.constant 1 : i32
    %dma_wait3A_780 = arith.constant 1 : i32
    %dma_wait3A_781 = arith.constant 0 : i32
    %dma_wait3A_782 = arith.constant 0 : i32
    %dma_wait3A_783 = tpu.memref_slice %arg6[%dma_wait3A_779, %dma_wait3A_781, %dma_wait3A_782] : memref<7x16x1024xf32, #tpu.memory_space<vmem>> -> memref<1x16x1024xf32, #tpu.memory_space<vmem>>
    %dma_wait3A_784 = tpu.memref_squeeze %dma_wait3A_783 : memref<1x16x1024xf32, #tpu.memory_space<vmem>> -> memref<16x1024xf32, #tpu.memory_space<vmem>>
    %dma_wait3A_785 = arith.constant 0 : i32
    %dma_wait3A_786 = tpu.memref_slice %arg4[%select_n3A, %add3A_632, %dma_wait3A_785] : memref<4x4096x1024xf32, #tpu.memory_space<hbm>> -> memref<1x16x1024xf32, #tpu.memory_space<hbm>>
    %dma_wait3A_787 = tpu.memref_squeeze %dma_wait3A_786 : memref<1x16x1024xf32, #tpu.memory_space<hbm>> -> memref<16x1024xf32, #tpu.memory_space<hbm>>
    %dma_wait3A_788 = tpu.memref_slice %arg8[%dma_wait3A_780] : memref<7x!tpu.dma_semaphore, #tpu.memory_space<semaphore_mem>> -> memref<1x!tpu.dma_semaphore, #tpu.memory_space<semaphore_mem>>
    %dma_wait3A_789 = tpu.memref_squeeze %dma_wait3A_788 : memref<1x!tpu.dma_semaphore, #tpu.memory_space<semaphore_mem>> -> memref<!tpu.dma_semaphore, #tpu.memory_space<semaphore_mem>>
    %dma_wait3A_790 = arith.constant 0 : i32
    %dma_wait3A_791 = tpu.memref_slice %arg4[%select_n3A, %add3A_632, %dma_wait3A_790] : memref<4x4096x1024xf32, #tpu.memory_space<hbm>> -> memref<1x16x1024xf32, #tpu.memory_space<hbm>>
    %dma_wait3A_792 = tpu.memref_squeeze %dma_wait3A_791 : memref<1x16x1024xf32, #tpu.memory_space<hbm>> -> memref<16x1024xf32, #tpu.memory_space<hbm>>
    %dma_wait3A_793 = arith.constant 0 : i32
    %dma_wait3A_794 = arith.constant 0 : i32
    %dma_wait3A_795 = tpu.memref_slice %arg6[%dma_wait3A_779, %dma_wait3A_793, %dma_wait3A_794] : memref<7x16x1024xf32, #tpu.memory_space<vmem>> -> memref<1x16x1024xf32, #tpu.memory_space<vmem>>
    %dma_wait3A_796 = tpu.memref_squeeze %dma_wait3A_795 : memref<1x16x1024xf32, #tpu.memory_space<vmem>> -> memref<16x1024xf32, #tpu.memory_space<vmem>>
    tpu.wait_dma2 semaphore(%dma_wait3A_789 : memref<!tpu.dma_semaphore, #tpu.memory_space<semaphore_mem>>) src(%dma_wait3A_796 : memref<16x1024xf32, #tpu.memory_space<vmem>>) dst(%dma_wait3A_792 : memref<16x1024xf32, #tpu.memory_space<hbm>>)
    %dma_start3A_797 = arith.constant 1 : i32
    %dma_start3A_798 = arith.constant 1 : i32
    %dma_start3A_799 = arith.constant 0 : i32
    %dma_start3A_800 = arith.constant 0 : i32
    %dma_start3A_801 = tpu.memref_slice %arg6[%dma_start3A_797, %dma_start3A_799, %dma_start3A_800] : memref<7x16x1024xf32, #tpu.memory_space<vmem>> -> memref<1x16x1024xf32, #tpu.memory_space<vmem>>
    %dma_start3A_802 = tpu.memref_squeeze %dma_start3A_801 : memref<1x16x1024xf32, #tpu.memory_space<vmem>> -> memref<16x1024xf32, #tpu.memory_space<vmem>>
    %dma_start3A_803 = arith.constant 240 : i32
    %dma_start3A_804 = tpu.memref_slice %arg5[%dma_start3A_803] : memref<512xi32, #tpu.memory_space<vmem>> -> memref<16xi32, #tpu.memory_space<vmem>>
    %dma_start3A_805 = arith.constant 0 : i32
    %dma_start3A_806 = arith.constant 0 : i32
    %dma_start3A_807 = tpu.memref_slice %arg3[%dma_start3A_805, %dma_start3A_806] : memref<100000x1024xf32, #tpu.memory_space<hbm>> -> memref<100000x1024xf32, #tpu.memory_space<hbm>>
    %dma_start3A_808 = tpu.memref_slice %arg7[%dma_start3A_798] : memref<7x!tpu.dma_semaphore, #tpu.memory_space<semaphore_mem>> -> memref<1x!tpu.dma_semaphore, #tpu.memory_space<semaphore_mem>>
    %dma_start3A_809 = tpu.memref_squeeze %dma_start3A_808 : memref<1x!tpu.dma_semaphore, #tpu.memory_space<semaphore_mem>> -> memref<!tpu.dma_semaphore, #tpu.memory_space<semaphore_mem>>
    tpu.enqueue_indirect_dma source(%dma_start3A_807 : memref<100000x1024xf32, #tpu.memory_space<hbm>>) target(%dma_start3A_802 : memref<16x1024xf32, #tpu.memory_space<vmem>>) offsets(%dma_start3A_804 : memref<16xi32, #tpu.memory_space<vmem>>) semaphore(%dma_start3A_809 : memref<!tpu.dma_semaphore, #tpu.memory_space<semaphore_mem>>)
    %dma_wait3A_810 = arith.constant 4 : i32
    %dma_wait3A_811 = arith.constant 4 : i32
    %dma_wait3A_812 = arith.constant 0 : i32
    %dma_wait3A_813 = arith.constant 0 : i32
    %dma_wait3A_814 = tpu.memref_slice %arg6[%dma_wait3A_810, %dma_wait3A_812, %dma_wait3A_813] : memref<7x16x1024xf32, #tpu.memory_space<vmem>> -> memref<1x16x1024xf32, #tpu.memory_space<vmem>>
    %dma_wait3A_815 = tpu.memref_squeeze %dma_wait3A_814 : memref<1x16x1024xf32, #tpu.memory_space<vmem>> -> memref<16x1024xf32, #tpu.memory_space<vmem>>
    %dma_wait3A_816 = arith.constant 176 : i32
    %dma_wait3A_817 = tpu.memref_slice %arg5[%dma_wait3A_816] : memref<512xi32, #tpu.memory_space<vmem>> -> memref<16xi32, #tpu.memory_space<vmem>>
    %dma_wait3A_818 = arith.constant 0 : i32
    %dma_wait3A_819 = arith.constant 0 : i32
    %dma_wait3A_820 = tpu.memref_slice %arg3[%dma_wait3A_818, %dma_wait3A_819] : memref<100000x1024xf32, #tpu.memory_space<hbm>> -> memref<100000x1024xf32, #tpu.memory_space<hbm>>
    %dma_wait3A_821 = tpu.memref_slice %arg7[%dma_wait3A_811] : memref<7x!tpu.dma_semaphore, #tpu.memory_space<semaphore_mem>> -> memref<1x!tpu.dma_semaphore, #tpu.memory_space<semaphore_mem>>
    %dma_wait3A_822 = tpu.memref_squeeze %dma_wait3A_821 : memref<1x!tpu.dma_semaphore, #tpu.memory_space<semaphore_mem>> -> memref<!tpu.dma_semaphore, #tpu.memory_space<semaphore_mem>>
    tpu.wait_indirect_dma semaphore(%dma_wait3A_822 : memref<!tpu.dma_semaphore, #tpu.memory_space<semaphore_mem>>) src(%dma_wait3A_820 : memref<100000x1024xf32, #tpu.memory_space<hbm>>) dst(%dma_wait3A_815 : memref<16x1024xf32, #tpu.memory_space<vmem>>)
    %add3A_823 = arith.constant 176 : i32
    %add3A_824 = arith.addi %mul3A_32, %add3A_823 : i32
    %dma_start3A_825 = arith.constant 4 : i32
    %dma_start3A_826 = arith.constant 4 : i32
    %dma_start3A_827 = arith.constant 0 : i32
    %dma_start3A_828 = arith.constant 0 : i32
    %dma_start3A_829 = tpu.memref_slice %arg6[%dma_start3A_825, %dma_start3A_827, %dma_start3A_828] : memref<7x16x1024xf32, #tpu.memory_space<vmem>> -> memref<1x16x1024xf32, #tpu.memory_space<vmem>>
    %dma_start3A_830 = tpu.memref_squeeze %dma_start3A_829 : memref<1x16x1024xf32, #tpu.memory_space<vmem>> -> memref<16x1024xf32, #tpu.memory_space<vmem>>
    %dma_start3A_831 = arith.constant 0 : i32
    %dma_start3A_832 = tpu.memref_slice %arg4[%select_n3A, %add3A_824, %dma_start3A_831] : memref<4x4096x1024xf32, #tpu.memory_space<hbm>> -> memref<1x16x1024xf32, #tpu.memory_space<hbm>>
    %dma_start3A_833 = tpu.memref_squeeze %dma_start3A_832 : memref<1x16x1024xf32, #tpu.memory_space<hbm>> -> memref<16x1024xf32, #tpu.memory_space<hbm>>
    %dma_start3A_834 = tpu.memref_slice %arg8[%dma_start3A_826] : memref<7x!tpu.dma_semaphore, #tpu.memory_space<semaphore_mem>> -> memref<1x!tpu.dma_semaphore, #tpu.memory_space<semaphore_mem>>
    %dma_start3A_835 = tpu.memref_squeeze %dma_start3A_834 : memref<1x!tpu.dma_semaphore, #tpu.memory_space<semaphore_mem>> -> memref<!tpu.dma_semaphore, #tpu.memory_space<semaphore_mem>>
    %dma_start3A_836 = arith.constant 0 : i32
    %dma_start3A_837 = tpu.memref_slice %arg4[%select_n3A, %add3A_824, %dma_start3A_836] : memref<4x4096x1024xf32, #tpu.memory_space<hbm>> -> memref<1x16x1024xf32, #tpu.memory_space<hbm>>
    %dma_start3A_838 = tpu.memref_squeeze %dma_start3A_837 : memref<1x16x1024xf32, #tpu.memory_space<hbm>> -> memref<16x1024xf32, #tpu.memory_space<hbm>>
    %dma_start3A_839 = arith.constant 0 : i32
    %dma_start3A_840 = arith.constant 0 : i32
    %dma_start3A_841 = tpu.memref_slice %arg6[%dma_start3A_825, %dma_start3A_839, %dma_start3A_840] : memref<7x16x1024xf32, #tpu.memory_space<vmem>> -> memref<1x16x1024xf32, #tpu.memory_space<vmem>>
    %dma_start3A_842 = tpu.memref_squeeze %dma_start3A_841 : memref<1x16x1024xf32, #tpu.memory_space<vmem>> -> memref<16x1024xf32, #tpu.memory_space<vmem>>
    tpu.enqueue_dma source(%dma_start3A_842 : memref<16x1024xf32, #tpu.memory_space<vmem>>) target(%dma_start3A_838 : memref<16x1024xf32, #tpu.memory_space<hbm>>) target_semaphore(%dma_start3A_835 : memref<!tpu.dma_semaphore, #tpu.memory_space<semaphore_mem>>)
    %dma_wait3A_843 = arith.constant 2 : i32
    %dma_wait3A_844 = arith.constant 2 : i32
    %dma_wait3A_845 = arith.constant 0 : i32
    %dma_wait3A_846 = arith.constant 0 : i32
    %dma_wait3A_847 = tpu.memref_slice %arg6[%dma_wait3A_843, %dma_wait3A_845, %dma_wait3A_846] : memref<7x16x1024xf32, #tpu.memory_space<vmem>> -> memref<1x16x1024xf32, #tpu.memory_space<vmem>>
    %dma_wait3A_848 = tpu.memref_squeeze %dma_wait3A_847 : memref<1x16x1024xf32, #tpu.memory_space<vmem>> -> memref<16x1024xf32, #tpu.memory_space<vmem>>
    %dma_wait3A_849 = arith.constant 0 : i32
    %dma_wait3A_850 = tpu.memref_slice %arg4[%select_n3A, %add3A_696, %dma_wait3A_849] : memref<4x4096x1024xf32, #tpu.memory_space<hbm>> -> memref<1x16x1024xf32, #tpu.memory_space<hbm>>
    %dma_wait3A_851 = tpu.memref_squeeze %dma_wait3A_850 : memref<1x16x1024xf32, #tpu.memory_space<hbm>> -> memref<16x1024xf32, #tpu.memory_space<hbm>>
    %dma_wait3A_852 = tpu.memref_slice %arg8[%dma_wait3A_844] : memref<7x!tpu.dma_semaphore, #tpu.memory_space<semaphore_mem>> -> memref<1x!tpu.dma_semaphore, #tpu.memory_space<semaphore_mem>>
    %dma_wait3A_853 = tpu.memref_squeeze %dma_wait3A_852 : memref<1x!tpu.dma_semaphore, #tpu.memory_space<semaphore_mem>> -> memref<!tpu.dma_semaphore, #tpu.memory_space<semaphore_mem>>
    %dma_wait3A_854 = arith.constant 0 : i32
    %dma_wait3A_855 = tpu.memref_slice %arg4[%select_n3A, %add3A_696, %dma_wait3A_854] : memref<4x4096x1024xf32, #tpu.memory_space<hbm>> -> memref<1x16x1024xf32, #tpu.memory_space<hbm>>
    %dma_wait3A_856 = tpu.memref_squeeze %dma_wait3A_855 : memref<1x16x1024xf32, #tpu.memory_space<hbm>> -> memref<16x1024xf32, #tpu.memory_space<hbm>>
    %dma_wait3A_857 = arith.constant 0 : i32
    %dma_wait3A_858 = arith.constant 0 : i32
    %dma_wait3A_859 = tpu.memref_slice %arg6[%dma_wait3A_843, %dma_wait3A_857, %dma_wait3A_858] : memref<7x16x1024xf32, #tpu.memory_space<vmem>> -> memref<1x16x1024xf32, #tpu.memory_space<vmem>>
    %dma_wait3A_860 = tpu.memref_squeeze %dma_wait3A_859 : memref<1x16x1024xf32, #tpu.memory_space<vmem>> -> memref<16x1024xf32, #tpu.memory_space<vmem>>
    tpu.wait_dma2 semaphore(%dma_wait3A_853 : memref<!tpu.dma_semaphore, #tpu.memory_space<semaphore_mem>>) src(%dma_wait3A_860 : memref<16x1024xf32, #tpu.memory_space<vmem>>) dst(%dma_wait3A_856 : memref<16x1024xf32, #tpu.memory_space<hbm>>)
    %dma_start3A_861 = arith.constant 2 : i32
    %dma_start3A_862 = arith.constant 2 : i32
    %dma_start3A_863 = arith.constant 0 : i32
    %dma_start3A_864 = arith.constant 0 : i32
    %dma_start3A_865 = tpu.memref_slice %arg6[%dma_start3A_861, %dma_start3A_863, %dma_start3A_864] : memref<7x16x1024xf32, #tpu.memory_space<vmem>> -> memref<1x16x1024xf32, #tpu.memory_space<vmem>>
    %dma_start3A_866 = tpu.memref_squeeze %dma_start3A_865 : memref<1x16x1024xf32, #tpu.memory_space<vmem>> -> memref<16x1024xf32, #tpu.memory_space<vmem>>
    %dma_start3A_867 = arith.constant 256 : i32
    %dma_start3A_868 = tpu.memref_slice %arg5[%dma_start3A_867] : memref<512xi32, #tpu.memory_space<vmem>> -> memref<16xi32, #tpu.memory_space<vmem>>
    %dma_start3A_869 = arith.constant 0 : i32
    %dma_start3A_870 = arith.constant 0 : i32
    %dma_start3A_871 = tpu.memref_slice %arg3[%dma_start3A_869, %dma_start3A_870] : memref<100000x1024xf32, #tpu.memory_space<hbm>> -> memref<100000x1024xf32, #tpu.memory_space<hbm>>
    %dma_start3A_872 = tpu.memref_slice %arg7[%dma_start3A_862] : memref<7x!tpu.dma_semaphore, #tpu.memory_space<semaphore_mem>> -> memref<1x!tpu.dma_semaphore, #tpu.memory_space<semaphore_mem>>
    %dma_start3A_873 = tpu.memref_squeeze %dma_start3A_872 : memref<1x!tpu.dma_semaphore, #tpu.memory_space<semaphore_mem>> -> memref<!tpu.dma_semaphore, #tpu.memory_space<semaphore_mem>>
    tpu.enqueue_indirect_dma source(%dma_start3A_871 : memref<100000x1024xf32, #tpu.memory_space<hbm>>) target(%dma_start3A_866 : memref<16x1024xf32, #tpu.memory_space<vmem>>) offsets(%dma_start3A_868 : memref<16xi32, #tpu.memory_space<vmem>>) semaphore(%dma_start3A_873 : memref<!tpu.dma_semaphore, #tpu.memory_space<semaphore_mem>>)
    %dma_wait3A_874 = arith.constant 5 : i32
    %dma_wait3A_875 = arith.constant 5 : i32
    %dma_wait3A_876 = arith.constant 0 : i32
    %dma_wait3A_877 = arith.constant 0 : i32
    %dma_wait3A_878 = tpu.memref_slice %arg6[%dma_wait3A_874, %dma_wait3A_876, %dma_wait3A_877] : memref<7x16x1024xf32, #tpu.memory_space<vmem>> -> memref<1x16x1024xf32, #tpu.memory_space<vmem>>
    %dma_wait3A_879 = tpu.memref_squeeze %dma_wait3A_878 : memref<1x16x1024xf32, #tpu.memory_space<vmem>> -> memref<16x1024xf32, #tpu.memory_space<vmem>>
    %dma_wait3A_880 = arith.constant 192 : i32
    %dma_wait3A_881 = tpu.memref_slice %arg5[%dma_wait3A_880] : memref<512xi32, #tpu.memory_space<vmem>> -> memref<16xi32, #tpu.memory_space<vmem>>
    %dma_wait3A_882 = arith.constant 0 : i32
    %dma_wait3A_883 = arith.constant 0 : i32
    %dma_wait3A_884 = tpu.memref_slice %arg3[%dma_wait3A_882, %dma_wait3A_883] : memref<100000x1024xf32, #tpu.memory_space<hbm>> -> memref<100000x1024xf32, #tpu.memory_space<hbm>>
    %dma_wait3A_885 = tpu.memref_slice %arg7[%dma_wait3A_875] : memref<7x!tpu.dma_semaphore, #tpu.memory_space<semaphore_mem>> -> memref<1x!tpu.dma_semaphore, #tpu.memory_space<semaphore_mem>>
    %dma_wait3A_886 = tpu.memref_squeeze %dma_wait3A_885 : memref<1x!tpu.dma_semaphore, #tpu.memory_space<semaphore_mem>> -> memref<!tpu.dma_semaphore, #tpu.memory_space<semaphore_mem>>
    tpu.wait_indirect_dma semaphore(%dma_wait3A_886 : memref<!tpu.dma_semaphore, #tpu.memory_space<semaphore_mem>>) src(%dma_wait3A_884 : memref<100000x1024xf32, #tpu.memory_space<hbm>>) dst(%dma_wait3A_879 : memref<16x1024xf32, #tpu.memory_space<vmem>>)
    %add3A_887 = arith.constant 192 : i32
    %add3A_888 = arith.addi %mul3A_32, %add3A_887 : i32
    %dma_start3A_889 = arith.constant 5 : i32
    %dma_start3A_890 = arith.constant 5 : i32
    %dma_start3A_891 = arith.constant 0 : i32
    %dma_start3A_892 = arith.constant 0 : i32
    %dma_start3A_893 = tpu.memref_slice %arg6[%dma_start3A_889, %dma_start3A_891, %dma_start3A_892] : memref<7x16x1024xf32, #tpu.memory_space<vmem>> -> memref<1x16x1024xf32, #tpu.memory_space<vmem>>
    %dma_start3A_894 = tpu.memref_squeeze %dma_start3A_893 : memref<1x16x1024xf32, #tpu.memory_space<vmem>> -> memref<16x1024xf32, #tpu.memory_space<vmem>>
    %dma_start3A_895 = arith.constant 0 : i32
    %dma_start3A_896 = tpu.memref_slice %arg4[%select_n3A, %add3A_888, %dma_start3A_895] : memref<4x4096x1024xf32, #tpu.memory_space<hbm>> -> memref<1x16x1024xf32, #tpu.memory_space<hbm>>
    %dma_start3A_897 = tpu.memref_squeeze %dma_start3A_896 : memref<1x16x1024xf32, #tpu.memory_space<hbm>> -> memref<16x1024xf32, #tpu.memory_space<hbm>>
    %dma_start3A_898 = tpu.memref_slice %arg8[%dma_start3A_890] : memref<7x!tpu.dma_semaphore, #tpu.memory_space<semaphore_mem>> -> memref<1x!tpu.dma_semaphore, #tpu.memory_space<semaphore_mem>>
    %dma_start3A_899 = tpu.memref_squeeze %dma_start3A_898 : memref<1x!tpu.dma_semaphore, #tpu.memory_space<semaphore_mem>> -> memref<!tpu.dma_semaphore, #tpu.memory_space<semaphore_mem>>
    %dma_start3A_900 = arith.constant 0 : i32
    %dma_start3A_901 = tpu.memref_slice %arg4[%select_n3A, %add3A_888, %dma_start3A_900] : memref<4x4096x1024xf32, #tpu.memory_space<hbm>> -> memref<1x16x1024xf32, #tpu.memory_space<hbm>>
    %dma_start3A_902 = tpu.memref_squeeze %dma_start3A_901 : memref<1x16x1024xf32, #tpu.memory_space<hbm>> -> memref<16x1024xf32, #tpu.memory_space<hbm>>
    %dma_start3A_903 = arith.constant 0 : i32
    %dma_start3A_904 = arith.constant 0 : i32
    %dma_start3A_905 = tpu.memref_slice %arg6[%dma_start3A_889, %dma_start3A_903, %dma_start3A_904] : memref<7x16x1024xf32, #tpu.memory_space<vmem>> -> memref<1x16x1024xf32, #tpu.memory_space<vmem>>
    %dma_start3A_906 = tpu.memref_squeeze %dma_start3A_905 : memref<1x16x1024xf32, #tpu.memory_space<vmem>> -> memref<16x1024xf32, #tpu.memory_space<vmem>>
    tpu.enqueue_dma source(%dma_start3A_906 : memref<16x1024xf32, #tpu.memory_space<vmem>>) target(%dma_start3A_902 : memref<16x1024xf32, #tpu.memory_space<hbm>>) target_semaphore(%dma_start3A_899 : memref<!tpu.dma_semaphore, #tpu.memory_space<semaphore_mem>>)
    %dma_wait3A_907 = arith.constant 3 : i32
    %dma_wait3A_908 = arith.constant 3 : i32
    %dma_wait3A_909 = arith.constant 0 : i32
    %dma_wait3A_910 = arith.constant 0 : i32
    %dma_wait3A_911 = tpu.memref_slice %arg6[%dma_wait3A_907, %dma_wait3A_909, %dma_wait3A_910] : memref<7x16x1024xf32, #tpu.memory_space<vmem>> -> memref<1x16x1024xf32, #tpu.memory_space<vmem>>
    %dma_wait3A_912 = tpu.memref_squeeze %dma_wait3A_911 : memref<1x16x1024xf32, #tpu.memory_space<vmem>> -> memref<16x1024xf32, #tpu.memory_space<vmem>>
    %dma_wait3A_913 = arith.constant 0 : i32
    %dma_wait3A_914 = tpu.memref_slice %arg4[%select_n3A, %add3A_760, %dma_wait3A_913] : memref<4x4096x1024xf32, #tpu.memory_space<hbm>> -> memref<1x16x1024xf32, #tpu.memory_space<hbm>>
    %dma_wait3A_915 = tpu.memref_squeeze %dma_wait3A_914 : memref<1x16x1024xf32, #tpu.memory_space<hbm>> -> memref<16x1024xf32, #tpu.memory_space<hbm>>
    %dma_wait3A_916 = tpu.memref_slice %arg8[%dma_wait3A_908] : memref<7x!tpu.dma_semaphore, #tpu.memory_space<semaphore_mem>> -> memref<1x!tpu.dma_semaphore, #tpu.memory_space<semaphore_mem>>
    %dma_wait3A_917 = tpu.memref_squeeze %dma_wait3A_916 : memref<1x!tpu.dma_semaphore, #tpu.memory_space<semaphore_mem>> -> memref<!tpu.dma_semaphore, #tpu.memory_space<semaphore_mem>>
    %dma_wait3A_918 = arith.constant 0 : i32
    %dma_wait3A_919 = tpu.memref_slice %arg4[%select_n3A, %add3A_760, %dma_wait3A_918] : memref<4x4096x1024xf32, #tpu.memory_space<hbm>> -> memref<1x16x1024xf32, #tpu.memory_space<hbm>>
    %dma_wait3A_920 = tpu.memref_squeeze %dma_wait3A_919 : memref<1x16x1024xf32, #tpu.memory_space<hbm>> -> memref<16x1024xf32, #tpu.memory_space<hbm>>
    %dma_wait3A_921 = arith.constant 0 : i32
    %dma_wait3A_922 = arith.constant 0 : i32
    %dma_wait3A_923 = tpu.memref_slice %arg6[%dma_wait3A_907, %dma_wait3A_921, %dma_wait3A_922] : memref<7x16x1024xf32, #tpu.memory_space<vmem>> -> memref<1x16x1024xf32, #tpu.memory_space<vmem>>
    %dma_wait3A_924 = tpu.memref_squeeze %dma_wait3A_923 : memref<1x16x1024xf32, #tpu.memory_space<vmem>> -> memref<16x1024xf32, #tpu.memory_space<vmem>>
    tpu.wait_dma2 semaphore(%dma_wait3A_917 : memref<!tpu.dma_semaphore, #tpu.memory_space<semaphore_mem>>) src(%dma_wait3A_924 : memref<16x1024xf32, #tpu.memory_space<vmem>>) dst(%dma_wait3A_920 : memref<16x1024xf32, #tpu.memory_space<hbm>>)
    %dma_start3A_925 = arith.constant 3 : i32
    %dma_start3A_926 = arith.constant 3 : i32
    %dma_start3A_927 = arith.constant 0 : i32
    %dma_start3A_928 = arith.constant 0 : i32
    %dma_start3A_929 = tpu.memref_slice %arg6[%dma_start3A_925, %dma_start3A_927, %dma_start3A_928] : memref<7x16x1024xf32, #tpu.memory_space<vmem>> -> memref<1x16x1024xf32, #tpu.memory_space<vmem>>
    %dma_start3A_930 = tpu.memref_squeeze %dma_start3A_929 : memref<1x16x1024xf32, #tpu.memory_space<vmem>> -> memref<16x1024xf32, #tpu.memory_space<vmem>>
    %dma_start3A_931 = arith.constant 272 : i32
    %dma_start3A_932 = tpu.memref_slice %arg5[%dma_start3A_931] : memref<512xi32, #tpu.memory_space<vmem>> -> memref<16xi32, #tpu.memory_space<vmem>>
    %dma_start3A_933 = arith.constant 0 : i32
    %dma_start3A_934 = arith.constant 0 : i32
    %dma_start3A_935 = tpu.memref_slice %arg3[%dma_start3A_933, %dma_start3A_934] : memref<100000x1024xf32, #tpu.memory_space<hbm>> -> memref<100000x1024xf32, #tpu.memory_space<hbm>>
    %dma_start3A_936 = tpu.memref_slice %arg7[%dma_start3A_926] : memref<7x!tpu.dma_semaphore, #tpu.memory_space<semaphore_mem>> -> memref<1x!tpu.dma_semaphore, #tpu.memory_space<semaphore_mem>>
    %dma_start3A_937 = tpu.memref_squeeze %dma_start3A_936 : memref<1x!tpu.dma_semaphore, #tpu.memory_space<semaphore_mem>> -> memref<!tpu.dma_semaphore, #tpu.memory_space<semaphore_mem>>
    tpu.enqueue_indirect_dma source(%dma_start3A_935 : memref<100000x1024xf32, #tpu.memory_space<hbm>>) target(%dma_start3A_930 : memref<16x1024xf32, #tpu.memory_space<vmem>>) offsets(%dma_start3A_932 : memref<16xi32, #tpu.memory_space<vmem>>) semaphore(%dma_start3A_937 : memref<!tpu.dma_semaphore, #tpu.memory_space<semaphore_mem>>)
    %dma_wait3A_938 = arith.constant 6 : i32
    %dma_wait3A_939 = arith.constant 6 : i32
    %dma_wait3A_940 = arith.constant 0 : i32
    %dma_wait3A_941 = arith.constant 0 : i32
    %dma_wait3A_942 = tpu.memref_slice %arg6[%dma_wait3A_938, %dma_wait3A_940, %dma_wait3A_941] : memref<7x16x1024xf32, #tpu.memory_space<vmem>> -> memref<1x16x1024xf32, #tpu.memory_space<vmem>>
    %dma_wait3A_943 = tpu.memref_squeeze %dma_wait3A_942 : memref<1x16x1024xf32, #tpu.memory_space<vmem>> -> memref<16x1024xf32, #tpu.memory_space<vmem>>
    %dma_wait3A_944 = arith.constant 208 : i32
    %dma_wait3A_945 = tpu.memref_slice %arg5[%dma_wait3A_944] : memref<512xi32, #tpu.memory_space<vmem>> -> memref<16xi32, #tpu.memory_space<vmem>>
    %dma_wait3A_946 = arith.constant 0 : i32
    %dma_wait3A_947 = arith.constant 0 : i32
    %dma_wait3A_948 = tpu.memref_slice %arg3[%dma_wait3A_946, %dma_wait3A_947] : memref<100000x1024xf32, #tpu.memory_space<hbm>> -> memref<100000x1024xf32, #tpu.memory_space<hbm>>
    %dma_wait3A_949 = tpu.memref_slice %arg7[%dma_wait3A_939] : memref<7x!tpu.dma_semaphore, #tpu.memory_space<semaphore_mem>> -> memref<1x!tpu.dma_semaphore, #tpu.memory_space<semaphore_mem>>
    %dma_wait3A_950 = tpu.memref_squeeze %dma_wait3A_949 : memref<1x!tpu.dma_semaphore, #tpu.memory_space<semaphore_mem>> -> memref<!tpu.dma_semaphore, #tpu.memory_space<semaphore_mem>>
    tpu.wait_indirect_dma semaphore(%dma_wait3A_950 : memref<!tpu.dma_semaphore, #tpu.memory_space<semaphore_mem>>) src(%dma_wait3A_948 : memref<100000x1024xf32, #tpu.memory_space<hbm>>) dst(%dma_wait3A_943 : memref<16x1024xf32, #tpu.memory_space<vmem>>)
    %add3A_951 = arith.constant 208 : i32
    %add3A_952 = arith.addi %mul3A_32, %add3A_951 : i32
    %dma_start3A_953 = arith.constant 6 : i32
    %dma_start3A_954 = arith.constant 6 : i32
    %dma_start3A_955 = arith.constant 0 : i32
    %dma_start3A_956 = arith.constant 0 : i32
    %dma_start3A_957 = tpu.memref_slice %arg6[%dma_start3A_953, %dma_start3A_955, %dma_start3A_956] : memref<7x16x1024xf32, #tpu.memory_space<vmem>> -> memref<1x16x1024xf32, #tpu.memory_space<vmem>>
    %dma_start3A_958 = tpu.memref_squeeze %dma_start3A_957 : memref<1x16x1024xf32, #tpu.memory_space<vmem>> -> memref<16x1024xf32, #tpu.memory_space<vmem>>
    %dma_start3A_959 = arith.constant 0 : i32
    %dma_start3A_960 = tpu.memref_slice %arg4[%select_n3A, %add3A_952, %dma_start3A_959] : memref<4x4096x1024xf32, #tpu.memory_space<hbm>> -> memref<1x16x1024xf32, #tpu.memory_space<hbm>>
    %dma_start3A_961 = tpu.memref_squeeze %dma_start3A_960 : memref<1x16x1024xf32, #tpu.memory_space<hbm>> -> memref<16x1024xf32, #tpu.memory_space<hbm>>
    %dma_start3A_962 = tpu.memref_slice %arg8[%dma_start3A_954] : memref<7x!tpu.dma_semaphore, #tpu.memory_space<semaphore_mem>> -> memref<1x!tpu.dma_semaphore, #tpu.memory_space<semaphore_mem>>
    %dma_start3A_963 = tpu.memref_squeeze %dma_start3A_962 : memref<1x!tpu.dma_semaphore, #tpu.memory_space<semaphore_mem>> -> memref<!tpu.dma_semaphore, #tpu.memory_space<semaphore_mem>>
    %dma_start3A_964 = arith.constant 0 : i32
    %dma_start3A_965 = tpu.memref_slice %arg4[%select_n3A, %add3A_952, %dma_start3A_964] : memref<4x4096x1024xf32, #tpu.memory_space<hbm>> -> memref<1x16x1024xf32, #tpu.memory_space<hbm>>
    %dma_start3A_966 = tpu.memref_squeeze %dma_start3A_965 : memref<1x16x1024xf32, #tpu.memory_space<hbm>> -> memref<16x1024xf32, #tpu.memory_space<hbm>>
    %dma_start3A_967 = arith.constant 0 : i32
    %dma_start3A_968 = arith.constant 0 : i32
    %dma_start3A_969 = tpu.memref_slice %arg6[%dma_start3A_953, %dma_start3A_967, %dma_start3A_968] : memref<7x16x1024xf32, #tpu.memory_space<vmem>> -> memref<1x16x1024xf32, #tpu.memory_space<vmem>>
    %dma_start3A_970 = tpu.memref_squeeze %dma_start3A_969 : memref<1x16x1024xf32, #tpu.memory_space<vmem>> -> memref<16x1024xf32, #tpu.memory_space<vmem>>
    tpu.enqueue_dma source(%dma_start3A_970 : memref<16x1024xf32, #tpu.memory_space<vmem>>) target(%dma_start3A_966 : memref<16x1024xf32, #tpu.memory_space<hbm>>) target_semaphore(%dma_start3A_963 : memref<!tpu.dma_semaphore, #tpu.memory_space<semaphore_mem>>)
    %dma_wait3A_971 = arith.constant 4 : i32
    %dma_wait3A_972 = arith.constant 4 : i32
    %dma_wait3A_973 = arith.constant 0 : i32
    %dma_wait3A_974 = arith.constant 0 : i32
    %dma_wait3A_975 = tpu.memref_slice %arg6[%dma_wait3A_971, %dma_wait3A_973, %dma_wait3A_974] : memref<7x16x1024xf32, #tpu.memory_space<vmem>> -> memref<1x16x1024xf32, #tpu.memory_space<vmem>>
    %dma_wait3A_976 = tpu.memref_squeeze %dma_wait3A_975 : memref<1x16x1024xf32, #tpu.memory_space<vmem>> -> memref<16x1024xf32, #tpu.memory_space<vmem>>
    %dma_wait3A_977 = arith.constant 0 : i32
    %dma_wait3A_978 = tpu.memref_slice %arg4[%select_n3A, %add3A_824, %dma_wait3A_977] : memref<4x4096x1024xf32, #tpu.memory_space<hbm>> -> memref<1x16x1024xf32, #tpu.memory_space<hbm>>
    %dma_wait3A_979 = tpu.memref_squeeze %dma_wait3A_978 : memref<1x16x1024xf32, #tpu.memory_space<hbm>> -> memref<16x1024xf32, #tpu.memory_space<hbm>>
    %dma_wait3A_980 = tpu.memref_slice %arg8[%dma_wait3A_972] : memref<7x!tpu.dma_semaphore, #tpu.memory_space<semaphore_mem>> -> memref<1x!tpu.dma_semaphore, #tpu.memory_space<semaphore_mem>>
    %dma_wait3A_981 = tpu.memref_squeeze %dma_wait3A_980 : memref<1x!tpu.dma_semaphore, #tpu.memory_space<semaphore_mem>> -> memref<!tpu.dma_semaphore, #tpu.memory_space<semaphore_mem>>
    %dma_wait3A_982 = arith.constant 0 : i32
    %dma_wait3A_983 = tpu.memref_slice %arg4[%select_n3A, %add3A_824, %dma_wait3A_982] : memref<4x4096x1024xf32, #tpu.memory_space<hbm>> -> memref<1x16x1024xf32, #tpu.memory_space<hbm>>
    %dma_wait3A_984 = tpu.memref_squeeze %dma_wait3A_983 : memref<1x16x1024xf32, #tpu.memory_space<hbm>> -> memref<16x1024xf32, #tpu.memory_space<hbm>>
    %dma_wait3A_985 = arith.constant 0 : i32
    %dma_wait3A_986 = arith.constant 0 : i32
    %dma_wait3A_987 = tpu.memref_slice %arg6[%dma_wait3A_971, %dma_wait3A_985, %dma_wait3A_986] : memref<7x16x1024xf32, #tpu.memory_space<vmem>> -> memref<1x16x1024xf32, #tpu.memory_space<vmem>>
    %dma_wait3A_988 = tpu.memref_squeeze %dma_wait3A_987 : memref<1x16x1024xf32, #tpu.memory_space<vmem>> -> memref<16x1024xf32, #tpu.memory_space<vmem>>
    tpu.wait_dma2 semaphore(%dma_wait3A_981 : memref<!tpu.dma_semaphore, #tpu.memory_space<semaphore_mem>>) src(%dma_wait3A_988 : memref<16x1024xf32, #tpu.memory_space<vmem>>) dst(%dma_wait3A_984 : memref<16x1024xf32, #tpu.memory_space<hbm>>)
    %dma_start3A_989 = arith.constant 4 : i32
    %dma_start3A_990 = arith.constant 4 : i32
    %dma_start3A_991 = arith.constant 0 : i32
    %dma_start3A_992 = arith.constant 0 : i32
    %dma_start3A_993 = tpu.memref_slice %arg6[%dma_start3A_989, %dma_start3A_991, %dma_start3A_992] : memref<7x16x1024xf32, #tpu.memory_space<vmem>> -> memref<1x16x1024xf32, #tpu.memory_space<vmem>>
    %dma_start3A_994 = tpu.memref_squeeze %dma_start3A_993 : memref<1x16x1024xf32, #tpu.memory_space<vmem>> -> memref<16x1024xf32, #tpu.memory_space<vmem>>
    %dma_start3A_995 = arith.constant 288 : i32
    %dma_start3A_996 = tpu.memref_slice %arg5[%dma_start3A_995] : memref<512xi32, #tpu.memory_space<vmem>> -> memref<16xi32, #tpu.memory_space<vmem>>
    %dma_start3A_997 = arith.constant 0 : i32
    %dma_start3A_998 = arith.constant 0 : i32
    %dma_start3A_999 = tpu.memref_slice %arg3[%dma_start3A_997, %dma_start3A_998] : memref<100000x1024xf32, #tpu.memory_space<hbm>> -> memref<100000x1024xf32, #tpu.memory_space<hbm>>
    %dma_start3A_1000 = tpu.memref_slice %arg7[%dma_start3A_990] : memref<7x!tpu.dma_semaphore, #tpu.memory_space<semaphore_mem>> -> memref<1x!tpu.dma_semaphore, #tpu.memory_space<semaphore_mem>>
    %dma_start3A_1001 = tpu.memref_squeeze %dma_start3A_1000 : memref<1x!tpu.dma_semaphore, #tpu.memory_space<semaphore_mem>> -> memref<!tpu.dma_semaphore, #tpu.memory_space<semaphore_mem>>
    tpu.enqueue_indirect_dma source(%dma_start3A_999 : memref<100000x1024xf32, #tpu.memory_space<hbm>>) target(%dma_start3A_994 : memref<16x1024xf32, #tpu.memory_space<vmem>>) offsets(%dma_start3A_996 : memref<16xi32, #tpu.memory_space<vmem>>) semaphore(%dma_start3A_1001 : memref<!tpu.dma_semaphore, #tpu.memory_space<semaphore_mem>>)
    %dma_wait3A_1002 = arith.constant 0 : i32
    %dma_wait3A_1003 = arith.constant 0 : i32
    %dma_wait3A_1004 = arith.constant 0 : i32
    %dma_wait3A_1005 = arith.constant 0 : i32
    %dma_wait3A_1006 = tpu.memref_slice %arg6[%dma_wait3A_1002, %dma_wait3A_1004, %dma_wait3A_1005] : memref<7x16x1024xf32, #tpu.memory_space<vmem>> -> memref<1x16x1024xf32, #tpu.memory_space<vmem>>
    %dma_wait3A_1007 = tpu.memref_squeeze %dma_wait3A_1006 : memref<1x16x1024xf32, #tpu.memory_space<vmem>> -> memref<16x1024xf32, #tpu.memory_space<vmem>>
    %dma_wait3A_1008 = arith.constant 224 : i32
    %dma_wait3A_1009 = tpu.memref_slice %arg5[%dma_wait3A_1008] : memref<512xi32, #tpu.memory_space<vmem>> -> memref<16xi32, #tpu.memory_space<vmem>>
    %dma_wait3A_1010 = arith.constant 0 : i32
    %dma_wait3A_1011 = arith.constant 0 : i32
    %dma_wait3A_1012 = tpu.memref_slice %arg3[%dma_wait3A_1010, %dma_wait3A_1011] : memref<100000x1024xf32, #tpu.memory_space<hbm>> -> memref<100000x1024xf32, #tpu.memory_space<hbm>>
    %dma_wait3A_1013 = tpu.memref_slice %arg7[%dma_wait3A_1003] : memref<7x!tpu.dma_semaphore, #tpu.memory_space<semaphore_mem>> -> memref<1x!tpu.dma_semaphore, #tpu.memory_space<semaphore_mem>>
    %dma_wait3A_1014 = tpu.memref_squeeze %dma_wait3A_1013 : memref<1x!tpu.dma_semaphore, #tpu.memory_space<semaphore_mem>> -> memref<!tpu.dma_semaphore, #tpu.memory_space<semaphore_mem>>
    tpu.wait_indirect_dma semaphore(%dma_wait3A_1014 : memref<!tpu.dma_semaphore, #tpu.memory_space<semaphore_mem>>) src(%dma_wait3A_1012 : memref<100000x1024xf32, #tpu.memory_space<hbm>>) dst(%dma_wait3A_1007 : memref<16x1024xf32, #tpu.memory_space<vmem>>)
    %add3A_1015 = arith.constant 224 : i32
    %add3A_1016 = arith.addi %mul3A_32, %add3A_1015 : i32
    %dma_start3A_1017 = arith.constant 0 : i32
    %dma_start3A_1018 = arith.constant 0 : i32
    %dma_start3A_1019 = arith.constant 0 : i32
    %dma_start3A_1020 = arith.constant 0 : i32
    %dma_start3A_1021 = tpu.memref_slice %arg6[%dma_start3A_1017, %dma_start3A_1019, %dma_start3A_1020] : memref<7x16x1024xf32, #tpu.memory_space<vmem>> -> memref<1x16x1024xf32, #tpu.memory_space<vmem>>
    %dma_start3A_1022 = tpu.memref_squeeze %dma_start3A_1021 : memref<1x16x1024xf32, #tpu.memory_space<vmem>> -> memref<16x1024xf32, #tpu.memory_space<vmem>>
    %dma_start3A_1023 = arith.constant 0 : i32
    %dma_start3A_1024 = tpu.memref_slice %arg4[%select_n3A, %add3A_1016, %dma_start3A_1023] : memref<4x4096x1024xf32, #tpu.memory_space<hbm>> -> memref<1x16x1024xf32, #tpu.memory_space<hbm>>
    %dma_start3A_1025 = tpu.memref_squeeze %dma_start3A_1024 : memref<1x16x1024xf32, #tpu.memory_space<hbm>> -> memref<16x1024xf32, #tpu.memory_space<hbm>>
    %dma_start3A_1026 = tpu.memref_slice %arg8[%dma_start3A_1018] : memref<7x!tpu.dma_semaphore, #tpu.memory_space<semaphore_mem>> -> memref<1x!tpu.dma_semaphore, #tpu.memory_space<semaphore_mem>>
    %dma_start3A_1027 = tpu.memref_squeeze %dma_start3A_1026 : memref<1x!tpu.dma_semaphore, #tpu.memory_space<semaphore_mem>> -> memref<!tpu.dma_semaphore, #tpu.memory_space<semaphore_mem>>
    %dma_start3A_1028 = arith.constant 0 : i32
    %dma_start3A_1029 = tpu.memref_slice %arg4[%select_n3A, %add3A_1016, %dma_start3A_1028] : memref<4x4096x1024xf32, #tpu.memory_space<hbm>> -> memref<1x16x1024xf32, #tpu.memory_space<hbm>>
    %dma_start3A_1030 = tpu.memref_squeeze %dma_start3A_1029 : memref<1x16x1024xf32, #tpu.memory_space<hbm>> -> memref<16x1024xf32, #tpu.memory_space<hbm>>
    %dma_start3A_1031 = arith.constant 0 : i32
    %dma_start3A_1032 = arith.constant 0 : i32
    %dma_start3A_1033 = tpu.memref_slice %arg6[%dma_start3A_1017, %dma_start3A_1031, %dma_start3A_1032] : memref<7x16x1024xf32, #tpu.memory_space<vmem>> -> memref<1x16x1024xf32, #tpu.memory_space<vmem>>
    %dma_start3A_1034 = tpu.memref_squeeze %dma_start3A_1033 : memref<1x16x1024xf32, #tpu.memory_space<vmem>> -> memref<16x1024xf32, #tpu.memory_space<vmem>>
    tpu.enqueue_dma source(%dma_start3A_1034 : memref<16x1024xf32, #tpu.memory_space<vmem>>) target(%dma_start3A_1030 : memref<16x1024xf32, #tpu.memory_space<hbm>>) target_semaphore(%dma_start3A_1027 : memref<!tpu.dma_semaphore, #tpu.memory_space<semaphore_mem>>)
    %dma_wait3A_1035 = arith.constant 5 : i32
    %dma_wait3A_1036 = arith.constant 5 : i32
    %dma_wait3A_1037 = arith.constant 0 : i32
    %dma_wait3A_1038 = arith.constant 0 : i32
    %dma_wait3A_1039 = tpu.memref_slice %arg6[%dma_wait3A_1035, %dma_wait3A_1037, %dma_wait3A_1038] : memref<7x16x1024xf32, #tpu.memory_space<vmem>> -> memref<1x16x1024xf32, #tpu.memory_space<vmem>>
    %dma_wait3A_1040 = tpu.memref_squeeze %dma_wait3A_1039 : memref<1x16x1024xf32, #tpu.memory_space<vmem>> -> memref<16x1024xf32, #tpu.memory_space<vmem>>
    %dma_wait3A_1041 = arith.constant 0 : i32
    %dma_wait3A_1042 = tpu.memref_slice %arg4[%select_n3A, %add3A_888, %dma_wait3A_1041] : memref<4x4096x1024xf32, #tpu.memory_space<hbm>> -> memref<1x16x1024xf32, #tpu.memory_space<hbm>>
    %dma_wait3A_1043 = tpu.memref_squeeze %dma_wait3A_1042 : memref<1x16x1024xf32, #tpu.memory_space<hbm>> -> memref<16x1024xf32, #tpu.memory_space<hbm>>
    %dma_wait3A_1044 = tpu.memref_slice %arg8[%dma_wait3A_1036] : memref<7x!tpu.dma_semaphore, #tpu.memory_space<semaphore_mem>> -> memref<1x!tpu.dma_semaphore, #tpu.memory_space<semaphore_mem>>
    %dma_wait3A_1045 = tpu.memref_squeeze %dma_wait3A_1044 : memref<1x!tpu.dma_semaphore, #tpu.memory_space<semaphore_mem>> -> memref<!tpu.dma_semaphore, #tpu.memory_space<semaphore_mem>>
    %dma_wait3A_1046 = arith.constant 0 : i32
    %dma_wait3A_1047 = tpu.memref_slice %arg4[%select_n3A, %add3A_888, %dma_wait3A_1046] : memref<4x4096x1024xf32, #tpu.memory_space<hbm>> -> memref<1x16x1024xf32, #tpu.memory_space<hbm>>
    %dma_wait3A_1048 = tpu.memref_squeeze %dma_wait3A_1047 : memref<1x16x1024xf32, #tpu.memory_space<hbm>> -> memref<16x1024xf32, #tpu.memory_space<hbm>>
    %dma_wait3A_1049 = arith.constant 0 : i32
    %dma_wait3A_1050 = arith.constant 0 : i32
    %dma_wait3A_1051 = tpu.memref_slice %arg6[%dma_wait3A_1035, %dma_wait3A_1049, %dma_wait3A_1050] : memref<7x16x1024xf32, #tpu.memory_space<vmem>> -> memref<1x16x1024xf32, #tpu.memory_space<vmem>>
    %dma_wait3A_1052 = tpu.memref_squeeze %dma_wait3A_1051 : memref<1x16x1024xf32, #tpu.memory_space<vmem>> -> memref<16x1024xf32, #tpu.memory_space<vmem>>
    tpu.wait_dma2 semaphore(%dma_wait3A_1045 : memref<!tpu.dma_semaphore, #tpu.memory_space<semaphore_mem>>) src(%dma_wait3A_1052 : memref<16x1024xf32, #tpu.memory_space<vmem>>) dst(%dma_wait3A_1048 : memref<16x1024xf32, #tpu.memory_space<hbm>>)
    %dma_start3A_1053 = arith.constant 5 : i32
    %dma_start3A_1054 = arith.constant 5 : i32
    %dma_start3A_1055 = arith.constant 0 : i32
    %dma_start3A_1056 = arith.constant 0 : i32
    %dma_start3A_1057 = tpu.memref_slice %arg6[%dma_start3A_1053, %dma_start3A_1055, %dma_start3A_1056] : memref<7x16x1024xf32, #tpu.memory_space<vmem>> -> memref<1x16x1024xf32, #tpu.memory_space<vmem>>
    %dma_start3A_1058 = tpu.memref_squeeze %dma_start3A_1057 : memref<1x16x1024xf32, #tpu.memory_space<vmem>> -> memref<16x1024xf32, #tpu.memory_space<vmem>>
    %dma_start3A_1059 = arith.constant 304 : i32
    %dma_start3A_1060 = tpu.memref_slice %arg5[%dma_start3A_1059] : memref<512xi32, #tpu.memory_space<vmem>> -> memref<16xi32, #tpu.memory_space<vmem>>
    %dma_start3A_1061 = arith.constant 0 : i32
    %dma_start3A_1062 = arith.constant 0 : i32
    %dma_start3A_1063 = tpu.memref_slice %arg3[%dma_start3A_1061, %dma_start3A_1062] : memref<100000x1024xf32, #tpu.memory_space<hbm>> -> memref<100000x1024xf32, #tpu.memory_space<hbm>>
    %dma_start3A_1064 = tpu.memref_slice %arg7[%dma_start3A_1054] : memref<7x!tpu.dma_semaphore, #tpu.memory_space<semaphore_mem>> -> memref<1x!tpu.dma_semaphore, #tpu.memory_space<semaphore_mem>>
    %dma_start3A_1065 = tpu.memref_squeeze %dma_start3A_1064 : memref<1x!tpu.dma_semaphore, #tpu.memory_space<semaphore_mem>> -> memref<!tpu.dma_semaphore, #tpu.memory_space<semaphore_mem>>
    tpu.enqueue_indirect_dma source(%dma_start3A_1063 : memref<100000x1024xf32, #tpu.memory_space<hbm>>) target(%dma_start3A_1058 : memref<16x1024xf32, #tpu.memory_space<vmem>>) offsets(%dma_start3A_1060 : memref<16xi32, #tpu.memory_space<vmem>>) semaphore(%dma_start3A_1065 : memref<!tpu.dma_semaphore, #tpu.memory_space<semaphore_mem>>)
    %dma_wait3A_1066 = arith.constant 1 : i32
    %dma_wait3A_1067 = arith.constant 1 : i32
    %dma_wait3A_1068 = arith.constant 0 : i32
    %dma_wait3A_1069 = arith.constant 0 : i32
    %dma_wait3A_1070 = tpu.memref_slice %arg6[%dma_wait3A_1066, %dma_wait3A_1068, %dma_wait3A_1069] : memref<7x16x1024xf32, #tpu.memory_space<vmem>> -> memref<1x16x1024xf32, #tpu.memory_space<vmem>>
    %dma_wait3A_1071 = tpu.memref_squeeze %dma_wait3A_1070 : memref<1x16x1024xf32, #tpu.memory_space<vmem>> -> memref<16x1024xf32, #tpu.memory_space<vmem>>
    %dma_wait3A_1072 = arith.constant 240 : i32
    %dma_wait3A_1073 = tpu.memref_slice %arg5[%dma_wait3A_1072] : memref<512xi32, #tpu.memory_space<vmem>> -> memref<16xi32, #tpu.memory_space<vmem>>
    %dma_wait3A_1074 = arith.constant 0 : i32
    %dma_wait3A_1075 = arith.constant 0 : i32
    %dma_wait3A_1076 = tpu.memref_slice %arg3[%dma_wait3A_1074, %dma_wait3A_1075] : memref<100000x1024xf32, #tpu.memory_space<hbm>> -> memref<100000x1024xf32, #tpu.memory_space<hbm>>
    %dma_wait3A_1077 = tpu.memref_slice %arg7[%dma_wait3A_1067] : memref<7x!tpu.dma_semaphore, #tpu.memory_space<semaphore_mem>> -> memref<1x!tpu.dma_semaphore, #tpu.memory_space<semaphore_mem>>
    %dma_wait3A_1078 = tpu.memref_squeeze %dma_wait3A_1077 : memref<1x!tpu.dma_semaphore, #tpu.memory_space<semaphore_mem>> -> memref<!tpu.dma_semaphore, #tpu.memory_space<semaphore_mem>>
    tpu.wait_indirect_dma semaphore(%dma_wait3A_1078 : memref<!tpu.dma_semaphore, #tpu.memory_space<semaphore_mem>>) src(%dma_wait3A_1076 : memref<100000x1024xf32, #tpu.memory_space<hbm>>) dst(%dma_wait3A_1071 : memref<16x1024xf32, #tpu.memory_space<vmem>>)
    %add3A_1079 = arith.constant 240 : i32
    %add3A_1080 = arith.addi %mul3A_32, %add3A_1079 : i32
    %dma_start3A_1081 = arith.constant 1 : i32
    %dma_start3A_1082 = arith.constant 1 : i32
    %dma_start3A_1083 = arith.constant 0 : i32
    %dma_start3A_1084 = arith.constant 0 : i32
    %dma_start3A_1085 = tpu.memref_slice %arg6[%dma_start3A_1081, %dma_start3A_1083, %dma_start3A_1084] : memref<7x16x1024xf32, #tpu.memory_space<vmem>> -> memref<1x16x1024xf32, #tpu.memory_space<vmem>>
    %dma_start3A_1086 = tpu.memref_squeeze %dma_start3A_1085 : memref<1x16x1024xf32, #tpu.memory_space<vmem>> -> memref<16x1024xf32, #tpu.memory_space<vmem>>
    %dma_start3A_1087 = arith.constant 0 : i32
    %dma_start3A_1088 = tpu.memref_slice %arg4[%select_n3A, %add3A_1080, %dma_start3A_1087] : memref<4x4096x1024xf32, #tpu.memory_space<hbm>> -> memref<1x16x1024xf32, #tpu.memory_space<hbm>>
    %dma_start3A_1089 = tpu.memref_squeeze %dma_start3A_1088 : memref<1x16x1024xf32, #tpu.memory_space<hbm>> -> memref<16x1024xf32, #tpu.memory_space<hbm>>
    %dma_start3A_1090 = tpu.memref_slice %arg8[%dma_start3A_1082] : memref<7x!tpu.dma_semaphore, #tpu.memory_space<semaphore_mem>> -> memref<1x!tpu.dma_semaphore, #tpu.memory_space<semaphore_mem>>
    %dma_start3A_1091 = tpu.memref_squeeze %dma_start3A_1090 : memref<1x!tpu.dma_semaphore, #tpu.memory_space<semaphore_mem>> -> memref<!tpu.dma_semaphore, #tpu.memory_space<semaphore_mem>>
    %dma_start3A_1092 = arith.constant 0 : i32
    %dma_start3A_1093 = tpu.memref_slice %arg4[%select_n3A, %add3A_1080, %dma_start3A_1092] : memref<4x4096x1024xf32, #tpu.memory_space<hbm>> -> memref<1x16x1024xf32, #tpu.memory_space<hbm>>
    %dma_start3A_1094 = tpu.memref_squeeze %dma_start3A_1093 : memref<1x16x1024xf32, #tpu.memory_space<hbm>> -> memref<16x1024xf32, #tpu.memory_space<hbm>>
    %dma_start3A_1095 = arith.constant 0 : i32
    %dma_start3A_1096 = arith.constant 0 : i32
    %dma_start3A_1097 = tpu.memref_slice %arg6[%dma_start3A_1081, %dma_start3A_1095, %dma_start3A_1096] : memref<7x16x1024xf32, #tpu.memory_space<vmem>> -> memref<1x16x1024xf32, #tpu.memory_space<vmem>>
    %dma_start3A_1098 = tpu.memref_squeeze %dma_start3A_1097 : memref<1x16x1024xf32, #tpu.memory_space<vmem>> -> memref<16x1024xf32, #tpu.memory_space<vmem>>
    tpu.enqueue_dma source(%dma_start3A_1098 : memref<16x1024xf32, #tpu.memory_space<vmem>>) target(%dma_start3A_1094 : memref<16x1024xf32, #tpu.memory_space<hbm>>) target_semaphore(%dma_start3A_1091 : memref<!tpu.dma_semaphore, #tpu.memory_space<semaphore_mem>>)
    %dma_wait3A_1099 = arith.constant 6 : i32
    %dma_wait3A_1100 = arith.constant 6 : i32
    %dma_wait3A_1101 = arith.constant 0 : i32
    %dma_wait3A_1102 = arith.constant 0 : i32
    %dma_wait3A_1103 = tpu.memref_slice %arg6[%dma_wait3A_1099, %dma_wait3A_1101, %dma_wait3A_1102] : memref<7x16x1024xf32, #tpu.memory_space<vmem>> -> memref<1x16x1024xf32, #tpu.memory_space<vmem>>
    %dma_wait3A_1104 = tpu.memref_squeeze %dma_wait3A_1103 : memref<1x16x1024xf32, #tpu.memory_space<vmem>> -> memref<16x1024xf32, #tpu.memory_space<vmem>>
    %dma_wait3A_1105 = arith.constant 0 : i32
    %dma_wait3A_1106 = tpu.memref_slice %arg4[%select_n3A, %add3A_952, %dma_wait3A_1105] : memref<4x4096x1024xf32, #tpu.memory_space<hbm>> -> memref<1x16x1024xf32, #tpu.memory_space<hbm>>
    %dma_wait3A_1107 = tpu.memref_squeeze %dma_wait3A_1106 : memref<1x16x1024xf32, #tpu.memory_space<hbm>> -> memref<16x1024xf32, #tpu.memory_space<hbm>>
    %dma_wait3A_1108 = tpu.memref_slice %arg8[%dma_wait3A_1100] : memref<7x!tpu.dma_semaphore, #tpu.memory_space<semaphore_mem>> -> memref<1x!tpu.dma_semaphore, #tpu.memory_space<semaphore_mem>>
    %dma_wait3A_1109 = tpu.memref_squeeze %dma_wait3A_1108 : memref<1x!tpu.dma_semaphore, #tpu.memory_space<semaphore_mem>> -> memref<!tpu.dma_semaphore, #tpu.memory_space<semaphore_mem>>
    %dma_wait3A_1110 = arith.constant 0 : i32
    %dma_wait3A_1111 = tpu.memref_slice %arg4[%select_n3A, %add3A_952, %dma_wait3A_1110] : memref<4x4096x1024xf32, #tpu.memory_space<hbm>> -> memref<1x16x1024xf32, #tpu.memory_space<hbm>>
    %dma_wait3A_1112 = tpu.memref_squeeze %dma_wait3A_1111 : memref<1x16x1024xf32, #tpu.memory_space<hbm>> -> memref<16x1024xf32, #tpu.memory_space<hbm>>
    %dma_wait3A_1113 = arith.constant 0 : i32
    %dma_wait3A_1114 = arith.constant 0 : i32
    %dma_wait3A_1115 = tpu.memref_slice %arg6[%dma_wait3A_1099, %dma_wait3A_1113, %dma_wait3A_1114] : memref<7x16x1024xf32, #tpu.memory_space<vmem>> -> memref<1x16x1024xf32, #tpu.memory_space<vmem>>
    %dma_wait3A_1116 = tpu.memref_squeeze %dma_wait3A_1115 : memref<1x16x1024xf32, #tpu.memory_space<vmem>> -> memref<16x1024xf32, #tpu.memory_space<vmem>>
    tpu.wait_dma2 semaphore(%dma_wait3A_1109 : memref<!tpu.dma_semaphore, #tpu.memory_space<semaphore_mem>>) src(%dma_wait3A_1116 : memref<16x1024xf32, #tpu.memory_space<vmem>>) dst(%dma_wait3A_1112 : memref<16x1024xf32, #tpu.memory_space<hbm>>)
    %dma_start3A_1117 = arith.constant 6 : i32
    %dma_start3A_1118 = arith.constant 6 : i32
    %dma_start3A_1119 = arith.constant 0 : i32
    %dma_start3A_1120 = arith.constant 0 : i32
    %dma_start3A_1121 = tpu.memref_slice %arg6[%dma_start3A_1117, %dma_start3A_1119, %dma_start3A_1120] : memref<7x16x1024xf32, #tpu.memory_space<vmem>> -> memref<1x16x1024xf32, #tpu.memory_space<vmem>>
    %dma_start3A_1122 = tpu.memref_squeeze %dma_start3A_1121 : memref<1x16x1024xf32, #tpu.memory_space<vmem>> -> memref<16x1024xf32, #tpu.memory_space<vmem>>
    %dma_start3A_1123 = arith.constant 320 : i32
    %dma_start3A_1124 = tpu.memref_slice %arg5[%dma_start3A_1123] : memref<512xi32, #tpu.memory_space<vmem>> -> memref<16xi32, #tpu.memory_space<vmem>>
    %dma_start3A_1125 = arith.constant 0 : i32
    %dma_start3A_1126 = arith.constant 0 : i32
    %dma_start3A_1127 = tpu.memref_slice %arg3[%dma_start3A_1125, %dma_start3A_1126] : memref<100000x1024xf32, #tpu.memory_space<hbm>> -> memref<100000x1024xf32, #tpu.memory_space<hbm>>
    %dma_start3A_1128 = tpu.memref_slice %arg7[%dma_start3A_1118] : memref<7x!tpu.dma_semaphore, #tpu.memory_space<semaphore_mem>> -> memref<1x!tpu.dma_semaphore, #tpu.memory_space<semaphore_mem>>
    %dma_start3A_1129 = tpu.memref_squeeze %dma_start3A_1128 : memref<1x!tpu.dma_semaphore, #tpu.memory_space<semaphore_mem>> -> memref<!tpu.dma_semaphore, #tpu.memory_space<semaphore_mem>>
    tpu.enqueue_indirect_dma source(%dma_start3A_1127 : memref<100000x1024xf32, #tpu.memory_space<hbm>>) target(%dma_start3A_1122 : memref<16x1024xf32, #tpu.memory_space<vmem>>) offsets(%dma_start3A_1124 : memref<16xi32, #tpu.memory_space<vmem>>) semaphore(%dma_start3A_1129 : memref<!tpu.dma_semaphore, #tpu.memory_space<semaphore_mem>>)
    %dma_wait3A_1130 = arith.constant 2 : i32
    %dma_wait3A_1131 = arith.constant 2 : i32
    %dma_wait3A_1132 = arith.constant 0 : i32
    %dma_wait3A_1133 = arith.constant 0 : i32
    %dma_wait3A_1134 = tpu.memref_slice %arg6[%dma_wait3A_1130, %dma_wait3A_1132, %dma_wait3A_1133] : memref<7x16x1024xf32, #tpu.memory_space<vmem>> -> memref<1x16x1024xf32, #tpu.memory_space<vmem>>
    %dma_wait3A_1135 = tpu.memref_squeeze %dma_wait3A_1134 : memref<1x16x1024xf32, #tpu.memory_space<vmem>> -> memref<16x1024xf32, #tpu.memory_space<vmem>>
    %dma_wait3A_1136 = arith.constant 256 : i32
    %dma_wait3A_1137 = tpu.memref_slice %arg5[%dma_wait3A_1136] : memref<512xi32, #tpu.memory_space<vmem>> -> memref<16xi32, #tpu.memory_space<vmem>>
    %dma_wait3A_1138 = arith.constant 0 : i32
    %dma_wait3A_1139 = arith.constant 0 : i32
    %dma_wait3A_1140 = tpu.memref_slice %arg3[%dma_wait3A_1138, %dma_wait3A_1139] : memref<100000x1024xf32, #tpu.memory_space<hbm>> -> memref<100000x1024xf32, #tpu.memory_space<hbm>>
    %dma_wait3A_1141 = tpu.memref_slice %arg7[%dma_wait3A_1131] : memref<7x!tpu.dma_semaphore, #tpu.memory_space<semaphore_mem>> -> memref<1x!tpu.dma_semaphore, #tpu.memory_space<semaphore_mem>>
    %dma_wait3A_1142 = tpu.memref_squeeze %dma_wait3A_1141 : memref<1x!tpu.dma_semaphore, #tpu.memory_space<semaphore_mem>> -> memref<!tpu.dma_semaphore, #tpu.memory_space<semaphore_mem>>
    tpu.wait_indirect_dma semaphore(%dma_wait3A_1142 : memref<!tpu.dma_semaphore, #tpu.memory_space<semaphore_mem>>) src(%dma_wait3A_1140 : memref<100000x1024xf32, #tpu.memory_space<hbm>>) dst(%dma_wait3A_1135 : memref<16x1024xf32, #tpu.memory_space<vmem>>)
    %add3A_1143 = arith.constant 256 : i32
    %add3A_1144 = arith.addi %mul3A_32, %add3A_1143 : i32
    %dma_start3A_1145 = arith.constant 2 : i32
    %dma_start3A_1146 = arith.constant 2 : i32
    %dma_start3A_1147 = arith.constant 0 : i32
    %dma_start3A_1148 = arith.constant 0 : i32
    %dma_start3A_1149 = tpu.memref_slice %arg6[%dma_start3A_1145, %dma_start3A_1147, %dma_start3A_1148] : memref<7x16x1024xf32, #tpu.memory_space<vmem>> -> memref<1x16x1024xf32, #tpu.memory_space<vmem>>
    %dma_start3A_1150 = tpu.memref_squeeze %dma_start3A_1149 : memref<1x16x1024xf32, #tpu.memory_space<vmem>> -> memref<16x1024xf32, #tpu.memory_space<vmem>>
    %dma_start3A_1151 = arith.constant 0 : i32
    %dma_start3A_1152 = tpu.memref_slice %arg4[%select_n3A, %add3A_1144, %dma_start3A_1151] : memref<4x4096x1024xf32, #tpu.memory_space<hbm>> -> memref<1x16x1024xf32, #tpu.memory_space<hbm>>
    %dma_start3A_1153 = tpu.memref_squeeze %dma_start3A_1152 : memref<1x16x1024xf32, #tpu.memory_space<hbm>> -> memref<16x1024xf32, #tpu.memory_space<hbm>>
    %dma_start3A_1154 = tpu.memref_slice %arg8[%dma_start3A_1146] : memref<7x!tpu.dma_semaphore, #tpu.memory_space<semaphore_mem>> -> memref<1x!tpu.dma_semaphore, #tpu.memory_space<semaphore_mem>>
    %dma_start3A_1155 = tpu.memref_squeeze %dma_start3A_1154 : memref<1x!tpu.dma_semaphore, #tpu.memory_space<semaphore_mem>> -> memref<!tpu.dma_semaphore, #tpu.memory_space<semaphore_mem>>
    %dma_start3A_1156 = arith.constant 0 : i32
    %dma_start3A_1157 = tpu.memref_slice %arg4[%select_n3A, %add3A_1144, %dma_start3A_1156] : memref<4x4096x1024xf32, #tpu.memory_space<hbm>> -> memref<1x16x1024xf32, #tpu.memory_space<hbm>>
    %dma_start3A_1158 = tpu.memref_squeeze %dma_start3A_1157 : memref<1x16x1024xf32, #tpu.memory_space<hbm>> -> memref<16x1024xf32, #tpu.memory_space<hbm>>
    %dma_start3A_1159 = arith.constant 0 : i32
    %dma_start3A_1160 = arith.constant 0 : i32
    %dma_start3A_1161 = tpu.memref_slice %arg6[%dma_start3A_1145, %dma_start3A_1159, %dma_start3A_1160] : memref<7x16x1024xf32, #tpu.memory_space<vmem>> -> memref<1x16x1024xf32, #tpu.memory_space<vmem>>
    %dma_start3A_1162 = tpu.memref_squeeze %dma_start3A_1161 : memref<1x16x1024xf32, #tpu.memory_space<vmem>> -> memref<16x1024xf32, #tpu.memory_space<vmem>>
    tpu.enqueue_dma source(%dma_start3A_1162 : memref<16x1024xf32, #tpu.memory_space<vmem>>) target(%dma_start3A_1158 : memref<16x1024xf32, #tpu.memory_space<hbm>>) target_semaphore(%dma_start3A_1155 : memref<!tpu.dma_semaphore, #tpu.memory_space<semaphore_mem>>)
    %dma_wait3A_1163 = arith.constant 0 : i32
    %dma_wait3A_1164 = arith.constant 0 : i32
    %dma_wait3A_1165 = arith.constant 0 : i32
    %dma_wait3A_1166 = arith.constant 0 : i32
    %dma_wait3A_1167 = tpu.memref_slice %arg6[%dma_wait3A_1163, %dma_wait3A_1165, %dma_wait3A_1166] : memref<7x16x1024xf32, #tpu.memory_space<vmem>> -> memref<1x16x1024xf32, #tpu.memory_space<vmem>>
    %dma_wait3A_1168 = tpu.memref_squeeze %dma_wait3A_1167 : memref<1x16x1024xf32, #tpu.memory_space<vmem>> -> memref<16x1024xf32, #tpu.memory_space<vmem>>
    %dma_wait3A_1169 = arith.constant 0 : i32
    %dma_wait3A_1170 = tpu.memref_slice %arg4[%select_n3A, %add3A_1016, %dma_wait3A_1169] : memref<4x4096x1024xf32, #tpu.memory_space<hbm>> -> memref<1x16x1024xf32, #tpu.memory_space<hbm>>
    %dma_wait3A_1171 = tpu.memref_squeeze %dma_wait3A_1170 : memref<1x16x1024xf32, #tpu.memory_space<hbm>> -> memref<16x1024xf32, #tpu.memory_space<hbm>>
    %dma_wait3A_1172 = tpu.memref_slice %arg8[%dma_wait3A_1164] : memref<7x!tpu.dma_semaphore, #tpu.memory_space<semaphore_mem>> -> memref<1x!tpu.dma_semaphore, #tpu.memory_space<semaphore_mem>>
    %dma_wait3A_1173 = tpu.memref_squeeze %dma_wait3A_1172 : memref<1x!tpu.dma_semaphore, #tpu.memory_space<semaphore_mem>> -> memref<!tpu.dma_semaphore, #tpu.memory_space<semaphore_mem>>
    %dma_wait3A_1174 = arith.constant 0 : i32
    %dma_wait3A_1175 = tpu.memref_slice %arg4[%select_n3A, %add3A_1016, %dma_wait3A_1174] : memref<4x4096x1024xf32, #tpu.memory_space<hbm>> -> memref<1x16x1024xf32, #tpu.memory_space<hbm>>
    %dma_wait3A_1176 = tpu.memref_squeeze %dma_wait3A_1175 : memref<1x16x1024xf32, #tpu.memory_space<hbm>> -> memref<16x1024xf32, #tpu.memory_space<hbm>>
    %dma_wait3A_1177 = arith.constant 0 : i32
    %dma_wait3A_1178 = arith.constant 0 : i32
    %dma_wait3A_1179 = tpu.memref_slice %arg6[%dma_wait3A_1163, %dma_wait3A_1177, %dma_wait3A_1178] : memref<7x16x1024xf32, #tpu.memory_space<vmem>> -> memref<1x16x1024xf32, #tpu.memory_space<vmem>>
    %dma_wait3A_1180 = tpu.memref_squeeze %dma_wait3A_1179 : memref<1x16x1024xf32, #tpu.memory_space<vmem>> -> memref<16x1024xf32, #tpu.memory_space<vmem>>
    tpu.wait_dma2 semaphore(%dma_wait3A_1173 : memref<!tpu.dma_semaphore, #tpu.memory_space<semaphore_mem>>) src(%dma_wait3A_1180 : memref<16x1024xf32, #tpu.memory_space<vmem>>) dst(%dma_wait3A_1176 : memref<16x1024xf32, #tpu.memory_space<hbm>>)
    %dma_start3A_1181 = arith.constant 0 : i32
    %dma_start3A_1182 = arith.constant 0 : i32
    %dma_start3A_1183 = arith.constant 0 : i32
    %dma_start3A_1184 = arith.constant 0 : i32
    %dma_start3A_1185 = tpu.memref_slice %arg6[%dma_start3A_1181, %dma_start3A_1183, %dma_start3A_1184] : memref<7x16x1024xf32, #tpu.memory_space<vmem>> -> memref<1x16x1024xf32, #tpu.memory_space<vmem>>
    %dma_start3A_1186 = tpu.memref_squeeze %dma_start3A_1185 : memref<1x16x1024xf32, #tpu.memory_space<vmem>> -> memref<16x1024xf32, #tpu.memory_space<vmem>>
    %dma_start3A_1187 = arith.constant 336 : i32
    %dma_start3A_1188 = tpu.memref_slice %arg5[%dma_start3A_1187] : memref<512xi32, #tpu.memory_space<vmem>> -> memref<16xi32, #tpu.memory_space<vmem>>
    %dma_start3A_1189 = arith.constant 0 : i32
    %dma_start3A_1190 = arith.constant 0 : i32
    %dma_start3A_1191 = tpu.memref_slice %arg3[%dma_start3A_1189, %dma_start3A_1190] : memref<100000x1024xf32, #tpu.memory_space<hbm>> -> memref<100000x1024xf32, #tpu.memory_space<hbm>>
    %dma_start3A_1192 = tpu.memref_slice %arg7[%dma_start3A_1182] : memref<7x!tpu.dma_semaphore, #tpu.memory_space<semaphore_mem>> -> memref<1x!tpu.dma_semaphore, #tpu.memory_space<semaphore_mem>>
    %dma_start3A_1193 = tpu.memref_squeeze %dma_start3A_1192 : memref<1x!tpu.dma_semaphore, #tpu.memory_space<semaphore_mem>> -> memref<!tpu.dma_semaphore, #tpu.memory_space<semaphore_mem>>
    tpu.enqueue_indirect_dma source(%dma_start3A_1191 : memref<100000x1024xf32, #tpu.memory_space<hbm>>) target(%dma_start3A_1186 : memref<16x1024xf32, #tpu.memory_space<vmem>>) offsets(%dma_start3A_1188 : memref<16xi32, #tpu.memory_space<vmem>>) semaphore(%dma_start3A_1193 : memref<!tpu.dma_semaphore, #tpu.memory_space<semaphore_mem>>)
    %dma_wait3A_1194 = arith.constant 3 : i32
    %dma_wait3A_1195 = arith.constant 3 : i32
    %dma_wait3A_1196 = arith.constant 0 : i32
    %dma_wait3A_1197 = arith.constant 0 : i32
    %dma_wait3A_1198 = tpu.memref_slice %arg6[%dma_wait3A_1194, %dma_wait3A_1196, %dma_wait3A_1197] : memref<7x16x1024xf32, #tpu.memory_space<vmem>> -> memref<1x16x1024xf32, #tpu.memory_space<vmem>>
    %dma_wait3A_1199 = tpu.memref_squeeze %dma_wait3A_1198 : memref<1x16x1024xf32, #tpu.memory_space<vmem>> -> memref<16x1024xf32, #tpu.memory_space<vmem>>
    %dma_wait3A_1200 = arith.constant 272 : i32
    %dma_wait3A_1201 = tpu.memref_slice %arg5[%dma_wait3A_1200] : memref<512xi32, #tpu.memory_space<vmem>> -> memref<16xi32, #tpu.memory_space<vmem>>
    %dma_wait3A_1202 = arith.constant 0 : i32
    %dma_wait3A_1203 = arith.constant 0 : i32
    %dma_wait3A_1204 = tpu.memref_slice %arg3[%dma_wait3A_1202, %dma_wait3A_1203] : memref<100000x1024xf32, #tpu.memory_space<hbm>> -> memref<100000x1024xf32, #tpu.memory_space<hbm>>
    %dma_wait3A_1205 = tpu.memref_slice %arg7[%dma_wait3A_1195] : memref<7x!tpu.dma_semaphore, #tpu.memory_space<semaphore_mem>> -> memref<1x!tpu.dma_semaphore, #tpu.memory_space<semaphore_mem>>
    %dma_wait3A_1206 = tpu.memref_squeeze %dma_wait3A_1205 : memref<1x!tpu.dma_semaphore, #tpu.memory_space<semaphore_mem>> -> memref<!tpu.dma_semaphore, #tpu.memory_space<semaphore_mem>>
    tpu.wait_indirect_dma semaphore(%dma_wait3A_1206 : memref<!tpu.dma_semaphore, #tpu.memory_space<semaphore_mem>>) src(%dma_wait3A_1204 : memref<100000x1024xf32, #tpu.memory_space<hbm>>) dst(%dma_wait3A_1199 : memref<16x1024xf32, #tpu.memory_space<vmem>>)
    %add3A_1207 = arith.constant 272 : i32
    %add3A_1208 = arith.addi %mul3A_32, %add3A_1207 : i32
    %dma_start3A_1209 = arith.constant 3 : i32
    %dma_start3A_1210 = arith.constant 3 : i32
    %dma_start3A_1211 = arith.constant 0 : i32
    %dma_start3A_1212 = arith.constant 0 : i32
    %dma_start3A_1213 = tpu.memref_slice %arg6[%dma_start3A_1209, %dma_start3A_1211, %dma_start3A_1212] : memref<7x16x1024xf32, #tpu.memory_space<vmem>> -> memref<1x16x1024xf32, #tpu.memory_space<vmem>>
    %dma_start3A_1214 = tpu.memref_squeeze %dma_start3A_1213 : memref<1x16x1024xf32, #tpu.memory_space<vmem>> -> memref<16x1024xf32, #tpu.memory_space<vmem>>
    %dma_start3A_1215 = arith.constant 0 : i32
    %dma_start3A_1216 = tpu.memref_slice %arg4[%select_n3A, %add3A_1208, %dma_start3A_1215] : memref<4x4096x1024xf32, #tpu.memory_space<hbm>> -> memref<1x16x1024xf32, #tpu.memory_space<hbm>>
    %dma_start3A_1217 = tpu.memref_squeeze %dma_start3A_1216 : memref<1x16x1024xf32, #tpu.memory_space<hbm>> -> memref<16x1024xf32, #tpu.memory_space<hbm>>
    %dma_start3A_1218 = tpu.memref_slice %arg8[%dma_start3A_1210] : memref<7x!tpu.dma_semaphore, #tpu.memory_space<semaphore_mem>> -> memref<1x!tpu.dma_semaphore, #tpu.memory_space<semaphore_mem>>
    %dma_start3A_1219 = tpu.memref_squeeze %dma_start3A_1218 : memref<1x!tpu.dma_semaphore, #tpu.memory_space<semaphore_mem>> -> memref<!tpu.dma_semaphore, #tpu.memory_space<semaphore_mem>>
    %dma_start3A_1220 = arith.constant 0 : i32
    %dma_start3A_1221 = tpu.memref_slice %arg4[%select_n3A, %add3A_1208, %dma_start3A_1220] : memref<4x4096x1024xf32, #tpu.memory_space<hbm>> -> memref<1x16x1024xf32, #tpu.memory_space<hbm>>
    %dma_start3A_1222 = tpu.memref_squeeze %dma_start3A_1221 : memref<1x16x1024xf32, #tpu.memory_space<hbm>> -> memref<16x1024xf32, #tpu.memory_space<hbm>>
    %dma_start3A_1223 = arith.constant 0 : i32
    %dma_start3A_1224 = arith.constant 0 : i32
    %dma_start3A_1225 = tpu.memref_slice %arg6[%dma_start3A_1209, %dma_start3A_1223, %dma_start3A_1224] : memref<7x16x1024xf32, #tpu.memory_space<vmem>> -> memref<1x16x1024xf32, #tpu.memory_space<vmem>>
    %dma_start3A_1226 = tpu.memref_squeeze %dma_start3A_1225 : memref<1x16x1024xf32, #tpu.memory_space<vmem>> -> memref<16x1024xf32, #tpu.memory_space<vmem>>
    tpu.enqueue_dma source(%dma_start3A_1226 : memref<16x1024xf32, #tpu.memory_space<vmem>>) target(%dma_start3A_1222 : memref<16x1024xf32, #tpu.memory_space<hbm>>) target_semaphore(%dma_start3A_1219 : memref<!tpu.dma_semaphore, #tpu.memory_space<semaphore_mem>>)
    %dma_wait3A_1227 = arith.constant 1 : i32
    %dma_wait3A_1228 = arith.constant 1 : i32
    %dma_wait3A_1229 = arith.constant 0 : i32
    %dma_wait3A_1230 = arith.constant 0 : i32
    %dma_wait3A_1231 = tpu.memref_slice %arg6[%dma_wait3A_1227, %dma_wait3A_1229, %dma_wait3A_1230] : memref<7x16x1024xf32, #tpu.memory_space<vmem>> -> memref<1x16x1024xf32, #tpu.memory_space<vmem>>
    %dma_wait3A_1232 = tpu.memref_squeeze %dma_wait3A_1231 : memref<1x16x1024xf32, #tpu.memory_space<vmem>> -> memref<16x1024xf32, #tpu.memory_space<vmem>>
    %dma_wait3A_1233 = arith.constant 0 : i32
    %dma_wait3A_1234 = tpu.memref_slice %arg4[%select_n3A, %add3A_1080, %dma_wait3A_1233] : memref<4x4096x1024xf32, #tpu.memory_space<hbm>> -> memref<1x16x1024xf32, #tpu.memory_space<hbm>>
    %dma_wait3A_1235 = tpu.memref_squeeze %dma_wait3A_1234 : memref<1x16x1024xf32, #tpu.memory_space<hbm>> -> memref<16x1024xf32, #tpu.memory_space<hbm>>
    %dma_wait3A_1236 = tpu.memref_slice %arg8[%dma_wait3A_1228] : memref<7x!tpu.dma_semaphore, #tpu.memory_space<semaphore_mem>> -> memref<1x!tpu.dma_semaphore, #tpu.memory_space<semaphore_mem>>
    %dma_wait3A_1237 = tpu.memref_squeeze %dma_wait3A_1236 : memref<1x!tpu.dma_semaphore, #tpu.memory_space<semaphore_mem>> -> memref<!tpu.dma_semaphore, #tpu.memory_space<semaphore_mem>>
    %dma_wait3A_1238 = arith.constant 0 : i32
    %dma_wait3A_1239 = tpu.memref_slice %arg4[%select_n3A, %add3A_1080, %dma_wait3A_1238] : memref<4x4096x1024xf32, #tpu.memory_space<hbm>> -> memref<1x16x1024xf32, #tpu.memory_space<hbm>>
    %dma_wait3A_1240 = tpu.memref_squeeze %dma_wait3A_1239 : memref<1x16x1024xf32, #tpu.memory_space<hbm>> -> memref<16x1024xf32, #tpu.memory_space<hbm>>
    %dma_wait3A_1241 = arith.constant 0 : i32
    %dma_wait3A_1242 = arith.constant 0 : i32
    %dma_wait3A_1243 = tpu.memref_slice %arg6[%dma_wait3A_1227, %dma_wait3A_1241, %dma_wait3A_1242] : memref<7x16x1024xf32, #tpu.memory_space<vmem>> -> memref<1x16x1024xf32, #tpu.memory_space<vmem>>
    %dma_wait3A_1244 = tpu.memref_squeeze %dma_wait3A_1243 : memref<1x16x1024xf32, #tpu.memory_space<vmem>> -> memref<16x1024xf32, #tpu.memory_space<vmem>>
    tpu.wait_dma2 semaphore(%dma_wait3A_1237 : memref<!tpu.dma_semaphore, #tpu.memory_space<semaphore_mem>>) src(%dma_wait3A_1244 : memref<16x1024xf32, #tpu.memory_space<vmem>>) dst(%dma_wait3A_1240 : memref<16x1024xf32, #tpu.memory_space<hbm>>)
    %dma_start3A_1245 = arith.constant 1 : i32
    %dma_start3A_1246 = arith.constant 1 : i32
    %dma_start3A_1247 = arith.constant 0 : i32
    %dma_start3A_1248 = arith.constant 0 : i32
    %dma_start3A_1249 = tpu.memref_slice %arg6[%dma_start3A_1245, %dma_start3A_1247, %dma_start3A_1248] : memref<7x16x1024xf32, #tpu.memory_space<vmem>> -> memref<1x16x1024xf32, #tpu.memory_space<vmem>>
    %dma_start3A_1250 = tpu.memref_squeeze %dma_start3A_1249 : memref<1x16x1024xf32, #tpu.memory_space<vmem>> -> memref<16x1024xf32, #tpu.memory_space<vmem>>
    %dma_start3A_1251 = arith.constant 352 : i32
    %dma_start3A_1252 = tpu.memref_slice %arg5[%dma_start3A_1251] : memref<512xi32, #tpu.memory_space<vmem>> -> memref<16xi32, #tpu.memory_space<vmem>>
    %dma_start3A_1253 = arith.constant 0 : i32
    %dma_start3A_1254 = arith.constant 0 : i32
    %dma_start3A_1255 = tpu.memref_slice %arg3[%dma_start3A_1253, %dma_start3A_1254] : memref<100000x1024xf32, #tpu.memory_space<hbm>> -> memref<100000x1024xf32, #tpu.memory_space<hbm>>
    %dma_start3A_1256 = tpu.memref_slice %arg7[%dma_start3A_1246] : memref<7x!tpu.dma_semaphore, #tpu.memory_space<semaphore_mem>> -> memref<1x!tpu.dma_semaphore, #tpu.memory_space<semaphore_mem>>
    %dma_start3A_1257 = tpu.memref_squeeze %dma_start3A_1256 : memref<1x!tpu.dma_semaphore, #tpu.memory_space<semaphore_mem>> -> memref<!tpu.dma_semaphore, #tpu.memory_space<semaphore_mem>>
    tpu.enqueue_indirect_dma source(%dma_start3A_1255 : memref<100000x1024xf32, #tpu.memory_space<hbm>>) target(%dma_start3A_1250 : memref<16x1024xf32, #tpu.memory_space<vmem>>) offsets(%dma_start3A_1252 : memref<16xi32, #tpu.memory_space<vmem>>) semaphore(%dma_start3A_1257 : memref<!tpu.dma_semaphore, #tpu.memory_space<semaphore_mem>>)
    %dma_wait3A_1258 = arith.constant 4 : i32
    %dma_wait3A_1259 = arith.constant 4 : i32
    %dma_wait3A_1260 = arith.constant 0 : i32
    %dma_wait3A_1261 = arith.constant 0 : i32
    %dma_wait3A_1262 = tpu.memref_slice %arg6[%dma_wait3A_1258, %dma_wait3A_1260, %dma_wait3A_1261] : memref<7x16x1024xf32, #tpu.memory_space<vmem>> -> memref<1x16x1024xf32, #tpu.memory_space<vmem>>
    %dma_wait3A_1263 = tpu.memref_squeeze %dma_wait3A_1262 : memref<1x16x1024xf32, #tpu.memory_space<vmem>> -> memref<16x1024xf32, #tpu.memory_space<vmem>>
    %dma_wait3A_1264 = arith.constant 288 : i32
    %dma_wait3A_1265 = tpu.memref_slice %arg5[%dma_wait3A_1264] : memref<512xi32, #tpu.memory_space<vmem>> -> memref<16xi32, #tpu.memory_space<vmem>>
    %dma_wait3A_1266 = arith.constant 0 : i32
    %dma_wait3A_1267 = arith.constant 0 : i32
    %dma_wait3A_1268 = tpu.memref_slice %arg3[%dma_wait3A_1266, %dma_wait3A_1267] : memref<100000x1024xf32, #tpu.memory_space<hbm>> -> memref<100000x1024xf32, #tpu.memory_space<hbm>>
    %dma_wait3A_1269 = tpu.memref_slice %arg7[%dma_wait3A_1259] : memref<7x!tpu.dma_semaphore, #tpu.memory_space<semaphore_mem>> -> memref<1x!tpu.dma_semaphore, #tpu.memory_space<semaphore_mem>>
    %dma_wait3A_1270 = tpu.memref_squeeze %dma_wait3A_1269 : memref<1x!tpu.dma_semaphore, #tpu.memory_space<semaphore_mem>> -> memref<!tpu.dma_semaphore, #tpu.memory_space<semaphore_mem>>
    tpu.wait_indirect_dma semaphore(%dma_wait3A_1270 : memref<!tpu.dma_semaphore, #tpu.memory_space<semaphore_mem>>) src(%dma_wait3A_1268 : memref<100000x1024xf32, #tpu.memory_space<hbm>>) dst(%dma_wait3A_1263 : memref<16x1024xf32, #tpu.memory_space<vmem>>)
    %add3A_1271 = arith.constant 288 : i32
    %add3A_1272 = arith.addi %mul3A_32, %add3A_1271 : i32
    %dma_start3A_1273 = arith.constant 4 : i32
    %dma_start3A_1274 = arith.constant 4 : i32
    %dma_start3A_1275 = arith.constant 0 : i32
    %dma_start3A_1276 = arith.constant 0 : i32
    %dma_start3A_1277 = tpu.memref_slice %arg6[%dma_start3A_1273, %dma_start3A_1275, %dma_start3A_1276] : memref<7x16x1024xf32, #tpu.memory_space<vmem>> -> memref<1x16x1024xf32, #tpu.memory_space<vmem>>
    %dma_start3A_1278 = tpu.memref_squeeze %dma_start3A_1277 : memref<1x16x1024xf32, #tpu.memory_space<vmem>> -> memref<16x1024xf32, #tpu.memory_space<vmem>>
    %dma_start3A_1279 = arith.constant 0 : i32
    %dma_start3A_1280 = tpu.memref_slice %arg4[%select_n3A, %add3A_1272, %dma_start3A_1279] : memref<4x4096x1024xf32, #tpu.memory_space<hbm>> -> memref<1x16x1024xf32, #tpu.memory_space<hbm>>
    %dma_start3A_1281 = tpu.memref_squeeze %dma_start3A_1280 : memref<1x16x1024xf32, #tpu.memory_space<hbm>> -> memref<16x1024xf32, #tpu.memory_space<hbm>>
    %dma_start3A_1282 = tpu.memref_slice %arg8[%dma_start3A_1274] : memref<7x!tpu.dma_semaphore, #tpu.memory_space<semaphore_mem>> -> memref<1x!tpu.dma_semaphore, #tpu.memory_space<semaphore_mem>>
    %dma_start3A_1283 = tpu.memref_squeeze %dma_start3A_1282 : memref<1x!tpu.dma_semaphore, #tpu.memory_space<semaphore_mem>> -> memref<!tpu.dma_semaphore, #tpu.memory_space<semaphore_mem>>
    %dma_start3A_1284 = arith.constant 0 : i32
    %dma_start3A_1285 = tpu.memref_slice %arg4[%select_n3A, %add3A_1272, %dma_start3A_1284] : memref<4x4096x1024xf32, #tpu.memory_space<hbm>> -> memref<1x16x1024xf32, #tpu.memory_space<hbm>>
    %dma_start3A_1286 = tpu.memref_squeeze %dma_start3A_1285 : memref<1x16x1024xf32, #tpu.memory_space<hbm>> -> memref<16x1024xf32, #tpu.memory_space<hbm>>
    %dma_start3A_1287 = arith.constant 0 : i32
    %dma_start3A_1288 = arith.constant 0 : i32
    %dma_start3A_1289 = tpu.memref_slice %arg6[%dma_start3A_1273, %dma_start3A_1287, %dma_start3A_1288] : memref<7x16x1024xf32, #tpu.memory_space<vmem>> -> memref<1x16x1024xf32, #tpu.memory_space<vmem>>
    %dma_start3A_1290 = tpu.memref_squeeze %dma_start3A_1289 : memref<1x16x1024xf32, #tpu.memory_space<vmem>> -> memref<16x1024xf32, #tpu.memory_space<vmem>>
    tpu.enqueue_dma source(%dma_start3A_1290 : memref<16x1024xf32, #tpu.memory_space<vmem>>) target(%dma_start3A_1286 : memref<16x1024xf32, #tpu.memory_space<hbm>>) target_semaphore(%dma_start3A_1283 : memref<!tpu.dma_semaphore, #tpu.memory_space<semaphore_mem>>)
    %dma_wait3A_1291 = arith.constant 2 : i32
    %dma_wait3A_1292 = arith.constant 2 : i32
    %dma_wait3A_1293 = arith.constant 0 : i32
    %dma_wait3A_1294 = arith.constant 0 : i32
    %dma_wait3A_1295 = tpu.memref_slice %arg6[%dma_wait3A_1291, %dma_wait3A_1293, %dma_wait3A_1294] : memref<7x16x1024xf32, #tpu.memory_space<vmem>> -> memref<1x16x1024xf32, #tpu.memory_space<vmem>>
    %dma_wait3A_1296 = tpu.memref_squeeze %dma_wait3A_1295 : memref<1x16x1024xf32, #tpu.memory_space<vmem>> -> memref<16x1024xf32, #tpu.memory_space<vmem>>
    %dma_wait3A_1297 = arith.constant 0 : i32
    %dma_wait3A_1298 = tpu.memref_slice %arg4[%select_n3A, %add3A_1144, %dma_wait3A_1297] : memref<4x4096x1024xf32, #tpu.memory_space<hbm>> -> memref<1x16x1024xf32, #tpu.memory_space<hbm>>
    %dma_wait3A_1299 = tpu.memref_squeeze %dma_wait3A_1298 : memref<1x16x1024xf32, #tpu.memory_space<hbm>> -> memref<16x1024xf32, #tpu.memory_space<hbm>>
    %dma_wait3A_1300 = tpu.memref_slice %arg8[%dma_wait3A_1292] : memref<7x!tpu.dma_semaphore, #tpu.memory_space<semaphore_mem>> -> memref<1x!tpu.dma_semaphore, #tpu.memory_space<semaphore_mem>>
    %dma_wait3A_1301 = tpu.memref_squeeze %dma_wait3A_1300 : memref<1x!tpu.dma_semaphore, #tpu.memory_space<semaphore_mem>> -> memref<!tpu.dma_semaphore, #tpu.memory_space<semaphore_mem>>
    %dma_wait3A_1302 = arith.constant 0 : i32
    %dma_wait3A_1303 = tpu.memref_slice %arg4[%select_n3A, %add3A_1144, %dma_wait3A_1302] : memref<4x4096x1024xf32, #tpu.memory_space<hbm>> -> memref<1x16x1024xf32, #tpu.memory_space<hbm>>
    %dma_wait3A_1304 = tpu.memref_squeeze %dma_wait3A_1303 : memref<1x16x1024xf32, #tpu.memory_space<hbm>> -> memref<16x1024xf32, #tpu.memory_space<hbm>>
    %dma_wait3A_1305 = arith.constant 0 : i32
    %dma_wait3A_1306 = arith.constant 0 : i32
    %dma_wait3A_1307 = tpu.memref_slice %arg6[%dma_wait3A_1291, %dma_wait3A_1305, %dma_wait3A_1306] : memref<7x16x1024xf32, #tpu.memory_space<vmem>> -> memref<1x16x1024xf32, #tpu.memory_space<vmem>>
    %dma_wait3A_1308 = tpu.memref_squeeze %dma_wait3A_1307 : memref<1x16x1024xf32, #tpu.memory_space<vmem>> -> memref<16x1024xf32, #tpu.memory_space<vmem>>
    tpu.wait_dma2 semaphore(%dma_wait3A_1301 : memref<!tpu.dma_semaphore, #tpu.memory_space<semaphore_mem>>) src(%dma_wait3A_1308 : memref<16x1024xf32, #tpu.memory_space<vmem>>) dst(%dma_wait3A_1304 : memref<16x1024xf32, #tpu.memory_space<hbm>>)
    %dma_start3A_1309 = arith.constant 2 : i32
    %dma_start3A_1310 = arith.constant 2 : i32
    %dma_start3A_1311 = arith.constant 0 : i32
    %dma_start3A_1312 = arith.constant 0 : i32
    %dma_start3A_1313 = tpu.memref_slice %arg6[%dma_start3A_1309, %dma_start3A_1311, %dma_start3A_1312] : memref<7x16x1024xf32, #tpu.memory_space<vmem>> -> memref<1x16x1024xf32, #tpu.memory_space<vmem>>
    %dma_start3A_1314 = tpu.memref_squeeze %dma_start3A_1313 : memref<1x16x1024xf32, #tpu.memory_space<vmem>> -> memref<16x1024xf32, #tpu.memory_space<vmem>>
    %dma_start3A_1315 = arith.constant 368 : i32
    %dma_start3A_1316 = tpu.memref_slice %arg5[%dma_start3A_1315] : memref<512xi32, #tpu.memory_space<vmem>> -> memref<16xi32, #tpu.memory_space<vmem>>
    %dma_start3A_1317 = arith.constant 0 : i32
    %dma_start3A_1318 = arith.constant 0 : i32
    %dma_start3A_1319 = tpu.memref_slice %arg3[%dma_start3A_1317, %dma_start3A_1318] : memref<100000x1024xf32, #tpu.memory_space<hbm>> -> memref<100000x1024xf32, #tpu.memory_space<hbm>>
    %dma_start3A_1320 = tpu.memref_slice %arg7[%dma_start3A_1310] : memref<7x!tpu.dma_semaphore, #tpu.memory_space<semaphore_mem>> -> memref<1x!tpu.dma_semaphore, #tpu.memory_space<semaphore_mem>>
    %dma_start3A_1321 = tpu.memref_squeeze %dma_start3A_1320 : memref<1x!tpu.dma_semaphore, #tpu.memory_space<semaphore_mem>> -> memref<!tpu.dma_semaphore, #tpu.memory_space<semaphore_mem>>
    tpu.enqueue_indirect_dma source(%dma_start3A_1319 : memref<100000x1024xf32, #tpu.memory_space<hbm>>) target(%dma_start3A_1314 : memref<16x1024xf32, #tpu.memory_space<vmem>>) offsets(%dma_start3A_1316 : memref<16xi32, #tpu.memory_space<vmem>>) semaphore(%dma_start3A_1321 : memref<!tpu.dma_semaphore, #tpu.memory_space<semaphore_mem>>)
    %dma_wait3A_1322 = arith.constant 5 : i32
    %dma_wait3A_1323 = arith.constant 5 : i32
    %dma_wait3A_1324 = arith.constant 0 : i32
    %dma_wait3A_1325 = arith.constant 0 : i32
    %dma_wait3A_1326 = tpu.memref_slice %arg6[%dma_wait3A_1322, %dma_wait3A_1324, %dma_wait3A_1325] : memref<7x16x1024xf32, #tpu.memory_space<vmem>> -> memref<1x16x1024xf32, #tpu.memory_space<vmem>>
    %dma_wait3A_1327 = tpu.memref_squeeze %dma_wait3A_1326 : memref<1x16x1024xf32, #tpu.memory_space<vmem>> -> memref<16x1024xf32, #tpu.memory_space<vmem>>
    %dma_wait3A_1328 = arith.constant 304 : i32
    %dma_wait3A_1329 = tpu.memref_slice %arg5[%dma_wait3A_1328] : memref<512xi32, #tpu.memory_space<vmem>> -> memref<16xi32, #tpu.memory_space<vmem>>
    %dma_wait3A_1330 = arith.constant 0 : i32
    %dma_wait3A_1331 = arith.constant 0 : i32
    %dma_wait3A_1332 = tpu.memref_slice %arg3[%dma_wait3A_1330, %dma_wait3A_1331] : memref<100000x1024xf32, #tpu.memory_space<hbm>> -> memref<100000x1024xf32, #tpu.memory_space<hbm>>
    %dma_wait3A_1333 = tpu.memref_slice %arg7[%dma_wait3A_1323] : memref<7x!tpu.dma_semaphore, #tpu.memory_space<semaphore_mem>> -> memref<1x!tpu.dma_semaphore, #tpu.memory_space<semaphore_mem>>
    %dma_wait3A_1334 = tpu.memref_squeeze %dma_wait3A_1333 : memref<1x!tpu.dma_semaphore, #tpu.memory_space<semaphore_mem>> -> memref<!tpu.dma_semaphore, #tpu.memory_space<semaphore_mem>>
    tpu.wait_indirect_dma semaphore(%dma_wait3A_1334 : memref<!tpu.dma_semaphore, #tpu.memory_space<semaphore_mem>>) src(%dma_wait3A_1332 : memref<100000x1024xf32, #tpu.memory_space<hbm>>) dst(%dma_wait3A_1327 : memref<16x1024xf32, #tpu.memory_space<vmem>>)
    %add3A_1335 = arith.constant 304 : i32
    %add3A_1336 = arith.addi %mul3A_32, %add3A_1335 : i32
    %dma_start3A_1337 = arith.constant 5 : i32
    %dma_start3A_1338 = arith.constant 5 : i32
    %dma_start3A_1339 = arith.constant 0 : i32
    %dma_start3A_1340 = arith.constant 0 : i32
    %dma_start3A_1341 = tpu.memref_slice %arg6[%dma_start3A_1337, %dma_start3A_1339, %dma_start3A_1340] : memref<7x16x1024xf32, #tpu.memory_space<vmem>> -> memref<1x16x1024xf32, #tpu.memory_space<vmem>>
    %dma_start3A_1342 = tpu.memref_squeeze %dma_start3A_1341 : memref<1x16x1024xf32, #tpu.memory_space<vmem>> -> memref<16x1024xf32, #tpu.memory_space<vmem>>
    %dma_start3A_1343 = arith.constant 0 : i32
    %dma_start3A_1344 = tpu.memref_slice %arg4[%select_n3A, %add3A_1336, %dma_start3A_1343] : memref<4x4096x1024xf32, #tpu.memory_space<hbm>> -> memref<1x16x1024xf32, #tpu.memory_space<hbm>>
    %dma_start3A_1345 = tpu.memref_squeeze %dma_start3A_1344 : memref<1x16x1024xf32, #tpu.memory_space<hbm>> -> memref<16x1024xf32, #tpu.memory_space<hbm>>
    %dma_start3A_1346 = tpu.memref_slice %arg8[%dma_start3A_1338] : memref<7x!tpu.dma_semaphore, #tpu.memory_space<semaphore_mem>> -> memref<1x!tpu.dma_semaphore, #tpu.memory_space<semaphore_mem>>
    %dma_start3A_1347 = tpu.memref_squeeze %dma_start3A_1346 : memref<1x!tpu.dma_semaphore, #tpu.memory_space<semaphore_mem>> -> memref<!tpu.dma_semaphore, #tpu.memory_space<semaphore_mem>>
    %dma_start3A_1348 = arith.constant 0 : i32
    %dma_start3A_1349 = tpu.memref_slice %arg4[%select_n3A, %add3A_1336, %dma_start3A_1348] : memref<4x4096x1024xf32, #tpu.memory_space<hbm>> -> memref<1x16x1024xf32, #tpu.memory_space<hbm>>
    %dma_start3A_1350 = tpu.memref_squeeze %dma_start3A_1349 : memref<1x16x1024xf32, #tpu.memory_space<hbm>> -> memref<16x1024xf32, #tpu.memory_space<hbm>>
    %dma_start3A_1351 = arith.constant 0 : i32
    %dma_start3A_1352 = arith.constant 0 : i32
    %dma_start3A_1353 = tpu.memref_slice %arg6[%dma_start3A_1337, %dma_start3A_1351, %dma_start3A_1352] : memref<7x16x1024xf32, #tpu.memory_space<vmem>> -> memref<1x16x1024xf32, #tpu.memory_space<vmem>>
    %dma_start3A_1354 = tpu.memref_squeeze %dma_start3A_1353 : memref<1x16x1024xf32, #tpu.memory_space<vmem>> -> memref<16x1024xf32, #tpu.memory_space<vmem>>
    tpu.enqueue_dma source(%dma_start3A_1354 : memref<16x1024xf32, #tpu.memory_space<vmem>>) target(%dma_start3A_1350 : memref<16x1024xf32, #tpu.memory_space<hbm>>) target_semaphore(%dma_start3A_1347 : memref<!tpu.dma_semaphore, #tpu.memory_space<semaphore_mem>>)
    %dma_wait3A_1355 = arith.constant 3 : i32
    %dma_wait3A_1356 = arith.constant 3 : i32
    %dma_wait3A_1357 = arith.constant 0 : i32
    %dma_wait3A_1358 = arith.constant 0 : i32
    %dma_wait3A_1359 = tpu.memref_slice %arg6[%dma_wait3A_1355, %dma_wait3A_1357, %dma_wait3A_1358] : memref<7x16x1024xf32, #tpu.memory_space<vmem>> -> memref<1x16x1024xf32, #tpu.memory_space<vmem>>
    %dma_wait3A_1360 = tpu.memref_squeeze %dma_wait3A_1359 : memref<1x16x1024xf32, #tpu.memory_space<vmem>> -> memref<16x1024xf32, #tpu.memory_space<vmem>>
    %dma_wait3A_1361 = arith.constant 0 : i32
    %dma_wait3A_1362 = tpu.memref_slice %arg4[%select_n3A, %add3A_1208, %dma_wait3A_1361] : memref<4x4096x1024xf32, #tpu.memory_space<hbm>> -> memref<1x16x1024xf32, #tpu.memory_space<hbm>>
    %dma_wait3A_1363 = tpu.memref_squeeze %dma_wait3A_1362 : memref<1x16x1024xf32, #tpu.memory_space<hbm>> -> memref<16x1024xf32, #tpu.memory_space<hbm>>
    %dma_wait3A_1364 = tpu.memref_slice %arg8[%dma_wait3A_1356] : memref<7x!tpu.dma_semaphore, #tpu.memory_space<semaphore_mem>> -> memref<1x!tpu.dma_semaphore, #tpu.memory_space<semaphore_mem>>
    %dma_wait3A_1365 = tpu.memref_squeeze %dma_wait3A_1364 : memref<1x!tpu.dma_semaphore, #tpu.memory_space<semaphore_mem>> -> memref<!tpu.dma_semaphore, #tpu.memory_space<semaphore_mem>>
    %dma_wait3A_1366 = arith.constant 0 : i32
    %dma_wait3A_1367 = tpu.memref_slice %arg4[%select_n3A, %add3A_1208, %dma_wait3A_1366] : memref<4x4096x1024xf32, #tpu.memory_space<hbm>> -> memref<1x16x1024xf32, #tpu.memory_space<hbm>>
    %dma_wait3A_1368 = tpu.memref_squeeze %dma_wait3A_1367 : memref<1x16x1024xf32, #tpu.memory_space<hbm>> -> memref<16x1024xf32, #tpu.memory_space<hbm>>
    %dma_wait3A_1369 = arith.constant 0 : i32
    %dma_wait3A_1370 = arith.constant 0 : i32
    %dma_wait3A_1371 = tpu.memref_slice %arg6[%dma_wait3A_1355, %dma_wait3A_1369, %dma_wait3A_1370] : memref<7x16x1024xf32, #tpu.memory_space<vmem>> -> memref<1x16x1024xf32, #tpu.memory_space<vmem>>
    %dma_wait3A_1372 = tpu.memref_squeeze %dma_wait3A_1371 : memref<1x16x1024xf32, #tpu.memory_space<vmem>> -> memref<16x1024xf32, #tpu.memory_space<vmem>>
    tpu.wait_dma2 semaphore(%dma_wait3A_1365 : memref<!tpu.dma_semaphore, #tpu.memory_space<semaphore_mem>>) src(%dma_wait3A_1372 : memref<16x1024xf32, #tpu.memory_space<vmem>>) dst(%dma_wait3A_1368 : memref<16x1024xf32, #tpu.memory_space<hbm>>)
    %dma_start3A_1373 = arith.constant 3 : i32
    %dma_start3A_1374 = arith.constant 3 : i32
    %dma_start3A_1375 = arith.constant 0 : i32
    %dma_start3A_1376 = arith.constant 0 : i32
    %dma_start3A_1377 = tpu.memref_slice %arg6[%dma_start3A_1373, %dma_start3A_1375, %dma_start3A_1376] : memref<7x16x1024xf32, #tpu.memory_space<vmem>> -> memref<1x16x1024xf32, #tpu.memory_space<vmem>>
    %dma_start3A_1378 = tpu.memref_squeeze %dma_start3A_1377 : memref<1x16x1024xf32, #tpu.memory_space<vmem>> -> memref<16x1024xf32, #tpu.memory_space<vmem>>
    %dma_start3A_1379 = arith.constant 384 : i32
    %dma_start3A_1380 = tpu.memref_slice %arg5[%dma_start3A_1379] : memref<512xi32, #tpu.memory_space<vmem>> -> memref<16xi32, #tpu.memory_space<vmem>>
    %dma_start3A_1381 = arith.constant 0 : i32
    %dma_start3A_1382 = arith.constant 0 : i32
    %dma_start3A_1383 = tpu.memref_slice %arg3[%dma_start3A_1381, %dma_start3A_1382] : memref<100000x1024xf32, #tpu.memory_space<hbm>> -> memref<100000x1024xf32, #tpu.memory_space<hbm>>
    %dma_start3A_1384 = tpu.memref_slice %arg7[%dma_start3A_1374] : memref<7x!tpu.dma_semaphore, #tpu.memory_space<semaphore_mem>> -> memref<1x!tpu.dma_semaphore, #tpu.memory_space<semaphore_mem>>
    %dma_start3A_1385 = tpu.memref_squeeze %dma_start3A_1384 : memref<1x!tpu.dma_semaphore, #tpu.memory_space<semaphore_mem>> -> memref<!tpu.dma_semaphore, #tpu.memory_space<semaphore_mem>>
    tpu.enqueue_indirect_dma source(%dma_start3A_1383 : memref<100000x1024xf32, #tpu.memory_space<hbm>>) target(%dma_start3A_1378 : memref<16x1024xf32, #tpu.memory_space<vmem>>) offsets(%dma_start3A_1380 : memref<16xi32, #tpu.memory_space<vmem>>) semaphore(%dma_start3A_1385 : memref<!tpu.dma_semaphore, #tpu.memory_space<semaphore_mem>>)
    %dma_wait3A_1386 = arith.constant 6 : i32
    %dma_wait3A_1387 = arith.constant 6 : i32
    %dma_wait3A_1388 = arith.constant 0 : i32
    %dma_wait3A_1389 = arith.constant 0 : i32
    %dma_wait3A_1390 = tpu.memref_slice %arg6[%dma_wait3A_1386, %dma_wait3A_1388, %dma_wait3A_1389] : memref<7x16x1024xf32, #tpu.memory_space<vmem>> -> memref<1x16x1024xf32, #tpu.memory_space<vmem>>
    %dma_wait3A_1391 = tpu.memref_squeeze %dma_wait3A_1390 : memref<1x16x1024xf32, #tpu.memory_space<vmem>> -> memref<16x1024xf32, #tpu.memory_space<vmem>>
    %dma_wait3A_1392 = arith.constant 320 : i32
    %dma_wait3A_1393 = tpu.memref_slice %arg5[%dma_wait3A_1392] : memref<512xi32, #tpu.memory_space<vmem>> -> memref<16xi32, #tpu.memory_space<vmem>>
    %dma_wait3A_1394 = arith.constant 0 : i32
    %dma_wait3A_1395 = arith.constant 0 : i32
    %dma_wait3A_1396 = tpu.memref_slice %arg3[%dma_wait3A_1394, %dma_wait3A_1395] : memref<100000x1024xf32, #tpu.memory_space<hbm>> -> memref<100000x1024xf32, #tpu.memory_space<hbm>>
    %dma_wait3A_1397 = tpu.memref_slice %arg7[%dma_wait3A_1387] : memref<7x!tpu.dma_semaphore, #tpu.memory_space<semaphore_mem>> -> memref<1x!tpu.dma_semaphore, #tpu.memory_space<semaphore_mem>>
    %dma_wait3A_1398 = tpu.memref_squeeze %dma_wait3A_1397 : memref<1x!tpu.dma_semaphore, #tpu.memory_space<semaphore_mem>> -> memref<!tpu.dma_semaphore, #tpu.memory_space<semaphore_mem>>
    tpu.wait_indirect_dma semaphore(%dma_wait3A_1398 : memref<!tpu.dma_semaphore, #tpu.memory_space<semaphore_mem>>) src(%dma_wait3A_1396 : memref<100000x1024xf32, #tpu.memory_space<hbm>>) dst(%dma_wait3A_1391 : memref<16x1024xf32, #tpu.memory_space<vmem>>)
    %add3A_1399 = arith.constant 320 : i32
    %add3A_1400 = arith.addi %mul3A_32, %add3A_1399 : i32
    %dma_start3A_1401 = arith.constant 6 : i32
    %dma_start3A_1402 = arith.constant 6 : i32
    %dma_start3A_1403 = arith.constant 0 : i32
    %dma_start3A_1404 = arith.constant 0 : i32
    %dma_start3A_1405 = tpu.memref_slice %arg6[%dma_start3A_1401, %dma_start3A_1403, %dma_start3A_1404] : memref<7x16x1024xf32, #tpu.memory_space<vmem>> -> memref<1x16x1024xf32, #tpu.memory_space<vmem>>
    %dma_start3A_1406 = tpu.memref_squeeze %dma_start3A_1405 : memref<1x16x1024xf32, #tpu.memory_space<vmem>> -> memref<16x1024xf32, #tpu.memory_space<vmem>>
    %dma_start3A_1407 = arith.constant 0 : i32
    %dma_start3A_1408 = tpu.memref_slice %arg4[%select_n3A, %add3A_1400, %dma_start3A_1407] : memref<4x4096x1024xf32, #tpu.memory_space<hbm>> -> memref<1x16x1024xf32, #tpu.memory_space<hbm>>
    %dma_start3A_1409 = tpu.memref_squeeze %dma_start3A_1408 : memref<1x16x1024xf32, #tpu.memory_space<hbm>> -> memref<16x1024xf32, #tpu.memory_space<hbm>>
    %dma_start3A_1410 = tpu.memref_slice %arg8[%dma_start3A_1402] : memref<7x!tpu.dma_semaphore, #tpu.memory_space<semaphore_mem>> -> memref<1x!tpu.dma_semaphore, #tpu.memory_space<semaphore_mem>>
    %dma_start3A_1411 = tpu.memref_squeeze %dma_start3A_1410 : memref<1x!tpu.dma_semaphore, #tpu.memory_space<semaphore_mem>> -> memref<!tpu.dma_semaphore, #tpu.memory_space<semaphore_mem>>
    %dma_start3A_1412 = arith.constant 0 : i32
    %dma_start3A_1413 = tpu.memref_slice %arg4[%select_n3A, %add3A_1400, %dma_start3A_1412] : memref<4x4096x1024xf32, #tpu.memory_space<hbm>> -> memref<1x16x1024xf32, #tpu.memory_space<hbm>>
    %dma_start3A_1414 = tpu.memref_squeeze %dma_start3A_1413 : memref<1x16x1024xf32, #tpu.memory_space<hbm>> -> memref<16x1024xf32, #tpu.memory_space<hbm>>
    %dma_start3A_1415 = arith.constant 0 : i32
    %dma_start3A_1416 = arith.constant 0 : i32
    %dma_start3A_1417 = tpu.memref_slice %arg6[%dma_start3A_1401, %dma_start3A_1415, %dma_start3A_1416] : memref<7x16x1024xf32, #tpu.memory_space<vmem>> -> memref<1x16x1024xf32, #tpu.memory_space<vmem>>
    %dma_start3A_1418 = tpu.memref_squeeze %dma_start3A_1417 : memref<1x16x1024xf32, #tpu.memory_space<vmem>> -> memref<16x1024xf32, #tpu.memory_space<vmem>>
    tpu.enqueue_dma source(%dma_start3A_1418 : memref<16x1024xf32, #tpu.memory_space<vmem>>) target(%dma_start3A_1414 : memref<16x1024xf32, #tpu.memory_space<hbm>>) target_semaphore(%dma_start3A_1411 : memref<!tpu.dma_semaphore, #tpu.memory_space<semaphore_mem>>)
    %dma_wait3A_1419 = arith.constant 4 : i32
    %dma_wait3A_1420 = arith.constant 4 : i32
    %dma_wait3A_1421 = arith.constant 0 : i32
    %dma_wait3A_1422 = arith.constant 0 : i32
    %dma_wait3A_1423 = tpu.memref_slice %arg6[%dma_wait3A_1419, %dma_wait3A_1421, %dma_wait3A_1422] : memref<7x16x1024xf32, #tpu.memory_space<vmem>> -> memref<1x16x1024xf32, #tpu.memory_space<vmem>>
    %dma_wait3A_1424 = tpu.memref_squeeze %dma_wait3A_1423 : memref<1x16x1024xf32, #tpu.memory_space<vmem>> -> memref<16x1024xf32, #tpu.memory_space<vmem>>
    %dma_wait3A_1425 = arith.constant 0 : i32
    %dma_wait3A_1426 = tpu.memref_slice %arg4[%select_n3A, %add3A_1272, %dma_wait3A_1425] : memref<4x4096x1024xf32, #tpu.memory_space<hbm>> -> memref<1x16x1024xf32, #tpu.memory_space<hbm>>
    %dma_wait3A_1427 = tpu.memref_squeeze %dma_wait3A_1426 : memref<1x16x1024xf32, #tpu.memory_space<hbm>> -> memref<16x1024xf32, #tpu.memory_space<hbm>>
    %dma_wait3A_1428 = tpu.memref_slice %arg8[%dma_wait3A_1420] : memref<7x!tpu.dma_semaphore, #tpu.memory_space<semaphore_mem>> -> memref<1x!tpu.dma_semaphore, #tpu.memory_space<semaphore_mem>>
    %dma_wait3A_1429 = tpu.memref_squeeze %dma_wait3A_1428 : memref<1x!tpu.dma_semaphore, #tpu.memory_space<semaphore_mem>> -> memref<!tpu.dma_semaphore, #tpu.memory_space<semaphore_mem>>
    %dma_wait3A_1430 = arith.constant 0 : i32
    %dma_wait3A_1431 = tpu.memref_slice %arg4[%select_n3A, %add3A_1272, %dma_wait3A_1430] : memref<4x4096x1024xf32, #tpu.memory_space<hbm>> -> memref<1x16x1024xf32, #tpu.memory_space<hbm>>
    %dma_wait3A_1432 = tpu.memref_squeeze %dma_wait3A_1431 : memref<1x16x1024xf32, #tpu.memory_space<hbm>> -> memref<16x1024xf32, #tpu.memory_space<hbm>>
    %dma_wait3A_1433 = arith.constant 0 : i32
    %dma_wait3A_1434 = arith.constant 0 : i32
    %dma_wait3A_1435 = tpu.memref_slice %arg6[%dma_wait3A_1419, %dma_wait3A_1433, %dma_wait3A_1434] : memref<7x16x1024xf32, #tpu.memory_space<vmem>> -> memref<1x16x1024xf32, #tpu.memory_space<vmem>>
    %dma_wait3A_1436 = tpu.memref_squeeze %dma_wait3A_1435 : memref<1x16x1024xf32, #tpu.memory_space<vmem>> -> memref<16x1024xf32, #tpu.memory_space<vmem>>
    tpu.wait_dma2 semaphore(%dma_wait3A_1429 : memref<!tpu.dma_semaphore, #tpu.memory_space<semaphore_mem>>) src(%dma_wait3A_1436 : memref<16x1024xf32, #tpu.memory_space<vmem>>) dst(%dma_wait3A_1432 : memref<16x1024xf32, #tpu.memory_space<hbm>>)
    %dma_start3A_1437 = arith.constant 4 : i32
    %dma_start3A_1438 = arith.constant 4 : i32
    %dma_start3A_1439 = arith.constant 0 : i32
    %dma_start3A_1440 = arith.constant 0 : i32
    %dma_start3A_1441 = tpu.memref_slice %arg6[%dma_start3A_1437, %dma_start3A_1439, %dma_start3A_1440] : memref<7x16x1024xf32, #tpu.memory_space<vmem>> -> memref<1x16x1024xf32, #tpu.memory_space<vmem>>
    %dma_start3A_1442 = tpu.memref_squeeze %dma_start3A_1441 : memref<1x16x1024xf32, #tpu.memory_space<vmem>> -> memref<16x1024xf32, #tpu.memory_space<vmem>>
    %dma_start3A_1443 = arith.constant 400 : i32
    %dma_start3A_1444 = tpu.memref_slice %arg5[%dma_start3A_1443] : memref<512xi32, #tpu.memory_space<vmem>> -> memref<16xi32, #tpu.memory_space<vmem>>
    %dma_start3A_1445 = arith.constant 0 : i32
    %dma_start3A_1446 = arith.constant 0 : i32
    %dma_start3A_1447 = tpu.memref_slice %arg3[%dma_start3A_1445, %dma_start3A_1446] : memref<100000x1024xf32, #tpu.memory_space<hbm>> -> memref<100000x1024xf32, #tpu.memory_space<hbm>>
    %dma_start3A_1448 = tpu.memref_slice %arg7[%dma_start3A_1438] : memref<7x!tpu.dma_semaphore, #tpu.memory_space<semaphore_mem>> -> memref<1x!tpu.dma_semaphore, #tpu.memory_space<semaphore_mem>>
    %dma_start3A_1449 = tpu.memref_squeeze %dma_start3A_1448 : memref<1x!tpu.dma_semaphore, #tpu.memory_space<semaphore_mem>> -> memref<!tpu.dma_semaphore, #tpu.memory_space<semaphore_mem>>
    tpu.enqueue_indirect_dma source(%dma_start3A_1447 : memref<100000x1024xf32, #tpu.memory_space<hbm>>) target(%dma_start3A_1442 : memref<16x1024xf32, #tpu.memory_space<vmem>>) offsets(%dma_start3A_1444 : memref<16xi32, #tpu.memory_space<vmem>>) semaphore(%dma_start3A_1449 : memref<!tpu.dma_semaphore, #tpu.memory_space<semaphore_mem>>)
    %dma_wait3A_1450 = arith.constant 0 : i32
    %dma_wait3A_1451 = arith.constant 0 : i32
    %dma_wait3A_1452 = arith.constant 0 : i32
    %dma_wait3A_1453 = arith.constant 0 : i32
    %dma_wait3A_1454 = tpu.memref_slice %arg6[%dma_wait3A_1450, %dma_wait3A_1452, %dma_wait3A_1453] : memref<7x16x1024xf32, #tpu.memory_space<vmem>> -> memref<1x16x1024xf32, #tpu.memory_space<vmem>>
    %dma_wait3A_1455 = tpu.memref_squeeze %dma_wait3A_1454 : memref<1x16x1024xf32, #tpu.memory_space<vmem>> -> memref<16x1024xf32, #tpu.memory_space<vmem>>
    %dma_wait3A_1456 = arith.constant 336 : i32
    %dma_wait3A_1457 = tpu.memref_slice %arg5[%dma_wait3A_1456] : memref<512xi32, #tpu.memory_space<vmem>> -> memref<16xi32, #tpu.memory_space<vmem>>
    %dma_wait3A_1458 = arith.constant 0 : i32
    %dma_wait3A_1459 = arith.constant 0 : i32
    %dma_wait3A_1460 = tpu.memref_slice %arg3[%dma_wait3A_1458, %dma_wait3A_1459] : memref<100000x1024xf32, #tpu.memory_space<hbm>> -> memref<100000x1024xf32, #tpu.memory_space<hbm>>
    %dma_wait3A_1461 = tpu.memref_slice %arg7[%dma_wait3A_1451] : memref<7x!tpu.dma_semaphore, #tpu.memory_space<semaphore_mem>> -> memref<1x!tpu.dma_semaphore, #tpu.memory_space<semaphore_mem>>
    %dma_wait3A_1462 = tpu.memref_squeeze %dma_wait3A_1461 : memref<1x!tpu.dma_semaphore, #tpu.memory_space<semaphore_mem>> -> memref<!tpu.dma_semaphore, #tpu.memory_space<semaphore_mem>>
    tpu.wait_indirect_dma semaphore(%dma_wait3A_1462 : memref<!tpu.dma_semaphore, #tpu.memory_space<semaphore_mem>>) src(%dma_wait3A_1460 : memref<100000x1024xf32, #tpu.memory_space<hbm>>) dst(%dma_wait3A_1455 : memref<16x1024xf32, #tpu.memory_space<vmem>>)
    %add3A_1463 = arith.constant 336 : i32
    %add3A_1464 = arith.addi %mul3A_32, %add3A_1463 : i32
    %dma_start3A_1465 = arith.constant 0 : i32
    %dma_start3A_1466 = arith.constant 0 : i32
    %dma_start3A_1467 = arith.constant 0 : i32
    %dma_start3A_1468 = arith.constant 0 : i32
    %dma_start3A_1469 = tpu.memref_slice %arg6[%dma_start3A_1465, %dma_start3A_1467, %dma_start3A_1468] : memref<7x16x1024xf32, #tpu.memory_space<vmem>> -> memref<1x16x1024xf32, #tpu.memory_space<vmem>>
    %dma_start3A_1470 = tpu.memref_squeeze %dma_start3A_1469 : memref<1x16x1024xf32, #tpu.memory_space<vmem>> -> memref<16x1024xf32, #tpu.memory_space<vmem>>
    %dma_start3A_1471 = arith.constant 0 : i32
    %dma_start3A_1472 = tpu.memref_slice %arg4[%select_n3A, %add3A_1464, %dma_start3A_1471] : memref<4x4096x1024xf32, #tpu.memory_space<hbm>> -> memref<1x16x1024xf32, #tpu.memory_space<hbm>>
    %dma_start3A_1473 = tpu.memref_squeeze %dma_start3A_1472 : memref<1x16x1024xf32, #tpu.memory_space<hbm>> -> memref<16x1024xf32, #tpu.memory_space<hbm>>
    %dma_start3A_1474 = tpu.memref_slice %arg8[%dma_start3A_1466] : memref<7x!tpu.dma_semaphore, #tpu.memory_space<semaphore_mem>> -> memref<1x!tpu.dma_semaphore, #tpu.memory_space<semaphore_mem>>
    %dma_start3A_1475 = tpu.memref_squeeze %dma_start3A_1474 : memref<1x!tpu.dma_semaphore, #tpu.memory_space<semaphore_mem>> -> memref<!tpu.dma_semaphore, #tpu.memory_space<semaphore_mem>>
    %dma_start3A_1476 = arith.constant 0 : i32
    %dma_start3A_1477 = tpu.memref_slice %arg4[%select_n3A, %add3A_1464, %dma_start3A_1476] : memref<4x4096x1024xf32, #tpu.memory_space<hbm>> -> memref<1x16x1024xf32, #tpu.memory_space<hbm>>
    %dma_start3A_1478 = tpu.memref_squeeze %dma_start3A_1477 : memref<1x16x1024xf32, #tpu.memory_space<hbm>> -> memref<16x1024xf32, #tpu.memory_space<hbm>>
    %dma_start3A_1479 = arith.constant 0 : i32
    %dma_start3A_1480 = arith.constant 0 : i32
    %dma_start3A_1481 = tpu.memref_slice %arg6[%dma_start3A_1465, %dma_start3A_1479, %dma_start3A_1480] : memref<7x16x1024xf32, #tpu.memory_space<vmem>> -> memref<1x16x1024xf32, #tpu.memory_space<vmem>>
    %dma_start3A_1482 = tpu.memref_squeeze %dma_start3A_1481 : memref<1x16x1024xf32, #tpu.memory_space<vmem>> -> memref<16x1024xf32, #tpu.memory_space<vmem>>
    tpu.enqueue_dma source(%dma_start3A_1482 : memref<16x1024xf32, #tpu.memory_space<vmem>>) target(%dma_start3A_1478 : memref<16x1024xf32, #tpu.memory_space<hbm>>) target_semaphore(%dma_start3A_1475 : memref<!tpu.dma_semaphore, #tpu.memory_space<semaphore_mem>>)
    %dma_wait3A_1483 = arith.constant 5 : i32
    %dma_wait3A_1484 = arith.constant 5 : i32
    %dma_wait3A_1485 = arith.constant 0 : i32
    %dma_wait3A_1486 = arith.constant 0 : i32
    %dma_wait3A_1487 = tpu.memref_slice %arg6[%dma_wait3A_1483, %dma_wait3A_1485, %dma_wait3A_1486] : memref<7x16x1024xf32, #tpu.memory_space<vmem>> -> memref<1x16x1024xf32, #tpu.memory_space<vmem>>
    %dma_wait3A_1488 = tpu.memref_squeeze %dma_wait3A_1487 : memref<1x16x1024xf32, #tpu.memory_space<vmem>> -> memref<16x1024xf32, #tpu.memory_space<vmem>>
    %dma_wait3A_1489 = arith.constant 0 : i32
    %dma_wait3A_1490 = tpu.memref_slice %arg4[%select_n3A, %add3A_1336, %dma_wait3A_1489] : memref<4x4096x1024xf32, #tpu.memory_space<hbm>> -> memref<1x16x1024xf32, #tpu.memory_space<hbm>>
    %dma_wait3A_1491 = tpu.memref_squeeze %dma_wait3A_1490 : memref<1x16x1024xf32, #tpu.memory_space<hbm>> -> memref<16x1024xf32, #tpu.memory_space<hbm>>
    %dma_wait3A_1492 = tpu.memref_slice %arg8[%dma_wait3A_1484] : memref<7x!tpu.dma_semaphore, #tpu.memory_space<semaphore_mem>> -> memref<1x!tpu.dma_semaphore, #tpu.memory_space<semaphore_mem>>
    %dma_wait3A_1493 = tpu.memref_squeeze %dma_wait3A_1492 : memref<1x!tpu.dma_semaphore, #tpu.memory_space<semaphore_mem>> -> memref<!tpu.dma_semaphore, #tpu.memory_space<semaphore_mem>>
    %dma_wait3A_1494 = arith.constant 0 : i32
    %dma_wait3A_1495 = tpu.memref_slice %arg4[%select_n3A, %add3A_1336, %dma_wait3A_1494] : memref<4x4096x1024xf32, #tpu.memory_space<hbm>> -> memref<1x16x1024xf32, #tpu.memory_space<hbm>>
    %dma_wait3A_1496 = tpu.memref_squeeze %dma_wait3A_1495 : memref<1x16x1024xf32, #tpu.memory_space<hbm>> -> memref<16x1024xf32, #tpu.memory_space<hbm>>
    %dma_wait3A_1497 = arith.constant 0 : i32
    %dma_wait3A_1498 = arith.constant 0 : i32
    %dma_wait3A_1499 = tpu.memref_slice %arg6[%dma_wait3A_1483, %dma_wait3A_1497, %dma_wait3A_1498] : memref<7x16x1024xf32, #tpu.memory_space<vmem>> -> memref<1x16x1024xf32, #tpu.memory_space<vmem>>
    %dma_wait3A_1500 = tpu.memref_squeeze %dma_wait3A_1499 : memref<1x16x1024xf32, #tpu.memory_space<vmem>> -> memref<16x1024xf32, #tpu.memory_space<vmem>>
    tpu.wait_dma2 semaphore(%dma_wait3A_1493 : memref<!tpu.dma_semaphore, #tpu.memory_space<semaphore_mem>>) src(%dma_wait3A_1500 : memref<16x1024xf32, #tpu.memory_space<vmem>>) dst(%dma_wait3A_1496 : memref<16x1024xf32, #tpu.memory_space<hbm>>)
    %dma_start3A_1501 = arith.constant 5 : i32
    %dma_start3A_1502 = arith.constant 5 : i32
    %dma_start3A_1503 = arith.constant 0 : i32
    %dma_start3A_1504 = arith.constant 0 : i32
    %dma_start3A_1505 = tpu.memref_slice %arg6[%dma_start3A_1501, %dma_start3A_1503, %dma_start3A_1504] : memref<7x16x1024xf32, #tpu.memory_space<vmem>> -> memref<1x16x1024xf32, #tpu.memory_space<vmem>>
    %dma_start3A_1506 = tpu.memref_squeeze %dma_start3A_1505 : memref<1x16x1024xf32, #tpu.memory_space<vmem>> -> memref<16x1024xf32, #tpu.memory_space<vmem>>
    %dma_start3A_1507 = arith.constant 416 : i32
    %dma_start3A_1508 = tpu.memref_slice %arg5[%dma_start3A_1507] : memref<512xi32, #tpu.memory_space<vmem>> -> memref<16xi32, #tpu.memory_space<vmem>>
    %dma_start3A_1509 = arith.constant 0 : i32
    %dma_start3A_1510 = arith.constant 0 : i32
    %dma_start3A_1511 = tpu.memref_slice %arg3[%dma_start3A_1509, %dma_start3A_1510] : memref<100000x1024xf32, #tpu.memory_space<hbm>> -> memref<100000x1024xf32, #tpu.memory_space<hbm>>
    %dma_start3A_1512 = tpu.memref_slice %arg7[%dma_start3A_1502] : memref<7x!tpu.dma_semaphore, #tpu.memory_space<semaphore_mem>> -> memref<1x!tpu.dma_semaphore, #tpu.memory_space<semaphore_mem>>
    %dma_start3A_1513 = tpu.memref_squeeze %dma_start3A_1512 : memref<1x!tpu.dma_semaphore, #tpu.memory_space<semaphore_mem>> -> memref<!tpu.dma_semaphore, #tpu.memory_space<semaphore_mem>>
    tpu.enqueue_indirect_dma source(%dma_start3A_1511 : memref<100000x1024xf32, #tpu.memory_space<hbm>>) target(%dma_start3A_1506 : memref<16x1024xf32, #tpu.memory_space<vmem>>) offsets(%dma_start3A_1508 : memref<16xi32, #tpu.memory_space<vmem>>) semaphore(%dma_start3A_1513 : memref<!tpu.dma_semaphore, #tpu.memory_space<semaphore_mem>>)
    %dma_wait3A_1514 = arith.constant 1 : i32
    %dma_wait3A_1515 = arith.constant 1 : i32
    %dma_wait3A_1516 = arith.constant 0 : i32
    %dma_wait3A_1517 = arith.constant 0 : i32
    %dma_wait3A_1518 = tpu.memref_slice %arg6[%dma_wait3A_1514, %dma_wait3A_1516, %dma_wait3A_1517] : memref<7x16x1024xf32, #tpu.memory_space<vmem>> -> memref<1x16x1024xf32, #tpu.memory_space<vmem>>
    %dma_wait3A_1519 = tpu.memref_squeeze %dma_wait3A_1518 : memref<1x16x1024xf32, #tpu.memory_space<vmem>> -> memref<16x1024xf32, #tpu.memory_space<vmem>>
    %dma_wait3A_1520 = arith.constant 352 : i32
    %dma_wait3A_1521 = tpu.memref_slice %arg5[%dma_wait3A_1520] : memref<512xi32, #tpu.memory_space<vmem>> -> memref<16xi32, #tpu.memory_space<vmem>>
    %dma_wait3A_1522 = arith.constant 0 : i32
    %dma_wait3A_1523 = arith.constant 0 : i32
    %dma_wait3A_1524 = tpu.memref_slice %arg3[%dma_wait3A_1522, %dma_wait3A_1523] : memref<100000x1024xf32, #tpu.memory_space<hbm>> -> memref<100000x1024xf32, #tpu.memory_space<hbm>>
    %dma_wait3A_1525 = tpu.memref_slice %arg7[%dma_wait3A_1515] : memref<7x!tpu.dma_semaphore, #tpu.memory_space<semaphore_mem>> -> memref<1x!tpu.dma_semaphore, #tpu.memory_space<semaphore_mem>>
    %dma_wait3A_1526 = tpu.memref_squeeze %dma_wait3A_1525 : memref<1x!tpu.dma_semaphore, #tpu.memory_space<semaphore_mem>> -> memref<!tpu.dma_semaphore, #tpu.memory_space<semaphore_mem>>
    tpu.wait_indirect_dma semaphore(%dma_wait3A_1526 : memref<!tpu.dma_semaphore, #tpu.memory_space<semaphore_mem>>) src(%dma_wait3A_1524 : memref<100000x1024xf32, #tpu.memory_space<hbm>>) dst(%dma_wait3A_1519 : memref<16x1024xf32, #tpu.memory_space<vmem>>)
    %add3A_1527 = arith.constant 352 : i32
    %add3A_1528 = arith.addi %mul3A_32, %add3A_1527 : i32
    %dma_start3A_1529 = arith.constant 1 : i32
    %dma_start3A_1530 = arith.constant 1 : i32
    %dma_start3A_1531 = arith.constant 0 : i32
    %dma_start3A_1532 = arith.constant 0 : i32
    %dma_start3A_1533 = tpu.memref_slice %arg6[%dma_start3A_1529, %dma_start3A_1531, %dma_start3A_1532] : memref<7x16x1024xf32, #tpu.memory_space<vmem>> -> memref<1x16x1024xf32, #tpu.memory_space<vmem>>
    %dma_start3A_1534 = tpu.memref_squeeze %dma_start3A_1533 : memref<1x16x1024xf32, #tpu.memory_space<vmem>> -> memref<16x1024xf32, #tpu.memory_space<vmem>>
    %dma_start3A_1535 = arith.constant 0 : i32
    %dma_start3A_1536 = tpu.memref_slice %arg4[%select_n3A, %add3A_1528, %dma_start3A_1535] : memref<4x4096x1024xf32, #tpu.memory_space<hbm>> -> memref<1x16x1024xf32, #tpu.memory_space<hbm>>
    %dma_start3A_1537 = tpu.memref_squeeze %dma_start3A_1536 : memref<1x16x1024xf32, #tpu.memory_space<hbm>> -> memref<16x1024xf32, #tpu.memory_space<hbm>>
    %dma_start3A_1538 = tpu.memref_slice %arg8[%dma_start3A_1530] : memref<7x!tpu.dma_semaphore, #tpu.memory_space<semaphore_mem>> -> memref<1x!tpu.dma_semaphore, #tpu.memory_space<semaphore_mem>>
    %dma_start3A_1539 = tpu.memref_squeeze %dma_start3A_1538 : memref<1x!tpu.dma_semaphore, #tpu.memory_space<semaphore_mem>> -> memref<!tpu.dma_semaphore, #tpu.memory_space<semaphore_mem>>
    %dma_start3A_1540 = arith.constant 0 : i32
    %dma_start3A_1541 = tpu.memref_slice %arg4[%select_n3A, %add3A_1528, %dma_start3A_1540] : memref<4x4096x1024xf32, #tpu.memory_space<hbm>> -> memref<1x16x1024xf32, #tpu.memory_space<hbm>>
    %dma_start3A_1542 = tpu.memref_squeeze %dma_start3A_1541 : memref<1x16x1024xf32, #tpu.memory_space<hbm>> -> memref<16x1024xf32, #tpu.memory_space<hbm>>
    %dma_start3A_1543 = arith.constant 0 : i32
    %dma_start3A_1544 = arith.constant 0 : i32
    %dma_start3A_1545 = tpu.memref_slice %arg6[%dma_start3A_1529, %dma_start3A_1543, %dma_start3A_1544] : memref<7x16x1024xf32, #tpu.memory_space<vmem>> -> memref<1x16x1024xf32, #tpu.memory_space<vmem>>
    %dma_start3A_1546 = tpu.memref_squeeze %dma_start3A_1545 : memref<1x16x1024xf32, #tpu.memory_space<vmem>> -> memref<16x1024xf32, #tpu.memory_space<vmem>>
    tpu.enqueue_dma source(%dma_start3A_1546 : memref<16x1024xf32, #tpu.memory_space<vmem>>) target(%dma_start3A_1542 : memref<16x1024xf32, #tpu.memory_space<hbm>>) target_semaphore(%dma_start3A_1539 : memref<!tpu.dma_semaphore, #tpu.memory_space<semaphore_mem>>)
    %dma_wait3A_1547 = arith.constant 6 : i32
    %dma_wait3A_1548 = arith.constant 6 : i32
    %dma_wait3A_1549 = arith.constant 0 : i32
    %dma_wait3A_1550 = arith.constant 0 : i32
    %dma_wait3A_1551 = tpu.memref_slice %arg6[%dma_wait3A_1547, %dma_wait3A_1549, %dma_wait3A_1550] : memref<7x16x1024xf32, #tpu.memory_space<vmem>> -> memref<1x16x1024xf32, #tpu.memory_space<vmem>>
    %dma_wait3A_1552 = tpu.memref_squeeze %dma_wait3A_1551 : memref<1x16x1024xf32, #tpu.memory_space<vmem>> -> memref<16x1024xf32, #tpu.memory_space<vmem>>
    %dma_wait3A_1553 = arith.constant 0 : i32
    %dma_wait3A_1554 = tpu.memref_slice %arg4[%select_n3A, %add3A_1400, %dma_wait3A_1553] : memref<4x4096x1024xf32, #tpu.memory_space<hbm>> -> memref<1x16x1024xf32, #tpu.memory_space<hbm>>
    %dma_wait3A_1555 = tpu.memref_squeeze %dma_wait3A_1554 : memref<1x16x1024xf32, #tpu.memory_space<hbm>> -> memref<16x1024xf32, #tpu.memory_space<hbm>>
    %dma_wait3A_1556 = tpu.memref_slice %arg8[%dma_wait3A_1548] : memref<7x!tpu.dma_semaphore, #tpu.memory_space<semaphore_mem>> -> memref<1x!tpu.dma_semaphore, #tpu.memory_space<semaphore_mem>>
    %dma_wait3A_1557 = tpu.memref_squeeze %dma_wait3A_1556 : memref<1x!tpu.dma_semaphore, #tpu.memory_space<semaphore_mem>> -> memref<!tpu.dma_semaphore, #tpu.memory_space<semaphore_mem>>
    %dma_wait3A_1558 = arith.constant 0 : i32
    %dma_wait3A_1559 = tpu.memref_slice %arg4[%select_n3A, %add3A_1400, %dma_wait3A_1558] : memref<4x4096x1024xf32, #tpu.memory_space<hbm>> -> memref<1x16x1024xf32, #tpu.memory_space<hbm>>
    %dma_wait3A_1560 = tpu.memref_squeeze %dma_wait3A_1559 : memref<1x16x1024xf32, #tpu.memory_space<hbm>> -> memref<16x1024xf32, #tpu.memory_space<hbm>>
    %dma_wait3A_1561 = arith.constant 0 : i32
    %dma_wait3A_1562 = arith.constant 0 : i32
    %dma_wait3A_1563 = tpu.memref_slice %arg6[%dma_wait3A_1547, %dma_wait3A_1561, %dma_wait3A_1562] : memref<7x16x1024xf32, #tpu.memory_space<vmem>> -> memref<1x16x1024xf32, #tpu.memory_space<vmem>>
    %dma_wait3A_1564 = tpu.memref_squeeze %dma_wait3A_1563 : memref<1x16x1024xf32, #tpu.memory_space<vmem>> -> memref<16x1024xf32, #tpu.memory_space<vmem>>
    tpu.wait_dma2 semaphore(%dma_wait3A_1557 : memref<!tpu.dma_semaphore, #tpu.memory_space<semaphore_mem>>) src(%dma_wait3A_1564 : memref<16x1024xf32, #tpu.memory_space<vmem>>) dst(%dma_wait3A_1560 : memref<16x1024xf32, #tpu.memory_space<hbm>>)
    %dma_start3A_1565 = arith.constant 6 : i32
    %dma_start3A_1566 = arith.constant 6 : i32
    %dma_start3A_1567 = arith.constant 0 : i32
    %dma_start3A_1568 = arith.constant 0 : i32
    %dma_start3A_1569 = tpu.memref_slice %arg6[%dma_start3A_1565, %dma_start3A_1567, %dma_start3A_1568] : memref<7x16x1024xf32, #tpu.memory_space<vmem>> -> memref<1x16x1024xf32, #tpu.memory_space<vmem>>
    %dma_start3A_1570 = tpu.memref_squeeze %dma_start3A_1569 : memref<1x16x1024xf32, #tpu.memory_space<vmem>> -> memref<16x1024xf32, #tpu.memory_space<vmem>>
    %dma_start3A_1571 = arith.constant 432 : i32
    %dma_start3A_1572 = tpu.memref_slice %arg5[%dma_start3A_1571] : memref<512xi32, #tpu.memory_space<vmem>> -> memref<16xi32, #tpu.memory_space<vmem>>
    %dma_start3A_1573 = arith.constant 0 : i32
    %dma_start3A_1574 = arith.constant 0 : i32
    %dma_start3A_1575 = tpu.memref_slice %arg3[%dma_start3A_1573, %dma_start3A_1574] : memref<100000x1024xf32, #tpu.memory_space<hbm>> -> memref<100000x1024xf32, #tpu.memory_space<hbm>>
    %dma_start3A_1576 = tpu.memref_slice %arg7[%dma_start3A_1566] : memref<7x!tpu.dma_semaphore, #tpu.memory_space<semaphore_mem>> -> memref<1x!tpu.dma_semaphore, #tpu.memory_space<semaphore_mem>>
    %dma_start3A_1577 = tpu.memref_squeeze %dma_start3A_1576 : memref<1x!tpu.dma_semaphore, #tpu.memory_space<semaphore_mem>> -> memref<!tpu.dma_semaphore, #tpu.memory_space<semaphore_mem>>
    tpu.enqueue_indirect_dma source(%dma_start3A_1575 : memref<100000x1024xf32, #tpu.memory_space<hbm>>) target(%dma_start3A_1570 : memref<16x1024xf32, #tpu.memory_space<vmem>>) offsets(%dma_start3A_1572 : memref<16xi32, #tpu.memory_space<vmem>>) semaphore(%dma_start3A_1577 : memref<!tpu.dma_semaphore, #tpu.memory_space<semaphore_mem>>)
    %dma_wait3A_1578 = arith.constant 2 : i32
    %dma_wait3A_1579 = arith.constant 2 : i32
    %dma_wait3A_1580 = arith.constant 0 : i32
    %dma_wait3A_1581 = arith.constant 0 : i32
    %dma_wait3A_1582 = tpu.memref_slice %arg6[%dma_wait3A_1578, %dma_wait3A_1580, %dma_wait3A_1581] : memref<7x16x1024xf32, #tpu.memory_space<vmem>> -> memref<1x16x1024xf32, #tpu.memory_space<vmem>>
    %dma_wait3A_1583 = tpu.memref_squeeze %dma_wait3A_1582 : memref<1x16x1024xf32, #tpu.memory_space<vmem>> -> memref<16x1024xf32, #tpu.memory_space<vmem>>
    %dma_wait3A_1584 = arith.constant 368 : i32
    %dma_wait3A_1585 = tpu.memref_slice %arg5[%dma_wait3A_1584] : memref<512xi32, #tpu.memory_space<vmem>> -> memref<16xi32, #tpu.memory_space<vmem>>
    %dma_wait3A_1586 = arith.constant 0 : i32
    %dma_wait3A_1587 = arith.constant 0 : i32
    %dma_wait3A_1588 = tpu.memref_slice %arg3[%dma_wait3A_1586, %dma_wait3A_1587] : memref<100000x1024xf32, #tpu.memory_space<hbm>> -> memref<100000x1024xf32, #tpu.memory_space<hbm>>
    %dma_wait3A_1589 = tpu.memref_slice %arg7[%dma_wait3A_1579] : memref<7x!tpu.dma_semaphore, #tpu.memory_space<semaphore_mem>> -> memref<1x!tpu.dma_semaphore, #tpu.memory_space<semaphore_mem>>
    %dma_wait3A_1590 = tpu.memref_squeeze %dma_wait3A_1589 : memref<1x!tpu.dma_semaphore, #tpu.memory_space<semaphore_mem>> -> memref<!tpu.dma_semaphore, #tpu.memory_space<semaphore_mem>>
    tpu.wait_indirect_dma semaphore(%dma_wait3A_1590 : memref<!tpu.dma_semaphore, #tpu.memory_space<semaphore_mem>>) src(%dma_wait3A_1588 : memref<100000x1024xf32, #tpu.memory_space<hbm>>) dst(%dma_wait3A_1583 : memref<16x1024xf32, #tpu.memory_space<vmem>>)
    %add3A_1591 = arith.constant 368 : i32
    %add3A_1592 = arith.addi %mul3A_32, %add3A_1591 : i32
    %dma_start3A_1593 = arith.constant 2 : i32
    %dma_start3A_1594 = arith.constant 2 : i32
    %dma_start3A_1595 = arith.constant 0 : i32
    %dma_start3A_1596 = arith.constant 0 : i32
    %dma_start3A_1597 = tpu.memref_slice %arg6[%dma_start3A_1593, %dma_start3A_1595, %dma_start3A_1596] : memref<7x16x1024xf32, #tpu.memory_space<vmem>> -> memref<1x16x1024xf32, #tpu.memory_space<vmem>>
    %dma_start3A_1598 = tpu.memref_squeeze %dma_start3A_1597 : memref<1x16x1024xf32, #tpu.memory_space<vmem>> -> memref<16x1024xf32, #tpu.memory_space<vmem>>
    %dma_start3A_1599 = arith.constant 0 : i32
    %dma_start3A_1600 = tpu.memref_slice %arg4[%select_n3A, %add3A_1592, %dma_start3A_1599] : memref<4x4096x1024xf32, #tpu.memory_space<hbm>> -> memref<1x16x1024xf32, #tpu.memory_space<hbm>>
    %dma_start3A_1601 = tpu.memref_squeeze %dma_start3A_1600 : memref<1x16x1024xf32, #tpu.memory_space<hbm>> -> memref<16x1024xf32, #tpu.memory_space<hbm>>
    %dma_start3A_1602 = tpu.memref_slice %arg8[%dma_start3A_1594] : memref<7x!tpu.dma_semaphore, #tpu.memory_space<semaphore_mem>> -> memref<1x!tpu.dma_semaphore, #tpu.memory_space<semaphore_mem>>
    %dma_start3A_1603 = tpu.memref_squeeze %dma_start3A_1602 : memref<1x!tpu.dma_semaphore, #tpu.memory_space<semaphore_mem>> -> memref<!tpu.dma_semaphore, #tpu.memory_space<semaphore_mem>>
    %dma_start3A_1604 = arith.constant 0 : i32
    %dma_start3A_1605 = tpu.memref_slice %arg4[%select_n3A, %add3A_1592, %dma_start3A_1604] : memref<4x4096x1024xf32, #tpu.memory_space<hbm>> -> memref<1x16x1024xf32, #tpu.memory_space<hbm>>
    %dma_start3A_1606 = tpu.memref_squeeze %dma_start3A_1605 : memref<1x16x1024xf32, #tpu.memory_space<hbm>> -> memref<16x1024xf32, #tpu.memory_space<hbm>>
    %dma_start3A_1607 = arith.constant 0 : i32
    %dma_start3A_1608 = arith.constant 0 : i32
    %dma_start3A_1609 = tpu.memref_slice %arg6[%dma_start3A_1593, %dma_start3A_1607, %dma_start3A_1608] : memref<7x16x1024xf32, #tpu.memory_space<vmem>> -> memref<1x16x1024xf32, #tpu.memory_space<vmem>>
    %dma_start3A_1610 = tpu.memref_squeeze %dma_start3A_1609 : memref<1x16x1024xf32, #tpu.memory_space<vmem>> -> memref<16x1024xf32, #tpu.memory_space<vmem>>
    tpu.enqueue_dma source(%dma_start3A_1610 : memref<16x1024xf32, #tpu.memory_space<vmem>>) target(%dma_start3A_1606 : memref<16x1024xf32, #tpu.memory_space<hbm>>) target_semaphore(%dma_start3A_1603 : memref<!tpu.dma_semaphore, #tpu.memory_space<semaphore_mem>>)
    %dma_wait3A_1611 = arith.constant 0 : i32
    %dma_wait3A_1612 = arith.constant 0 : i32
    %dma_wait3A_1613 = arith.constant 0 : i32
    %dma_wait3A_1614 = arith.constant 0 : i32
    %dma_wait3A_1615 = tpu.memref_slice %arg6[%dma_wait3A_1611, %dma_wait3A_1613, %dma_wait3A_1614] : memref<7x16x1024xf32, #tpu.memory_space<vmem>> -> memref<1x16x1024xf32, #tpu.memory_space<vmem>>
    %dma_wait3A_1616 = tpu.memref_squeeze %dma_wait3A_1615 : memref<1x16x1024xf32, #tpu.memory_space<vmem>> -> memref<16x1024xf32, #tpu.memory_space<vmem>>
    %dma_wait3A_1617 = arith.constant 0 : i32
    %dma_wait3A_1618 = tpu.memref_slice %arg4[%select_n3A, %add3A_1464, %dma_wait3A_1617] : memref<4x4096x1024xf32, #tpu.memory_space<hbm>> -> memref<1x16x1024xf32, #tpu.memory_space<hbm>>
    %dma_wait3A_1619 = tpu.memref_squeeze %dma_wait3A_1618 : memref<1x16x1024xf32, #tpu.memory_space<hbm>> -> memref<16x1024xf32, #tpu.memory_space<hbm>>
    %dma_wait3A_1620 = tpu.memref_slice %arg8[%dma_wait3A_1612] : memref<7x!tpu.dma_semaphore, #tpu.memory_space<semaphore_mem>> -> memref<1x!tpu.dma_semaphore, #tpu.memory_space<semaphore_mem>>
    %dma_wait3A_1621 = tpu.memref_squeeze %dma_wait3A_1620 : memref<1x!tpu.dma_semaphore, #tpu.memory_space<semaphore_mem>> -> memref<!tpu.dma_semaphore, #tpu.memory_space<semaphore_mem>>
    %dma_wait3A_1622 = arith.constant 0 : i32
    %dma_wait3A_1623 = tpu.memref_slice %arg4[%select_n3A, %add3A_1464, %dma_wait3A_1622] : memref<4x4096x1024xf32, #tpu.memory_space<hbm>> -> memref<1x16x1024xf32, #tpu.memory_space<hbm>>
    %dma_wait3A_1624 = tpu.memref_squeeze %dma_wait3A_1623 : memref<1x16x1024xf32, #tpu.memory_space<hbm>> -> memref<16x1024xf32, #tpu.memory_space<hbm>>
    %dma_wait3A_1625 = arith.constant 0 : i32
    %dma_wait3A_1626 = arith.constant 0 : i32
    %dma_wait3A_1627 = tpu.memref_slice %arg6[%dma_wait3A_1611, %dma_wait3A_1625, %dma_wait3A_1626] : memref<7x16x1024xf32, #tpu.memory_space<vmem>> -> memref<1x16x1024xf32, #tpu.memory_space<vmem>>
    %dma_wait3A_1628 = tpu.memref_squeeze %dma_wait3A_1627 : memref<1x16x1024xf32, #tpu.memory_space<vmem>> -> memref<16x1024xf32, #tpu.memory_space<vmem>>
    tpu.wait_dma2 semaphore(%dma_wait3A_1621 : memref<!tpu.dma_semaphore, #tpu.memory_space<semaphore_mem>>) src(%dma_wait3A_1628 : memref<16x1024xf32, #tpu.memory_space<vmem>>) dst(%dma_wait3A_1624 : memref<16x1024xf32, #tpu.memory_space<hbm>>)
    %dma_start3A_1629 = arith.constant 0 : i32
    %dma_start3A_1630 = arith.constant 0 : i32
    %dma_start3A_1631 = arith.constant 0 : i32
    %dma_start3A_1632 = arith.constant 0 : i32
    %dma_start3A_1633 = tpu.memref_slice %arg6[%dma_start3A_1629, %dma_start3A_1631, %dma_start3A_1632] : memref<7x16x1024xf32, #tpu.memory_space<vmem>> -> memref<1x16x1024xf32, #tpu.memory_space<vmem>>
    %dma_start3A_1634 = tpu.memref_squeeze %dma_start3A_1633 : memref<1x16x1024xf32, #tpu.memory_space<vmem>> -> memref<16x1024xf32, #tpu.memory_space<vmem>>
    %dma_start3A_1635 = arith.constant 448 : i32
    %dma_start3A_1636 = tpu.memref_slice %arg5[%dma_start3A_1635] : memref<512xi32, #tpu.memory_space<vmem>> -> memref<16xi32, #tpu.memory_space<vmem>>
    %dma_start3A_1637 = arith.constant 0 : i32
    %dma_start3A_1638 = arith.constant 0 : i32
    %dma_start3A_1639 = tpu.memref_slice %arg3[%dma_start3A_1637, %dma_start3A_1638] : memref<100000x1024xf32, #tpu.memory_space<hbm>> -> memref<100000x1024xf32, #tpu.memory_space<hbm>>
    %dma_start3A_1640 = tpu.memref_slice %arg7[%dma_start3A_1630] : memref<7x!tpu.dma_semaphore, #tpu.memory_space<semaphore_mem>> -> memref<1x!tpu.dma_semaphore, #tpu.memory_space<semaphore_mem>>
    %dma_start3A_1641 = tpu.memref_squeeze %dma_start3A_1640 : memref<1x!tpu.dma_semaphore, #tpu.memory_space<semaphore_mem>> -> memref<!tpu.dma_semaphore, #tpu.memory_space<semaphore_mem>>
    tpu.enqueue_indirect_dma source(%dma_start3A_1639 : memref<100000x1024xf32, #tpu.memory_space<hbm>>) target(%dma_start3A_1634 : memref<16x1024xf32, #tpu.memory_space<vmem>>) offsets(%dma_start3A_1636 : memref<16xi32, #tpu.memory_space<vmem>>) semaphore(%dma_start3A_1641 : memref<!tpu.dma_semaphore, #tpu.memory_space<semaphore_mem>>)
    %dma_wait3A_1642 = arith.constant 3 : i32
    %dma_wait3A_1643 = arith.constant 3 : i32
    %dma_wait3A_1644 = arith.constant 0 : i32
    %dma_wait3A_1645 = arith.constant 0 : i32
    %dma_wait3A_1646 = tpu.memref_slice %arg6[%dma_wait3A_1642, %dma_wait3A_1644, %dma_wait3A_1645] : memref<7x16x1024xf32, #tpu.memory_space<vmem>> -> memref<1x16x1024xf32, #tpu.memory_space<vmem>>
    %dma_wait3A_1647 = tpu.memref_squeeze %dma_wait3A_1646 : memref<1x16x1024xf32, #tpu.memory_space<vmem>> -> memref<16x1024xf32, #tpu.memory_space<vmem>>
    %dma_wait3A_1648 = arith.constant 384 : i32
    %dma_wait3A_1649 = tpu.memref_slice %arg5[%dma_wait3A_1648] : memref<512xi32, #tpu.memory_space<vmem>> -> memref<16xi32, #tpu.memory_space<vmem>>
    %dma_wait3A_1650 = arith.constant 0 : i32
    %dma_wait3A_1651 = arith.constant 0 : i32
    %dma_wait3A_1652 = tpu.memref_slice %arg3[%dma_wait3A_1650, %dma_wait3A_1651] : memref<100000x1024xf32, #tpu.memory_space<hbm>> -> memref<100000x1024xf32, #tpu.memory_space<hbm>>
    %dma_wait3A_1653 = tpu.memref_slice %arg7[%dma_wait3A_1643] : memref<7x!tpu.dma_semaphore, #tpu.memory_space<semaphore_mem>> -> memref<1x!tpu.dma_semaphore, #tpu.memory_space<semaphore_mem>>
    %dma_wait3A_1654 = tpu.memref_squeeze %dma_wait3A_1653 : memref<1x!tpu.dma_semaphore, #tpu.memory_space<semaphore_mem>> -> memref<!tpu.dma_semaphore, #tpu.memory_space<semaphore_mem>>
    tpu.wait_indirect_dma semaphore(%dma_wait3A_1654 : memref<!tpu.dma_semaphore, #tpu.memory_space<semaphore_mem>>) src(%dma_wait3A_1652 : memref<100000x1024xf32, #tpu.memory_space<hbm>>) dst(%dma_wait3A_1647 : memref<16x1024xf32, #tpu.memory_space<vmem>>)
    %add3A_1655 = arith.constant 384 : i32
    %add3A_1656 = arith.addi %mul3A_32, %add3A_1655 : i32
    %dma_start3A_1657 = arith.constant 3 : i32
    %dma_start3A_1658 = arith.constant 3 : i32
    %dma_start3A_1659 = arith.constant 0 : i32
    %dma_start3A_1660 = arith.constant 0 : i32
    %dma_start3A_1661 = tpu.memref_slice %arg6[%dma_start3A_1657, %dma_start3A_1659, %dma_start3A_1660] : memref<7x16x1024xf32, #tpu.memory_space<vmem>> -> memref<1x16x1024xf32, #tpu.memory_space<vmem>>
    %dma_start3A_1662 = tpu.memref_squeeze %dma_start3A_1661 : memref<1x16x1024xf32, #tpu.memory_space<vmem>> -> memref<16x1024xf32, #tpu.memory_space<vmem>>
    %dma_start3A_1663 = arith.constant 0 : i32
    %dma_start3A_1664 = tpu.memref_slice %arg4[%select_n3A, %add3A_1656, %dma_start3A_1663] : memref<4x4096x1024xf32, #tpu.memory_space<hbm>> -> memref<1x16x1024xf32, #tpu.memory_space<hbm>>
    %dma_start3A_1665 = tpu.memref_squeeze %dma_start3A_1664 : memref<1x16x1024xf32, #tpu.memory_space<hbm>> -> memref<16x1024xf32, #tpu.memory_space<hbm>>
    %dma_start3A_1666 = tpu.memref_slice %arg8[%dma_start3A_1658] : memref<7x!tpu.dma_semaphore, #tpu.memory_space<semaphore_mem>> -> memref<1x!tpu.dma_semaphore, #tpu.memory_space<semaphore_mem>>
    %dma_start3A_1667 = tpu.memref_squeeze %dma_start3A_1666 : memref<1x!tpu.dma_semaphore, #tpu.memory_space<semaphore_mem>> -> memref<!tpu.dma_semaphore, #tpu.memory_space<semaphore_mem>>
    %dma_start3A_1668 = arith.constant 0 : i32
    %dma_start3A_1669 = tpu.memref_slice %arg4[%select_n3A, %add3A_1656, %dma_start3A_1668] : memref<4x4096x1024xf32, #tpu.memory_space<hbm>> -> memref<1x16x1024xf32, #tpu.memory_space<hbm>>
    %dma_start3A_1670 = tpu.memref_squeeze %dma_start3A_1669 : memref<1x16x1024xf32, #tpu.memory_space<hbm>> -> memref<16x1024xf32, #tpu.memory_space<hbm>>
    %dma_start3A_1671 = arith.constant 0 : i32
    %dma_start3A_1672 = arith.constant 0 : i32
    %dma_start3A_1673 = tpu.memref_slice %arg6[%dma_start3A_1657, %dma_start3A_1671, %dma_start3A_1672] : memref<7x16x1024xf32, #tpu.memory_space<vmem>> -> memref<1x16x1024xf32, #tpu.memory_space<vmem>>
    %dma_start3A_1674 = tpu.memref_squeeze %dma_start3A_1673 : memref<1x16x1024xf32, #tpu.memory_space<vmem>> -> memref<16x1024xf32, #tpu.memory_space<vmem>>
    tpu.enqueue_dma source(%dma_start3A_1674 : memref<16x1024xf32, #tpu.memory_space<vmem>>) target(%dma_start3A_1670 : memref<16x1024xf32, #tpu.memory_space<hbm>>) target_semaphore(%dma_start3A_1667 : memref<!tpu.dma_semaphore, #tpu.memory_space<semaphore_mem>>)
    %dma_wait3A_1675 = arith.constant 1 : i32
    %dma_wait3A_1676 = arith.constant 1 : i32
    %dma_wait3A_1677 = arith.constant 0 : i32
    %dma_wait3A_1678 = arith.constant 0 : i32
    %dma_wait3A_1679 = tpu.memref_slice %arg6[%dma_wait3A_1675, %dma_wait3A_1677, %dma_wait3A_1678] : memref<7x16x1024xf32, #tpu.memory_space<vmem>> -> memref<1x16x1024xf32, #tpu.memory_space<vmem>>
    %dma_wait3A_1680 = tpu.memref_squeeze %dma_wait3A_1679 : memref<1x16x1024xf32, #tpu.memory_space<vmem>> -> memref<16x1024xf32, #tpu.memory_space<vmem>>
    %dma_wait3A_1681 = arith.constant 0 : i32
    %dma_wait3A_1682 = tpu.memref_slice %arg4[%select_n3A, %add3A_1528, %dma_wait3A_1681] : memref<4x4096x1024xf32, #tpu.memory_space<hbm>> -> memref<1x16x1024xf32, #tpu.memory_space<hbm>>
    %dma_wait3A_1683 = tpu.memref_squeeze %dma_wait3A_1682 : memref<1x16x1024xf32, #tpu.memory_space<hbm>> -> memref<16x1024xf32, #tpu.memory_space<hbm>>
    %dma_wait3A_1684 = tpu.memref_slice %arg8[%dma_wait3A_1676] : memref<7x!tpu.dma_semaphore, #tpu.memory_space<semaphore_mem>> -> memref<1x!tpu.dma_semaphore, #tpu.memory_space<semaphore_mem>>
    %dma_wait3A_1685 = tpu.memref_squeeze %dma_wait3A_1684 : memref<1x!tpu.dma_semaphore, #tpu.memory_space<semaphore_mem>> -> memref<!tpu.dma_semaphore, #tpu.memory_space<semaphore_mem>>
    %dma_wait3A_1686 = arith.constant 0 : i32
    %dma_wait3A_1687 = tpu.memref_slice %arg4[%select_n3A, %add3A_1528, %dma_wait3A_1686] : memref<4x4096x1024xf32, #tpu.memory_space<hbm>> -> memref<1x16x1024xf32, #tpu.memory_space<hbm>>
    %dma_wait3A_1688 = tpu.memref_squeeze %dma_wait3A_1687 : memref<1x16x1024xf32, #tpu.memory_space<hbm>> -> memref<16x1024xf32, #tpu.memory_space<hbm>>
    %dma_wait3A_1689 = arith.constant 0 : i32
    %dma_wait3A_1690 = arith.constant 0 : i32
    %dma_wait3A_1691 = tpu.memref_slice %arg6[%dma_wait3A_1675, %dma_wait3A_1689, %dma_wait3A_1690] : memref<7x16x1024xf32, #tpu.memory_space<vmem>> -> memref<1x16x1024xf32, #tpu.memory_space<vmem>>
    %dma_wait3A_1692 = tpu.memref_squeeze %dma_wait3A_1691 : memref<1x16x1024xf32, #tpu.memory_space<vmem>> -> memref<16x1024xf32, #tpu.memory_space<vmem>>
    tpu.wait_dma2 semaphore(%dma_wait3A_1685 : memref<!tpu.dma_semaphore, #tpu.memory_space<semaphore_mem>>) src(%dma_wait3A_1692 : memref<16x1024xf32, #tpu.memory_space<vmem>>) dst(%dma_wait3A_1688 : memref<16x1024xf32, #tpu.memory_space<hbm>>)
    %dma_start3A_1693 = arith.constant 1 : i32
    %dma_start3A_1694 = arith.constant 1 : i32
    %dma_start3A_1695 = arith.constant 0 : i32
    %dma_start3A_1696 = arith.constant 0 : i32
    %dma_start3A_1697 = tpu.memref_slice %arg6[%dma_start3A_1693, %dma_start3A_1695, %dma_start3A_1696] : memref<7x16x1024xf32, #tpu.memory_space<vmem>> -> memref<1x16x1024xf32, #tpu.memory_space<vmem>>
    %dma_start3A_1698 = tpu.memref_squeeze %dma_start3A_1697 : memref<1x16x1024xf32, #tpu.memory_space<vmem>> -> memref<16x1024xf32, #tpu.memory_space<vmem>>
    %dma_start3A_1699 = arith.constant 464 : i32
    %dma_start3A_1700 = tpu.memref_slice %arg5[%dma_start3A_1699] : memref<512xi32, #tpu.memory_space<vmem>> -> memref<16xi32, #tpu.memory_space<vmem>>
    %dma_start3A_1701 = arith.constant 0 : i32
    %dma_start3A_1702 = arith.constant 0 : i32
    %dma_start3A_1703 = tpu.memref_slice %arg3[%dma_start3A_1701, %dma_start3A_1702] : memref<100000x1024xf32, #tpu.memory_space<hbm>> -> memref<100000x1024xf32, #tpu.memory_space<hbm>>
    %dma_start3A_1704 = tpu.memref_slice %arg7[%dma_start3A_1694] : memref<7x!tpu.dma_semaphore, #tpu.memory_space<semaphore_mem>> -> memref<1x!tpu.dma_semaphore, #tpu.memory_space<semaphore_mem>>
    %dma_start3A_1705 = tpu.memref_squeeze %dma_start3A_1704 : memref<1x!tpu.dma_semaphore, #tpu.memory_space<semaphore_mem>> -> memref<!tpu.dma_semaphore, #tpu.memory_space<semaphore_mem>>
    tpu.enqueue_indirect_dma source(%dma_start3A_1703 : memref<100000x1024xf32, #tpu.memory_space<hbm>>) target(%dma_start3A_1698 : memref<16x1024xf32, #tpu.memory_space<vmem>>) offsets(%dma_start3A_1700 : memref<16xi32, #tpu.memory_space<vmem>>) semaphore(%dma_start3A_1705 : memref<!tpu.dma_semaphore, #tpu.memory_space<semaphore_mem>>)
    %dma_wait3A_1706 = arith.constant 4 : i32
    %dma_wait3A_1707 = arith.constant 4 : i32
    %dma_wait3A_1708 = arith.constant 0 : i32
    %dma_wait3A_1709 = arith.constant 0 : i32
    %dma_wait3A_1710 = tpu.memref_slice %arg6[%dma_wait3A_1706, %dma_wait3A_1708, %dma_wait3A_1709] : memref<7x16x1024xf32, #tpu.memory_space<vmem>> -> memref<1x16x1024xf32, #tpu.memory_space<vmem>>
    %dma_wait3A_1711 = tpu.memref_squeeze %dma_wait3A_1710 : memref<1x16x1024xf32, #tpu.memory_space<vmem>> -> memref<16x1024xf32, #tpu.memory_space<vmem>>
    %dma_wait3A_1712 = arith.constant 400 : i32
    %dma_wait3A_1713 = tpu.memref_slice %arg5[%dma_wait3A_1712] : memref<512xi32, #tpu.memory_space<vmem>> -> memref<16xi32, #tpu.memory_space<vmem>>
    %dma_wait3A_1714 = arith.constant 0 : i32
    %dma_wait3A_1715 = arith.constant 0 : i32
    %dma_wait3A_1716 = tpu.memref_slice %arg3[%dma_wait3A_1714, %dma_wait3A_1715] : memref<100000x1024xf32, #tpu.memory_space<hbm>> -> memref<100000x1024xf32, #tpu.memory_space<hbm>>
    %dma_wait3A_1717 = tpu.memref_slice %arg7[%dma_wait3A_1707] : memref<7x!tpu.dma_semaphore, #tpu.memory_space<semaphore_mem>> -> memref<1x!tpu.dma_semaphore, #tpu.memory_space<semaphore_mem>>
    %dma_wait3A_1718 = tpu.memref_squeeze %dma_wait3A_1717 : memref<1x!tpu.dma_semaphore, #tpu.memory_space<semaphore_mem>> -> memref<!tpu.dma_semaphore, #tpu.memory_space<semaphore_mem>>
    tpu.wait_indirect_dma semaphore(%dma_wait3A_1718 : memref<!tpu.dma_semaphore, #tpu.memory_space<semaphore_mem>>) src(%dma_wait3A_1716 : memref<100000x1024xf32, #tpu.memory_space<hbm>>) dst(%dma_wait3A_1711 : memref<16x1024xf32, #tpu.memory_space<vmem>>)
    %add3A_1719 = arith.constant 400 : i32
    %add3A_1720 = arith.addi %mul3A_32, %add3A_1719 : i32
    %dma_start3A_1721 = arith.constant 4 : i32
    %dma_start3A_1722 = arith.constant 4 : i32
    %dma_start3A_1723 = arith.constant 0 : i32
    %dma_start3A_1724 = arith.constant 0 : i32
    %dma_start3A_1725 = tpu.memref_slice %arg6[%dma_start3A_1721, %dma_start3A_1723, %dma_start3A_1724] : memref<7x16x1024xf32, #tpu.memory_space<vmem>> -> memref<1x16x1024xf32, #tpu.memory_space<vmem>>
    %dma_start3A_1726 = tpu.memref_squeeze %dma_start3A_1725 : memref<1x16x1024xf32, #tpu.memory_space<vmem>> -> memref<16x1024xf32, #tpu.memory_space<vmem>>
    %dma_start3A_1727 = arith.constant 0 : i32
    %dma_start3A_1728 = tpu.memref_slice %arg4[%select_n3A, %add3A_1720, %dma_start3A_1727] : memref<4x4096x1024xf32, #tpu.memory_space<hbm>> -> memref<1x16x1024xf32, #tpu.memory_space<hbm>>
    %dma_start3A_1729 = tpu.memref_squeeze %dma_start3A_1728 : memref<1x16x1024xf32, #tpu.memory_space<hbm>> -> memref<16x1024xf32, #tpu.memory_space<hbm>>
    %dma_start3A_1730 = tpu.memref_slice %arg8[%dma_start3A_1722] : memref<7x!tpu.dma_semaphore, #tpu.memory_space<semaphore_mem>> -> memref<1x!tpu.dma_semaphore, #tpu.memory_space<semaphore_mem>>
    %dma_start3A_1731 = tpu.memref_squeeze %dma_start3A_1730 : memref<1x!tpu.dma_semaphore, #tpu.memory_space<semaphore_mem>> -> memref<!tpu.dma_semaphore, #tpu.memory_space<semaphore_mem>>
    %dma_start3A_1732 = arith.constant 0 : i32
    %dma_start3A_1733 = tpu.memref_slice %arg4[%select_n3A, %add3A_1720, %dma_start3A_1732] : memref<4x4096x1024xf32, #tpu.memory_space<hbm>> -> memref<1x16x1024xf32, #tpu.memory_space<hbm>>
    %dma_start3A_1734 = tpu.memref_squeeze %dma_start3A_1733 : memref<1x16x1024xf32, #tpu.memory_space<hbm>> -> memref<16x1024xf32, #tpu.memory_space<hbm>>
    %dma_start3A_1735 = arith.constant 0 : i32
    %dma_start3A_1736 = arith.constant 0 : i32
    %dma_start3A_1737 = tpu.memref_slice %arg6[%dma_start3A_1721, %dma_start3A_1735, %dma_start3A_1736] : memref<7x16x1024xf32, #tpu.memory_space<vmem>> -> memref<1x16x1024xf32, #tpu.memory_space<vmem>>
    %dma_start3A_1738 = tpu.memref_squeeze %dma_start3A_1737 : memref<1x16x1024xf32, #tpu.memory_space<vmem>> -> memref<16x1024xf32, #tpu.memory_space<vmem>>
    tpu.enqueue_dma source(%dma_start3A_1738 : memref<16x1024xf32, #tpu.memory_space<vmem>>) target(%dma_start3A_1734 : memref<16x1024xf32, #tpu.memory_space<hbm>>) target_semaphore(%dma_start3A_1731 : memref<!tpu.dma_semaphore, #tpu.memory_space<semaphore_mem>>)
    %dma_wait3A_1739 = arith.constant 2 : i32
    %dma_wait3A_1740 = arith.constant 2 : i32
    %dma_wait3A_1741 = arith.constant 0 : i32
    %dma_wait3A_1742 = arith.constant 0 : i32
    %dma_wait3A_1743 = tpu.memref_slice %arg6[%dma_wait3A_1739, %dma_wait3A_1741, %dma_wait3A_1742] : memref<7x16x1024xf32, #tpu.memory_space<vmem>> -> memref<1x16x1024xf32, #tpu.memory_space<vmem>>
    %dma_wait3A_1744 = tpu.memref_squeeze %dma_wait3A_1743 : memref<1x16x1024xf32, #tpu.memory_space<vmem>> -> memref<16x1024xf32, #tpu.memory_space<vmem>>
    %dma_wait3A_1745 = arith.constant 0 : i32
    %dma_wait3A_1746 = tpu.memref_slice %arg4[%select_n3A, %add3A_1592, %dma_wait3A_1745] : memref<4x4096x1024xf32, #tpu.memory_space<hbm>> -> memref<1x16x1024xf32, #tpu.memory_space<hbm>>
    %dma_wait3A_1747 = tpu.memref_squeeze %dma_wait3A_1746 : memref<1x16x1024xf32, #tpu.memory_space<hbm>> -> memref<16x1024xf32, #tpu.memory_space<hbm>>
    %dma_wait3A_1748 = tpu.memref_slice %arg8[%dma_wait3A_1740] : memref<7x!tpu.dma_semaphore, #tpu.memory_space<semaphore_mem>> -> memref<1x!tpu.dma_semaphore, #tpu.memory_space<semaphore_mem>>
    %dma_wait3A_1749 = tpu.memref_squeeze %dma_wait3A_1748 : memref<1x!tpu.dma_semaphore, #tpu.memory_space<semaphore_mem>> -> memref<!tpu.dma_semaphore, #tpu.memory_space<semaphore_mem>>
    %dma_wait3A_1750 = arith.constant 0 : i32
    %dma_wait3A_1751 = tpu.memref_slice %arg4[%select_n3A, %add3A_1592, %dma_wait3A_1750] : memref<4x4096x1024xf32, #tpu.memory_space<hbm>> -> memref<1x16x1024xf32, #tpu.memory_space<hbm>>
    %dma_wait3A_1752 = tpu.memref_squeeze %dma_wait3A_1751 : memref<1x16x1024xf32, #tpu.memory_space<hbm>> -> memref<16x1024xf32, #tpu.memory_space<hbm>>
    %dma_wait3A_1753 = arith.constant 0 : i32
    %dma_wait3A_1754 = arith.constant 0 : i32
    %dma_wait3A_1755 = tpu.memref_slice %arg6[%dma_wait3A_1739, %dma_wait3A_1753, %dma_wait3A_1754] : memref<7x16x1024xf32, #tpu.memory_space<vmem>> -> memref<1x16x1024xf32, #tpu.memory_space<vmem>>
    %dma_wait3A_1756 = tpu.memref_squeeze %dma_wait3A_1755 : memref<1x16x1024xf32, #tpu.memory_space<vmem>> -> memref<16x1024xf32, #tpu.memory_space<vmem>>
    tpu.wait_dma2 semaphore(%dma_wait3A_1749 : memref<!tpu.dma_semaphore, #tpu.memory_space<semaphore_mem>>) src(%dma_wait3A_1756 : memref<16x1024xf32, #tpu.memory_space<vmem>>) dst(%dma_wait3A_1752 : memref<16x1024xf32, #tpu.memory_space<hbm>>)
    %dma_start3A_1757 = arith.constant 2 : i32
    %dma_start3A_1758 = arith.constant 2 : i32
    %dma_start3A_1759 = arith.constant 0 : i32
    %dma_start3A_1760 = arith.constant 0 : i32
    %dma_start3A_1761 = tpu.memref_slice %arg6[%dma_start3A_1757, %dma_start3A_1759, %dma_start3A_1760] : memref<7x16x1024xf32, #tpu.memory_space<vmem>> -> memref<1x16x1024xf32, #tpu.memory_space<vmem>>
    %dma_start3A_1762 = tpu.memref_squeeze %dma_start3A_1761 : memref<1x16x1024xf32, #tpu.memory_space<vmem>> -> memref<16x1024xf32, #tpu.memory_space<vmem>>
    %dma_start3A_1763 = arith.constant 480 : i32
    %dma_start3A_1764 = tpu.memref_slice %arg5[%dma_start3A_1763] : memref<512xi32, #tpu.memory_space<vmem>> -> memref<16xi32, #tpu.memory_space<vmem>>
    %dma_start3A_1765 = arith.constant 0 : i32
    %dma_start3A_1766 = arith.constant 0 : i32
    %dma_start3A_1767 = tpu.memref_slice %arg3[%dma_start3A_1765, %dma_start3A_1766] : memref<100000x1024xf32, #tpu.memory_space<hbm>> -> memref<100000x1024xf32, #tpu.memory_space<hbm>>
    %dma_start3A_1768 = tpu.memref_slice %arg7[%dma_start3A_1758] : memref<7x!tpu.dma_semaphore, #tpu.memory_space<semaphore_mem>> -> memref<1x!tpu.dma_semaphore, #tpu.memory_space<semaphore_mem>>
    %dma_start3A_1769 = tpu.memref_squeeze %dma_start3A_1768 : memref<1x!tpu.dma_semaphore, #tpu.memory_space<semaphore_mem>> -> memref<!tpu.dma_semaphore, #tpu.memory_space<semaphore_mem>>
    tpu.enqueue_indirect_dma source(%dma_start3A_1767 : memref<100000x1024xf32, #tpu.memory_space<hbm>>) target(%dma_start3A_1762 : memref<16x1024xf32, #tpu.memory_space<vmem>>) offsets(%dma_start3A_1764 : memref<16xi32, #tpu.memory_space<vmem>>) semaphore(%dma_start3A_1769 : memref<!tpu.dma_semaphore, #tpu.memory_space<semaphore_mem>>)
    %dma_wait3A_1770 = arith.constant 5 : i32
    %dma_wait3A_1771 = arith.constant 5 : i32
    %dma_wait3A_1772 = arith.constant 0 : i32
    %dma_wait3A_1773 = arith.constant 0 : i32
    %dma_wait3A_1774 = tpu.memref_slice %arg6[%dma_wait3A_1770, %dma_wait3A_1772, %dma_wait3A_1773] : memref<7x16x1024xf32, #tpu.memory_space<vmem>> -> memref<1x16x1024xf32, #tpu.memory_space<vmem>>
    %dma_wait3A_1775 = tpu.memref_squeeze %dma_wait3A_1774 : memref<1x16x1024xf32, #tpu.memory_space<vmem>> -> memref<16x1024xf32, #tpu.memory_space<vmem>>
    %dma_wait3A_1776 = arith.constant 416 : i32
    %dma_wait3A_1777 = tpu.memref_slice %arg5[%dma_wait3A_1776] : memref<512xi32, #tpu.memory_space<vmem>> -> memref<16xi32, #tpu.memory_space<vmem>>
    %dma_wait3A_1778 = arith.constant 0 : i32
    %dma_wait3A_1779 = arith.constant 0 : i32
    %dma_wait3A_1780 = tpu.memref_slice %arg3[%dma_wait3A_1778, %dma_wait3A_1779] : memref<100000x1024xf32, #tpu.memory_space<hbm>> -> memref<100000x1024xf32, #tpu.memory_space<hbm>>
    %dma_wait3A_1781 = tpu.memref_slice %arg7[%dma_wait3A_1771] : memref<7x!tpu.dma_semaphore, #tpu.memory_space<semaphore_mem>> -> memref<1x!tpu.dma_semaphore, #tpu.memory_space<semaphore_mem>>
    %dma_wait3A_1782 = tpu.memref_squeeze %dma_wait3A_1781 : memref<1x!tpu.dma_semaphore, #tpu.memory_space<semaphore_mem>> -> memref<!tpu.dma_semaphore, #tpu.memory_space<semaphore_mem>>
    tpu.wait_indirect_dma semaphore(%dma_wait3A_1782 : memref<!tpu.dma_semaphore, #tpu.memory_space<semaphore_mem>>) src(%dma_wait3A_1780 : memref<100000x1024xf32, #tpu.memory_space<hbm>>) dst(%dma_wait3A_1775 : memref<16x1024xf32, #tpu.memory_space<vmem>>)
    %add3A_1783 = arith.constant 416 : i32
    %add3A_1784 = arith.addi %mul3A_32, %add3A_1783 : i32
    %dma_start3A_1785 = arith.constant 5 : i32
    %dma_start3A_1786 = arith.constant 5 : i32
    %dma_start3A_1787 = arith.constant 0 : i32
    %dma_start3A_1788 = arith.constant 0 : i32
    %dma_start3A_1789 = tpu.memref_slice %arg6[%dma_start3A_1785, %dma_start3A_1787, %dma_start3A_1788] : memref<7x16x1024xf32, #tpu.memory_space<vmem>> -> memref<1x16x1024xf32, #tpu.memory_space<vmem>>
    %dma_start3A_1790 = tpu.memref_squeeze %dma_start3A_1789 : memref<1x16x1024xf32, #tpu.memory_space<vmem>> -> memref<16x1024xf32, #tpu.memory_space<vmem>>
    %dma_start3A_1791 = arith.constant 0 : i32
    %dma_start3A_1792 = tpu.memref_slice %arg4[%select_n3A, %add3A_1784, %dma_start3A_1791] : memref<4x4096x1024xf32, #tpu.memory_space<hbm>> -> memref<1x16x1024xf32, #tpu.memory_space<hbm>>
    %dma_start3A_1793 = tpu.memref_squeeze %dma_start3A_1792 : memref<1x16x1024xf32, #tpu.memory_space<hbm>> -> memref<16x1024xf32, #tpu.memory_space<hbm>>
    %dma_start3A_1794 = tpu.memref_slice %arg8[%dma_start3A_1786] : memref<7x!tpu.dma_semaphore, #tpu.memory_space<semaphore_mem>> -> memref<1x!tpu.dma_semaphore, #tpu.memory_space<semaphore_mem>>
    %dma_start3A_1795 = tpu.memref_squeeze %dma_start3A_1794 : memref<1x!tpu.dma_semaphore, #tpu.memory_space<semaphore_mem>> -> memref<!tpu.dma_semaphore, #tpu.memory_space<semaphore_mem>>
    %dma_start3A_1796 = arith.constant 0 : i32
    %dma_start3A_1797 = tpu.memref_slice %arg4[%select_n3A, %add3A_1784, %dma_start3A_1796] : memref<4x4096x1024xf32, #tpu.memory_space<hbm>> -> memref<1x16x1024xf32, #tpu.memory_space<hbm>>
    %dma_start3A_1798 = tpu.memref_squeeze %dma_start3A_1797 : memref<1x16x1024xf32, #tpu.memory_space<hbm>> -> memref<16x1024xf32, #tpu.memory_space<hbm>>
    %dma_start3A_1799 = arith.constant 0 : i32
    %dma_start3A_1800 = arith.constant 0 : i32
    %dma_start3A_1801 = tpu.memref_slice %arg6[%dma_start3A_1785, %dma_start3A_1799, %dma_start3A_1800] : memref<7x16x1024xf32, #tpu.memory_space<vmem>> -> memref<1x16x1024xf32, #tpu.memory_space<vmem>>
    %dma_start3A_1802 = tpu.memref_squeeze %dma_start3A_1801 : memref<1x16x1024xf32, #tpu.memory_space<vmem>> -> memref<16x1024xf32, #tpu.memory_space<vmem>>
    tpu.enqueue_dma source(%dma_start3A_1802 : memref<16x1024xf32, #tpu.memory_space<vmem>>) target(%dma_start3A_1798 : memref<16x1024xf32, #tpu.memory_space<hbm>>) target_semaphore(%dma_start3A_1795 : memref<!tpu.dma_semaphore, #tpu.memory_space<semaphore_mem>>)
    %dma_wait3A_1803 = arith.constant 3 : i32
    %dma_wait3A_1804 = arith.constant 3 : i32
    %dma_wait3A_1805 = arith.constant 0 : i32
    %dma_wait3A_1806 = arith.constant 0 : i32
    %dma_wait3A_1807 = tpu.memref_slice %arg6[%dma_wait3A_1803, %dma_wait3A_1805, %dma_wait3A_1806] : memref<7x16x1024xf32, #tpu.memory_space<vmem>> -> memref<1x16x1024xf32, #tpu.memory_space<vmem>>
    %dma_wait3A_1808 = tpu.memref_squeeze %dma_wait3A_1807 : memref<1x16x1024xf32, #tpu.memory_space<vmem>> -> memref<16x1024xf32, #tpu.memory_space<vmem>>
    %dma_wait3A_1809 = arith.constant 0 : i32
    %dma_wait3A_1810 = tpu.memref_slice %arg4[%select_n3A, %add3A_1656, %dma_wait3A_1809] : memref<4x4096x1024xf32, #tpu.memory_space<hbm>> -> memref<1x16x1024xf32, #tpu.memory_space<hbm>>
    %dma_wait3A_1811 = tpu.memref_squeeze %dma_wait3A_1810 : memref<1x16x1024xf32, #tpu.memory_space<hbm>> -> memref<16x1024xf32, #tpu.memory_space<hbm>>
    %dma_wait3A_1812 = tpu.memref_slice %arg8[%dma_wait3A_1804] : memref<7x!tpu.dma_semaphore, #tpu.memory_space<semaphore_mem>> -> memref<1x!tpu.dma_semaphore, #tpu.memory_space<semaphore_mem>>
    %dma_wait3A_1813 = tpu.memref_squeeze %dma_wait3A_1812 : memref<1x!tpu.dma_semaphore, #tpu.memory_space<semaphore_mem>> -> memref<!tpu.dma_semaphore, #tpu.memory_space<semaphore_mem>>
    %dma_wait3A_1814 = arith.constant 0 : i32
    %dma_wait3A_1815 = tpu.memref_slice %arg4[%select_n3A, %add3A_1656, %dma_wait3A_1814] : memref<4x4096x1024xf32, #tpu.memory_space<hbm>> -> memref<1x16x1024xf32, #tpu.memory_space<hbm>>
    %dma_wait3A_1816 = tpu.memref_squeeze %dma_wait3A_1815 : memref<1x16x1024xf32, #tpu.memory_space<hbm>> -> memref<16x1024xf32, #tpu.memory_space<hbm>>
    %dma_wait3A_1817 = arith.constant 0 : i32
    %dma_wait3A_1818 = arith.constant 0 : i32
    %dma_wait3A_1819 = tpu.memref_slice %arg6[%dma_wait3A_1803, %dma_wait3A_1817, %dma_wait3A_1818] : memref<7x16x1024xf32, #tpu.memory_space<vmem>> -> memref<1x16x1024xf32, #tpu.memory_space<vmem>>
    %dma_wait3A_1820 = tpu.memref_squeeze %dma_wait3A_1819 : memref<1x16x1024xf32, #tpu.memory_space<vmem>> -> memref<16x1024xf32, #tpu.memory_space<vmem>>
    tpu.wait_dma2 semaphore(%dma_wait3A_1813 : memref<!tpu.dma_semaphore, #tpu.memory_space<semaphore_mem>>) src(%dma_wait3A_1820 : memref<16x1024xf32, #tpu.memory_space<vmem>>) dst(%dma_wait3A_1816 : memref<16x1024xf32, #tpu.memory_space<hbm>>)
    %dma_start3A_1821 = arith.constant 3 : i32
    %dma_start3A_1822 = arith.constant 3 : i32
    %dma_start3A_1823 = arith.constant 0 : i32
    %dma_start3A_1824 = arith.constant 0 : i32
    %dma_start3A_1825 = tpu.memref_slice %arg6[%dma_start3A_1821, %dma_start3A_1823, %dma_start3A_1824] : memref<7x16x1024xf32, #tpu.memory_space<vmem>> -> memref<1x16x1024xf32, #tpu.memory_space<vmem>>
    %dma_start3A_1826 = tpu.memref_squeeze %dma_start3A_1825 : memref<1x16x1024xf32, #tpu.memory_space<vmem>> -> memref<16x1024xf32, #tpu.memory_space<vmem>>
    %dma_start3A_1827 = arith.constant 496 : i32
    %dma_start3A_1828 = tpu.memref_slice %arg5[%dma_start3A_1827] : memref<512xi32, #tpu.memory_space<vmem>> -> memref<16xi32, #tpu.memory_space<vmem>>
    %dma_start3A_1829 = arith.constant 0 : i32
    %dma_start3A_1830 = arith.constant 0 : i32
    %dma_start3A_1831 = tpu.memref_slice %arg3[%dma_start3A_1829, %dma_start3A_1830] : memref<100000x1024xf32, #tpu.memory_space<hbm>> -> memref<100000x1024xf32, #tpu.memory_space<hbm>>
    %dma_start3A_1832 = tpu.memref_slice %arg7[%dma_start3A_1822] : memref<7x!tpu.dma_semaphore, #tpu.memory_space<semaphore_mem>> -> memref<1x!tpu.dma_semaphore, #tpu.memory_space<semaphore_mem>>
    %dma_start3A_1833 = tpu.memref_squeeze %dma_start3A_1832 : memref<1x!tpu.dma_semaphore, #tpu.memory_space<semaphore_mem>> -> memref<!tpu.dma_semaphore, #tpu.memory_space<semaphore_mem>>
    tpu.enqueue_indirect_dma source(%dma_start3A_1831 : memref<100000x1024xf32, #tpu.memory_space<hbm>>) target(%dma_start3A_1826 : memref<16x1024xf32, #tpu.memory_space<vmem>>) offsets(%dma_start3A_1828 : memref<16xi32, #tpu.memory_space<vmem>>) semaphore(%dma_start3A_1833 : memref<!tpu.dma_semaphore, #tpu.memory_space<semaphore_mem>>)
    %dma_wait3A_1834 = arith.constant 6 : i32
    %dma_wait3A_1835 = arith.constant 6 : i32
    %dma_wait3A_1836 = arith.constant 0 : i32
    %dma_wait3A_1837 = arith.constant 0 : i32
    %dma_wait3A_1838 = tpu.memref_slice %arg6[%dma_wait3A_1834, %dma_wait3A_1836, %dma_wait3A_1837] : memref<7x16x1024xf32, #tpu.memory_space<vmem>> -> memref<1x16x1024xf32, #tpu.memory_space<vmem>>
    %dma_wait3A_1839 = tpu.memref_squeeze %dma_wait3A_1838 : memref<1x16x1024xf32, #tpu.memory_space<vmem>> -> memref<16x1024xf32, #tpu.memory_space<vmem>>
    %dma_wait3A_1840 = arith.constant 432 : i32
    %dma_wait3A_1841 = tpu.memref_slice %arg5[%dma_wait3A_1840] : memref<512xi32, #tpu.memory_space<vmem>> -> memref<16xi32, #tpu.memory_space<vmem>>
    %dma_wait3A_1842 = arith.constant 0 : i32
    %dma_wait3A_1843 = arith.constant 0 : i32
    %dma_wait3A_1844 = tpu.memref_slice %arg3[%dma_wait3A_1842, %dma_wait3A_1843] : memref<100000x1024xf32, #tpu.memory_space<hbm>> -> memref<100000x1024xf32, #tpu.memory_space<hbm>>
    %dma_wait3A_1845 = tpu.memref_slice %arg7[%dma_wait3A_1835] : memref<7x!tpu.dma_semaphore, #tpu.memory_space<semaphore_mem>> -> memref<1x!tpu.dma_semaphore, #tpu.memory_space<semaphore_mem>>
    %dma_wait3A_1846 = tpu.memref_squeeze %dma_wait3A_1845 : memref<1x!tpu.dma_semaphore, #tpu.memory_space<semaphore_mem>> -> memref<!tpu.dma_semaphore, #tpu.memory_space<semaphore_mem>>
    tpu.wait_indirect_dma semaphore(%dma_wait3A_1846 : memref<!tpu.dma_semaphore, #tpu.memory_space<semaphore_mem>>) src(%dma_wait3A_1844 : memref<100000x1024xf32, #tpu.memory_space<hbm>>) dst(%dma_wait3A_1839 : memref<16x1024xf32, #tpu.memory_space<vmem>>)
    %add3A_1847 = arith.constant 432 : i32
    %add3A_1848 = arith.addi %mul3A_32, %add3A_1847 : i32
    %dma_start3A_1849 = arith.constant 6 : i32
    %dma_start3A_1850 = arith.constant 6 : i32
    %dma_start3A_1851 = arith.constant 0 : i32
    %dma_start3A_1852 = arith.constant 0 : i32
    %dma_start3A_1853 = tpu.memref_slice %arg6[%dma_start3A_1849, %dma_start3A_1851, %dma_start3A_1852] : memref<7x16x1024xf32, #tpu.memory_space<vmem>> -> memref<1x16x1024xf32, #tpu.memory_space<vmem>>
    %dma_start3A_1854 = tpu.memref_squeeze %dma_start3A_1853 : memref<1x16x1024xf32, #tpu.memory_space<vmem>> -> memref<16x1024xf32, #tpu.memory_space<vmem>>
    %dma_start3A_1855 = arith.constant 0 : i32
    %dma_start3A_1856 = tpu.memref_slice %arg4[%select_n3A, %add3A_1848, %dma_start3A_1855] : memref<4x4096x1024xf32, #tpu.memory_space<hbm>> -> memref<1x16x1024xf32, #tpu.memory_space<hbm>>
    %dma_start3A_1857 = tpu.memref_squeeze %dma_start3A_1856 : memref<1x16x1024xf32, #tpu.memory_space<hbm>> -> memref<16x1024xf32, #tpu.memory_space<hbm>>
    %dma_start3A_1858 = tpu.memref_slice %arg8[%dma_start3A_1850] : memref<7x!tpu.dma_semaphore, #tpu.memory_space<semaphore_mem>> -> memref<1x!tpu.dma_semaphore, #tpu.memory_space<semaphore_mem>>
    %dma_start3A_1859 = tpu.memref_squeeze %dma_start3A_1858 : memref<1x!tpu.dma_semaphore, #tpu.memory_space<semaphore_mem>> -> memref<!tpu.dma_semaphore, #tpu.memory_space<semaphore_mem>>
    %dma_start3A_1860 = arith.constant 0 : i32
    %dma_start3A_1861 = tpu.memref_slice %arg4[%select_n3A, %add3A_1848, %dma_start3A_1860] : memref<4x4096x1024xf32, #tpu.memory_space<hbm>> -> memref<1x16x1024xf32, #tpu.memory_space<hbm>>
    %dma_start3A_1862 = tpu.memref_squeeze %dma_start3A_1861 : memref<1x16x1024xf32, #tpu.memory_space<hbm>> -> memref<16x1024xf32, #tpu.memory_space<hbm>>
    %dma_start3A_1863 = arith.constant 0 : i32
    %dma_start3A_1864 = arith.constant 0 : i32
    %dma_start3A_1865 = tpu.memref_slice %arg6[%dma_start3A_1849, %dma_start3A_1863, %dma_start3A_1864] : memref<7x16x1024xf32, #tpu.memory_space<vmem>> -> memref<1x16x1024xf32, #tpu.memory_space<vmem>>
    %dma_start3A_1866 = tpu.memref_squeeze %dma_start3A_1865 : memref<1x16x1024xf32, #tpu.memory_space<vmem>> -> memref<16x1024xf32, #tpu.memory_space<vmem>>
    tpu.enqueue_dma source(%dma_start3A_1866 : memref<16x1024xf32, #tpu.memory_space<vmem>>) target(%dma_start3A_1862 : memref<16x1024xf32, #tpu.memory_space<hbm>>) target_semaphore(%dma_start3A_1859 : memref<!tpu.dma_semaphore, #tpu.memory_space<semaphore_mem>>)
    %dma_wait3A_1867 = arith.constant 0 : i32
    %dma_wait3A_1868 = arith.constant 0 : i32
    %dma_wait3A_1869 = arith.constant 0 : i32
    %dma_wait3A_1870 = arith.constant 0 : i32
    %dma_wait3A_1871 = tpu.memref_slice %arg6[%dma_wait3A_1867, %dma_wait3A_1869, %dma_wait3A_1870] : memref<7x16x1024xf32, #tpu.memory_space<vmem>> -> memref<1x16x1024xf32, #tpu.memory_space<vmem>>
    %dma_wait3A_1872 = tpu.memref_squeeze %dma_wait3A_1871 : memref<1x16x1024xf32, #tpu.memory_space<vmem>> -> memref<16x1024xf32, #tpu.memory_space<vmem>>
    %dma_wait3A_1873 = arith.constant 448 : i32
    %dma_wait3A_1874 = tpu.memref_slice %arg5[%dma_wait3A_1873] : memref<512xi32, #tpu.memory_space<vmem>> -> memref<16xi32, #tpu.memory_space<vmem>>
    %dma_wait3A_1875 = arith.constant 0 : i32
    %dma_wait3A_1876 = arith.constant 0 : i32
    %dma_wait3A_1877 = tpu.memref_slice %arg3[%dma_wait3A_1875, %dma_wait3A_1876] : memref<100000x1024xf32, #tpu.memory_space<hbm>> -> memref<100000x1024xf32, #tpu.memory_space<hbm>>
    %dma_wait3A_1878 = tpu.memref_slice %arg7[%dma_wait3A_1868] : memref<7x!tpu.dma_semaphore, #tpu.memory_space<semaphore_mem>> -> memref<1x!tpu.dma_semaphore, #tpu.memory_space<semaphore_mem>>
    %dma_wait3A_1879 = tpu.memref_squeeze %dma_wait3A_1878 : memref<1x!tpu.dma_semaphore, #tpu.memory_space<semaphore_mem>> -> memref<!tpu.dma_semaphore, #tpu.memory_space<semaphore_mem>>
    tpu.wait_indirect_dma semaphore(%dma_wait3A_1879 : memref<!tpu.dma_semaphore, #tpu.memory_space<semaphore_mem>>) src(%dma_wait3A_1877 : memref<100000x1024xf32, #tpu.memory_space<hbm>>) dst(%dma_wait3A_1872 : memref<16x1024xf32, #tpu.memory_space<vmem>>)
    %add3A_1880 = arith.constant 448 : i32
    %add3A_1881 = arith.addi %mul3A_32, %add3A_1880 : i32
    %dma_start3A_1882 = arith.constant 0 : i32
    %dma_start3A_1883 = arith.constant 0 : i32
    %dma_start3A_1884 = arith.constant 0 : i32
    %dma_start3A_1885 = arith.constant 0 : i32
    %dma_start3A_1886 = tpu.memref_slice %arg6[%dma_start3A_1882, %dma_start3A_1884, %dma_start3A_1885] : memref<7x16x1024xf32, #tpu.memory_space<vmem>> -> memref<1x16x1024xf32, #tpu.memory_space<vmem>>
    %dma_start3A_1887 = tpu.memref_squeeze %dma_start3A_1886 : memref<1x16x1024xf32, #tpu.memory_space<vmem>> -> memref<16x1024xf32, #tpu.memory_space<vmem>>
    %dma_start3A_1888 = arith.constant 0 : i32
    %dma_start3A_1889 = tpu.memref_slice %arg4[%select_n3A, %add3A_1881, %dma_start3A_1888] : memref<4x4096x1024xf32, #tpu.memory_space<hbm>> -> memref<1x16x1024xf32, #tpu.memory_space<hbm>>
    %dma_start3A_1890 = tpu.memref_squeeze %dma_start3A_1889 : memref<1x16x1024xf32, #tpu.memory_space<hbm>> -> memref<16x1024xf32, #tpu.memory_space<hbm>>
    %dma_start3A_1891 = tpu.memref_slice %arg8[%dma_start3A_1883] : memref<7x!tpu.dma_semaphore, #tpu.memory_space<semaphore_mem>> -> memref<1x!tpu.dma_semaphore, #tpu.memory_space<semaphore_mem>>
    %dma_start3A_1892 = tpu.memref_squeeze %dma_start3A_1891 : memref<1x!tpu.dma_semaphore, #tpu.memory_space<semaphore_mem>> -> memref<!tpu.dma_semaphore, #tpu.memory_space<semaphore_mem>>
    %dma_start3A_1893 = arith.constant 0 : i32
    %dma_start3A_1894 = tpu.memref_slice %arg4[%select_n3A, %add3A_1881, %dma_start3A_1893] : memref<4x4096x1024xf32, #tpu.memory_space<hbm>> -> memref<1x16x1024xf32, #tpu.memory_space<hbm>>
    %dma_start3A_1895 = tpu.memref_squeeze %dma_start3A_1894 : memref<1x16x1024xf32, #tpu.memory_space<hbm>> -> memref<16x1024xf32, #tpu.memory_space<hbm>>
    %dma_start3A_1896 = arith.constant 0 : i32
    %dma_start3A_1897 = arith.constant 0 : i32
    %dma_start3A_1898 = tpu.memref_slice %arg6[%dma_start3A_1882, %dma_start3A_1896, %dma_start3A_1897] : memref<7x16x1024xf32, #tpu.memory_space<vmem>> -> memref<1x16x1024xf32, #tpu.memory_space<vmem>>
    %dma_start3A_1899 = tpu.memref_squeeze %dma_start3A_1898 : memref<1x16x1024xf32, #tpu.memory_space<vmem>> -> memref<16x1024xf32, #tpu.memory_space<vmem>>
    tpu.enqueue_dma source(%dma_start3A_1899 : memref<16x1024xf32, #tpu.memory_space<vmem>>) target(%dma_start3A_1895 : memref<16x1024xf32, #tpu.memory_space<hbm>>) target_semaphore(%dma_start3A_1892 : memref<!tpu.dma_semaphore, #tpu.memory_space<semaphore_mem>>)
    %dma_wait3A_1900 = arith.constant 1 : i32
    %dma_wait3A_1901 = arith.constant 1 : i32
    %dma_wait3A_1902 = arith.constant 0 : i32
    %dma_wait3A_1903 = arith.constant 0 : i32
    %dma_wait3A_1904 = tpu.memref_slice %arg6[%dma_wait3A_1900, %dma_wait3A_1902, %dma_wait3A_1903] : memref<7x16x1024xf32, #tpu.memory_space<vmem>> -> memref<1x16x1024xf32, #tpu.memory_space<vmem>>
    %dma_wait3A_1905 = tpu.memref_squeeze %dma_wait3A_1904 : memref<1x16x1024xf32, #tpu.memory_space<vmem>> -> memref<16x1024xf32, #tpu.memory_space<vmem>>
    %dma_wait3A_1906 = arith.constant 464 : i32
    %dma_wait3A_1907 = tpu.memref_slice %arg5[%dma_wait3A_1906] : memref<512xi32, #tpu.memory_space<vmem>> -> memref<16xi32, #tpu.memory_space<vmem>>
    %dma_wait3A_1908 = arith.constant 0 : i32
    %dma_wait3A_1909 = arith.constant 0 : i32
    %dma_wait3A_1910 = tpu.memref_slice %arg3[%dma_wait3A_1908, %dma_wait3A_1909] : memref<100000x1024xf32, #tpu.memory_space<hbm>> -> memref<100000x1024xf32, #tpu.memory_space<hbm>>
    %dma_wait3A_1911 = tpu.memref_slice %arg7[%dma_wait3A_1901] : memref<7x!tpu.dma_semaphore, #tpu.memory_space<semaphore_mem>> -> memref<1x!tpu.dma_semaphore, #tpu.memory_space<semaphore_mem>>
    %dma_wait3A_1912 = tpu.memref_squeeze %dma_wait3A_1911 : memref<1x!tpu.dma_semaphore, #tpu.memory_space<semaphore_mem>> -> memref<!tpu.dma_semaphore, #tpu.memory_space<semaphore_mem>>
    tpu.wait_indirect_dma semaphore(%dma_wait3A_1912 : memref<!tpu.dma_semaphore, #tpu.memory_space<semaphore_mem>>) src(%dma_wait3A_1910 : memref<100000x1024xf32, #tpu.memory_space<hbm>>) dst(%dma_wait3A_1905 : memref<16x1024xf32, #tpu.memory_space<vmem>>)
    %add3A_1913 = arith.constant 464 : i32
    %add3A_1914 = arith.addi %mul3A_32, %add3A_1913 : i32
    %dma_start3A_1915 = arith.constant 1 : i32
    %dma_start3A_1916 = arith.constant 1 : i32
    %dma_start3A_1917 = arith.constant 0 : i32
    %dma_start3A_1918 = arith.constant 0 : i32
    %dma_start3A_1919 = tpu.memref_slice %arg6[%dma_start3A_1915, %dma_start3A_1917, %dma_start3A_1918] : memref<7x16x1024xf32, #tpu.memory_space<vmem>> -> memref<1x16x1024xf32, #tpu.memory_space<vmem>>
    %dma_start3A_1920 = tpu.memref_squeeze %dma_start3A_1919 : memref<1x16x1024xf32, #tpu.memory_space<vmem>> -> memref<16x1024xf32, #tpu.memory_space<vmem>>
    %dma_start3A_1921 = arith.constant 0 : i32
    %dma_start3A_1922 = tpu.memref_slice %arg4[%select_n3A, %add3A_1914, %dma_start3A_1921] : memref<4x4096x1024xf32, #tpu.memory_space<hbm>> -> memref<1x16x1024xf32, #tpu.memory_space<hbm>>
    %dma_start3A_1923 = tpu.memref_squeeze %dma_start3A_1922 : memref<1x16x1024xf32, #tpu.memory_space<hbm>> -> memref<16x1024xf32, #tpu.memory_space<hbm>>
    %dma_start3A_1924 = tpu.memref_slice %arg8[%dma_start3A_1916] : memref<7x!tpu.dma_semaphore, #tpu.memory_space<semaphore_mem>> -> memref<1x!tpu.dma_semaphore, #tpu.memory_space<semaphore_mem>>
    %dma_start3A_1925 = tpu.memref_squeeze %dma_start3A_1924 : memref<1x!tpu.dma_semaphore, #tpu.memory_space<semaphore_mem>> -> memref<!tpu.dma_semaphore, #tpu.memory_space<semaphore_mem>>
    %dma_start3A_1926 = arith.constant 0 : i32
    %dma_start3A_1927 = tpu.memref_slice %arg4[%select_n3A, %add3A_1914, %dma_start3A_1926] : memref<4x4096x1024xf32, #tpu.memory_space<hbm>> -> memref<1x16x1024xf32, #tpu.memory_space<hbm>>
    %dma_start3A_1928 = tpu.memref_squeeze %dma_start3A_1927 : memref<1x16x1024xf32, #tpu.memory_space<hbm>> -> memref<16x1024xf32, #tpu.memory_space<hbm>>
    %dma_start3A_1929 = arith.constant 0 : i32
    %dma_start3A_1930 = arith.constant 0 : i32
    %dma_start3A_1931 = tpu.memref_slice %arg6[%dma_start3A_1915, %dma_start3A_1929, %dma_start3A_1930] : memref<7x16x1024xf32, #tpu.memory_space<vmem>> -> memref<1x16x1024xf32, #tpu.memory_space<vmem>>
    %dma_start3A_1932 = tpu.memref_squeeze %dma_start3A_1931 : memref<1x16x1024xf32, #tpu.memory_space<vmem>> -> memref<16x1024xf32, #tpu.memory_space<vmem>>
    tpu.enqueue_dma source(%dma_start3A_1932 : memref<16x1024xf32, #tpu.memory_space<vmem>>) target(%dma_start3A_1928 : memref<16x1024xf32, #tpu.memory_space<hbm>>) target_semaphore(%dma_start3A_1925 : memref<!tpu.dma_semaphore, #tpu.memory_space<semaphore_mem>>)
    %dma_wait3A_1933 = arith.constant 2 : i32
    %dma_wait3A_1934 = arith.constant 2 : i32
    %dma_wait3A_1935 = arith.constant 0 : i32
    %dma_wait3A_1936 = arith.constant 0 : i32
    %dma_wait3A_1937 = tpu.memref_slice %arg6[%dma_wait3A_1933, %dma_wait3A_1935, %dma_wait3A_1936] : memref<7x16x1024xf32, #tpu.memory_space<vmem>> -> memref<1x16x1024xf32, #tpu.memory_space<vmem>>
    %dma_wait3A_1938 = tpu.memref_squeeze %dma_wait3A_1937 : memref<1x16x1024xf32, #tpu.memory_space<vmem>> -> memref<16x1024xf32, #tpu.memory_space<vmem>>
    %dma_wait3A_1939 = arith.constant 480 : i32
    %dma_wait3A_1940 = tpu.memref_slice %arg5[%dma_wait3A_1939] : memref<512xi32, #tpu.memory_space<vmem>> -> memref<16xi32, #tpu.memory_space<vmem>>
    %dma_wait3A_1941 = arith.constant 0 : i32
    %dma_wait3A_1942 = arith.constant 0 : i32
    %dma_wait3A_1943 = tpu.memref_slice %arg3[%dma_wait3A_1941, %dma_wait3A_1942] : memref<100000x1024xf32, #tpu.memory_space<hbm>> -> memref<100000x1024xf32, #tpu.memory_space<hbm>>
    %dma_wait3A_1944 = tpu.memref_slice %arg7[%dma_wait3A_1934] : memref<7x!tpu.dma_semaphore, #tpu.memory_space<semaphore_mem>> -> memref<1x!tpu.dma_semaphore, #tpu.memory_space<semaphore_mem>>
    %dma_wait3A_1945 = tpu.memref_squeeze %dma_wait3A_1944 : memref<1x!tpu.dma_semaphore, #tpu.memory_space<semaphore_mem>> -> memref<!tpu.dma_semaphore, #tpu.memory_space<semaphore_mem>>
    tpu.wait_indirect_dma semaphore(%dma_wait3A_1945 : memref<!tpu.dma_semaphore, #tpu.memory_space<semaphore_mem>>) src(%dma_wait3A_1943 : memref<100000x1024xf32, #tpu.memory_space<hbm>>) dst(%dma_wait3A_1938 : memref<16x1024xf32, #tpu.memory_space<vmem>>)
    %add3A_1946 = arith.constant 480 : i32
    %add3A_1947 = arith.addi %mul3A_32, %add3A_1946 : i32
    %dma_start3A_1948 = arith.constant 2 : i32
    %dma_start3A_1949 = arith.constant 2 : i32
    %dma_start3A_1950 = arith.constant 0 : i32
    %dma_start3A_1951 = arith.constant 0 : i32
    %dma_start3A_1952 = tpu.memref_slice %arg6[%dma_start3A_1948, %dma_start3A_1950, %dma_start3A_1951] : memref<7x16x1024xf32, #tpu.memory_space<vmem>> -> memref<1x16x1024xf32, #tpu.memory_space<vmem>>
    %dma_start3A_1953 = tpu.memref_squeeze %dma_start3A_1952 : memref<1x16x1024xf32, #tpu.memory_space<vmem>> -> memref<16x1024xf32, #tpu.memory_space<vmem>>
    %dma_start3A_1954 = arith.constant 0 : i32
    %dma_start3A_1955 = tpu.memref_slice %arg4[%select_n3A, %add3A_1947, %dma_start3A_1954] : memref<4x4096x1024xf32, #tpu.memory_space<hbm>> -> memref<1x16x1024xf32, #tpu.memory_space<hbm>>
    %dma_start3A_1956 = tpu.memref_squeeze %dma_start3A_1955 : memref<1x16x1024xf32, #tpu.memory_space<hbm>> -> memref<16x1024xf32, #tpu.memory_space<hbm>>
    %dma_start3A_1957 = tpu.memref_slice %arg8[%dma_start3A_1949] : memref<7x!tpu.dma_semaphore, #tpu.memory_space<semaphore_mem>> -> memref<1x!tpu.dma_semaphore, #tpu.memory_space<semaphore_mem>>
    %dma_start3A_1958 = tpu.memref_squeeze %dma_start3A_1957 : memref<1x!tpu.dma_semaphore, #tpu.memory_space<semaphore_mem>> -> memref<!tpu.dma_semaphore, #tpu.memory_space<semaphore_mem>>
    %dma_start3A_1959 = arith.constant 0 : i32
    %dma_start3A_1960 = tpu.memref_slice %arg4[%select_n3A, %add3A_1947, %dma_start3A_1959] : memref<4x4096x1024xf32, #tpu.memory_space<hbm>> -> memref<1x16x1024xf32, #tpu.memory_space<hbm>>
    %dma_start3A_1961 = tpu.memref_squeeze %dma_start3A_1960 : memref<1x16x1024xf32, #tpu.memory_space<hbm>> -> memref<16x1024xf32, #tpu.memory_space<hbm>>
    %dma_start3A_1962 = arith.constant 0 : i32
    %dma_start3A_1963 = arith.constant 0 : i32
    %dma_start3A_1964 = tpu.memref_slice %arg6[%dma_start3A_1948, %dma_start3A_1962, %dma_start3A_1963] : memref<7x16x1024xf32, #tpu.memory_space<vmem>> -> memref<1x16x1024xf32, #tpu.memory_space<vmem>>
    %dma_start3A_1965 = tpu.memref_squeeze %dma_start3A_1964 : memref<1x16x1024xf32, #tpu.memory_space<vmem>> -> memref<16x1024xf32, #tpu.memory_space<vmem>>
    tpu.enqueue_dma source(%dma_start3A_1965 : memref<16x1024xf32, #tpu.memory_space<vmem>>) target(%dma_start3A_1961 : memref<16x1024xf32, #tpu.memory_space<hbm>>) target_semaphore(%dma_start3A_1958 : memref<!tpu.dma_semaphore, #tpu.memory_space<semaphore_mem>>)
    %dma_wait3A_1966 = arith.constant 3 : i32
    %dma_wait3A_1967 = arith.constant 3 : i32
    %dma_wait3A_1968 = arith.constant 0 : i32
    %dma_wait3A_1969 = arith.constant 0 : i32
    %dma_wait3A_1970 = tpu.memref_slice %arg6[%dma_wait3A_1966, %dma_wait3A_1968, %dma_wait3A_1969] : memref<7x16x1024xf32, #tpu.memory_space<vmem>> -> memref<1x16x1024xf32, #tpu.memory_space<vmem>>
    %dma_wait3A_1971 = tpu.memref_squeeze %dma_wait3A_1970 : memref<1x16x1024xf32, #tpu.memory_space<vmem>> -> memref<16x1024xf32, #tpu.memory_space<vmem>>
    %dma_wait3A_1972 = arith.constant 496 : i32
    %dma_wait3A_1973 = tpu.memref_slice %arg5[%dma_wait3A_1972] : memref<512xi32, #tpu.memory_space<vmem>> -> memref<16xi32, #tpu.memory_space<vmem>>
    %dma_wait3A_1974 = arith.constant 0 : i32
    %dma_wait3A_1975 = arith.constant 0 : i32
    %dma_wait3A_1976 = tpu.memref_slice %arg3[%dma_wait3A_1974, %dma_wait3A_1975] : memref<100000x1024xf32, #tpu.memory_space<hbm>> -> memref<100000x1024xf32, #tpu.memory_space<hbm>>
    %dma_wait3A_1977 = tpu.memref_slice %arg7[%dma_wait3A_1967] : memref<7x!tpu.dma_semaphore, #tpu.memory_space<semaphore_mem>> -> memref<1x!tpu.dma_semaphore, #tpu.memory_space<semaphore_mem>>
    %dma_wait3A_1978 = tpu.memref_squeeze %dma_wait3A_1977 : memref<1x!tpu.dma_semaphore, #tpu.memory_space<semaphore_mem>> -> memref<!tpu.dma_semaphore, #tpu.memory_space<semaphore_mem>>
    tpu.wait_indirect_dma semaphore(%dma_wait3A_1978 : memref<!tpu.dma_semaphore, #tpu.memory_space<semaphore_mem>>) src(%dma_wait3A_1976 : memref<100000x1024xf32, #tpu.memory_space<hbm>>) dst(%dma_wait3A_1971 : memref<16x1024xf32, #tpu.memory_space<vmem>>)
    %add3A_1979 = arith.constant 496 : i32
    %add3A_1980 = arith.addi %mul3A_32, %add3A_1979 : i32
    %dma_start3A_1981 = arith.constant 3 : i32
    %dma_start3A_1982 = arith.constant 3 : i32
    %dma_start3A_1983 = arith.constant 0 : i32
    %dma_start3A_1984 = arith.constant 0 : i32
    %dma_start3A_1985 = tpu.memref_slice %arg6[%dma_start3A_1981, %dma_start3A_1983, %dma_start3A_1984] : memref<7x16x1024xf32, #tpu.memory_space<vmem>> -> memref<1x16x1024xf32, #tpu.memory_space<vmem>>
    %dma_start3A_1986 = tpu.memref_squeeze %dma_start3A_1985 : memref<1x16x1024xf32, #tpu.memory_space<vmem>> -> memref<16x1024xf32, #tpu.memory_space<vmem>>
    %dma_start3A_1987 = arith.constant 0 : i32
    %dma_start3A_1988 = tpu.memref_slice %arg4[%select_n3A, %add3A_1980, %dma_start3A_1987] : memref<4x4096x1024xf32, #tpu.memory_space<hbm>> -> memref<1x16x1024xf32, #tpu.memory_space<hbm>>
    %dma_start3A_1989 = tpu.memref_squeeze %dma_start3A_1988 : memref<1x16x1024xf32, #tpu.memory_space<hbm>> -> memref<16x1024xf32, #tpu.memory_space<hbm>>
    %dma_start3A_1990 = tpu.memref_slice %arg8[%dma_start3A_1982] : memref<7x!tpu.dma_semaphore, #tpu.memory_space<semaphore_mem>> -> memref<1x!tpu.dma_semaphore, #tpu.memory_space<semaphore_mem>>
    %dma_start3A_1991 = tpu.memref_squeeze %dma_start3A_1990 : memref<1x!tpu.dma_semaphore, #tpu.memory_space<semaphore_mem>> -> memref<!tpu.dma_semaphore, #tpu.memory_space<semaphore_mem>>
    %dma_start3A_1992 = arith.constant 0 : i32
    %dma_start3A_1993 = tpu.memref_slice %arg4[%select_n3A, %add3A_1980, %dma_start3A_1992] : memref<4x4096x1024xf32, #tpu.memory_space<hbm>> -> memref<1x16x1024xf32, #tpu.memory_space<hbm>>
    %dma_start3A_1994 = tpu.memref_squeeze %dma_start3A_1993 : memref<1x16x1024xf32, #tpu.memory_space<hbm>> -> memref<16x1024xf32, #tpu.memory_space<hbm>>
    %dma_start3A_1995 = arith.constant 0 : i32
    %dma_start3A_1996 = arith.constant 0 : i32
    %dma_start3A_1997 = tpu.memref_slice %arg6[%dma_start3A_1981, %dma_start3A_1995, %dma_start3A_1996] : memref<7x16x1024xf32, #tpu.memory_space<vmem>> -> memref<1x16x1024xf32, #tpu.memory_space<vmem>>
    %dma_start3A_1998 = tpu.memref_squeeze %dma_start3A_1997 : memref<1x16x1024xf32, #tpu.memory_space<vmem>> -> memref<16x1024xf32, #tpu.memory_space<vmem>>
    tpu.enqueue_dma source(%dma_start3A_1998 : memref<16x1024xf32, #tpu.memory_space<vmem>>) target(%dma_start3A_1994 : memref<16x1024xf32, #tpu.memory_space<hbm>>) target_semaphore(%dma_start3A_1991 : memref<!tpu.dma_semaphore, #tpu.memory_space<semaphore_mem>>)
    %dma_wait3A_1999 = arith.constant 0 : i32
    %dma_wait3A_2000 = arith.constant 0 : i32
    %dma_wait3A_2001 = arith.constant 0 : i32
    %dma_wait3A_2002 = arith.constant 0 : i32
    %dma_wait3A_2003 = tpu.memref_slice %arg6[%dma_wait3A_1999, %dma_wait3A_2001, %dma_wait3A_2002] : memref<7x16x1024xf32, #tpu.memory_space<vmem>> -> memref<1x16x1024xf32, #tpu.memory_space<vmem>>
    %dma_wait3A_2004 = tpu.memref_squeeze %dma_wait3A_2003 : memref<1x16x1024xf32, #tpu.memory_space<vmem>> -> memref<16x1024xf32, #tpu.memory_space<vmem>>
    %dma_wait3A_2005 = arith.constant 0 : i32
    %dma_wait3A_2006 = tpu.memref_slice %arg4[%select_n3A, %add3A_1881, %dma_wait3A_2005] : memref<4x4096x1024xf32, #tpu.memory_space<hbm>> -> memref<1x16x1024xf32, #tpu.memory_space<hbm>>
    %dma_wait3A_2007 = tpu.memref_squeeze %dma_wait3A_2006 : memref<1x16x1024xf32, #tpu.memory_space<hbm>> -> memref<16x1024xf32, #tpu.memory_space<hbm>>
    %dma_wait3A_2008 = tpu.memref_slice %arg8[%dma_wait3A_2000] : memref<7x!tpu.dma_semaphore, #tpu.memory_space<semaphore_mem>> -> memref<1x!tpu.dma_semaphore, #tpu.memory_space<semaphore_mem>>
    %dma_wait3A_2009 = tpu.memref_squeeze %dma_wait3A_2008 : memref<1x!tpu.dma_semaphore, #tpu.memory_space<semaphore_mem>> -> memref<!tpu.dma_semaphore, #tpu.memory_space<semaphore_mem>>
    %dma_wait3A_2010 = arith.constant 0 : i32
    %dma_wait3A_2011 = tpu.memref_slice %arg4[%select_n3A, %add3A_1881, %dma_wait3A_2010] : memref<4x4096x1024xf32, #tpu.memory_space<hbm>> -> memref<1x16x1024xf32, #tpu.memory_space<hbm>>
    %dma_wait3A_2012 = tpu.memref_squeeze %dma_wait3A_2011 : memref<1x16x1024xf32, #tpu.memory_space<hbm>> -> memref<16x1024xf32, #tpu.memory_space<hbm>>
    %dma_wait3A_2013 = arith.constant 0 : i32
    %dma_wait3A_2014 = arith.constant 0 : i32
    %dma_wait3A_2015 = tpu.memref_slice %arg6[%dma_wait3A_1999, %dma_wait3A_2013, %dma_wait3A_2014] : memref<7x16x1024xf32, #tpu.memory_space<vmem>> -> memref<1x16x1024xf32, #tpu.memory_space<vmem>>
    %dma_wait3A_2016 = tpu.memref_squeeze %dma_wait3A_2015 : memref<1x16x1024xf32, #tpu.memory_space<vmem>> -> memref<16x1024xf32, #tpu.memory_space<vmem>>
    tpu.wait_dma2 semaphore(%dma_wait3A_2009 : memref<!tpu.dma_semaphore, #tpu.memory_space<semaphore_mem>>) src(%dma_wait3A_2016 : memref<16x1024xf32, #tpu.memory_space<vmem>>) dst(%dma_wait3A_2012 : memref<16x1024xf32, #tpu.memory_space<hbm>>)
    %dma_wait3A_2017 = arith.constant 1 : i32
    %dma_wait3A_2018 = arith.constant 1 : i32
    %dma_wait3A_2019 = arith.constant 0 : i32
    %dma_wait3A_2020 = arith.constant 0 : i32
    %dma_wait3A_2021 = tpu.memref_slice %arg6[%dma_wait3A_2017, %dma_wait3A_2019, %dma_wait3A_2020] : memref<7x16x1024xf32, #tpu.memory_space<vmem>> -> memref<1x16x1024xf32, #tpu.memory_space<vmem>>
    %dma_wait3A_2022 = tpu.memref_squeeze %dma_wait3A_2021 : memref<1x16x1024xf32, #tpu.memory_space<vmem>> -> memref<16x1024xf32, #tpu.memory_space<vmem>>
    %dma_wait3A_2023 = arith.constant 0 : i32
    %dma_wait3A_2024 = tpu.memref_slice %arg4[%select_n3A, %add3A_1914, %dma_wait3A_2023] : memref<4x4096x1024xf32, #tpu.memory_space<hbm>> -> memref<1x16x1024xf32, #tpu.memory_space<hbm>>
    %dma_wait3A_2025 = tpu.memref_squeeze %dma_wait3A_2024 : memref<1x16x1024xf32, #tpu.memory_space<hbm>> -> memref<16x1024xf32, #tpu.memory_space<hbm>>
    %dma_wait3A_2026 = tpu.memref_slice %arg8[%dma_wait3A_2018] : memref<7x!tpu.dma_semaphore, #tpu.memory_space<semaphore_mem>> -> memref<1x!tpu.dma_semaphore, #tpu.memory_space<semaphore_mem>>
    %dma_wait3A_2027 = tpu.memref_squeeze %dma_wait3A_2026 : memref<1x!tpu.dma_semaphore, #tpu.memory_space<semaphore_mem>> -> memref<!tpu.dma_semaphore, #tpu.memory_space<semaphore_mem>>
    %dma_wait3A_2028 = arith.constant 0 : i32
    %dma_wait3A_2029 = tpu.memref_slice %arg4[%select_n3A, %add3A_1914, %dma_wait3A_2028] : memref<4x4096x1024xf32, #tpu.memory_space<hbm>> -> memref<1x16x1024xf32, #tpu.memory_space<hbm>>
    %dma_wait3A_2030 = tpu.memref_squeeze %dma_wait3A_2029 : memref<1x16x1024xf32, #tpu.memory_space<hbm>> -> memref<16x1024xf32, #tpu.memory_space<hbm>>
    %dma_wait3A_2031 = arith.constant 0 : i32
    %dma_wait3A_2032 = arith.constant 0 : i32
    %dma_wait3A_2033 = tpu.memref_slice %arg6[%dma_wait3A_2017, %dma_wait3A_2031, %dma_wait3A_2032] : memref<7x16x1024xf32, #tpu.memory_space<vmem>> -> memref<1x16x1024xf32, #tpu.memory_space<vmem>>
    %dma_wait3A_2034 = tpu.memref_squeeze %dma_wait3A_2033 : memref<1x16x1024xf32, #tpu.memory_space<vmem>> -> memref<16x1024xf32, #tpu.memory_space<vmem>>
    tpu.wait_dma2 semaphore(%dma_wait3A_2027 : memref<!tpu.dma_semaphore, #tpu.memory_space<semaphore_mem>>) src(%dma_wait3A_2034 : memref<16x1024xf32, #tpu.memory_space<vmem>>) dst(%dma_wait3A_2030 : memref<16x1024xf32, #tpu.memory_space<hbm>>)
    %dma_wait3A_2035 = arith.constant 2 : i32
    %dma_wait3A_2036 = arith.constant 2 : i32
    %dma_wait3A_2037 = arith.constant 0 : i32
    %dma_wait3A_2038 = arith.constant 0 : i32
    %dma_wait3A_2039 = tpu.memref_slice %arg6[%dma_wait3A_2035, %dma_wait3A_2037, %dma_wait3A_2038] : memref<7x16x1024xf32, #tpu.memory_space<vmem>> -> memref<1x16x1024xf32, #tpu.memory_space<vmem>>
    %dma_wait3A_2040 = tpu.memref_squeeze %dma_wait3A_2039 : memref<1x16x1024xf32, #tpu.memory_space<vmem>> -> memref<16x1024xf32, #tpu.memory_space<vmem>>
    %dma_wait3A_2041 = arith.constant 0 : i32
    %dma_wait3A_2042 = tpu.memref_slice %arg4[%select_n3A, %add3A_1947, %dma_wait3A_2041] : memref<4x4096x1024xf32, #tpu.memory_space<hbm>> -> memref<1x16x1024xf32, #tpu.memory_space<hbm>>
    %dma_wait3A_2043 = tpu.memref_squeeze %dma_wait3A_2042 : memref<1x16x1024xf32, #tpu.memory_space<hbm>> -> memref<16x1024xf32, #tpu.memory_space<hbm>>
    %dma_wait3A_2044 = tpu.memref_slice %arg8[%dma_wait3A_2036] : memref<7x!tpu.dma_semaphore, #tpu.memory_space<semaphore_mem>> -> memref<1x!tpu.dma_semaphore, #tpu.memory_space<semaphore_mem>>
    %dma_wait3A_2045 = tpu.memref_squeeze %dma_wait3A_2044 : memref<1x!tpu.dma_semaphore, #tpu.memory_space<semaphore_mem>> -> memref<!tpu.dma_semaphore, #tpu.memory_space<semaphore_mem>>
    %dma_wait3A_2046 = arith.constant 0 : i32
    %dma_wait3A_2047 = tpu.memref_slice %arg4[%select_n3A, %add3A_1947, %dma_wait3A_2046] : memref<4x4096x1024xf32, #tpu.memory_space<hbm>> -> memref<1x16x1024xf32, #tpu.memory_space<hbm>>
    %dma_wait3A_2048 = tpu.memref_squeeze %dma_wait3A_2047 : memref<1x16x1024xf32, #tpu.memory_space<hbm>> -> memref<16x1024xf32, #tpu.memory_space<hbm>>
    %dma_wait3A_2049 = arith.constant 0 : i32
    %dma_wait3A_2050 = arith.constant 0 : i32
    %dma_wait3A_2051 = tpu.memref_slice %arg6[%dma_wait3A_2035, %dma_wait3A_2049, %dma_wait3A_2050] : memref<7x16x1024xf32, #tpu.memory_space<vmem>> -> memref<1x16x1024xf32, #tpu.memory_space<vmem>>
    %dma_wait3A_2052 = tpu.memref_squeeze %dma_wait3A_2051 : memref<1x16x1024xf32, #tpu.memory_space<vmem>> -> memref<16x1024xf32, #tpu.memory_space<vmem>>
    tpu.wait_dma2 semaphore(%dma_wait3A_2045 : memref<!tpu.dma_semaphore, #tpu.memory_space<semaphore_mem>>) src(%dma_wait3A_2052 : memref<16x1024xf32, #tpu.memory_space<vmem>>) dst(%dma_wait3A_2048 : memref<16x1024xf32, #tpu.memory_space<hbm>>)
    %dma_wait3A_2053 = arith.constant 3 : i32
    %dma_wait3A_2054 = arith.constant 3 : i32
    %dma_wait3A_2055 = arith.constant 0 : i32
    %dma_wait3A_2056 = arith.constant 0 : i32
    %dma_wait3A_2057 = tpu.memref_slice %arg6[%dma_wait3A_2053, %dma_wait3A_2055, %dma_wait3A_2056] : memref<7x16x1024xf32, #tpu.memory_space<vmem>> -> memref<1x16x1024xf32, #tpu.memory_space<vmem>>
    %dma_wait3A_2058 = tpu.memref_squeeze %dma_wait3A_2057 : memref<1x16x1024xf32, #tpu.memory_space<vmem>> -> memref<16x1024xf32, #tpu.memory_space<vmem>>
    %dma_wait3A_2059 = arith.constant 0 : i32
    %dma_wait3A_2060 = tpu.memref_slice %arg4[%select_n3A, %add3A_1980, %dma_wait3A_2059] : memref<4x4096x1024xf32, #tpu.memory_space<hbm>> -> memref<1x16x1024xf32, #tpu.memory_space<hbm>>
    %dma_wait3A_2061 = tpu.memref_squeeze %dma_wait3A_2060 : memref<1x16x1024xf32, #tpu.memory_space<hbm>> -> memref<16x1024xf32, #tpu.memory_space<hbm>>
    %dma_wait3A_2062 = tpu.memref_slice %arg8[%dma_wait3A_2054] : memref<7x!tpu.dma_semaphore, #tpu.memory_space<semaphore_mem>> -> memref<1x!tpu.dma_semaphore, #tpu.memory_space<semaphore_mem>>
    %dma_wait3A_2063 = tpu.memref_squeeze %dma_wait3A_2062 : memref<1x!tpu.dma_semaphore, #tpu.memory_space<semaphore_mem>> -> memref<!tpu.dma_semaphore, #tpu.memory_space<semaphore_mem>>
    %dma_wait3A_2064 = arith.constant 0 : i32
    %dma_wait3A_2065 = tpu.memref_slice %arg4[%select_n3A, %add3A_1980, %dma_wait3A_2064] : memref<4x4096x1024xf32, #tpu.memory_space<hbm>> -> memref<1x16x1024xf32, #tpu.memory_space<hbm>>
    %dma_wait3A_2066 = tpu.memref_squeeze %dma_wait3A_2065 : memref<1x16x1024xf32, #tpu.memory_space<hbm>> -> memref<16x1024xf32, #tpu.memory_space<hbm>>
    %dma_wait3A_2067 = arith.constant 0 : i32
    %dma_wait3A_2068 = arith.constant 0 : i32
    %dma_wait3A_2069 = tpu.memref_slice %arg6[%dma_wait3A_2053, %dma_wait3A_2067, %dma_wait3A_2068] : memref<7x16x1024xf32, #tpu.memory_space<vmem>> -> memref<1x16x1024xf32, #tpu.memory_space<vmem>>
    %dma_wait3A_2070 = tpu.memref_squeeze %dma_wait3A_2069 : memref<1x16x1024xf32, #tpu.memory_space<vmem>> -> memref<16x1024xf32, #tpu.memory_space<vmem>>
    tpu.wait_dma2 semaphore(%dma_wait3A_2063 : memref<!tpu.dma_semaphore, #tpu.memory_space<semaphore_mem>>) src(%dma_wait3A_2070 : memref<16x1024xf32, #tpu.memory_space<vmem>>) dst(%dma_wait3A_2066 : memref<16x1024xf32, #tpu.memory_space<hbm>>)
    %dma_wait3A_2071 = arith.constant 4 : i32
    %dma_wait3A_2072 = arith.constant 4 : i32
    %dma_wait3A_2073 = arith.constant 0 : i32
    %dma_wait3A_2074 = arith.constant 0 : i32
    %dma_wait3A_2075 = tpu.memref_slice %arg6[%dma_wait3A_2071, %dma_wait3A_2073, %dma_wait3A_2074] : memref<7x16x1024xf32, #tpu.memory_space<vmem>> -> memref<1x16x1024xf32, #tpu.memory_space<vmem>>
    %dma_wait3A_2076 = tpu.memref_squeeze %dma_wait3A_2075 : memref<1x16x1024xf32, #tpu.memory_space<vmem>> -> memref<16x1024xf32, #tpu.memory_space<vmem>>
    %dma_wait3A_2077 = arith.constant 0 : i32
    %dma_wait3A_2078 = tpu.memref_slice %arg4[%select_n3A, %add3A_1720, %dma_wait3A_2077] : memref<4x4096x1024xf32, #tpu.memory_space<hbm>> -> memref<1x16x1024xf32, #tpu.memory_space<hbm>>
    %dma_wait3A_2079 = tpu.memref_squeeze %dma_wait3A_2078 : memref<1x16x1024xf32, #tpu.memory_space<hbm>> -> memref<16x1024xf32, #tpu.memory_space<hbm>>
    %dma_wait3A_2080 = tpu.memref_slice %arg8[%dma_wait3A_2072] : memref<7x!tpu.dma_semaphore, #tpu.memory_space<semaphore_mem>> -> memref<1x!tpu.dma_semaphore, #tpu.memory_space<semaphore_mem>>
    %dma_wait3A_2081 = tpu.memref_squeeze %dma_wait3A_2080 : memref<1x!tpu.dma_semaphore, #tpu.memory_space<semaphore_mem>> -> memref<!tpu.dma_semaphore, #tpu.memory_space<semaphore_mem>>
    %dma_wait3A_2082 = arith.constant 0 : i32
    %dma_wait3A_2083 = tpu.memref_slice %arg4[%select_n3A, %add3A_1720, %dma_wait3A_2082] : memref<4x4096x1024xf32, #tpu.memory_space<hbm>> -> memref<1x16x1024xf32, #tpu.memory_space<hbm>>
    %dma_wait3A_2084 = tpu.memref_squeeze %dma_wait3A_2083 : memref<1x16x1024xf32, #tpu.memory_space<hbm>> -> memref<16x1024xf32, #tpu.memory_space<hbm>>
    %dma_wait3A_2085 = arith.constant 0 : i32
    %dma_wait3A_2086 = arith.constant 0 : i32
    %dma_wait3A_2087 = tpu.memref_slice %arg6[%dma_wait3A_2071, %dma_wait3A_2085, %dma_wait3A_2086] : memref<7x16x1024xf32, #tpu.memory_space<vmem>> -> memref<1x16x1024xf32, #tpu.memory_space<vmem>>
    %dma_wait3A_2088 = tpu.memref_squeeze %dma_wait3A_2087 : memref<1x16x1024xf32, #tpu.memory_space<vmem>> -> memref<16x1024xf32, #tpu.memory_space<vmem>>
    tpu.wait_dma2 semaphore(%dma_wait3A_2081 : memref<!tpu.dma_semaphore, #tpu.memory_space<semaphore_mem>>) src(%dma_wait3A_2088 : memref<16x1024xf32, #tpu.memory_space<vmem>>) dst(%dma_wait3A_2084 : memref<16x1024xf32, #tpu.memory_space<hbm>>)
    %dma_wait3A_2089 = arith.constant 5 : i32
    %dma_wait3A_2090 = arith.constant 5 : i32
    %dma_wait3A_2091 = arith.constant 0 : i32
    %dma_wait3A_2092 = arith.constant 0 : i32
    %dma_wait3A_2093 = tpu.memref_slice %arg6[%dma_wait3A_2089, %dma_wait3A_2091, %dma_wait3A_2092] : memref<7x16x1024xf32, #tpu.memory_space<vmem>> -> memref<1x16x1024xf32, #tpu.memory_space<vmem>>
    %dma_wait3A_2094 = tpu.memref_squeeze %dma_wait3A_2093 : memref<1x16x1024xf32, #tpu.memory_space<vmem>> -> memref<16x1024xf32, #tpu.memory_space<vmem>>
    %dma_wait3A_2095 = arith.constant 0 : i32
    %dma_wait3A_2096 = tpu.memref_slice %arg4[%select_n3A, %add3A_1784, %dma_wait3A_2095] : memref<4x4096x1024xf32, #tpu.memory_space<hbm>> -> memref<1x16x1024xf32, #tpu.memory_space<hbm>>
    %dma_wait3A_2097 = tpu.memref_squeeze %dma_wait3A_2096 : memref<1x16x1024xf32, #tpu.memory_space<hbm>> -> memref<16x1024xf32, #tpu.memory_space<hbm>>
    %dma_wait3A_2098 = tpu.memref_slice %arg8[%dma_wait3A_2090] : memref<7x!tpu.dma_semaphore, #tpu.memory_space<semaphore_mem>> -> memref<1x!tpu.dma_semaphore, #tpu.memory_space<semaphore_mem>>
    %dma_wait3A_2099 = tpu.memref_squeeze %dma_wait3A_2098 : memref<1x!tpu.dma_semaphore, #tpu.memory_space<semaphore_mem>> -> memref<!tpu.dma_semaphore, #tpu.memory_space<semaphore_mem>>
    %dma_wait3A_2100 = arith.constant 0 : i32
    %dma_wait3A_2101 = tpu.memref_slice %arg4[%select_n3A, %add3A_1784, %dma_wait3A_2100] : memref<4x4096x1024xf32, #tpu.memory_space<hbm>> -> memref<1x16x1024xf32, #tpu.memory_space<hbm>>
    %dma_wait3A_2102 = tpu.memref_squeeze %dma_wait3A_2101 : memref<1x16x1024xf32, #tpu.memory_space<hbm>> -> memref<16x1024xf32, #tpu.memory_space<hbm>>
    %dma_wait3A_2103 = arith.constant 0 : i32
    %dma_wait3A_2104 = arith.constant 0 : i32
    %dma_wait3A_2105 = tpu.memref_slice %arg6[%dma_wait3A_2089, %dma_wait3A_2103, %dma_wait3A_2104] : memref<7x16x1024xf32, #tpu.memory_space<vmem>> -> memref<1x16x1024xf32, #tpu.memory_space<vmem>>
    %dma_wait3A_2106 = tpu.memref_squeeze %dma_wait3A_2105 : memref<1x16x1024xf32, #tpu.memory_space<vmem>> -> memref<16x1024xf32, #tpu.memory_space<vmem>>
    tpu.wait_dma2 semaphore(%dma_wait3A_2099 : memref<!tpu.dma_semaphore, #tpu.memory_space<semaphore_mem>>) src(%dma_wait3A_2106 : memref<16x1024xf32, #tpu.memory_space<vmem>>) dst(%dma_wait3A_2102 : memref<16x1024xf32, #tpu.memory_space<hbm>>)
    %dma_wait3A_2107 = arith.constant 6 : i32
    %dma_wait3A_2108 = arith.constant 6 : i32
    %dma_wait3A_2109 = arith.constant 0 : i32
    %dma_wait3A_2110 = arith.constant 0 : i32
    %dma_wait3A_2111 = tpu.memref_slice %arg6[%dma_wait3A_2107, %dma_wait3A_2109, %dma_wait3A_2110] : memref<7x16x1024xf32, #tpu.memory_space<vmem>> -> memref<1x16x1024xf32, #tpu.memory_space<vmem>>
    %dma_wait3A_2112 = tpu.memref_squeeze %dma_wait3A_2111 : memref<1x16x1024xf32, #tpu.memory_space<vmem>> -> memref<16x1024xf32, #tpu.memory_space<vmem>>
    %dma_wait3A_2113 = arith.constant 0 : i32
    %dma_wait3A_2114 = tpu.memref_slice %arg4[%select_n3A, %add3A_1848, %dma_wait3A_2113] : memref<4x4096x1024xf32, #tpu.memory_space<hbm>> -> memref<1x16x1024xf32, #tpu.memory_space<hbm>>
    %dma_wait3A_2115 = tpu.memref_squeeze %dma_wait3A_2114 : memref<1x16x1024xf32, #tpu.memory_space<hbm>> -> memref<16x1024xf32, #tpu.memory_space<hbm>>
    %dma_wait3A_2116 = tpu.memref_slice %arg8[%dma_wait3A_2108] : memref<7x!tpu.dma_semaphore, #tpu.memory_space<semaphore_mem>> -> memref<1x!tpu.dma_semaphore, #tpu.memory_space<semaphore_mem>>
    %dma_wait3A_2117 = tpu.memref_squeeze %dma_wait3A_2116 : memref<1x!tpu.dma_semaphore, #tpu.memory_space<semaphore_mem>> -> memref<!tpu.dma_semaphore, #tpu.memory_space<semaphore_mem>>
    %dma_wait3A_2118 = arith.constant 0 : i32
    %dma_wait3A_2119 = tpu.memref_slice %arg4[%select_n3A, %add3A_1848, %dma_wait3A_2118] : memref<4x4096x1024xf32, #tpu.memory_space<hbm>> -> memref<1x16x1024xf32, #tpu.memory_space<hbm>>
    %dma_wait3A_2120 = tpu.memref_squeeze %dma_wait3A_2119 : memref<1x16x1024xf32, #tpu.memory_space<hbm>> -> memref<16x1024xf32, #tpu.memory_space<hbm>>
    %dma_wait3A_2121 = arith.constant 0 : i32
    %dma_wait3A_2122 = arith.constant 0 : i32
    %dma_wait3A_2123 = tpu.memref_slice %arg6[%dma_wait3A_2107, %dma_wait3A_2121, %dma_wait3A_2122] : memref<7x16x1024xf32, #tpu.memory_space<vmem>> -> memref<1x16x1024xf32, #tpu.memory_space<vmem>>
    %dma_wait3A_2124 = tpu.memref_squeeze %dma_wait3A_2123 : memref<1x16x1024xf32, #tpu.memory_space<vmem>> -> memref<16x1024xf32, #tpu.memory_space<vmem>>
    tpu.wait_dma2 semaphore(%dma_wait3A_2117 : memref<!tpu.dma_semaphore, #tpu.memory_space<semaphore_mem>>) src(%dma_wait3A_2124 : memref<16x1024xf32, #tpu.memory_space<vmem>>) dst(%dma_wait3A_2120 : memref<16x1024xf32, #tpu.memory_space<hbm>>)
    return
  }
}

</mosaic_0001>

<sc_bundles>
// kernel: kernel.3.cloned.1.call-start
scs
__scs_entry_jumppad:
0x0: {  	(pc) =	sbr.rel $0x88, $3  }
0x1: {  	(tag) =	ssettag $0x0;
	lr =	simm.s32 $0x1  }
0x2: {  	[smem:$0x3F9F] =	sst lr;
	_ =	strace $0xD0000000  }
0x3: {  	_ = 	snop  }
0x4: {  	_ = 	snop  }
0x5: {  	_ = 	snop  }
0x6: {  	_ = 	snop  }
0x7: {  	_ = 	snop  }
__scs_overlays_trampoline_lowered:
0x8: {  	[smem:$0x3FAE] =	sst s0  }
0x9: {  	[smem:$0x3FAF] =	sst s1  }
0xa: {  	[smem:$0x3FB0] =	sst s2  }
0xb: {  	[smem:$0x3FB1] =	sst s3  }
0xc: {  	[smem:$0x3FB2] =	sst s4  }
0xd: {  	[smem:$0x3FB3] =	sst s5  }
0xe: {  	[smem:$0x3FB4] =	sst s6  }
0xf: {  	[smem:$0x3FB5] =	sst s7  }
0x10: {  	[smem:$0x3FB6] =	sst s8  }
0x11: {  	[smem:$0x3FB7] =	sst s9;
	s0 =	simm.s32 @!p0 $0x0  }
0x12: {  	s1 =	sld [smem:$0x3F9D];
	s0 =	simm.s32 @p0 $0x1  }
0x13: {  	[smem:$0x3FB8] =	sst s0;
	s0 =	simm.s32 @!p1 $0x0  }
0x14: {  	s2 =	sld [smem:$0x3F9C];
	s0 =	simm.s32 @p1 $0x1  }
0x15: {  	[smem:$0x3FB9] =	sst s0;
	s0 =	simm.s32 @!p2 $0x0  }
0x16: {  	s3 =	sld [smem:$0x3FDB];
	s0 =	simm.s32 @p2 $0x1  }
0x17: {  	s4 =	simm.s32 $0x1BF5;
	[smem:$0x3FBB] =	sst s0  }
0x18: {  	s0 =	sld [smem:$0x3F9E];
	_ =	swait.ge [sflag:s4], $0x0  }
0x19: {  	s7 =	sld [smem:$0x3F9F]  }
0x1a: {  	s8 =	sadd.s32 $0xFFFFE003, lr  }
0x1b: {  	s9 =	sadd.s32 $0xFFFFFEF7, lr;
	s5 =	simm.s32 $0xFFFFFFFF;
	p2 =	slt.u32 s8, $0xFFFFF086  }
0x1c: {  	p1 =	slt.u32 s9, $0xF7A;
	s5 =	simm.s32 @!p2 $0x0  }
0x1d: {  	s5 =	simm.s32 @p1 $0x1;
	p0 =	seq.s32 s7, s2  }
0x1e: {  	s7 =	smul.u32 @!p0 $0xF7A, s2;
	p2 =	seq.s32 @!p0 s5, $0x0  }
0x1f: {  	s9 =	smul.u32 $0xF7A, s1;
	s8 =	simm.s32 @!p0 $0x1BF5;
	p2 =	por !p2, p0  }
0x20: {  	[sflag:s8] =	ssyncset.s32 @!p0 $0xFFFFF086;
	s6 =	sadd.s32 @!p0 s3, s7;
	s7 =	simm.s32 @!p0 $0x108  }
0x21: {  	s3 =	sadd.s32 s3, s9;
	s6 =	sadd.s32 @!p0 $0x88, s6;
	s7 =	simm.s32 @p2 $0x1082  }
0x22: {  	[simem:s7], [sflag:s8] =	dma.local @!p0 [hbm:s6], $0xF7A  }
0x23: {  	s9 =	sor.u32 $0xD0000000, s2;
	s6 =	simm.s32 $0x108;
	_ =	swait.ge @!p0 [sflag:s8], $0x0  }
0x24: {  	s3 =	sadd.s32 $0x88, s3;
	s6 =	simm.s32 @!p1 $0x1082;
	[sflag:s4] =	ssyncset.s32 $0xFFFFF086  }
0x25: {  	[simem:s6], [sflag:s4] =	dma.local [hbm:s3], $0xF7A  }
0x26: {  	[smem:$0x3F9F] =	sst s1;
	(tag) =	ssettag s2;
	_ =	strace s9  }
0x27: {  	s1 =	sld [smem:$0x3FAF]  }
0x28: {  	s2 =	sld [smem:$0x3FB0]  }
0x29: {  	s4 =	sld [smem:$0x3FB2]  }
0x2a: {  	p0 =	seq.s32 s5, $0x0;
	s5 =	sld [smem:$0x3FB3]  }
0x2b: {  	s6 =	sld [smem:$0x3FB4]  }
0x2c: {  	s7 =	sld [smem:$0x3FB5]  }
0x2d: {  	s3 =	simm.s32 $0x108;
	s8 =	sld [smem:$0x3FB6]  }
0x2e: {  	s3 =	simm.s32 @!p0 $0x1082;
	s9 =	sld [smem:$0x3FB7]  }
0x2f: {  	lr =	sadd.s32 s0, s3;
	s0 =	sld [smem:$0x3FAE]  }
0x30: {  	s3 =	sld [smem:$0x3FB1]  }
0x31: {  	[smem:$0x3FBA] =	sst s10  }
0x32: {  	s10 =	sld [smem:$0x3FB8];
	_ =	sdelay $0x3  }
0x33: {  	p0 =	seq.s32 s10, $0x1;
	s10 =	sld [smem:$0x3FBA];
	_ =	sdelay $0x3  }
0x34: {  	[smem:$0x3FBA] =	sst s10  }
0x35: {  	s10 =	sld [smem:$0x3FB9];
	_ =	sdelay $0x3  }
0x36: {  	p1 =	seq.s32 s10, $0x1;
	s10 =	sld [smem:$0x3FBA];
	_ =	sdelay $0x3  }
0x37: {  	[smem:$0x3FBA] =	sst s10  }
0x38: {  	s10 =	sld [smem:$0x3FBB]  }
0x39: {  	_ = 	snop;
	(pc) =	sbr.ind lr, $3  }
0x3a: {  	_ = 	snop  }
0x3b: {  	_ = 	snop  }
0x3c: {  	p2 =	seq.s32 s10, $0x1;
	s10 =	sld [smem:$0x3FBA]  }
0x3d: {  	_ =	shalt  }
0x3e: {  	_ =	shalt  }
0x3f: {  	_ =	shalt  }
0x40: {  	_ =	shalt  }
0x41: {  	_ =	shalt  }
0x42: {  	_ =	shalt  }
0x43: {  	_ =	shalt  }
0x44: {  	_ =	shalt  }
0x45: {  	_ =	shalt  }
0x46: {  	_ =	shalt  }
0x47: {  	_ =	shalt  }
0x48: {  	_ =	shalt  }
0x49: {  	_ =	shalt  }
0x4a: {  	_ =	shalt  }
0x4b: {  	_ =	shalt  }
0x4c: {  	_ =	shalt  }
0x4d: {  	_ =	shalt  }
0x4e: {  	_ =	shalt  }
0x4f: {  	_ =	shalt  }
0x50: {  	_ =	shalt  }
0x51: {  	_ =	shalt  }
0x52: {  	_ =	shalt  }
0x53: {  	_ =	shalt  }
0x54: {  	_ =	shalt  }
0x55: {  	_ =	shalt  }
0x56: {  	_ =	shalt  }
0x57: {  	_ =	shalt  }
0x58: {  	_ =	shalt  }
0x59: {  	_ =	shalt  }
0x5a: {  	_ =	shalt  }
0x5b: {  	_ =	shalt  }
0x5c: {  	_ =	shalt  }
0x5d: {  	_ =	shalt  }
0x5e: {  	_ =	shalt  }
0x5f: {  	_ =	shalt  }
0x60: {  	_ =	shalt  }
0x61: {  	_ =	shalt  }
0x62: {  	_ =	shalt  }
0x63: {  	_ =	shalt  }
0x64: {  	_ =	shalt  }
0x65: {  	_ =	shalt  }
0x66: {  	_ =	shalt  }
0x67: {  	_ =	shalt  }
0x68: {  	_ =	shalt  }
0x69: {  	_ =	shalt  }
0x6a: {  	_ =	shalt  }
0x6b: {  	_ =	shalt  }
0x6c: {  	_ =	shalt  }
0x6d: {  	_ =	shalt  }
0x6e: {  	_ =	shalt  }
0x6f: {  	_ =	shalt  }
0x70: {  	_ =	shalt  }
0x71: {  	_ =	shalt  }
0x72: {  	_ =	shalt  }
0x73: {  	_ =	shalt  }
0x74: {  	_ =	shalt  }
0x75: {  	_ =	shalt  }
0x76: {  	_ =	shalt  }
0x77: {  	_ =	shalt  }
0x78: {  	_ =	shalt  }
0x79: {  	_ =	shalt  }
0x7a: {  	_ =	shalt  }
0x7b: {  	_ =	shalt  }
0x7c: {  	_ =	shalt  }
0x7d: {  	_ =	shalt  }
0x7e: {  	_ =	shalt  }
0x7f: {  	_ =	shalt  }
0x80: {  	_ =	shalt  }
0x81: {  	_ =	shalt  }
0x82: {  	_ =	shalt  }
0x83: {  	_ =	shalt  }
0x84: {  	_ =	shalt  }
0x85: {  	_ =	shalt  }
0x86: {  	_ =	shalt  }
0x87: {  	_ =	shalt  }
.Lfunc_end0:
.L_simem_size_0:
called_computation_lowered:
.L_overlay_start_0:
0x88: {  	s2 =	sld [smem:$0x3FD9]  }
0x89: {  	s3 =	sld [smem:$0x3FFE];
	_ =	sdelay $0x1  }
0x8a: {  	s1 =	srdreg.scid  }
0x8b: {  	s0 =	sand.u32 $0x1, s1  }
0x8c: {  	s18 =	sshll.u32 s0, $0xA;
	s2 =	sadd.s32 s3, s2  }
0x8d: {  	s2 =	sadd.s32 s2, s18  }
0x8e: {  	[smem:$0x3FC6] =	sst s2  }
0x8f: {  	_ = 	snop  }
0x90: {  	s2 =	sld [smem:$0x3FC9]  }
0x91: {  	s19 =	sld [smem:$0x3FC8]  }
0x92: {  	s4 =	sld [smem:$0x3FD0];
	(tm) =	ssettm $0x1  }
0x93: {  	s5 =	sld [smem:$0x3FFB];
	_ =	sdelay $0x3  }
0x94: {  	_ =	strace s5  }
0x95: {  	s5 =	sld [smem:$0x3FFC];
	_ =	sdelay $0x3  }
0x96: {  	_ =	strace s5  }
0x97: {  	s5 =	sld [smem:$0x3FFD];
	_ =	sdelay $0x3  }
0x98: {  	_ =	strace s5  }
0x99: {  	_ =	strace $0x8FFFFFFF  }
0x9a: {  	s20 =	sld [smem:$0x3FDB];
	_ =	sdelay $0x1  }
0x9b: {  	s6 =	simm.s32 $_scs_section_size  }
0x9c: {  	s7 =	simm.s32 $_size__tile_overlayer_lowered;
	s8 =	simm.s32 $_tile_overlayer_lowered  }
0x9d: {  	s23 =	simm.s32 $0x1BFF;
	s22 =	sshll.u32 s8, $0x1;
	s5 =	sadd.s32 s6, s20  }
0x9e: {  	s9 =	simm.s32 $0x0;
	s21 =	sshll.u32 s7, $0x1;
	s7 =	sadd.s32 s22, s5  }
0x9f: {  	[timem:s9], [sflag:s23] =	dma.local [hbm:s7], s21  }
0xa0: {  	_ =	swait.ge [sflag:s23], s21  }
0xa1: {  	s6 =	ssub.s32 $0x0, s21;
	[sflag:s23] =	ssyncset.done $0x0  }
0xa2: {  	[sflag:s23] =	ssyncadd.s32 s6;
	_ =	sdelay $0x1  }
0xa3: {  	s24 =	simm.s32 $0x1B8B  }
0xa4: {  	_ =	swait.ge [sflag:s24], $0x1  }
0xa5: {  	[sflag:s24] =	ssyncset.done $0x0  }
0xa6: {  	s25 =	simm.s32 $0x1B8E;
	[sflag:s24] =	ssyncadd.s32 $0xFFFFFFFF  }
0xa7: {  	s26 =	simm.s32 $execute0_lowered;
	[smem:$0x3FD2] =	sst s25  }
0xa8: {  	s6 =	sshll.u32 s26, $0x1;
	_ =	strace $0x80000046;
	[dreg:$0x1] =	wrdreg $0xFFFFFFFF  }
0xa9: {  	s28 =	simm.s32 $_size_execute0_lowered;
	s5 =	sadd.s32 s5, s6;
	[dreg:$0x0] =	wrdreg $0x0  }
0xaa: {  	s6 =	sshll.u32 s28, $0x1;
	[dreg:$0x2] =	wrdreg s5  }
0xab: {  	[dreg:$0x3] =	wrdreg s6  }
0xac: {  	[dreg:$0x4] =	wrdreg $0xC0  }
0xad: {  	_ =	task [dreg:s9], $0x5FFFF  }
0xae: {  	[dreg:$0x1] =	wrdreg $0xFFFFFFFF  }
0xaf: {  	[dreg:$0x0] =	wrdreg $0x60  }
0xb0: {  	[dreg:$0x2] =	wrdreg s2  }
0xb1: {  	[dreg:$0x3] =	wrdreg s19  }
0xb2: {  	[dreg:$0x4] =	wrdreg s4  }
0xb3: {  	[dreg:$0x5] =	wrdreg $0x9  }
0xb4: {  	_ =	task.clear_ibuf [dreg:s9], $0x6FFFF;
	_ =	strace $0x90000046  }
0xb5: {  	s29 =	simm.s32 $0x9;
	_ =	strace $0x80000048  }
0xb6: {  	_ =	swait.ge [sflag:s29], $0x1  }
0xb7: {  	[sflag:s29] =	ssyncadd.s32 $0xFFFFFFFF  }
0xb8: {  	_ =	strace $0x90000048  }
0xb9: {  	_ =	sfence  }
0xba: {  	s30 =	sld [smem:$0x0];
	_ =	sdelay $0x2  }
0xbb: {  	s31 =	sshll.u32 s1, $0xD;
	s1 =	sshrl.u32 s1, $0x2  }
0xbc: {  	s3 =	sand.u32 $0x4000, s31;
	s1 =	sadd.s32 s1, s30  }
0xbd: {  	s0 =	sor.u32 s3, s0;
	s1 =	sshll.u32 s1, $0x11  }
0xbe: {  	s0 =	sor.u32 s1, s0  }
0xbf: {  	s0 =	sadd.s32 $0x8F2B, s0  }
0xc0: {  	[sflag:s0] =	ssyncadd.remote.s32 $0x1  }
0xc1: {  	_ =	sfence.sel $0xFFFF  }
0xc2: {  	[dreg:$0x0] =	wrdreg $0xFFFFFFFF;
	(pc) =	sbr.abs _section_cstart, $3  }
0xc3: {  	[dreg:$0x1] =	wrdreg $0xFFFFFFFF  }
0xc4: {  	_ =	task.clear_ibuf [dreg:s9], $0x2FFFF;
	_ =	strace $0x9FFFFFFF  }
0xc5: {  	(tm) =	ssettm $0x7FFFFFFF  }
tec
execute0_lowered:
.L_overlay_start_1:
0x0: {  	(tag) =	ssettag $0x1  }
0x1: {  	s1 =	rddreg [dreg:$0x0]  }
0x2: {  	s2 =	rddreg [dreg:$0x1]  }
0x3: {  	s4 =	rddreg [dreg:$0x2]  }
0x4: {  	s6 =	stileid.u32;
	s0 =	srdreg.scid  }
0x5: {  	s3 =	simm.s32 $0x0;
	s5 =	sshll.u32 s6, $0x1;
	s0 =	sand.u32 $0x1, s0  }
0x6: {  	[smem:$0x7FF] =	sst s3;
	s6 =	sshrl.u32 s6, $0x2;
	s5 =	sand.u32 $0x6, s5  }
0x7: {  	s9 =	sshll.u32 s6, $0x7;
	_ =	strace $0x80000047;
	s5 =	sor.u32 s0, s5  }
0x8: {  	s6 =	sshll.u32 s6, $0x16;
	s7 =	sshll.u32 s5, $0x9;
	s8 =	sshll.u32 s5, $0xB  }
0x9: {  	s5 =	sshll.u32 s5, $0x13;
	s8 =	sor.u32 s9, s8;
	s7 =	sor.u32 $0x80, s7  }
0xa: {  	s5 =	sor.u32 s6, s5;
	s10 =	sshll.u32 s7, $0x2;
	s8 =	sshrl.u32 s8, $0x3  }
0xb: {  	s5 =	sshrl.u32 s5, $0x3;
	s9 =	sor.u32 s9, s10;
	s8 =	sadd.s32 s1, s8  }
0xc: {  	s9 =	sshrl.u32 s9, $0x3;
	[dreg:$0x4] =	wrdreg s8;
	s8 =	sadd.s32 s4, s5  }
0xd: {  	s1 =	sadd.s32 s1, s9;
	[smem:$0x7FC] =	sst s8  }
0xe: {  	s16 =	sadd.s32 $0x800, s8;
	[dreg:$0x5] =	wrdreg s1  }
0xf: {  	s17 =	sadd.s32 $0x1000, s8;
	[dreg:$0x6] =	wrdreg s16  }
0x10: {  	s18 =	sadd.s32 $0x1800, s8;
	[dreg:$0x7] =	wrdreg s17  }
0x11: {  	s19 =	sadd.s32 $0x2000, s8;
	[dreg:$0x8] =	wrdreg s18  }
0x12: {  	s20 =	sadd.s32 $0x2800, s8;
	[dreg:$0x9] =	wrdreg s19  }
0x13: {  	s22 =	sadd.s32 $0x3000, s8;
	[dreg:$0xa] =	wrdreg s20  }
0x14: {  	s23 =	sadd.s32 $0x3800, s8;
	[dreg:$0xb] =	wrdreg s22  }
0x15: {  	s25 =	sadd.s32 $0x4800, s8;
	[dreg:$0xc] =	wrdreg s23  }
0x16: {  	s21 =	sshll.u32 s7, $0xA;
	s26 =	sadd.s32 $0x5000, s8;
	[dreg:$0xe] =	wrdreg s25  }
0x17: {  	s5 =	sor.u32 s6, s21;
	s6 =	sadd.s32 $0x6800, s8;
	[dreg:$0xf] =	wrdreg s26  }
0x18: {  	s7 =	sadd.s32 $0x7000, s8;
	[dreg:$0x12] =	wrdreg s6  }
0x19: {  	s29 =	simm.s32 $0x4;
	s9 =	sadd.s32 $0x7800, s8;
	[dreg:$0x13] =	wrdreg s7  }
0x1a: {  	s30 =	simm.s32 $0x9;
	s10 =	sadd.s32 $0x8000, s8;
	[dreg:$0x14] =	wrdreg s9  }
0x1b: {  	s31 =	simm.s32 $0x200;
	s11 =	sadd.s32 $0x8800, s8;
	[dreg:$0x15] =	wrdreg s10  }
0x1c: {  	s28 =	simm.s32 $0x4200;
	s12 =	sadd.s32 $0x9000, s8;
	[dreg:$0x16] =	wrdreg s11  }
0x1d: {  	s0 =	ssub.s32 $0x2, s0;
	s13 =	sadd.s32 $0x9800, s8;
	[dreg:$0x17] =	wrdreg s12  }
0x1e: {  	s21 =	sshrl.u32 s0, $0x1;
	s14 =	sadd.s32 $0xA000, s8;
	[dreg:$0x18] =	wrdreg s13  }
0x1f: {  	s5 =	sshrl.u32 s5, $0x3;
	s15 =	sadd.s32 $0xA800, s8;
	[dreg:$0x19] =	wrdreg s14  }
0x20: {  	s0 =	ssub.s32 s0, s21;
	s24 =	sadd.s32 s4, s5;
	[dreg:$0x1a] =	wrdreg s15  }
0x21: {  	s21 =	simm.s32 $0x1;
	s4 =	sadd.s32 $0x5800, s8;
	[dreg:$0xd] =	wrdreg s24  }
0x22: {  	s5 =	sadd.s32 $0x6000, s8;
	s16 =	sadd.s32 $0xB000, s8;
	[dreg:$0x10] =	wrdreg s4  }
0x23: {  	s17 =	sadd.s32 $0xB800, s8;
	s18 =	sadd.s32 $0xC000, s8;
	[dreg:$0x11] =	wrdreg s5  }
0x24: {  	s19 =	sadd.s32 $0xC800, s8;
	s20 =	sadd.s32 $0xD000, s8;
	[dreg:$0x1b] =	wrdreg s16  }
0x25: {  	s22 =	sadd.s32 $0xD800, s8;
	s23 =	sadd.s32 $0xE000, s8;
	[dreg:$0x1c] =	wrdreg s17  }
0x26: {  	s6 =	sadd.s32 $0x200, s2;
	s25 =	sadd.s32 $0xF000, s8;
	[dreg:$0x1d] =	wrdreg s18  }
0x27: {  	s7 =	sadd.s32 $0x300, s2;
	s26 =	sadd.s32 $0xF800, s8;
	[dreg:$0x1e] =	wrdreg s19  }
0x28: {  	s1 =	simm.s32 $0x6;
	s10 =	simm.s32 $0xB;
	[dreg:$0x1f] =	wrdreg s20  }
0x29: {  	s11 =	simm.s32 $0x7;
	s12 =	simm.s32 $0xC;
	[smem:$0x7F8] =	sst s22  }
0x2a: {  	s13 =	simm.s32 $0xD;
	s14 =	simm.s32 $0xE;
	[smem:$0x7F9] =	sst s23  }
0x2b: {  	s9 =	simm.s32 $0xC200;
	s5 =	sadd.s32 $0x100, s2;
	[smem:$0x7FB] =	sst s25  }
0x2c: {  	s24 =	sadd.s32 $0xE800, s8;
	[smem:$0x7FD] =	sst s26;
	s8 =	smax.u32 s0, $0x1  }
0x2d: {  	v2 =	vlaneseq.u32;
	s23 =	simm.s32 $0x2;
	s25 =	simm.s32 $0x3;
	s26 =	simm.s32 $0x8  }
0x2e: {  	vm0 =	vmmov $0xffff;
	v1 =	vshrl.u32 v2, $0x3;
	s18 =	simm.s32 $0x5;
	s0 =	simm.s32 $0xA;
	s22 =	simm.s32 $0x10200  }
0x2f: {  	v0 =	vand.u32 $0x7, v2;
	v2 =	vor.u32 $0x8, v2;
	v1 =	vmul.u32 $0x8, v1;
	s19 =	simm.s32 $0x18200;
	[smem:$0x7FA] =	sst s24;
	s24 =	simm.s32 $0x14200  }
.LBB2_1:
0x30: {  	s15 =	rddreg [dreg:$0x4]  }
0x31: {  	[tilespmem:s3], [sflag:$0xF] =	stream.linear.gather [hbm4b:s15+s3], $0x80, $0x38;
	[tilespmem:$0x1C200] =	vst v63  }
0x32: {  	s16 =	rddreg [dreg:$0x5];
	s4 =	simm.s32 $0x80  }
0x33: {  	[tilespmem:s4], [sflag:$0x10] =	stream.strided.gather [hbm4b:s16+s4], $0x180, s31, s4, $0x38;
	[tilespmem:$0x1C200] =	vst v63  }
0x34: {  	s16 =	simm.s32 $0xF  }
0x35: {  	_ =	swait.ge [sflag:s16], $0x80  }
0x36: {  	[sflag:s16] =	ssyncset.done $0x0  }
0x37: {  	[sflag:s16] =	ssyncadd.s32 $0xFFFFFF80  }
0x38: {  	v3 =	vld [tilespmem:$0x0];
	_ =	sdelay $0x4  }
0x39: {  	v4 =	vshll.u32 v3, $0x3  }
0x3a: {  	v3 =	vand.u32 $0x7, v3;
	v4 =	vand.u32 $0xFFFFFFC0, v4  }
0x3b: {  	v3 =	vor.u32 v3, v4  }
0x3c: {  	v4 =	vperm.xlane v3, v0;
	_ =	sdelay $0x1  }
0x3d: {  	v4 =	vadd.s32 v1, v4;
	_ =	sdelay $0x4  }
0x3e: {  	[tilespmem:s31], [sflag:$0x1] =	stream.indirect_vreg.gather [hbm4b:s2+s3], $0x80, v4, vm0, $0xb8;
	[tilespmem:$0x1C200] =	vst v63  }
0x3f: {  	s4 =	simm.s32 $0xA00;
	v3 =	vperm.xlane v3, v2  }
0x40: {  	[tilespmem:s4], [sflag:$0x1] =	stream.indirect_vreg.gather [hbm4b:s5+s3], $0x80, v4, vm0, $0xb8;
	[tilespmem:$0x1C200] =	vst v63  }
0x41: {  	s17 =	simm.s32 $0x1200;
	v3 =	vadd.s32 v1, v3  }
0x42: {  	[tilespmem:s17], [sflag:$0x1] =	stream.indirect_vreg.gather [hbm4b:s6+s3], $0x80, v4, vm0, $0xb8;
	[tilespmem:$0x1C200] =	vst v63  }
0x43: {  	s20 =	simm.s32 $0x1A00  }
0x44: {  	[tilespmem:s20], [sflag:$0x1] =	stream.indirect_vreg.gather [hbm4b:s7+s3], $0x80, v4, vm0, $0xb8;
	[tilespmem:$0x1C200] =	vst v63  }
0x45: {  	s15 =	simm.s32 $0x2200  }
0x46: {  	[tilespmem:s15], [sflag:$0x1] =	stream.indirect_vreg.gather [hbm4b:s2+s3], $0x80, v3, vm0, $0xb8;
	[tilespmem:$0x1C200] =	vst v63  }
0x47: {  	s20 =	simm.s32 $0x2A00  }
0x48: {  	[tilespmem:s20], [sflag:$0x1] =	stream.indirect_vreg.gather [hbm4b:s5+s3], $0x80, v3, vm0, $0xb8;
	[tilespmem:$0x1C200] =	vst v63  }
0x49: {  	s15 =	simm.s32 $0x3200  }
0x4a: {  	[tilespmem:s15], [sflag:$0x1] =	stream.indirect_vreg.gather [hbm4b:s6+s3], $0x80, v3, vm0, $0xb8;
	[tilespmem:$0x1C200] =	vst v63  }
0x4b: {  	s20 =	simm.s32 $0x3A00  }
0x4c: {  	[tilespmem:s20], [sflag:$0x1] =	stream.indirect_vreg.gather [hbm4b:s7+s3], $0x80, v3, vm0, $0xb8;
	[tilespmem:$0x1C200] =	vst v63  }
0x4d: {  	v3 =	vld [tilespmem:$0x10];
	_ =	sdelay $0x4  }
0x4e: {  	v33 =	vshll.u32 v3, $0x3  }
0x4f: {  	v3 =	vand.u32 $0x7, v3;
	v4 =	vand.u32 $0xFFFFFFC0, v33  }
0x50: {  	v3 =	vor.u32 v3, v4  }
0x51: {  	v4 =	vperm.xlane v3, v0;
	_ =	sdelay $0x1  }
0x52: {  	v4 =	vadd.s32 v1, v4;
	_ =	sdelay $0x4  }
0x53: {  	[tilespmem:s28], [sflag:$0x2] =	stream.indirect_vreg.gather [hbm4b:s2+s3], $0x80, v4, vm0, $0xb8;
	[tilespmem:$0x1C200] =	vst v63  }
0x54: {  	s4 =	simm.s32 $0x4A00;
	v3 =	vperm.xlane v3, v2  }
0x55: {  	[tilespmem:s4], [sflag:$0x2] =	stream.indirect_vreg.gather [hbm4b:s5+s3], $0x80, v4, vm0, $0xb8;
	[tilespmem:$0x1C200] =	vst v63  }
0x56: {  	s20 =	simm.s32 $0x5200;
	v3 =	vadd.s32 v1, v3  }
0x57: {  	[tilespmem:s20], [sflag:$0x2] =	stream.indirect_vreg.gather [hbm4b:s6+s3], $0x80, v4, vm0, $0xb8;
	[tilespmem:$0x1C200] =	vst v63  }
0x58: {  	s4 =	simm.s32 $0x5A00  }
0x59: {  	[tilespmem:s4], [sflag:$0x2] =	stream.indirect_vreg.gather [hbm4b:s7+s3], $0x80, v4, vm0, $0xb8;
	[tilespmem:$0x1C200] =	vst v63  }
0x5a: {  	s20 =	simm.s32 $0x6200  }
0x5b: {  	[tilespmem:s20], [sflag:$0x2] =	stream.indirect_vreg.gather [hbm4b:s2+s3], $0x80, v3, vm0, $0xb8;
	[tilespmem:$0x1C200] =	vst v63  }
0x5c: {  	s4 =	simm.s32 $0x6A00  }
0x5d: {  	[tilespmem:s4], [sflag:$0x2] =	stream.indirect_vreg.gather [hbm4b:s5+s3], $0x80, v3, vm0, $0xb8;
	[tilespmem:$0x1C200] =	vst v63  }
0x5e: {  	s20 =	simm.s32 $0x7200  }
0x5f: {  	[tilespmem:s20], [sflag:$0x2] =	stream.indirect_vreg.gather [hbm4b:s6+s3], $0x80, v3, vm0, $0xb8;
	[tilespmem:$0x1C200] =	vst v63  }
0x60: {  	s4 =	simm.s32 $0x7A00  }
0x61: {  	[tilespmem:s4], [sflag:$0x2] =	stream.indirect_vreg.gather [hbm4b:s7+s3], $0x80, v3, vm0, $0xb8;
	[tilespmem:$0x1C200] =	vst v63  }
0x62: {  	v3 =	vld [tilespmem:$0x20];
	_ =	sdelay $0x4  }
0x63: {  	v34 =	vshll.u32 v3, $0x3  }
0x64: {  	v3 =	vand.u32 $0x7, v3;
	v4 =	vand.u32 $0xFFFFFFC0, v34  }
0x65: {  	v3 =	vor.u32 v3, v4  }
0x66: {  	v4 =	vperm.xlane v3, v0;
	_ =	sdelay $0x1  }
0x67: {  	v4 =	vadd.s32 v1, v4;
	_ =	sdelay $0x3  }
0x68: {  	s4 =	simm.s32 $0x8200  }
0x69: {  	[tilespmem:s4], [sflag:$0x3] =	stream.indirect_vreg.gather [hbm4b:s2+s3], $0x80, v4, vm0, $0xb8;
	[tilespmem:$0x1C200] =	vst v63  }
0x6a: {  	s20 =	simm.s32 $0x8A00;
	v3 =	vperm.xlane v3, v2  }
0x6b: {  	[tilespmem:s20], [sflag:$0x3] =	stream.indirect_vreg.gather [hbm4b:s5+s3], $0x80, v4, vm0, $0xb8;
	[tilespmem:$0x1C200] =	vst v63  }
0x6c: {  	v3 =	vadd.s32 v1, v3;
	s20 =	simm.s32 $0x9200  }
0x6d: {  	[tilespmem:s20], [sflag:$0x3] =	stream.indirect_vreg.gather [hbm4b:s6+s3], $0x80, v4, vm0, $0xb8;
	[tilespmem:$0x1C200] =	vst v63  }
0x6e: {  	s20 =	simm.s32 $0x9A00  }
0x6f: {  	[tilespmem:s20], [sflag:$0x3] =	stream.indirect_vreg.gather [hbm4b:s7+s3], $0x80, v4, vm0, $0xb8;
	[tilespmem:$0x1C200] =	vst v63  }
0x70: {  	s20 =	simm.s32 $0xA200  }
0x71: {  	[tilespmem:s20], [sflag:$0x3] =	stream.indirect_vreg.gather [hbm4b:s2+s3], $0x80, v3, vm0, $0xb8;
	[tilespmem:$0x1C200] =	vst v63  }
0x72: {  	s20 =	simm.s32 $0xAA00  }
0x73: {  	[tilespmem:s20], [sflag:$0x3] =	stream.indirect_vreg.gather [hbm4b:s5+s3], $0x80, v3, vm0, $0xb8;
	[tilespmem:$0x1C200] =	vst v63  }
0x74: {  	s20 =	simm.s32 $0xB200  }
0x75: {  	[tilespmem:s20], [sflag:$0x3] =	stream.indirect_vreg.gather [hbm4b:s6+s3], $0x80, v3, vm0, $0xb8;
	[tilespmem:$0x1C200] =	vst v63  }
0x76: {  	s20 =	simm.s32 $0xBA00  }
0x77: {  	[tilespmem:s20], [sflag:$0x3] =	stream.indirect_vreg.gather [hbm4b:s7+s3], $0x80, v3, vm0, $0xb8;
	[tilespmem:$0x1C200] =	vst v63  }
0x78: {  	v3 =	vld [tilespmem:$0x30];
	_ =	sdelay $0x4  }
0x79: {  	v35 =	vshll.u32 v3, $0x3  }
0x7a: {  	v3 =	vand.u32 $0x7, v3;
	v4 =	vand.u32 $0xFFFFFFC0, v35  }
0x7b: {  	v3 =	vor.u32 v3, v4  }
0x7c: {  	v4 =	vperm.xlane v3, v0;
	_ =	sdelay $0x1  }
0x7d: {  	v4 =	vadd.s32 v1, v4;
	_ =	sdelay $0x4  }
0x7e: {  	[tilespmem:s9], [sflag:$0x4] =	stream.indirect_vreg.gather [hbm4b:s2+s3], $0x80, v4, vm0, $0xb8;
	[tilespmem:$0x1C200] =	vst v63  }
0x7f: {  	s20 =	simm.s32 $0xCA00;
	v3 =	vperm.xlane v3, v2  }
0x80: {  	[tilespmem:s20], [sflag:$0x4] =	stream.indirect_vreg.gather [hbm4b:s5+s3], $0x80, v4, vm0, $0xb8;
	[tilespmem:$0x1C200] =	vst v63  }
0x81: {  	v3 =	vadd.s32 v1, v3;
	s20 =	simm.s32 $0xD200  }
0x82: {  	[tilespmem:s20], [sflag:$0x4] =	stream.indirect_vreg.gather [hbm4b:s6+s3], $0x80, v4, vm0, $0xb8;
	[tilespmem:$0x1C200] =	vst v63  }
0x83: {  	s20 =	simm.s32 $0xDA00  }
0x84: {  	[tilespmem:s20], [sflag:$0x4] =	stream.indirect_vreg.gather [hbm4b:s7+s3], $0x80, v4, vm0, $0xb8;
	[tilespmem:$0x1C200] =	vst v63  }
0x85: {  	s20 =	simm.s32 $0xE200  }
0x86: {  	[tilespmem:s20], [sflag:$0x4] =	stream.indirect_vreg.gather [hbm4b:s2+s3], $0x80, v3, vm0, $0xb8;
	[tilespmem:$0x1C200] =	vst v63  }
0x87: {  	s20 =	simm.s32 $0xEA00  }
0x88: {  	[tilespmem:s20], [sflag:$0x4] =	stream.indirect_vreg.gather [hbm4b:s5+s3], $0x80, v3, vm0, $0xb8;
	[tilespmem:$0x1C200] =	vst v63  }
0x89: {  	s20 =	simm.s32 $0xF200  }
0x8a: {  	[tilespmem:s20], [sflag:$0x4] =	stream.indirect_vreg.gather [hbm4b:s6+s3], $0x80, v3, vm0, $0xb8;
	[tilespmem:$0x1C200] =	vst v63  }
0x8b: {  	s20 =	simm.s32 $0xFA00  }
0x8c: {  	[tilespmem:s20], [sflag:$0x4] =	stream.indirect_vreg.gather [hbm4b:s7+s3], $0x80, v3, vm0, $0xb8;
	[tilespmem:$0x1C200] =	vst v63  }
0x8d: {  	v3 =	vld [tilespmem:$0x40];
	_ =	sdelay $0x4  }
0x8e: {  	v36 =	vshll.u32 v3, $0x3  }
0x8f: {  	v3 =	vand.u32 $0x7, v3;
	v4 =	vand.u32 $0xFFFFFFC0, v36  }
0x90: {  	v3 =	vor.u32 v3, v4  }
0x91: {  	v4 =	vperm.xlane v3, v0;
	_ =	sdelay $0x1  }
0x92: {  	v4 =	vadd.s32 v1, v4;
	_ =	sdelay $0x4  }
0x93: {  	[tilespmem:s22], [sflag:$0x5] =	stream.indirect_vreg.gather [hbm4b:s2+s3], $0x80, v4, vm0, $0xb8;
	[tilespmem:$0x1C200] =	vst v63  }
0x94: {  	s20 =	simm.s32 $0x10A00;
	v3 =	vperm.xlane v3, v2  }
0x95: {  	[tilespmem:s20], [sflag:$0x5] =	stream.indirect_vreg.gather [hbm4b:s5+s3], $0x80, v4, vm0, $0xb8;
	[tilespmem:$0x1C200] =	vst v63  }
0x96: {  	v3 =	vadd.s32 v1, v3;
	s20 =	simm.s32 $0x11200  }
0x97: {  	[tilespmem:s20], [sflag:$0x5] =	stream.indirect_vreg.gather [hbm4b:s6+s3], $0x80, v4, vm0, $0xb8;
	[tilespmem:$0x1C200] =	vst v63  }
0x98: {  	s20 =	simm.s32 $0x11A00  }
0x99: {  	[tilespmem:s20], [sflag:$0x5] =	stream.indirect_vreg.gather [hbm4b:s7+s3], $0x80, v4, vm0, $0xb8;
	[tilespmem:$0x1C200] =	vst v63  }
0x9a: {  	s20 =	simm.s32 $0x12200  }
0x9b: {  	[tilespmem:s20], [sflag:$0x5] =	stream.indirect_vreg.gather [hbm4b:s2+s3], $0x80, v3, vm0, $0xb8;
	[tilespmem:$0x1C200] =	vst v63  }
0x9c: {  	s20 =	simm.s32 $0x12A00  }
0x9d: {  	[tilespmem:s20], [sflag:$0x5] =	stream.indirect_vreg.gather [hbm4b:s5+s3], $0x80, v3, vm0, $0xb8;
	[tilespmem:$0x1C200] =	vst v63  }
0x9e: {  	s20 =	simm.s32 $0x13200  }
0x9f: {  	[tilespmem:s20], [sflag:$0x5] =	stream.indirect_vreg.gather [hbm4b:s6+s3], $0x80, v3, vm0, $0xb8;
	[tilespmem:$0x1C200] =	vst v63  }
0xa0: {  	s20 =	simm.s32 $0x13A00  }
0xa1: {  	[tilespmem:s20], [sflag:$0x5] =	stream.indirect_vreg.gather [hbm4b:s7+s3], $0x80, v3, vm0, $0xb8;
	[tilespmem:$0x1C200] =	vst v63  }
0xa2: {  	s20 =	simm.s32 $0x10  }
0xa3: {  	_ =	swait.ge [sflag:s20], $0x180  }
0xa4: {  	[sflag:s20] =	ssyncset.done $0x0  }
0xa5: {  	[sflag:s20] =	ssyncadd.s32 $0xFFFFFE80  }
0xa6: {  	_ =	swait.ge [sflag:s21], $0x4000  }
0xa7: {  	s20 =	sld [smem:$0x7FC]  }
0xa8: {  	[sflag:s21] =	ssyncset.done $0x0  }
0xa9: {  	[sflag:s21] =	ssyncadd.s32 $0xFFFFC000  }
0xaa: {  	[hbm4b:s20+s3] =	stream.linear.scatter [tilespmem:s31], [sflag:$0x8], $0x4000, $0x38;
	[tilespmem:$0x1C200] =	vst v63  }
0xab: {  	v3 =	vld [tilespmem:$0x50];
	_ =	sdelay $0x4  }
0xac: {  	v37 =	vshll.u32 v3, $0x3  }
0xad: {  	v3 =	vand.u32 $0x7, v3;
	v4 =	vand.u32 $0xFFFFFFC0, v37  }
0xae: {  	v3 =	vor.u32 v3, v4  }
0xaf: {  	v4 =	vperm.xlane v3, v0;
	_ =	sdelay $0x1  }
0xb0: {  	v4 =	vadd.s32 v1, v4;
	_ =	sdelay $0x4  }
0xb1: {  	[tilespmem:s24], [sflag:$0x6] =	stream.indirect_vreg.gather [hbm4b:s2+s3], $0x80, v4, vm0, $0xb8;
	[tilespmem:$0x1C200] =	vst v63  }
0xb2: {  	s20 =	simm.s32 $0x14A00;
	v3 =	vperm.xlane v3, v2  }
0xb3: {  	[tilespmem:s20], [sflag:$0x6] =	stream.indirect_vreg.gather [hbm4b:s5+s3], $0x80, v4, vm0, $0xb8;
	[tilespmem:$0x1C200] =	vst v63  }
0xb4: {  	v3 =	vadd.s32 v1, v3;
	s20 =	simm.s32 $0x15200  }
0xb5: {  	[tilespmem:s20], [sflag:$0x6] =	stream.indirect_vreg.gather [hbm4b:s6+s3], $0x80, v4, vm0, $0xb8;
	[tilespmem:$0x1C200] =	vst v63  }
0xb6: {  	s20 =	simm.s32 $0x15A00  }
0xb7: {  	[tilespmem:s20], [sflag:$0x6] =	stream.indirect_vreg.gather [hbm4b:s7+s3], $0x80, v4, vm0, $0xb8;
	[tilespmem:$0x1C200] =	vst v63  }
0xb8: {  	s20 =	simm.s32 $0x16200  }
0xb9: {  	[tilespmem:s20], [sflag:$0x6] =	stream.indirect_vreg.gather [hbm4b:s2+s3], $0x80, v3, vm0, $0xb8;
	[tilespmem:$0x1C200] =	vst v63  }
0xba: {  	s20 =	simm.s32 $0x16A00  }
0xbb: {  	[tilespmem:s20], [sflag:$0x6] =	stream.indirect_vreg.gather [hbm4b:s5+s3], $0x80, v3, vm0, $0xb8;
	[tilespmem:$0x1C200] =	vst v63  }
0xbc: {  	s20 =	simm.s32 $0x17200  }
0xbd: {  	[tilespmem:s20], [sflag:$0x6] =	stream.indirect_vreg.gather [hbm4b:s6+s3], $0x80, v3, vm0, $0xb8;
	[tilespmem:$0x1C200] =	vst v63  }
0xbe: {  	s20 =	simm.s32 $0x17A00  }
0xbf: {  	[tilespmem:s20], [sflag:$0x6] =	stream.indirect_vreg.gather [hbm4b:s7+s3], $0x80, v3, vm0, $0xb8;
	[tilespmem:$0x1C200] =	vst v63  }
0xc0: {  	_ =	swait.ge [sflag:s23], $0x4000  }
0xc1: {  	[sflag:s23] =	ssyncset.done $0x0  }
0xc2: {  	s20 =	rddreg [dreg:$0x6];
	[sflag:s23] =	ssyncadd.s32 $0xFFFFC000  }
0xc3: {  	[hbm4b:s20+s3] =	stream.linear.scatter [tilespmem:s28], [sflag:$0x9], $0x4000, $0x38;
	[tilespmem:$0x1C200] =	vst v63  }
0xc4: {  	v3 =	vld [tilespmem:$0x60];
	_ =	sdelay $0x4  }
0xc5: {  	v38 =	vshll.u32 v3, $0x3  }
0xc6: {  	v3 =	vand.u32 $0x7, v3;
	v4 =	vand.u32 $0xFFFFFFC0, v38  }
0xc7: {  	v3 =	vor.u32 v3, v4  }
0xc8: {  	v4 =	vperm.xlane v3, v0;
	_ =	sdelay $0x1  }
0xc9: {  	v4 =	vadd.s32 v1, v4;
	_ =	sdelay $0x4  }
0xca: {  	[tilespmem:s19], [sflag:$0x7] =	stream.indirect_vreg.gather [hbm4b:s2+s3], $0x80, v4, vm0, $0xb8;
	[tilespmem:$0x1C200] =	vst v63  }
0xcb: {  	s20 =	simm.s32 $0x18A00;
	v3 =	vperm.xlane v3, v2  }
0xcc: {  	[tilespmem:s20], [sflag:$0x7] =	stream.indirect_vreg.gather [hbm4b:s5+s3], $0x80, v4, vm0, $0xb8;
	[tilespmem:$0x1C200] =	vst v63  }
0xcd: {  	v3 =	vadd.s32 v1, v3;
	s20 =	simm.s32 $0x19200  }
0xce: {  	[tilespmem:s20], [sflag:$0x7] =	stream.indirect_vreg.gather [hbm4b:s6+s3], $0x80, v4, vm0, $0xb8;
	[tilespmem:$0x1C200] =	vst v63  }
0xcf: {  	s20 =	simm.s32 $0x19A00  }
0xd0: {  	[tilespmem:s20], [sflag:$0x7] =	stream.indirect_vreg.gather [hbm4b:s7+s3], $0x80, v4, vm0, $0xb8;
	[tilespmem:$0x1C200] =	vst v63  }
0xd1: {  	s20 =	simm.s32 $0x1A200  }
0xd2: {  	[tilespmem:s20], [sflag:$0x7] =	stream.indirect_vreg.gather [hbm4b:s2+s3], $0x80, v3, vm0, $0xb8;
	[tilespmem:$0x1C200] =	vst v63  }
0xd3: {  	s20 =	simm.s32 $0x1AA00  }
0xd4: {  	[tilespmem:s20], [sflag:$0x7] =	stream.indirect_vreg.gather [hbm4b:s5+s3], $0x80, v3, vm0, $0xb8;
	[tilespmem:$0x1C200] =	vst v63  }
0xd5: {  	s20 =	simm.s32 $0x1B200  }
0xd6: {  	[tilespmem:s20], [sflag:$0x7] =	stream.indirect_vreg.gather [hbm4b:s6+s3], $0x80, v3, vm0, $0xb8;
	[tilespmem:$0x1C200] =	vst v63  }
0xd7: {  	s20 =	simm.s32 $0x1BA00  }
0xd8: {  	[tilespmem:s20], [sflag:$0x7] =	stream.indirect_vreg.gather [hbm4b:s7+s3], $0x80, v3, vm0, $0xb8;
	[tilespmem:$0x1C200] =	vst v63  }
0xd9: {  	_ =	swait.ge [sflag:s25], $0x4000  }
0xda: {  	[sflag:s25] =	ssyncset.done $0x0  }
0xdb: {  	s20 =	rddreg [dreg:$0x7];
	[sflag:s25] =	ssyncadd.s32 $0xFFFFC000  }
0xdc: {  	[hbm4b:s20+s3] =	stream.linear.scatter [tilespmem:s4], [sflag:$0xA], $0x4000, $0x38;
	[tilespmem:$0x1C200] =	vst v63  }
0xdd: {  	_ =	swait.ge [sflag:s26], $0x4000  }
0xde: {  	[sflag:s26] =	ssyncset.done $0x0  }
0xdf: {  	[sflag:s26] =	ssyncadd.s32 $0xFFFFC000  }
0xe0: {  	v3 =	vld [tilespmem:$0x70];
	_ =	sdelay $0x4  }
0xe1: {  	v39 =	vshll.u32 v3, $0x3  }
0xe2: {  	v3 =	vand.u32 $0x7, v3;
	v4 =	vand.u32 $0xFFFFFFC0, v39  }
0xe3: {  	v3 =	vor.u32 v3, v4  }
0xe4: {  	v4 =	vperm.xlane v3, v0;
	_ =	sdelay $0x1  }
0xe5: {  	v4 =	vadd.s32 v1, v4;
	_ =	sdelay $0x4  }
0xe6: {  	[tilespmem:s31], [sflag:$0x1] =	stream.indirect_vreg.gather [hbm4b:s2+s3], $0x80, v4, vm0, $0xb8;
	[tilespmem:$0x1C200] =	vst v63  }
0xe7: {  	s20 =	simm.s32 $0xA00;
	v3 =	vperm.xlane v3, v2  }
0xe8: {  	[tilespmem:s20], [sflag:$0x1] =	stream.indirect_vreg.gather [hbm4b:s5+s3], $0x80, v4, vm0, $0xb8;
	[tilespmem:$0x1C200] =	vst v63  }
0xe9: {  	s16 =	simm.s32 $0x1200;
	v3 =	vadd.s32 v1, v3  }
0xea: {  	[tilespmem:s16], [sflag:$0x1] =	stream.indirect_vreg.gather [hbm4b:s6+s3], $0x80, v4, vm0, $0xb8;
	[tilespmem:$0x1C200] =	vst v63  }
0xeb: {  	s17 =	simm.s32 $0x1A00  }
0xec: {  	[tilespmem:s17], [sflag:$0x1] =	stream.indirect_vreg.gather [hbm4b:s7+s3], $0x80, v4, vm0, $0xb8;
	[tilespmem:$0x1C200] =	vst v63  }
0xed: {  	s17 =	simm.s32 $0x2200  }
0xee: {  	[tilespmem:s17], [sflag:$0x1] =	stream.indirect_vreg.gather [hbm4b:s2+s3], $0x80, v3, vm0, $0xb8;
	[tilespmem:$0x1C200] =	vst v63  }
0xef: {  	s16 =	simm.s32 $0x2A00  }
0xf0: {  	[tilespmem:s16], [sflag:$0x1] =	stream.indirect_vreg.gather [hbm4b:s5+s3], $0x80, v3, vm0, $0xb8;
	[tilespmem:$0x1C200] =	vst v63  }
0xf1: {  	s17 =	simm.s32 $0x3200  }
0xf2: {  	[tilespmem:s17], [sflag:$0x1] =	stream.indirect_vreg.gather [hbm4b:s6+s3], $0x80, v3, vm0, $0xb8;
	[tilespmem:$0x1C200] =	vst v63  }
0xf3: {  	s15 =	simm.s32 $0x3A00  }
0xf4: {  	[tilespmem:s15], [sflag:$0x1] =	stream.indirect_vreg.gather [hbm4b:s7+s3], $0x80, v3, vm0, $0xb8;
	[tilespmem:$0x1C200] =	vst v63  }
0xf5: {  	_ =	swait.ge [sflag:s29], $0x4000  }
0xf6: {  	[sflag:s29] =	ssyncset.done $0x0  }
0xf7: {  	s15 =	rddreg [dreg:$0x8];
	[sflag:s29] =	ssyncadd.s32 $0xFFFFC000  }
0xf8: {  	[hbm4b:s15+s3] =	stream.linear.scatter [tilespmem:s9], [sflag:$0xB], $0x4000, $0x38;
	[tilespmem:$0x1C200] =	vst v63  }
0xf9: {  	_ =	swait.ge [sflag:s30], $0x4000  }
0xfa: {  	[sflag:s30] =	ssyncset.done $0x0  }
0xfb: {  	[sflag:s30] =	ssyncadd.s32 $0xFFFFC000  }
0xfc: {  	v3 =	vld [tilespmem:$0x80];
	_ =	sdelay $0x4  }
0xfd: {  	v40 =	vshll.u32 v3, $0x3  }
0xfe: {  	v3 =	vand.u32 $0x7, v3;
	v4 =	vand.u32 $0xFFFFFFC0, v40  }
0xff: {  	v3 =	vor.u32 v3, v4  }
0x100: {  	v4 =	vperm.xlane v3, v0;
	_ =	sdelay $0x1  }
0x101: {  	v4 =	vadd.s32 v1, v4;
	_ =	sdelay $0x4  }
0x102: {  	[tilespmem:s28], [sflag:$0x2] =	stream.indirect_vreg.gather [hbm4b:s2+s3], $0x80, v4, vm0, $0xb8;
	[tilespmem:$0x1C200] =	vst v63  }
0x103: {  	s15 =	simm.s32 $0x4A00;
	v3 =	vperm.xlane v3, v2  }
0x104: {  	[tilespmem:s15], [sflag:$0x2] =	stream.indirect_vreg.gather [hbm4b:s5+s3], $0x80, v4, vm0, $0xb8;
	[tilespmem:$0x1C200] =	vst v63  }
0x105: {  	v3 =	vadd.s32 v1, v3;
	s15 =	simm.s32 $0x5200  }
0x106: {  	[tilespmem:s15], [sflag:$0x2] =	stream.indirect_vreg.gather [hbm4b:s6+s3], $0x80, v4, vm0, $0xb8;
	[tilespmem:$0x1C200] =	vst v63  }
0x107: {  	s15 =	simm.s32 $0x5A00  }
0x108: {  	[tilespmem:s15], [sflag:$0x2] =	stream.indirect_vreg.gather [hbm4b:s7+s3], $0x80, v4, vm0, $0xb8;
	[tilespmem:$0x1C200] =	vst v63  }
0x109: {  	s15 =	simm.s32 $0x6200  }
0x10a: {  	[tilespmem:s15], [sflag:$0x2] =	stream.indirect_vreg.gather [hbm4b:s2+s3], $0x80, v3, vm0, $0xb8;
	[tilespmem:$0x1C200] =	vst v63  }
0x10b: {  	s15 =	simm.s32 $0x6A00  }
0x10c: {  	[tilespmem:s15], [sflag:$0x2] =	stream.indirect_vreg.gather [hbm4b:s5+s3], $0x80, v3, vm0, $0xb8;
	[tilespmem:$0x1C200] =	vst v63  }
0x10d: {  	s15 =	simm.s32 $0x7200  }
0x10e: {  	[tilespmem:s15], [sflag:$0x2] =	stream.indirect_vreg.gather [hbm4b:s6+s3], $0x80, v3, vm0, $0xb8;
	[tilespmem:$0x1C200] =	vst v63  }
0x10f: {  	s15 =	simm.s32 $0x7A00  }
0x110: {  	[tilespmem:s15], [sflag:$0x2] =	stream.indirect_vreg.gather [hbm4b:s7+s3], $0x80, v3, vm0, $0xb8;
	[tilespmem:$0x1C200] =	vst v63  }
0x111: {  	_ =	swait.ge [sflag:s18], $0x4000  }
0x112: {  	[sflag:s18] =	ssyncset.done $0x0  }
0x113: {  	s15 =	rddreg [dreg:$0x9];
	[sflag:s18] =	ssyncadd.s32 $0xFFFFC000  }
0x114: {  	[hbm4b:s15+s3] =	stream.linear.scatter [tilespmem:s22], [sflag:$0xC], $0x4000, $0x38;
	[tilespmem:$0x1C200] =	vst v63  }
0x115: {  	_ =	swait.ge [sflag:s0], $0x4000  }
0x116: {  	[sflag:s0] =	ssyncset.done $0x0  }
0x117: {  	[sflag:s0] =	ssyncadd.s32 $0xFFFFC000  }
0x118: {  	v3 =	vld [tilespmem:$0x90];
	_ =	sdelay $0x4  }
0x119: {  	v41 =	vshll.u32 v3, $0x3  }
0x11a: {  	v3 =	vand.u32 $0x7, v3;
	v4 =	vand.u32 $0xFFFFFFC0, v41  }
0x11b: {  	v3 =	vor.u32 v3, v4  }
0x11c: {  	v4 =	vperm.xlane v3, v0;
	_ =	sdelay $0x1  }
0x11d: {  	v4 =	vadd.s32 v1, v4;
	_ =	sdelay $0x4  }
0x11e: {  	[tilespmem:s4], [sflag:$0x3] =	stream.indirect_vreg.gather [hbm4b:s2+s3], $0x80, v4, vm0, $0xb8;
	[tilespmem:$0x1C200] =	vst v63  }
0x11f: {  	s15 =	simm.s32 $0x8A00;
	v3 =	vperm.xlane v3, v2  }
0x120: {  	[tilespmem:s15], [sflag:$0x3] =	stream.indirect_vreg.gather [hbm4b:s5+s3], $0x80, v4, vm0, $0xb8;
	[tilespmem:$0x1C200] =	vst v63  }
0x121: {  	v3 =	vadd.s32 v1, v3;
	s15 =	simm.s32 $0x9200  }
0x122: {  	[tilespmem:s15], [sflag:$0x3] =	stream.indirect_vreg.gather [hbm4b:s6+s3], $0x80, v4, vm0, $0xb8;
	[tilespmem:$0x1C200] =	vst v63  }
0x123: {  	s15 =	simm.s32 $0x9A00  }
0x124: {  	[tilespmem:s15], [sflag:$0x3] =	stream.indirect_vreg.gather [hbm4b:s7+s3], $0x80, v4, vm0, $0xb8;
	[tilespmem:$0x1C200] =	vst v63  }
0x125: {  	s15 =	simm.s32 $0xA200  }
0x126: {  	[tilespmem:s15], [sflag:$0x3] =	stream.indirect_vreg.gather [hbm4b:s2+s3], $0x80, v3, vm0, $0xb8;
	[tilespmem:$0x1C200] =	vst v63  }
0x127: {  	s15 =	simm.s32 $0xAA00  }
0x128: {  	[tilespmem:s15], [sflag:$0x3] =	stream.indirect_vreg.gather [hbm4b:s5+s3], $0x80, v3, vm0, $0xb8;
	[tilespmem:$0x1C200] =	vst v63  }
0x129: {  	s15 =	simm.s32 $0xB200  }
0x12a: {  	[tilespmem:s15], [sflag:$0x3] =	stream.indirect_vreg.gather [hbm4b:s6+s3], $0x80, v3, vm0, $0xb8;
	[tilespmem:$0x1C200] =	vst v63  }
0x12b: {  	s15 =	simm.s32 $0xBA00  }
0x12c: {  	[tilespmem:s15], [sflag:$0x3] =	stream.indirect_vreg.gather [hbm4b:s7+s3], $0x80, v3, vm0, $0xb8;
	[tilespmem:$0x1C200] =	vst v63  }
0x12d: {  	_ =	swait.ge [sflag:s1], $0x4000  }
0x12e: {  	[sflag:s1] =	ssyncset.done $0x0  }
0x12f: {  	s15 =	rddreg [dreg:$0xa];
	[sflag:s1] =	ssyncadd.s32 $0xFFFFC000  }
0x130: {  	[hbm4b:s15+s3] =	stream.linear.scatter [tilespmem:s24], [sflag:$0xD], $0x4000, $0x38;
	[tilespmem:$0x1C200] =	vst v63  }
0x131: {  	_ =	swait.ge [sflag:s10], $0x4000  }
0x132: {  	[sflag:s10] =	ssyncset.done $0x0  }
0x133: {  	[sflag:s10] =	ssyncadd.s32 $0xFFFFC000  }
0x134: {  	v3 =	vld [tilespmem:$0xA0];
	_ =	sdelay $0x4  }
0x135: {  	v42 =	vshll.u32 v3, $0x3  }
0x136: {  	v3 =	vand.u32 $0x7, v3;
	v4 =	vand.u32 $0xFFFFFFC0, v42  }
0x137: {  	v3 =	vor.u32 v3, v4  }
0x138: {  	v4 =	vperm.xlane v3, v0;
	_ =	sdelay $0x1  }
0x139: {  	v4 =	vadd.s32 v1, v4;
	_ =	sdelay $0x4  }
0x13a: {  	[tilespmem:s9], [sflag:$0x4] =	stream.indirect_vreg.gather [hbm4b:s2+s3], $0x80, v4, vm0, $0xb8;
	[tilespmem:$0x1C200] =	vst v63  }
0x13b: {  	s15 =	simm.s32 $0xCA00;
	v3 =	vperm.xlane v3, v2  }
0x13c: {  	[tilespmem:s15], [sflag:$0x4] =	stream.indirect_vreg.gather [hbm4b:s5+s3], $0x80, v4, vm0, $0xb8;
	[tilespmem:$0x1C200] =	vst v63  }
0x13d: {  	v3 =	vadd.s32 v1, v3;
	s15 =	simm.s32 $0xD200  }
0x13e: {  	[tilespmem:s15], [sflag:$0x4] =	stream.indirect_vreg.gather [hbm4b:s6+s3], $0x80, v4, vm0, $0xb8;
	[tilespmem:$0x1C200] =	vst v63  }
0x13f: {  	s15 =	simm.s32 $0xDA00  }
0x140: {  	[tilespmem:s15], [sflag:$0x4] =	stream.indirect_vreg.gather [hbm4b:s7+s3], $0x80, v4, vm0, $0xb8;
	[tilespmem:$0x1C200] =	vst v63  }
0x141: {  	s15 =	simm.s32 $0xE200  }
0x142: {  	[tilespmem:s15], [sflag:$0x4] =	stream.indirect_vreg.gather [hbm4b:s2+s3], $0x80, v3, vm0, $0xb8;
	[tilespmem:$0x1C200] =	vst v63  }
0x143: {  	s15 =	simm.s32 $0xEA00  }
0x144: {  	[tilespmem:s15], [sflag:$0x4] =	stream.indirect_vreg.gather [hbm4b:s5+s3], $0x80, v3, vm0, $0xb8;
	[tilespmem:$0x1C200] =	vst v63  }
0x145: {  	s15 =	simm.s32 $0xF200  }
0x146: {  	[tilespmem:s15], [sflag:$0x4] =	stream.indirect_vreg.gather [hbm4b:s6+s3], $0x80, v3, vm0, $0xb8;
	[tilespmem:$0x1C200] =	vst v63  }
0x147: {  	s15 =	simm.s32 $0xFA00  }
0x148: {  	[tilespmem:s15], [sflag:$0x4] =	stream.indirect_vreg.gather [hbm4b:s7+s3], $0x80, v3, vm0, $0xb8;
	[tilespmem:$0x1C200] =	vst v63  }
0x149: {  	_ =	swait.ge [sflag:s11], $0x4000  }
0x14a: {  	[sflag:s11] =	ssyncset.done $0x0  }
0x14b: {  	s15 =	rddreg [dreg:$0xb];
	[sflag:s11] =	ssyncadd.s32 $0xFFFFC000  }
0x14c: {  	[hbm4b:s15+s3] =	stream.linear.scatter [tilespmem:s19], [sflag:$0xE], $0x4000, $0x38;
	[tilespmem:$0x1C200] =	vst v63  }
0x14d: {  	_ =	swait.ge [sflag:s12], $0x4000  }
0x14e: {  	[sflag:s12] =	ssyncset.done $0x0  }
0x14f: {  	[sflag:s12] =	ssyncadd.s32 $0xFFFFC000  }
0x150: {  	v3 =	vld [tilespmem:$0xB0];
	_ =	sdelay $0x4  }
0x151: {  	v43 =	vshll.u32 v3, $0x3  }
0x152: {  	v3 =	vand.u32 $0x7, v3;
	v4 =	vand.u32 $0xFFFFFFC0, v43  }
0x153: {  	v3 =	vor.u32 v3, v4  }
0x154: {  	v4 =	vperm.xlane v3, v0;
	_ =	sdelay $0x1  }
0x155: {  	v4 =	vadd.s32 v1, v4;
	_ =	sdelay $0x4  }
0x156: {  	[tilespmem:s22], [sflag:$0x5] =	stream.indirect_vreg.gather [hbm4b:s2+s3], $0x80, v4, vm0, $0xb8;
	[tilespmem:$0x1C200] =	vst v63  }
0x157: {  	s15 =	simm.s32 $0x10A00;
	v3 =	vperm.xlane v3, v2  }
0x158: {  	[tilespmem:s15], [sflag:$0x5] =	stream.indirect_vreg.gather [hbm4b:s5+s3], $0x80, v4, vm0, $0xb8;
	[tilespmem:$0x1C200] =	vst v63  }
0x159: {  	v3 =	vadd.s32 v1, v3;
	s15 =	simm.s32 $0x11200  }
0x15a: {  	[tilespmem:s15], [sflag:$0x5] =	stream.indirect_vreg.gather [hbm4b:s6+s3], $0x80, v4, vm0, $0xb8;
	[tilespmem:$0x1C200] =	vst v63  }
0x15b: {  	s15 =	simm.s32 $0x11A00  }
0x15c: {  	[tilespmem:s15], [sflag:$0x5] =	stream.indirect_vreg.gather [hbm4b:s7+s3], $0x80, v4, vm0, $0xb8;
	[tilespmem:$0x1C200] =	vst v63  }
0x15d: {  	s15 =	simm.s32 $0x12200  }
0x15e: {  	[tilespmem:s15], [sflag:$0x5] =	stream.indirect_vreg.gather [hbm4b:s2+s3], $0x80, v3, vm0, $0xb8;
	[tilespmem:$0x1C200] =	vst v63  }
0x15f: {  	s15 =	simm.s32 $0x12A00  }
0x160: {  	[tilespmem:s15], [sflag:$0x5] =	stream.indirect_vreg.gather [hbm4b:s5+s3], $0x80, v3, vm0, $0xb8;
	[tilespmem:$0x1C200] =	vst v63  }
0x161: {  	s15 =	simm.s32 $0x13200  }
0x162: {  	[tilespmem:s15], [sflag:$0x5] =	stream.indirect_vreg.gather [hbm4b:s6+s3], $0x80, v3, vm0, $0xb8;
	[tilespmem:$0x1C200] =	vst v63  }
0x163: {  	s15 =	simm.s32 $0x13A00  }
0x164: {  	[tilespmem:s15], [sflag:$0x5] =	stream.indirect_vreg.gather [hbm4b:s7+s3], $0x80, v3, vm0, $0xb8;
	[tilespmem:$0x1C200] =	vst v63  }
0x165: {  	_ =	swait.ge [sflag:s21], $0x4000  }
0x166: {  	[sflag:s21] =	ssyncset.done $0x0  }
0x167: {  	s15 =	rddreg [dreg:$0xc];
	[sflag:s21] =	ssyncadd.s32 $0xFFFFC000  }
0x168: {  	[hbm4b:s15+s3] =	stream.linear.scatter [tilespmem:s31], [sflag:$0x8], $0x4000, $0x38;
	[tilespmem:$0x1C200] =	vst v63  }
0x169: {  	_ =	swait.ge [sflag:s13], $0x4000  }
0x16a: {  	[sflag:s13] =	ssyncset.done $0x0  }
0x16b: {  	[sflag:s13] =	ssyncadd.s32 $0xFFFFC000  }
0x16c: {  	v3 =	vld [tilespmem:$0xC0];
	_ =	sdelay $0x4  }
0x16d: {  	v44 =	vshll.u32 v3, $0x3  }
0x16e: {  	v3 =	vand.u32 $0x7, v3;
	v4 =	vand.u32 $0xFFFFFFC0, v44  }
0x16f: {  	v3 =	vor.u32 v3, v4  }
0x170: {  	v4 =	vperm.xlane v3, v0;
	_ =	sdelay $0x1  }
0x171: {  	v4 =	vadd.s32 v1, v4;
	_ =	sdelay $0x4  }
0x172: {  	[tilespmem:s24], [sflag:$0x6] =	stream.indirect_vreg.gather [hbm4b:s2+s3], $0x80, v4, vm0, $0xb8;
	[tilespmem:$0x1C200] =	vst v63  }
0x173: {  	s15 =	simm.s32 $0x14A00;
	v3 =	vperm.xlane v3, v2  }
0x174: {  	[tilespmem:s15], [sflag:$0x6] =	stream.indirect_vreg.gather [hbm4b:s5+s3], $0x80, v4, vm0, $0xb8;
	[tilespmem:$0x1C200] =	vst v63  }
0x175: {  	v3 =	vadd.s32 v1, v3;
	s15 =	simm.s32 $0x15200  }
0x176: {  	[tilespmem:s15], [sflag:$0x6] =	stream.indirect_vreg.gather [hbm4b:s6+s3], $0x80, v4, vm0, $0xb8;
	[tilespmem:$0x1C200] =	vst v63  }
0x177: {  	s15 =	simm.s32 $0x15A00  }
0x178: {  	[tilespmem:s15], [sflag:$0x6] =	stream.indirect_vreg.gather [hbm4b:s7+s3], $0x80, v4, vm0, $0xb8;
	[tilespmem:$0x1C200] =	vst v63  }
0x179: {  	s15 =	simm.s32 $0x16200  }
0x17a: {  	[tilespmem:s15], [sflag:$0x6] =	stream.indirect_vreg.gather [hbm4b:s2+s3], $0x80, v3, vm0, $0xb8;
	[tilespmem:$0x1C200] =	vst v63  }
0x17b: {  	s15 =	simm.s32 $0x16A00  }
0x17c: {  	[tilespmem:s15], [sflag:$0x6] =	stream.indirect_vreg.gather [hbm4b:s5+s3], $0x80, v3, vm0, $0xb8;
	[tilespmem:$0x1C200] =	vst v63  }
0x17d: {  	s15 =	simm.s32 $0x17200  }
0x17e: {  	[tilespmem:s15], [sflag:$0x6] =	stream.indirect_vreg.gather [hbm4b:s6+s3], $0x80, v3, vm0, $0xb8;
	[tilespmem:$0x1C200] =	vst v63  }
0x17f: {  	s15 =	simm.s32 $0x17A00  }
0x180: {  	[tilespmem:s15], [sflag:$0x6] =	stream.indirect_vreg.gather [hbm4b:s7+s3], $0x80, v3, vm0, $0xb8;
	[tilespmem:$0x1C200] =	vst v63  }
0x181: {  	_ =	swait.ge [sflag:s23], $0x4000  }
0x182: {  	[sflag:s23] =	ssyncset.done $0x0  }
0x183: {  	s15 =	rddreg [dreg:$0xd];
	[sflag:s23] =	ssyncadd.s32 $0xFFFFC000  }
0x184: {  	[hbm4b:s15+s3] =	stream.linear.scatter [tilespmem:s28], [sflag:$0x9], $0x4000, $0x38;
	[tilespmem:$0x1C200] =	vst v63  }
0x185: {  	_ =	swait.ge [sflag:s14], $0x4000  }
0x186: {  	[sflag:s14] =	ssyncset.done $0x0  }
0x187: {  	[sflag:s14] =	ssyncadd.s32 $0xFFFFC000  }
0x188: {  	v3 =	vld [tilespmem:$0xD0];
	_ =	sdelay $0x4  }
0x189: {  	v45 =	vshll.u32 v3, $0x3  }
0x18a: {  	v3 =	vand.u32 $0x7, v3;
	v4 =	vand.u32 $0xFFFFFFC0, v45  }
0x18b: {  	v3 =	vor.u32 v3, v4  }
0x18c: {  	v4 =	vperm.xlane v3, v0;
	_ =	sdelay $0x1  }
0x18d: {  	v4 =	vadd.s32 v1, v4;
	_ =	sdelay $0x4  }
0x18e: {  	[tilespmem:s19], [sflag:$0x7] =	stream.indirect_vreg.gather [hbm4b:s2+s3], $0x80, v4, vm0, $0xb8;
	[tilespmem:$0x1C200] =	vst v63  }
0x18f: {  	s15 =	simm.s32 $0x18A00;
	v3 =	vperm.xlane v3, v2  }
0x190: {  	[tilespmem:s15], [sflag:$0x7] =	stream.indirect_vreg.gather [hbm4b:s5+s3], $0x80, v4, vm0, $0xb8;
	[tilespmem:$0x1C200] =	vst v63  }
0x191: {  	v3 =	vadd.s32 v1, v3;
	s15 =	simm.s32 $0x19200  }
0x192: {  	[tilespmem:s15], [sflag:$0x7] =	stream.indirect_vreg.gather [hbm4b:s6+s3], $0x80, v4, vm0, $0xb8;
	[tilespmem:$0x1C200] =	vst v63  }
0x193: {  	s15 =	simm.s32 $0x19A00  }
0x194: {  	[tilespmem:s15], [sflag:$0x7] =	stream.indirect_vreg.gather [hbm4b:s7+s3], $0x80, v4, vm0, $0xb8;
	[tilespmem:$0x1C200] =	vst v63  }
0x195: {  	s15 =	simm.s32 $0x1A200  }
0x196: {  	[tilespmem:s15], [sflag:$0x7] =	stream.indirect_vreg.gather [hbm4b:s2+s3], $0x80, v3, vm0, $0xb8;
	[tilespmem:$0x1C200] =	vst v63  }
0x197: {  	s15 =	simm.s32 $0x1AA00  }
0x198: {  	[tilespmem:s15], [sflag:$0x7] =	stream.indirect_vreg.gather [hbm4b:s5+s3], $0x80, v3, vm0, $0xb8;
	[tilespmem:$0x1C200] =	vst v63  }
0x199: {  	s15 =	simm.s32 $0x1B200  }
0x19a: {  	[tilespmem:s15], [sflag:$0x7] =	stream.indirect_vreg.gather [hbm4b:s6+s3], $0x80, v3, vm0, $0xb8;
	[tilespmem:$0x1C200] =	vst v63  }
0x19b: {  	s15 =	simm.s32 $0x1BA00  }
0x19c: {  	[tilespmem:s15], [sflag:$0x7] =	stream.indirect_vreg.gather [hbm4b:s7+s3], $0x80, v3, vm0, $0xb8;
	[tilespmem:$0x1C200] =	vst v63  }
0x19d: {  	_ =	swait.ge [sflag:s25], $0x4000  }
0x19e: {  	[sflag:s25] =	ssyncset.done $0x0  }
0x19f: {  	s15 =	rddreg [dreg:$0xe];
	[sflag:s25] =	ssyncadd.s32 $0xFFFFC000  }
0x1a0: {  	[hbm4b:s15+s3] =	stream.linear.scatter [tilespmem:s4], [sflag:$0xA], $0x4000, $0x38;
	[tilespmem:$0x1C200] =	vst v63  }
0x1a1: {  	_ =	swait.ge [sflag:s26], $0x4000  }
0x1a2: {  	[sflag:s26] =	ssyncset.done $0x0  }
0x1a3: {  	[sflag:s26] =	ssyncadd.s32 $0xFFFFC000  }
0x1a4: {  	v3 =	vld [tilespmem:$0xE0];
	_ =	sdelay $0x4  }
0x1a5: {  	v46 =	vshll.u32 v3, $0x3  }
0x1a6: {  	v3 =	vand.u32 $0x7, v3;
	v4 =	vand.u32 $0xFFFFFFC0, v46  }
0x1a7: {  	v3 =	vor.u32 v3, v4  }
0x1a8: {  	v4 =	vperm.xlane v3, v0;
	_ =	sdelay $0x1  }
0x1a9: {  	v4 =	vadd.s32 v1, v4;
	_ =	sdelay $0x4  }
0x1aa: {  	[tilespmem:s31], [sflag:$0x1] =	stream.indirect_vreg.gather [hbm4b:s2+s3], $0x80, v4, vm0, $0xb8;
	[tilespmem:$0x1C200] =	vst v63  }
0x1ab: {  	v3 =	vperm.xlane v3, v2  }
0x1ac: {  	[tilespmem:s20], [sflag:$0x1] =	stream.indirect_vreg.gather [hbm4b:s5+s3], $0x80, v4, vm0, $0xb8;
	[tilespmem:$0x1C200] =	vst v63  }
0x1ad: {  	v3 =	vadd.s32 v1, v3;
	s20 =	simm.s32 $0x1200  }
0x1ae: {  	[tilespmem:s20], [sflag:$0x1] =	stream.indirect_vreg.gather [hbm4b:s6+s3], $0x80, v4, vm0, $0xb8;
	[tilespmem:$0x1C200] =	vst v63  }
0x1af: {  	s20 =	simm.s32 $0x1A00  }
0x1b0: {  	[tilespmem:s20], [sflag:$0x1] =	stream.indirect_vreg.gather [hbm4b:s7+s3], $0x80, v4, vm0, $0xb8;
	[tilespmem:$0x1C200] =	vst v63  }
0x1b1: {  	s20 =	simm.s32 $0x2200  }
0x1b2: {  	[tilespmem:s20], [sflag:$0x1] =	stream.indirect_vreg.gather [hbm4b:s2+s3], $0x80, v3, vm0, $0xb8;
	[tilespmem:$0x1C200] =	vst v63  }
0x1b3: {  	_ = 	snop  }
0x1b4: {  	[tilespmem:s16], [sflag:$0x1] =	stream.indirect_vreg.gather [hbm4b:s5+s3], $0x80, v3, vm0, $0xb8;
	[tilespmem:$0x1C200] =	vst v63  }
0x1b5: {  	_ = 	snop  }
0x1b6: {  	[tilespmem:s17], [sflag:$0x1] =	stream.indirect_vreg.gather [hbm4b:s6+s3], $0x80, v3, vm0, $0xb8;
	[tilespmem:$0x1C200] =	vst v63  }
0x1b7: {  	s17 =	simm.s32 $0x3A00  }
0x1b8: {  	[tilespmem:s17], [sflag:$0x1] =	stream.indirect_vreg.gather [hbm4b:s7+s3], $0x80, v3, vm0, $0xb8;
	[tilespmem:$0x1C200] =	vst v63  }
0x1b9: {  	_ =	swait.ge [sflag:s29], $0x4000  }
0x1ba: {  	[sflag:s29] =	ssyncset.done $0x0  }
0x1bb: {  	s16 =	rddreg [dreg:$0xf];
	[sflag:s29] =	ssyncadd.s32 $0xFFFFC000  }
0x1bc: {  	[hbm4b:s16+s3] =	stream.linear.scatter [tilespmem:s9], [sflag:$0xB], $0x4000, $0x38;
	[tilespmem:$0x1C200] =	vst v63  }
0x1bd: {  	_ =	swait.ge [sflag:s30], $0x4000  }
0x1be: {  	[sflag:s30] =	ssyncset.done $0x0  }
0x1bf: {  	[sflag:s30] =	ssyncadd.s32 $0xFFFFC000  }
0x1c0: {  	v3 =	vld [tilespmem:$0xF0];
	_ =	sdelay $0x4  }
0x1c1: {  	v47 =	vshll.u32 v3, $0x3  }
0x1c2: {  	v3 =	vand.u32 $0x7, v3;
	v4 =	vand.u32 $0xFFFFFFC0, v47  }
0x1c3: {  	v3 =	vor.u32 v3, v4  }
0x1c4: {  	v4 =	vperm.xlane v3, v0;
	_ =	sdelay $0x1  }
0x1c5: {  	v4 =	vadd.s32 v1, v4;
	_ =	sdelay $0x4  }
0x1c6: {  	[tilespmem:s28], [sflag:$0x2] =	stream.indirect_vreg.gather [hbm4b:s2+s3], $0x80, v4, vm0, $0xb8;
	[tilespmem:$0x1C200] =	vst v63  }
0x1c7: {  	s17 =	simm.s32 $0x4A00;
	v3 =	vperm.xlane v3, v2  }
0x1c8: {  	[tilespmem:s17], [sflag:$0x2] =	stream.indirect_vreg.gather [hbm4b:s5+s3], $0x80, v4, vm0, $0xb8;
	[tilespmem:$0x1C200] =	vst v63  }
0x1c9: {  	s16 =	simm.s32 $0x5200;
	v3 =	vadd.s32 v1, v3  }
0x1ca: {  	[tilespmem:s16], [sflag:$0x2] =	stream.indirect_vreg.gather [hbm4b:s6+s3], $0x80, v4, vm0, $0xb8;
	[tilespmem:$0x1C200] =	vst v63  }
0x1cb: {  	s17 =	simm.s32 $0x5A00  }
0x1cc: {  	[tilespmem:s17], [sflag:$0x2] =	stream.indirect_vreg.gather [hbm4b:s7+s3], $0x80, v4, vm0, $0xb8;
	[tilespmem:$0x1C200] =	vst v63  }
0x1cd: {  	s16 =	simm.s32 $0x6200  }
0x1ce: {  	[tilespmem:s16], [sflag:$0x2] =	stream.indirect_vreg.gather [hbm4b:s2+s3], $0x80, v3, vm0, $0xb8;
	[tilespmem:$0x1C200] =	vst v63  }
0x1cf: {  	s17 =	simm.s32 $0x6A00  }
0x1d0: {  	[tilespmem:s17], [sflag:$0x2] =	stream.indirect_vreg.gather [hbm4b:s5+s3], $0x80, v3, vm0, $0xb8;
	[tilespmem:$0x1C200] =	vst v63  }
0x1d1: {  	s16 =	simm.s32 $0x7200  }
0x1d2: {  	[tilespmem:s16], [sflag:$0x2] =	stream.indirect_vreg.gather [hbm4b:s6+s3], $0x80, v3, vm0, $0xb8;
	[tilespmem:$0x1C200] =	vst v63  }
0x1d3: {  	s17 =	simm.s32 $0x7A00  }
0x1d4: {  	[tilespmem:s17], [sflag:$0x2] =	stream.indirect_vreg.gather [hbm4b:s7+s3], $0x80, v3, vm0, $0xb8;
	[tilespmem:$0x1C200] =	vst v63  }
0x1d5: {  	_ =	swait.ge [sflag:s18], $0x4000  }
0x1d6: {  	[sflag:s18] =	ssyncset.done $0x0  }
0x1d7: {  	s16 =	rddreg [dreg:$0x10];
	[sflag:s18] =	ssyncadd.s32 $0xFFFFC000  }
0x1d8: {  	[hbm4b:s16+s3] =	stream.linear.scatter [tilespmem:s22], [sflag:$0xC], $0x4000, $0x38;
	[tilespmem:$0x1C200] =	vst v63  }
0x1d9: {  	_ =	swait.ge [sflag:s0], $0x4000  }
0x1da: {  	[sflag:s0] =	ssyncset.done $0x0  }
0x1db: {  	[sflag:s0] =	ssyncadd.s32 $0xFFFFC000  }
0x1dc: {  	v3 =	vld [tilespmem:$0x100];
	_ =	sdelay $0x4  }
0x1dd: {  	v48 =	vshll.u32 v3, $0x3  }
0x1de: {  	v3 =	vand.u32 $0x7, v3;
	v4 =	vand.u32 $0xFFFFFFC0, v48  }
0x1df: {  	v3 =	vor.u32 v3, v4  }
0x1e0: {  	v4 =	vperm.xlane v3, v0;
	_ =	sdelay $0x1  }
0x1e1: {  	v4 =	vadd.s32 v1, v4;
	_ =	sdelay $0x4  }
0x1e2: {  	[tilespmem:s4], [sflag:$0x3] =	stream.indirect_vreg.gather [hbm4b:s2+s3], $0x80, v4, vm0, $0xb8;
	[tilespmem:$0x1C200] =	vst v63  }
0x1e3: {  	s17 =	simm.s32 $0x8A00;
	v3 =	vperm.xlane v3, v2  }
0x1e4: {  	[tilespmem:s17], [sflag:$0x3] =	stream.indirect_vreg.gather [hbm4b:s5+s3], $0x80, v4, vm0, $0xb8;
	[tilespmem:$0x1C200] =	vst v63  }
0x1e5: {  	s16 =	simm.s32 $0x9200;
	v3 =	vadd.s32 v1, v3  }
0x1e6: {  	[tilespmem:s16], [sflag:$0x3] =	stream.indirect_vreg.gather [hbm4b:s6+s3], $0x80, v4, vm0, $0xb8;
	[tilespmem:$0x1C200] =	vst v63  }
0x1e7: {  	s17 =	simm.s32 $0x9A00  }
0x1e8: {  	[tilespmem:s17], [sflag:$0x3] =	stream.indirect_vreg.gather [hbm4b:s7+s3], $0x80, v4, vm0, $0xb8;
	[tilespmem:$0x1C200] =	vst v63  }
0x1e9: {  	s16 =	simm.s32 $0xA200  }
0x1ea: {  	[tilespmem:s16], [sflag:$0x3] =	stream.indirect_vreg.gather [hbm4b:s2+s3], $0x80, v3, vm0, $0xb8;
	[tilespmem:$0x1C200] =	vst v63  }
0x1eb: {  	s17 =	simm.s32 $0xAA00  }
0x1ec: {  	[tilespmem:s17], [sflag:$0x3] =	stream.indirect_vreg.gather [hbm4b:s5+s3], $0x80, v3, vm0, $0xb8;
	[tilespmem:$0x1C200] =	vst v63  }
0x1ed: {  	s16 =	simm.s32 $0xB200  }
0x1ee: {  	[tilespmem:s16], [sflag:$0x3] =	stream.indirect_vreg.gather [hbm4b:s6+s3], $0x80, v3, vm0, $0xb8;
	[tilespmem:$0x1C200] =	vst v63  }
0x1ef: {  	s17 =	simm.s32 $0xBA00  }
0x1f0: {  	[tilespmem:s17], [sflag:$0x3] =	stream.indirect_vreg.gather [hbm4b:s7+s3], $0x80, v3, vm0, $0xb8;
	[tilespmem:$0x1C200] =	vst v63  }
0x1f1: {  	_ =	swait.ge [sflag:s1], $0x4000  }
0x1f2: {  	[sflag:s1] =	ssyncset.done $0x0  }
0x1f3: {  	s16 =	rddreg [dreg:$0x11];
	[sflag:s1] =	ssyncadd.s32 $0xFFFFC000  }
0x1f4: {  	[hbm4b:s16+s3] =	stream.linear.scatter [tilespmem:s24], [sflag:$0xD], $0x4000, $0x38;
	[tilespmem:$0x1C200] =	vst v63  }
0x1f5: {  	_ =	swait.ge [sflag:s10], $0x4000  }
0x1f6: {  	[sflag:s10] =	ssyncset.done $0x0  }
0x1f7: {  	[sflag:s10] =	ssyncadd.s32 $0xFFFFC000  }
0x1f8: {  	v3 =	vld [tilespmem:$0x110];
	_ =	sdelay $0x4  }
0x1f9: {  	v49 =	vshll.u32 v3, $0x3  }
0x1fa: {  	v3 =	vand.u32 $0x7, v3;
	v4 =	vand.u32 $0xFFFFFFC0, v49  }
0x1fb: {  	v3 =	vor.u32 v3, v4  }
0x1fc: {  	v4 =	vperm.xlane v3, v0;
	_ =	sdelay $0x1  }
0x1fd: {  	v4 =	vadd.s32 v1, v4;
	_ =	sdelay $0x4  }
0x1fe: {  	[tilespmem:s9], [sflag:$0x4] =	stream.indirect_vreg.gather [hbm4b:s2+s3], $0x80, v4, vm0, $0xb8;
	[tilespmem:$0x1C200] =	vst v63  }
0x1ff: {  	s17 =	simm.s32 $0xCA00;
	v3 =	vperm.xlane v3, v2  }
0x200: {  	[tilespmem:s17], [sflag:$0x4] =	stream.indirect_vreg.gather [hbm4b:s5+s3], $0x80, v4, vm0, $0xb8;
	[tilespmem:$0x1C200] =	vst v63  }
0x201: {  	s16 =	simm.s32 $0xD200;
	v3 =	vadd.s32 v1, v3  }
0x202: {  	[tilespmem:s16], [sflag:$0x4] =	stream.indirect_vreg.gather [hbm4b:s6+s3], $0x80, v4, vm0, $0xb8;
	[tilespmem:$0x1C200] =	vst v63  }
0x203: {  	s17 =	simm.s32 $0xDA00  }
0x204: {  	[tilespmem:s17], [sflag:$0x4] =	stream.indirect_vreg.gather [hbm4b:s7+s3], $0x80, v4, vm0, $0xb8;
	[tilespmem:$0x1C200] =	vst v63  }
0x205: {  	s16 =	simm.s32 $0xE200  }
0x206: {  	[tilespmem:s16], [sflag:$0x4] =	stream.indirect_vreg.gather [hbm4b:s2+s3], $0x80, v3, vm0, $0xb8;
	[tilespmem:$0x1C200] =	vst v63  }
0x207: {  	s17 =	simm.s32 $0xEA00  }
0x208: {  	[tilespmem:s17], [sflag:$0x4] =	stream.indirect_vreg.gather [hbm4b:s5+s3], $0x80, v3, vm0, $0xb8;
	[tilespmem:$0x1C200] =	vst v63  }
0x209: {  	s16 =	simm.s32 $0xF200  }
0x20a: {  	[tilespmem:s16], [sflag:$0x4] =	stream.indirect_vreg.gather [hbm4b:s6+s3], $0x80, v3, vm0, $0xb8;
	[tilespmem:$0x1C200] =	vst v63  }
0x20b: {  	s17 =	simm.s32 $0xFA00  }
0x20c: {  	[tilespmem:s17], [sflag:$0x4] =	stream.indirect_vreg.gather [hbm4b:s7+s3], $0x80, v3, vm0, $0xb8;
	[tilespmem:$0x1C200] =	vst v63  }
0x20d: {  	_ =	swait.ge [sflag:s11], $0x4000  }
0x20e: {  	[sflag:s11] =	ssyncset.done $0x0  }
0x20f: {  	s16 =	rddreg [dreg:$0x12];
	[sflag:s11] =	ssyncadd.s32 $0xFFFFC000  }
0x210: {  	[hbm4b:s16+s3] =	stream.linear.scatter [tilespmem:s19], [sflag:$0xE], $0x4000, $0x38;
	[tilespmem:$0x1C200] =	vst v63  }
0x211: {  	_ =	swait.ge [sflag:s12], $0x4000  }
0x212: {  	[sflag:s12] =	ssyncset.done $0x0  }
0x213: {  	[sflag:s12] =	ssyncadd.s32 $0xFFFFC000  }
0x214: {  	v3 =	vld [tilespmem:$0x120];
	_ =	sdelay $0x4  }
0x215: {  	v50 =	vshll.u32 v3, $0x3  }
0x216: {  	v3 =	vand.u32 $0x7, v3;
	v4 =	vand.u32 $0xFFFFFFC0, v50  }
0x217: {  	v3 =	vor.u32 v3, v4  }
0x218: {  	v4 =	vperm.xlane v3, v0;
	_ =	sdelay $0x1  }
0x219: {  	v4 =	vadd.s32 v1, v4;
	_ =	sdelay $0x4  }
0x21a: {  	[tilespmem:s22], [sflag:$0x5] =	stream.indirect_vreg.gather [hbm4b:s2+s3], $0x80, v4, vm0, $0xb8;
	[tilespmem:$0x1C200] =	vst v63  }
0x21b: {  	s17 =	simm.s32 $0x10A00;
	v3 =	vperm.xlane v3, v2  }
0x21c: {  	[tilespmem:s17], [sflag:$0x5] =	stream.indirect_vreg.gather [hbm4b:s5+s3], $0x80, v4, vm0, $0xb8;
	[tilespmem:$0x1C200] =	vst v63  }
0x21d: {  	s16 =	simm.s32 $0x11200;
	v3 =	vadd.s32 v1, v3  }
0x21e: {  	[tilespmem:s16], [sflag:$0x5] =	stream.indirect_vreg.gather [hbm4b:s6+s3], $0x80, v4, vm0, $0xb8;
	[tilespmem:$0x1C200] =	vst v63  }
0x21f: {  	s17 =	simm.s32 $0x11A00  }
0x220: {  	[tilespmem:s17], [sflag:$0x5] =	stream.indirect_vreg.gather [hbm4b:s7+s3], $0x80, v4, vm0, $0xb8;
	[tilespmem:$0x1C200] =	vst v63  }
0x221: {  	s16 =	simm.s32 $0x12200  }
0x222: {  	[tilespmem:s16], [sflag:$0x5] =	stream.indirect_vreg.gather [hbm4b:s2+s3], $0x80, v3, vm0, $0xb8;
	[tilespmem:$0x1C200] =	vst v63  }
0x223: {  	s17 =	simm.s32 $0x12A00  }
0x224: {  	[tilespmem:s17], [sflag:$0x5] =	stream.indirect_vreg.gather [hbm4b:s5+s3], $0x80, v3, vm0, $0xb8;
	[tilespmem:$0x1C200] =	vst v63  }
0x225: {  	s16 =	simm.s32 $0x13200  }
0x226: {  	[tilespmem:s16], [sflag:$0x5] =	stream.indirect_vreg.gather [hbm4b:s6+s3], $0x80, v3, vm0, $0xb8;
	[tilespmem:$0x1C200] =	vst v63  }
0x227: {  	s17 =	simm.s32 $0x13A00  }
0x228: {  	[tilespmem:s17], [sflag:$0x5] =	stream.indirect_vreg.gather [hbm4b:s7+s3], $0x80, v3, vm0, $0xb8;
	[tilespmem:$0x1C200] =	vst v63  }
0x229: {  	_ =	swait.ge [sflag:s21], $0x4000  }
0x22a: {  	[sflag:s21] =	ssyncset.done $0x0  }
0x22b: {  	s16 =	rddreg [dreg:$0x13];
	[sflag:s21] =	ssyncadd.s32 $0xFFFFC000  }
0x22c: {  	[hbm4b:s16+s3] =	stream.linear.scatter [tilespmem:s31], [sflag:$0x8], $0x4000, $0x38;
	[tilespmem:$0x1C200] =	vst v63  }
0x22d: {  	_ =	swait.ge [sflag:s13], $0x4000  }
0x22e: {  	[sflag:s13] =	ssyncset.done $0x0  }
0x22f: {  	[sflag:s13] =	ssyncadd.s32 $0xFFFFC000  }
0x230: {  	v3 =	vld [tilespmem:$0x130];
	_ =	sdelay $0x4  }
0x231: {  	v51 =	vshll.u32 v3, $0x3  }
0x232: {  	v3 =	vand.u32 $0x7, v3;
	v4 =	vand.u32 $0xFFFFFFC0, v51  }
0x233: {  	v3 =	vor.u32 v3, v4  }
0x234: {  	v4 =	vperm.xlane v3, v0;
	_ =	sdelay $0x1  }
0x235: {  	v4 =	vadd.s32 v1, v4;
	_ =	sdelay $0x4  }
0x236: {  	[tilespmem:s24], [sflag:$0x6] =	stream.indirect_vreg.gather [hbm4b:s2+s3], $0x80, v4, vm0, $0xb8;
	[tilespmem:$0x1C200] =	vst v63  }
0x237: {  	s17 =	simm.s32 $0x14A00;
	v3 =	vperm.xlane v3, v2  }
0x238: {  	[tilespmem:s17], [sflag:$0x6] =	stream.indirect_vreg.gather [hbm4b:s5+s3], $0x80, v4, vm0, $0xb8;
	[tilespmem:$0x1C200] =	vst v63  }
0x239: {  	s16 =	simm.s32 $0x15200;
	v3 =	vadd.s32 v1, v3  }
0x23a: {  	[tilespmem:s16], [sflag:$0x6] =	stream.indirect_vreg.gather [hbm4b:s6+s3], $0x80, v4, vm0, $0xb8;
	[tilespmem:$0x1C200] =	vst v63  }
0x23b: {  	s17 =	simm.s32 $0x15A00  }
0x23c: {  	[tilespmem:s17], [sflag:$0x6] =	stream.indirect_vreg.gather [hbm4b:s7+s3], $0x80, v4, vm0, $0xb8;
	[tilespmem:$0x1C200] =	vst v63  }
0x23d: {  	s16 =	simm.s32 $0x16200  }
0x23e: {  	[tilespmem:s16], [sflag:$0x6] =	stream.indirect_vreg.gather [hbm4b:s2+s3], $0x80, v3, vm0, $0xb8;
	[tilespmem:$0x1C200] =	vst v63  }
0x23f: {  	s17 =	simm.s32 $0x16A00  }
0x240: {  	[tilespmem:s17], [sflag:$0x6] =	stream.indirect_vreg.gather [hbm4b:s5+s3], $0x80, v3, vm0, $0xb8;
	[tilespmem:$0x1C200] =	vst v63  }
0x241: {  	s16 =	simm.s32 $0x17200  }
0x242: {  	[tilespmem:s16], [sflag:$0x6] =	stream.indirect_vreg.gather [hbm4b:s6+s3], $0x80, v3, vm0, $0xb8;
	[tilespmem:$0x1C200] =	vst v63  }
0x243: {  	s17 =	simm.s32 $0x17A00  }
0x244: {  	[tilespmem:s17], [sflag:$0x6] =	stream.indirect_vreg.gather [hbm4b:s7+s3], $0x80, v3, vm0, $0xb8;
	[tilespmem:$0x1C200] =	vst v63  }
0x245: {  	_ =	swait.ge [sflag:s23], $0x4000  }
0x246: {  	[sflag:s23] =	ssyncset.done $0x0  }
0x247: {  	s16 =	rddreg [dreg:$0x14];
	[sflag:s23] =	ssyncadd.s32 $0xFFFFC000  }
0x248: {  	[hbm4b:s16+s3] =	stream.linear.scatter [tilespmem:s28], [sflag:$0x9], $0x4000, $0x38;
	[tilespmem:$0x1C200] =	vst v63  }
0x249: {  	_ =	swait.ge [sflag:s14], $0x4000  }
0x24a: {  	[sflag:s14] =	ssyncset.done $0x0  }
0x24b: {  	[sflag:s14] =	ssyncadd.s32 $0xFFFFC000  }
0x24c: {  	v3 =	vld [tilespmem:$0x140];
	_ =	sdelay $0x4  }
0x24d: {  	v52 =	vshll.u32 v3, $0x3  }
0x24e: {  	v3 =	vand.u32 $0x7, v3;
	v4 =	vand.u32 $0xFFFFFFC0, v52  }
0x24f: {  	v3 =	vor.u32 v3, v4  }
0x250: {  	v4 =	vperm.xlane v3, v0;
	_ =	sdelay $0x1  }
0x251: {  	v4 =	vadd.s32 v1, v4;
	_ =	sdelay $0x4  }
0x252: {  	[tilespmem:s19], [sflag:$0x7] =	stream.indirect_vreg.gather [hbm4b:s2+s3], $0x80, v4, vm0, $0xb8;
	[tilespmem:$0x1C200] =	vst v63  }
0x253: {  	s17 =	simm.s32 $0x18A00;
	v3 =	vperm.xlane v3, v2  }
0x254: {  	[tilespmem:s17], [sflag:$0x7] =	stream.indirect_vreg.gather [hbm4b:s5+s3], $0x80, v4, vm0, $0xb8;
	[tilespmem:$0x1C200] =	vst v63  }
0x255: {  	s16 =	simm.s32 $0x19200;
	v3 =	vadd.s32 v1, v3  }
0x256: {  	[tilespmem:s16], [sflag:$0x7] =	stream.indirect_vreg.gather [hbm4b:s6+s3], $0x80, v4, vm0, $0xb8;
	[tilespmem:$0x1C200] =	vst v63  }
0x257: {  	s17 =	simm.s32 $0x19A00  }
0x258: {  	[tilespmem:s17], [sflag:$0x7] =	stream.indirect_vreg.gather [hbm4b:s7+s3], $0x80, v4, vm0, $0xb8;
	[tilespmem:$0x1C200] =	vst v63  }
0x259: {  	s17 =	simm.s32 $0x1A200  }
0x25a: {  	[tilespmem:s17], [sflag:$0x7] =	stream.indirect_vreg.gather [hbm4b:s2+s3], $0x80, v3, vm0, $0xb8;
	[tilespmem:$0x1C200] =	vst v63  }
0x25b: {  	s17 =	simm.s32 $0x1AA00  }
0x25c: {  	[tilespmem:s17], [sflag:$0x7] =	stream.indirect_vreg.gather [hbm4b:s5+s3], $0x80, v3, vm0, $0xb8;
	[tilespmem:$0x1C200] =	vst v63  }
0x25d: {  	s17 =	simm.s32 $0x1B200  }
0x25e: {  	[tilespmem:s17], [sflag:$0x7] =	stream.indirect_vreg.gather [hbm4b:s6+s3], $0x80, v3, vm0, $0xb8;
	[tilespmem:$0x1C200] =	vst v63  }
0x25f: {  	s17 =	simm.s32 $0x1BA00  }
0x260: {  	[tilespmem:s17], [sflag:$0x7] =	stream.indirect_vreg.gather [hbm4b:s7+s3], $0x80, v3, vm0, $0xb8;
	[tilespmem:$0x1C200] =	vst v63  }
0x261: {  	_ =	swait.ge [sflag:s25], $0x4000  }
0x262: {  	[sflag:s25] =	ssyncset.done $0x0  }
0x263: {  	s17 =	rddreg [dreg:$0x15];
	[sflag:s25] =	ssyncadd.s32 $0xFFFFC000  }
0x264: {  	[hbm4b:s17+s3] =	stream.linear.scatter [tilespmem:s4], [sflag:$0xA], $0x4000, $0x38;
	[tilespmem:$0x1C200] =	vst v63  }
0x265: {  	_ =	swait.ge [sflag:s26], $0x4000  }
0x266: {  	[sflag:s26] =	ssyncset.done $0x0  }
0x267: {  	[sflag:s26] =	ssyncadd.s32 $0xFFFFC000  }
0x268: {  	v3 =	vld [tilespmem:$0x150];
	_ =	sdelay $0x4  }
0x269: {  	v53 =	vshll.u32 v3, $0x3  }
0x26a: {  	v3 =	vand.u32 $0x7, v3;
	v4 =	vand.u32 $0xFFFFFFC0, v53  }
0x26b: {  	v3 =	vor.u32 v3, v4  }
0x26c: {  	v4 =	vperm.xlane v3, v0;
	_ =	sdelay $0x1  }
0x26d: {  	v4 =	vadd.s32 v1, v4;
	_ =	sdelay $0x4  }
0x26e: {  	[tilespmem:s31], [sflag:$0x1] =	stream.indirect_vreg.gather [hbm4b:s2+s3], $0x80, v4, vm0, $0xb8;
	[tilespmem:$0x1C200] =	vst v63  }
0x26f: {  	s17 =	simm.s32 $0xA00;
	v3 =	vperm.xlane v3, v2  }
0x270: {  	[tilespmem:s17], [sflag:$0x1] =	stream.indirect_vreg.gather [hbm4b:s5+s3], $0x80, v4, vm0, $0xb8;
	[tilespmem:$0x1C200] =	vst v63  }
0x271: {  	v3 =	vadd.s32 v1, v3;
	s17 =	simm.s32 $0x1200  }
0x272: {  	[tilespmem:s17], [sflag:$0x1] =	stream.indirect_vreg.gather [hbm4b:s6+s3], $0x80, v4, vm0, $0xb8;
	[tilespmem:$0x1C200] =	vst v63  }
0x273: {  	s17 =	simm.s32 $0x1A00  }
0x274: {  	[tilespmem:s17], [sflag:$0x1] =	stream.indirect_vreg.gather [hbm4b:s7+s3], $0x80, v4, vm0, $0xb8;
	[tilespmem:$0x1C200] =	vst v63  }
0x275: {  	s17 =	simm.s32 $0x2200  }
0x276: {  	[tilespmem:s17], [sflag:$0x1] =	stream.indirect_vreg.gather [hbm4b:s2+s3], $0x80, v3, vm0, $0xb8;
	[tilespmem:$0x1C200] =	vst v63  }
0x277: {  	s20 =	simm.s32 $0x2A00  }
0x278: {  	[tilespmem:s20], [sflag:$0x1] =	stream.indirect_vreg.gather [hbm4b:s5+s3], $0x80, v3, vm0, $0xb8;
	[tilespmem:$0x1C200] =	vst v63  }
0x279: {  	s20 =	simm.s32 $0x3200  }
0x27a: {  	[tilespmem:s20], [sflag:$0x1] =	stream.indirect_vreg.gather [hbm4b:s6+s3], $0x80, v3, vm0, $0xb8;
	[tilespmem:$0x1C200] =	vst v63  }
0x27b: {  	s15 =	simm.s32 $0x3A00  }
0x27c: {  	[tilespmem:s15], [sflag:$0x1] =	stream.indirect_vreg.gather [hbm4b:s7+s3], $0x80, v3, vm0, $0xb8;
	[tilespmem:$0x1C200] =	vst v63  }
0x27d: {  	_ =	swait.ge [sflag:s29], $0x4000  }
0x27e: {  	[sflag:s29] =	ssyncset.done $0x0  }
0x27f: {  	s15 =	rddreg [dreg:$0x16];
	[sflag:s29] =	ssyncadd.s32 $0xFFFFC000  }
0x280: {  	[hbm4b:s15+s3] =	stream.linear.scatter [tilespmem:s9], [sflag:$0xB], $0x4000, $0x38;
	[tilespmem:$0x1C200] =	vst v63  }
0x281: {  	_ =	swait.ge [sflag:s30], $0x4000  }
0x282: {  	[sflag:s30] =	ssyncset.done $0x0  }
0x283: {  	[sflag:s30] =	ssyncadd.s32 $0xFFFFC000  }
0x284: {  	v3 =	vld [tilespmem:$0x160];
	_ =	sdelay $0x4  }
0x285: {  	v54 =	vshll.u32 v3, $0x3  }
0x286: {  	v3 =	vand.u32 $0x7, v3;
	v4 =	vand.u32 $0xFFFFFFC0, v54  }
0x287: {  	v3 =	vor.u32 v3, v4  }
0x288: {  	v4 =	vperm.xlane v3, v0;
	_ =	sdelay $0x1  }
0x289: {  	v4 =	vadd.s32 v1, v4;
	_ =	sdelay $0x4  }
0x28a: {  	[tilespmem:s28], [sflag:$0x2] =	stream.indirect_vreg.gather [hbm4b:s2+s3], $0x80, v4, vm0, $0xb8;
	[tilespmem:$0x1C200] =	vst v63  }
0x28b: {  	s15 =	simm.s32 $0x4A00;
	v3 =	vperm.xlane v3, v2  }
0x28c: {  	[tilespmem:s15], [sflag:$0x2] =	stream.indirect_vreg.gather [hbm4b:s5+s3], $0x80, v4, vm0, $0xb8;
	[tilespmem:$0x1C200] =	vst v63  }
0x28d: {  	v3 =	vadd.s32 v1, v3;
	s15 =	simm.s32 $0x5200  }
0x28e: {  	[tilespmem:s15], [sflag:$0x2] =	stream.indirect_vreg.gather [hbm4b:s6+s3], $0x80, v4, vm0, $0xb8;
	[tilespmem:$0x1C200] =	vst v63  }
0x28f: {  	s15 =	simm.s32 $0x5A00  }
0x290: {  	[tilespmem:s15], [sflag:$0x2] =	stream.indirect_vreg.gather [hbm4b:s7+s3], $0x80, v4, vm0, $0xb8;
	[tilespmem:$0x1C200] =	vst v63  }
0x291: {  	s15 =	simm.s32 $0x6200  }
0x292: {  	[tilespmem:s15], [sflag:$0x2] =	stream.indirect_vreg.gather [hbm4b:s2+s3], $0x80, v3, vm0, $0xb8;
	[tilespmem:$0x1C200] =	vst v63  }
0x293: {  	s15 =	simm.s32 $0x6A00  }
0x294: {  	[tilespmem:s15], [sflag:$0x2] =	stream.indirect_vreg.gather [hbm4b:s5+s3], $0x80, v3, vm0, $0xb8;
	[tilespmem:$0x1C200] =	vst v63  }
0x295: {  	s15 =	simm.s32 $0x7200  }
0x296: {  	[tilespmem:s15], [sflag:$0x2] =	stream.indirect_vreg.gather [hbm4b:s6+s3], $0x80, v3, vm0, $0xb8;
	[tilespmem:$0x1C200] =	vst v63  }
0x297: {  	s15 =	simm.s32 $0x7A00  }
0x298: {  	[tilespmem:s15], [sflag:$0x2] =	stream.indirect_vreg.gather [hbm4b:s7+s3], $0x80, v3, vm0, $0xb8;
	[tilespmem:$0x1C200] =	vst v63  }
0x299: {  	_ =	swait.ge [sflag:s18], $0x4000  }
0x29a: {  	[sflag:s18] =	ssyncset.done $0x0  }
0x29b: {  	s15 =	rddreg [dreg:$0x17];
	[sflag:s18] =	ssyncadd.s32 $0xFFFFC000  }
0x29c: {  	[hbm4b:s15+s3] =	stream.linear.scatter [tilespmem:s22], [sflag:$0xC], $0x4000, $0x38;
	[tilespmem:$0x1C200] =	vst v63  }
0x29d: {  	_ =	swait.ge [sflag:s0], $0x4000  }
0x29e: {  	[sflag:s0] =	ssyncset.done $0x0  }
0x29f: {  	[sflag:s0] =	ssyncadd.s32 $0xFFFFC000  }
0x2a0: {  	v3 =	vld [tilespmem:$0x170];
	_ =	sdelay $0x4  }
0x2a1: {  	v55 =	vshll.u32 v3, $0x3  }
0x2a2: {  	v3 =	vand.u32 $0x7, v3;
	v4 =	vand.u32 $0xFFFFFFC0, v55  }
0x2a3: {  	v3 =	vor.u32 v3, v4  }
0x2a4: {  	v4 =	vperm.xlane v3, v0;
	_ =	sdelay $0x1  }
0x2a5: {  	v4 =	vadd.s32 v1, v4;
	_ =	sdelay $0x4  }
0x2a6: {  	[tilespmem:s4], [sflag:$0x3] =	stream.indirect_vreg.gather [hbm4b:s2+s3], $0x80, v4, vm0, $0xb8;
	[tilespmem:$0x1C200] =	vst v63  }
0x2a7: {  	s15 =	simm.s32 $0x8A00;
	v3 =	vperm.xlane v3, v2  }
0x2a8: {  	[tilespmem:s15], [sflag:$0x3] =	stream.indirect_vreg.gather [hbm4b:s5+s3], $0x80, v4, vm0, $0xb8;
	[tilespmem:$0x1C200] =	vst v63  }
0x2a9: {  	v3 =	vadd.s32 v1, v3;
	s15 =	simm.s32 $0x9200  }
0x2aa: {  	[tilespmem:s15], [sflag:$0x3] =	stream.indirect_vreg.gather [hbm4b:s6+s3], $0x80, v4, vm0, $0xb8;
	[tilespmem:$0x1C200] =	vst v63  }
0x2ab: {  	s15 =	simm.s32 $0x9A00  }
0x2ac: {  	[tilespmem:s15], [sflag:$0x3] =	stream.indirect_vreg.gather [hbm4b:s7+s3], $0x80, v4, vm0, $0xb8;
	[tilespmem:$0x1C200] =	vst v63  }
0x2ad: {  	s15 =	simm.s32 $0xA200  }
0x2ae: {  	[tilespmem:s15], [sflag:$0x3] =	stream.indirect_vreg.gather [hbm4b:s2+s3], $0x80, v3, vm0, $0xb8;
	[tilespmem:$0x1C200] =	vst v63  }
0x2af: {  	s15 =	simm.s32 $0xAA00  }
0x2b0: {  	[tilespmem:s15], [sflag:$0x3] =	stream.indirect_vreg.gather [hbm4b:s5+s3], $0x80, v3, vm0, $0xb8;
	[tilespmem:$0x1C200] =	vst v63  }
0x2b1: {  	s15 =	simm.s32 $0xB200  }
0x2b2: {  	[tilespmem:s15], [sflag:$0x3] =	stream.indirect_vreg.gather [hbm4b:s6+s3], $0x80, v3, vm0, $0xb8;
	[tilespmem:$0x1C200] =	vst v63  }
0x2b3: {  	s15 =	simm.s32 $0xBA00  }
0x2b4: {  	[tilespmem:s15], [sflag:$0x3] =	stream.indirect_vreg.gather [hbm4b:s7+s3], $0x80, v3, vm0, $0xb8;
	[tilespmem:$0x1C200] =	vst v63  }
0x2b5: {  	_ =	swait.ge [sflag:s1], $0x4000  }
0x2b6: {  	[sflag:s1] =	ssyncset.done $0x0  }
0x2b7: {  	s15 =	rddreg [dreg:$0x18];
	[sflag:s1] =	ssyncadd.s32 $0xFFFFC000  }
0x2b8: {  	[hbm4b:s15+s3] =	stream.linear.scatter [tilespmem:s24], [sflag:$0xD], $0x4000, $0x38;
	[tilespmem:$0x1C200] =	vst v63  }
0x2b9: {  	_ =	swait.ge [sflag:s10], $0x4000  }
0x2ba: {  	[sflag:s10] =	ssyncset.done $0x0  }
0x2bb: {  	[sflag:s10] =	ssyncadd.s32 $0xFFFFC000  }
0x2bc: {  	v3 =	vld [tilespmem:$0x180];
	_ =	sdelay $0x4  }
0x2bd: {  	v56 =	vshll.u32 v3, $0x3  }
0x2be: {  	v3 =	vand.u32 $0x7, v3;
	v4 =	vand.u32 $0xFFFFFFC0, v56  }
0x2bf: {  	v3 =	vor.u32 v3, v4  }
0x2c0: {  	v4 =	vperm.xlane v3, v0;
	_ =	sdelay $0x1  }
0x2c1: {  	v4 =	vadd.s32 v1, v4;
	_ =	sdelay $0x4  }
0x2c2: {  	[tilespmem:s9], [sflag:$0x4] =	stream.indirect_vreg.gather [hbm4b:s2+s3], $0x80, v4, vm0, $0xb8;
	[tilespmem:$0x1C200] =	vst v63  }
0x2c3: {  	s15 =	simm.s32 $0xCA00;
	v3 =	vperm.xlane v3, v2  }
0x2c4: {  	[tilespmem:s15], [sflag:$0x4] =	stream.indirect_vreg.gather [hbm4b:s5+s3], $0x80, v4, vm0, $0xb8;
	[tilespmem:$0x1C200] =	vst v63  }
0x2c5: {  	v3 =	vadd.s32 v1, v3;
	s15 =	simm.s32 $0xD200  }
0x2c6: {  	[tilespmem:s15], [sflag:$0x4] =	stream.indirect_vreg.gather [hbm4b:s6+s3], $0x80, v4, vm0, $0xb8;
	[tilespmem:$0x1C200] =	vst v63  }
0x2c7: {  	s15 =	simm.s32 $0xDA00  }
0x2c8: {  	[tilespmem:s15], [sflag:$0x4] =	stream.indirect_vreg.gather [hbm4b:s7+s3], $0x80, v4, vm0, $0xb8;
	[tilespmem:$0x1C200] =	vst v63  }
0x2c9: {  	s15 =	simm.s32 $0xE200  }
0x2ca: {  	[tilespmem:s15], [sflag:$0x4] =	stream.indirect_vreg.gather [hbm4b:s2+s3], $0x80, v3, vm0, $0xb8;
	[tilespmem:$0x1C200] =	vst v63  }
0x2cb: {  	s15 =	simm.s32 $0xEA00  }
0x2cc: {  	[tilespmem:s15], [sflag:$0x4] =	stream.indirect_vreg.gather [hbm4b:s5+s3], $0x80, v3, vm0, $0xb8;
	[tilespmem:$0x1C200] =	vst v63  }
0x2cd: {  	s15 =	simm.s32 $0xF200  }
0x2ce: {  	[tilespmem:s15], [sflag:$0x4] =	stream.indirect_vreg.gather [hbm4b:s6+s3], $0x80, v3, vm0, $0xb8;
	[tilespmem:$0x1C200] =	vst v63  }
0x2cf: {  	s15 =	simm.s32 $0xFA00  }
0x2d0: {  	[tilespmem:s15], [sflag:$0x4] =	stream.indirect_vreg.gather [hbm4b:s7+s3], $0x80, v3, vm0, $0xb8;
	[tilespmem:$0x1C200] =	vst v63  }
0x2d1: {  	_ =	swait.ge [sflag:s11], $0x4000  }
0x2d2: {  	[sflag:s11] =	ssyncset.done $0x0  }
0x2d3: {  	s15 =	rddreg [dreg:$0x19];
	[sflag:s11] =	ssyncadd.s32 $0xFFFFC000  }
0x2d4: {  	[hbm4b:s15+s3] =	stream.linear.scatter [tilespmem:s19], [sflag:$0xE], $0x4000, $0x38;
	[tilespmem:$0x1C200] =	vst v63  }
0x2d5: {  	_ =	swait.ge [sflag:s12], $0x4000  }
0x2d6: {  	[sflag:s12] =	ssyncset.done $0x0  }
0x2d7: {  	[sflag:s12] =	ssyncadd.s32 $0xFFFFC000  }
0x2d8: {  	v3 =	vld [tilespmem:$0x190];
	_ =	sdelay $0x4  }
0x2d9: {  	v57 =	vshll.u32 v3, $0x3  }
0x2da: {  	v3 =	vand.u32 $0x7, v3;
	v4 =	vand.u32 $0xFFFFFFC0, v57  }
0x2db: {  	v3 =	vor.u32 v3, v4  }
0x2dc: {  	v4 =	vperm.xlane v3, v0;
	_ =	sdelay $0x1  }
0x2dd: {  	v4 =	vadd.s32 v1, v4;
	_ =	sdelay $0x4  }
0x2de: {  	[tilespmem:s22], [sflag:$0x5] =	stream.indirect_vreg.gather [hbm4b:s2+s3], $0x80, v4, vm0, $0xb8;
	[tilespmem:$0x1C200] =	vst v63  }
0x2df: {  	s15 =	simm.s32 $0x10A00;
	v3 =	vperm.xlane v3, v2  }
0x2e0: {  	[tilespmem:s15], [sflag:$0x5] =	stream.indirect_vreg.gather [hbm4b:s5+s3], $0x80, v4, vm0, $0xb8;
	[tilespmem:$0x1C200] =	vst v63  }
0x2e1: {  	v3 =	vadd.s32 v1, v3;
	s15 =	simm.s32 $0x11200  }
0x2e2: {  	[tilespmem:s15], [sflag:$0x5] =	stream.indirect_vreg.gather [hbm4b:s6+s3], $0x80, v4, vm0, $0xb8;
	[tilespmem:$0x1C200] =	vst v63  }
0x2e3: {  	s15 =	simm.s32 $0x11A00  }
0x2e4: {  	[tilespmem:s15], [sflag:$0x5] =	stream.indirect_vreg.gather [hbm4b:s7+s3], $0x80, v4, vm0, $0xb8;
	[tilespmem:$0x1C200] =	vst v63  }
0x2e5: {  	s15 =	simm.s32 $0x12200  }
0x2e6: {  	[tilespmem:s15], [sflag:$0x5] =	stream.indirect_vreg.gather [hbm4b:s2+s3], $0x80, v3, vm0, $0xb8;
	[tilespmem:$0x1C200] =	vst v63  }
0x2e7: {  	s15 =	simm.s32 $0x12A00  }
0x2e8: {  	[tilespmem:s15], [sflag:$0x5] =	stream.indirect_vreg.gather [hbm4b:s5+s3], $0x80, v3, vm0, $0xb8;
	[tilespmem:$0x1C200] =	vst v63  }
0x2e9: {  	s15 =	simm.s32 $0x13200  }
0x2ea: {  	[tilespmem:s15], [sflag:$0x5] =	stream.indirect_vreg.gather [hbm4b:s6+s3], $0x80, v3, vm0, $0xb8;
	[tilespmem:$0x1C200] =	vst v63  }
0x2eb: {  	s15 =	simm.s32 $0x13A00  }
0x2ec: {  	[tilespmem:s15], [sflag:$0x5] =	stream.indirect_vreg.gather [hbm4b:s7+s3], $0x80, v3, vm0, $0xb8;
	[tilespmem:$0x1C200] =	vst v63  }
0x2ed: {  	_ =	swait.ge [sflag:s21], $0x4000  }
0x2ee: {  	[sflag:s21] =	ssyncset.done $0x0  }
0x2ef: {  	s15 =	rddreg [dreg:$0x1a];
	[sflag:s21] =	ssyncadd.s32 $0xFFFFC000  }
0x2f0: {  	[hbm4b:s15+s3] =	stream.linear.scatter [tilespmem:s31], [sflag:$0x8], $0x4000, $0x38;
	[tilespmem:$0x1C200] =	vst v63  }
0x2f1: {  	_ =	swait.ge [sflag:s13], $0x4000  }
0x2f2: {  	[sflag:s13] =	ssyncset.done $0x0  }
0x2f3: {  	[sflag:s13] =	ssyncadd.s32 $0xFFFFC000  }
0x2f4: {  	v3 =	vld [tilespmem:$0x1A0];
	_ =	sdelay $0x4  }
0x2f5: {  	v58 =	vshll.u32 v3, $0x3  }
0x2f6: {  	v3 =	vand.u32 $0x7, v3;
	v4 =	vand.u32 $0xFFFFFFC0, v58  }
0x2f7: {  	v3 =	vor.u32 v3, v4  }
0x2f8: {  	v4 =	vperm.xlane v3, v0;
	_ =	sdelay $0x1  }
0x2f9: {  	v4 =	vadd.s32 v1, v4;
	_ =	sdelay $0x4  }
0x2fa: {  	[tilespmem:s24], [sflag:$0x6] =	stream.indirect_vreg.gather [hbm4b:s2+s3], $0x80, v4, vm0, $0xb8;
	[tilespmem:$0x1C200] =	vst v63  }
0x2fb: {  	s15 =	simm.s32 $0x14A00;
	v3 =	vperm.xlane v3, v2  }
0x2fc: {  	[tilespmem:s15], [sflag:$0x6] =	stream.indirect_vreg.gather [hbm4b:s5+s3], $0x80, v4, vm0, $0xb8;
	[tilespmem:$0x1C200] =	vst v63  }
0x2fd: {  	v3 =	vadd.s32 v1, v3;
	s15 =	simm.s32 $0x15200  }
0x2fe: {  	[tilespmem:s15], [sflag:$0x6] =	stream.indirect_vreg.gather [hbm4b:s6+s3], $0x80, v4, vm0, $0xb8;
	[tilespmem:$0x1C200] =	vst v63  }
0x2ff: {  	s15 =	simm.s32 $0x15A00  }
0x300: {  	[tilespmem:s15], [sflag:$0x6] =	stream.indirect_vreg.gather [hbm4b:s7+s3], $0x80, v4, vm0, $0xb8;
	[tilespmem:$0x1C200] =	vst v63  }
0x301: {  	s15 =	simm.s32 $0x16200  }
0x302: {  	[tilespmem:s15], [sflag:$0x6] =	stream.indirect_vreg.gather [hbm4b:s2+s3], $0x80, v3, vm0, $0xb8;
	[tilespmem:$0x1C200] =	vst v63  }
0x303: {  	s15 =	simm.s32 $0x16A00  }
0x304: {  	[tilespmem:s15], [sflag:$0x6] =	stream.indirect_vreg.gather [hbm4b:s5+s3], $0x80, v3, vm0, $0xb8;
	[tilespmem:$0x1C200] =	vst v63  }
0x305: {  	s15 =	simm.s32 $0x17200  }
0x306: {  	[tilespmem:s15], [sflag:$0x6] =	stream.indirect_vreg.gather [hbm4b:s6+s3], $0x80, v3, vm0, $0xb8;
	[tilespmem:$0x1C200] =	vst v63  }
0x307: {  	s15 =	simm.s32 $0x17A00  }
0x308: {  	[tilespmem:s15], [sflag:$0x6] =	stream.indirect_vreg.gather [hbm4b:s7+s3], $0x80, v3, vm0, $0xb8;
	[tilespmem:$0x1C200] =	vst v63  }
0x309: {  	_ =	swait.ge [sflag:s23], $0x4000  }
0x30a: {  	[sflag:s23] =	ssyncset.done $0x0  }
0x30b: {  	s15 =	rddreg [dreg:$0x1b];
	[sflag:s23] =	ssyncadd.s32 $0xFFFFC000  }
0x30c: {  	[hbm4b:s15+s3] =	stream.linear.scatter [tilespmem:s28], [sflag:$0x9], $0x4000, $0x38;
	[tilespmem:$0x1C200] =	vst v63  }
0x30d: {  	_ =	swait.ge [sflag:s14], $0x4000  }
0x30e: {  	[sflag:s14] =	ssyncset.done $0x0  }
0x30f: {  	[sflag:s14] =	ssyncadd.s32 $0xFFFFC000  }
0x310: {  	v3 =	vld [tilespmem:$0x1B0];
	_ =	sdelay $0x4  }
0x311: {  	v59 =	vshll.u32 v3, $0x3  }
0x312: {  	v3 =	vand.u32 $0x7, v3;
	v4 =	vand.u32 $0xFFFFFFC0, v59  }
0x313: {  	v3 =	vor.u32 v3, v4  }
0x314: {  	v4 =	vperm.xlane v3, v0;
	_ =	sdelay $0x1  }
0x315: {  	v4 =	vadd.s32 v1, v4;
	_ =	sdelay $0x4  }
0x316: {  	[tilespmem:s19], [sflag:$0x7] =	stream.indirect_vreg.gather [hbm4b:s2+s3], $0x80, v4, vm0, $0xb8;
	[tilespmem:$0x1C200] =	vst v63  }
0x317: {  	s15 =	simm.s32 $0x18A00;
	v3 =	vperm.xlane v3, v2  }
0x318: {  	[tilespmem:s15], [sflag:$0x7] =	stream.indirect_vreg.gather [hbm4b:s5+s3], $0x80, v4, vm0, $0xb8;
	[tilespmem:$0x1C200] =	vst v63  }
0x319: {  	s16 =	simm.s32 $0x19200;
	v3 =	vadd.s32 v1, v3  }
0x31a: {  	[tilespmem:s16], [sflag:$0x7] =	stream.indirect_vreg.gather [hbm4b:s6+s3], $0x80, v4, vm0, $0xb8;
	[tilespmem:$0x1C200] =	vst v63  }
0x31b: {  	s16 =	simm.s32 $0x19A00  }
0x31c: {  	[tilespmem:s16], [sflag:$0x7] =	stream.indirect_vreg.gather [hbm4b:s7+s3], $0x80, v4, vm0, $0xb8;
	[tilespmem:$0x1C200] =	vst v63  }
0x31d: {  	s16 =	simm.s32 $0x1A200  }
0x31e: {  	[tilespmem:s16], [sflag:$0x7] =	stream.indirect_vreg.gather [hbm4b:s2+s3], $0x80, v3, vm0, $0xb8;
	[tilespmem:$0x1C200] =	vst v63  }
0x31f: {  	s16 =	simm.s32 $0x1AA00  }
0x320: {  	[tilespmem:s16], [sflag:$0x7] =	stream.indirect_vreg.gather [hbm4b:s5+s3], $0x80, v3, vm0, $0xb8;
	[tilespmem:$0x1C200] =	vst v63  }
0x321: {  	s16 =	simm.s32 $0x1B200  }
0x322: {  	[tilespmem:s16], [sflag:$0x7] =	stream.indirect_vreg.gather [hbm4b:s6+s3], $0x80, v3, vm0, $0xb8;
	[tilespmem:$0x1C200] =	vst v63  }
0x323: {  	s16 =	simm.s32 $0x1BA00  }
0x324: {  	[tilespmem:s16], [sflag:$0x7] =	stream.indirect_vreg.gather [hbm4b:s7+s3], $0x80, v3, vm0, $0xb8;
	[tilespmem:$0x1C200] =	vst v63  }
0x325: {  	_ =	swait.ge [sflag:s25], $0x4000  }
0x326: {  	[sflag:s25] =	ssyncset.done $0x0  }
0x327: {  	s16 =	rddreg [dreg:$0x1c];
	[sflag:s25] =	ssyncadd.s32 $0xFFFFC000  }
0x328: {  	[hbm4b:s16+s3] =	stream.linear.scatter [tilespmem:s4], [sflag:$0xA], $0x4000, $0x38;
	[tilespmem:$0x1C200] =	vst v63  }
0x329: {  	_ =	swait.ge [sflag:s26], $0x4000  }
0x32a: {  	[sflag:s26] =	ssyncset.done $0x0  }
0x32b: {  	[sflag:s26] =	ssyncadd.s32 $0xFFFFC000  }
0x32c: {  	v3 =	vld [tilespmem:$0x1C0];
	_ =	sdelay $0x4  }
0x32d: {  	v60 =	vshll.u32 v3, $0x3  }
0x32e: {  	v3 =	vand.u32 $0x7, v3;
	v4 =	vand.u32 $0xFFFFFFC0, v60  }
0x32f: {  	v3 =	vor.u32 v3, v4  }
0x330: {  	v4 =	vperm.xlane v3, v0;
	_ =	sdelay $0x1  }
0x331: {  	v4 =	vadd.s32 v1, v4;
	_ =	sdelay $0x4  }
0x332: {  	[tilespmem:s31], [sflag:$0x1] =	stream.indirect_vreg.gather [hbm4b:s2+s3], $0x80, v4, vm0, $0xb8;
	[tilespmem:$0x1C200] =	vst v63  }
0x333: {  	s16 =	simm.s32 $0xA00;
	v3 =	vperm.xlane v3, v2  }
0x334: {  	[tilespmem:s16], [sflag:$0x1] =	stream.indirect_vreg.gather [hbm4b:s5+s3], $0x80, v4, vm0, $0xb8;
	[tilespmem:$0x1C200] =	vst v63  }
0x335: {  	v3 =	vadd.s32 v1, v3;
	s16 =	simm.s32 $0x1200  }
0x336: {  	[tilespmem:s16], [sflag:$0x1] =	stream.indirect_vreg.gather [hbm4b:s6+s3], $0x80, v4, vm0, $0xb8;
	[tilespmem:$0x1C200] =	vst v63  }
0x337: {  	s16 =	simm.s32 $0x1A00  }
0x338: {  	[tilespmem:s16], [sflag:$0x1] =	stream.indirect_vreg.gather [hbm4b:s7+s3], $0x80, v4, vm0, $0xb8;
	[tilespmem:$0x1C200] =	vst v63  }
0x339: {  	s16 =	simm.s32 $0x2200  }
0x33a: {  	[tilespmem:s16], [sflag:$0x1] =	stream.indirect_vreg.gather [hbm4b:s2+s3], $0x80, v3, vm0, $0xb8;
	[tilespmem:$0x1C200] =	vst v63  }
0x33b: {  	s17 =	simm.s32 $0x2A00  }
0x33c: {  	[tilespmem:s17], [sflag:$0x1] =	stream.indirect_vreg.gather [hbm4b:s5+s3], $0x80, v3, vm0, $0xb8;
	[tilespmem:$0x1C200] =	vst v63  }
0x33d: {  	s20 =	simm.s32 $0x3200  }
0x33e: {  	[tilespmem:s20], [sflag:$0x1] =	stream.indirect_vreg.gather [hbm4b:s6+s3], $0x80, v3, vm0, $0xb8;
	[tilespmem:$0x1C200] =	vst v63  }
0x33f: {  	s16 =	simm.s32 $0x3A00  }
0x340: {  	[tilespmem:s16], [sflag:$0x1] =	stream.indirect_vreg.gather [hbm4b:s7+s3], $0x80, v3, vm0, $0xb8;
	[tilespmem:$0x1C200] =	vst v63  }
0x341: {  	_ =	swait.ge [sflag:s29], $0x4000  }
0x342: {  	[sflag:s29] =	ssyncset.done $0x0  }
0x343: {  	s17 =	rddreg [dreg:$0x1d];
	[sflag:s29] =	ssyncadd.s32 $0xFFFFC000  }
0x344: {  	[hbm4b:s17+s3] =	stream.linear.scatter [tilespmem:s9], [sflag:$0xB], $0x4000, $0x38;
	[tilespmem:$0x1C200] =	vst v63  }
0x345: {  	_ =	swait.ge [sflag:s30], $0x4000  }
0x346: {  	[sflag:s30] =	ssyncset.done $0x0  }
0x347: {  	[sflag:s30] =	ssyncadd.s32 $0xFFFFC000  }
0x348: {  	v3 =	vld [tilespmem:$0x1D0];
	_ =	sdelay $0x4  }
0x349: {  	v61 =	vshll.u32 v3, $0x3  }
0x34a: {  	v3 =	vand.u32 $0x7, v3;
	v4 =	vand.u32 $0xFFFFFFC0, v61  }
0x34b: {  	v3 =	vor.u32 v3, v4  }
0x34c: {  	v4 =	vperm.xlane v3, v0;
	_ =	sdelay $0x1  }
0x34d: {  	v4 =	vadd.s32 v1, v4;
	_ =	sdelay $0x4  }
0x34e: {  	[tilespmem:s28], [sflag:$0x2] =	stream.indirect_vreg.gather [hbm4b:s2+s3], $0x80, v4, vm0, $0xb8;
	[tilespmem:$0x1C200] =	vst v63  }
0x34f: {  	s20 =	simm.s32 $0x4A00;
	v3 =	vperm.xlane v3, v2  }
0x350: {  	[tilespmem:s20], [sflag:$0x2] =	stream.indirect_vreg.gather [hbm4b:s5+s3], $0x80, v4, vm0, $0xb8;
	[tilespmem:$0x1C200] =	vst v63  }
0x351: {  	s16 =	simm.s32 $0x5200;
	v3 =	vadd.s32 v1, v3  }
0x352: {  	[tilespmem:s16], [sflag:$0x2] =	stream.indirect_vreg.gather [hbm4b:s6+s3], $0x80, v4, vm0, $0xb8;
	[tilespmem:$0x1C200] =	vst v63  }
0x353: {  	s17 =	simm.s32 $0x5A00  }
0x354: {  	[tilespmem:s17], [sflag:$0x2] =	stream.indirect_vreg.gather [hbm4b:s7+s3], $0x80, v4, vm0, $0xb8;
	[tilespmem:$0x1C200] =	vst v63  }
0x355: {  	s20 =	simm.s32 $0x6200  }
0x356: {  	[tilespmem:s20], [sflag:$0x2] =	stream.indirect_vreg.gather [hbm4b:s2+s3], $0x80, v3, vm0, $0xb8;
	[tilespmem:$0x1C200] =	vst v63  }
0x357: {  	s16 =	simm.s32 $0x6A00  }
0x358: {  	[tilespmem:s16], [sflag:$0x2] =	stream.indirect_vreg.gather [hbm4b:s5+s3], $0x80, v3, vm0, $0xb8;
	[tilespmem:$0x1C200] =	vst v63  }
0x359: {  	s17 =	simm.s32 $0x7200  }
0x35a: {  	[tilespmem:s17], [sflag:$0x2] =	stream.indirect_vreg.gather [hbm4b:s6+s3], $0x80, v3, vm0, $0xb8;
	[tilespmem:$0x1C200] =	vst v63  }
0x35b: {  	s20 =	simm.s32 $0x7A00  }
0x35c: {  	[tilespmem:s20], [sflag:$0x2] =	stream.indirect_vreg.gather [hbm4b:s7+s3], $0x80, v3, vm0, $0xb8;
	[tilespmem:$0x1C200] =	vst v63  }
0x35d: {  	_ =	swait.ge [sflag:s18], $0x4000  }
0x35e: {  	[sflag:s18] =	ssyncset.done $0x0  }
0x35f: {  	s16 =	rddreg [dreg:$0x1e];
	[sflag:s18] =	ssyncadd.s32 $0xFFFFC000  }
0x360: {  	[hbm4b:s16+s3] =	stream.linear.scatter [tilespmem:s22], [sflag:$0xC], $0x4000, $0x38;
	[tilespmem:$0x1C200] =	vst v63  }
0x361: {  	_ =	swait.ge [sflag:s0], $0x4000  }
0x362: {  	[sflag:s0] =	ssyncset.done $0x0  }
0x363: {  	[sflag:s0] =	ssyncadd.s32 $0xFFFFC000  }
0x364: {  	v3 =	vld [tilespmem:$0x1E0];
	_ =	sdelay $0x4  }
0x365: {  	v62 =	vshll.u32 v3, $0x3  }
0x366: {  	v3 =	vand.u32 $0x7, v3;
	v4 =	vand.u32 $0xFFFFFFC0, v62  }
0x367: {  	v3 =	vor.u32 v3, v4  }
0x368: {  	v4 =	vperm.xlane v3, v0;
	_ =	sdelay $0x1  }
0x369: {  	v4 =	vadd.s32 v1, v4;
	_ =	sdelay $0x4  }
0x36a: {  	[tilespmem:s4], [sflag:$0x3] =	stream.indirect_vreg.gather [hbm4b:s2+s3], $0x80, v4, vm0, $0xb8;
	[tilespmem:$0x1C200] =	vst v63  }
0x36b: {  	s17 =	simm.s32 $0x8A00;
	v3 =	vperm.xlane v3, v2  }
0x36c: {  	[tilespmem:s17], [sflag:$0x3] =	stream.indirect_vreg.gather [hbm4b:s5+s3], $0x80, v4, vm0, $0xb8;
	[tilespmem:$0x1C200] =	vst v63  }
0x36d: {  	s20 =	simm.s32 $0x9200;
	v3 =	vadd.s32 v1, v3  }
0x36e: {  	[tilespmem:s20], [sflag:$0x3] =	stream.indirect_vreg.gather [hbm4b:s6+s3], $0x80, v4, vm0, $0xb8;
	[tilespmem:$0x1C200] =	vst v63  }
0x36f: {  	s16 =	simm.s32 $0x9A00  }
0x370: {  	[tilespmem:s16], [sflag:$0x3] =	stream.indirect_vreg.gather [hbm4b:s7+s3], $0x80, v4, vm0, $0xb8;
	[tilespmem:$0x1C200] =	vst v63  }
0x371: {  	s17 =	simm.s32 $0xA200  }
0x372: {  	[tilespmem:s17], [sflag:$0x3] =	stream.indirect_vreg.gather [hbm4b:s2+s3], $0x80, v3, vm0, $0xb8;
	[tilespmem:$0x1C200] =	vst v63  }
0x373: {  	s20 =	simm.s32 $0xAA00  }
0x374: {  	[tilespmem:s20], [sflag:$0x3] =	stream.indirect_vreg.gather [hbm4b:s5+s3], $0x80, v3, vm0, $0xb8;
	[tilespmem:$0x1C200] =	vst v63  }
0x375: {  	s16 =	simm.s32 $0xB200  }
0x376: {  	[tilespmem:s16], [sflag:$0x3] =	stream.indirect_vreg.gather [hbm4b:s6+s3], $0x80, v3, vm0, $0xb8;
	[tilespmem:$0x1C200] =	vst v63  }
0x377: {  	s17 =	simm.s32 $0xBA00  }
0x378: {  	[tilespmem:s17], [sflag:$0x3] =	stream.indirect_vreg.gather [hbm4b:s7+s3], $0x80, v3, vm0, $0xb8;
	[tilespmem:$0x1C200] =	vst v63  }
0x379: {  	_ =	swait.ge [sflag:s1], $0x4000  }
0x37a: {  	[sflag:s1] =	ssyncset.done $0x0  }
0x37b: {  	s20 =	rddreg [dreg:$0x1f];
	[sflag:s1] =	ssyncadd.s32 $0xFFFFC000  }
0x37c: {  	[hbm4b:s20+s3] =	stream.linear.scatter [tilespmem:s24], [sflag:$0xD], $0x4000, $0x38;
	[tilespmem:$0x1C200] =	vst v63  }
0x37d: {  	_ =	swait.ge [sflag:s10], $0x4000  }
0x37e: {  	[sflag:s10] =	ssyncset.done $0x0  }
0x37f: {  	[sflag:s10] =	ssyncadd.s32 $0xFFFFC000  }
0x380: {  	v3 =	vld [tilespmem:$0x1F0];
	_ =	sdelay $0x4  }
0x381: {  	v63 =	vshll.u32 v3, $0x3  }
0x382: {  	v3 =	vand.u32 $0x7, v3;
	v4 =	vand.u32 $0xFFFFFFC0, v63  }
0x383: {  	v3 =	vor.u32 v3, v4  }
0x384: {  	v4 =	vperm.xlane v3, v0;
	_ =	sdelay $0x1  }
0x385: {  	v4 =	vadd.s32 v1, v4;
	_ =	sdelay $0x4  }
0x386: {  	[tilespmem:s9], [sflag:$0x4] =	stream.indirect_vreg.gather [hbm4b:s2+s3], $0x80, v4, vm0, $0xb8;
	[tilespmem:$0x1C200] =	vst v63  }
0x387: {  	s16 =	simm.s32 $0xCA00;
	v3 =	vperm.xlane v3, v2  }
0x388: {  	[tilespmem:s16], [sflag:$0x4] =	stream.indirect_vreg.gather [hbm4b:s5+s3], $0x80, v4, vm0, $0xb8;
	[tilespmem:$0x1C200] =	vst v63  }
0x389: {  	s17 =	simm.s32 $0xD200;
	v3 =	vadd.s32 v1, v3  }
0x38a: {  	[tilespmem:s17], [sflag:$0x4] =	stream.indirect_vreg.gather [hbm4b:s6+s3], $0x80, v4, vm0, $0xb8;
	[tilespmem:$0x1C200] =	vst v63  }
0x38b: {  	s20 =	simm.s32 $0xDA00  }
0x38c: {  	[tilespmem:s20], [sflag:$0x4] =	stream.indirect_vreg.gather [hbm4b:s7+s3], $0x80, v4, vm0, $0xb8;
	[tilespmem:$0x1C200] =	vst v63  }
0x38d: {  	s16 =	simm.s32 $0xE200  }
0x38e: {  	[tilespmem:s16], [sflag:$0x4] =	stream.indirect_vreg.gather [hbm4b:s2+s3], $0x80, v3, vm0, $0xb8;
	[tilespmem:$0x1C200] =	vst v63  }
0x38f: {  	s17 =	simm.s32 $0xEA00  }
0x390: {  	[tilespmem:s17], [sflag:$0x4] =	stream.indirect_vreg.gather [hbm4b:s5+s3], $0x80, v3, vm0, $0xb8;
	[tilespmem:$0x1C200] =	vst v63  }
0x391: {  	s20 =	simm.s32 $0xF200  }
0x392: {  	[tilespmem:s20], [sflag:$0x4] =	stream.indirect_vreg.gather [hbm4b:s6+s3], $0x80, v3, vm0, $0xb8;
	[tilespmem:$0x1C200] =	vst v63  }
0x393: {  	s16 =	simm.s32 $0xFA00  }
0x394: {  	[tilespmem:s16], [sflag:$0x4] =	stream.indirect_vreg.gather [hbm4b:s7+s3], $0x80, v3, vm0, $0xb8;
	[tilespmem:$0x1C200] =	vst v63  }
0x395: {  	_ =	swait.ge [sflag:s11], $0x4000  }
0x396: {  	s17 =	sld [smem:$0x7F8]  }
0x397: {  	[sflag:s11] =	ssyncset.done $0x0  }
0x398: {  	[sflag:s11] =	ssyncadd.s32 $0xFFFFC000  }
0x399: {  	[hbm4b:s17+s3] =	stream.linear.scatter [tilespmem:s19], [sflag:$0xE], $0x4000, $0x38;
	[tilespmem:$0x1C200] =	vst v63  }
0x39a: {  	_ =	swait.ge [sflag:s21], $0x4000  }
0x39b: {  	s20 =	sld [smem:$0x7F9]  }
0x39c: {  	[sflag:s21] =	ssyncset.done $0x0  }
0x39d: {  	[sflag:s21] =	ssyncadd.s32 $0xFFFFC000  }
0x39e: {  	[hbm4b:s20+s3] =	stream.linear.scatter [tilespmem:s31], [sflag:$0x8], $0x4000, $0x38;
	[tilespmem:$0x1C200] =	vst v63  }
0x39f: {  	_ =	swait.ge [sflag:s23], $0x4000  }
0x3a0: {  	s16 =	sld [smem:$0x7FA]  }
0x3a1: {  	[sflag:s23] =	ssyncset.done $0x0  }
0x3a2: {  	[sflag:s23] =	ssyncadd.s32 $0xFFFFC000  }
0x3a3: {  	[hbm4b:s16+s3] =	stream.linear.scatter [tilespmem:s28], [sflag:$0x9], $0x4000, $0x38;
	[tilespmem:$0x1C200] =	vst v63  }
0x3a4: {  	_ =	swait.ge [sflag:s25], $0x4000  }
0x3a5: {  	s17 =	sld [smem:$0x7FB]  }
0x3a6: {  	[sflag:s25] =	ssyncset.done $0x0  }
0x3a7: {  	[sflag:s25] =	ssyncadd.s32 $0xFFFFC000  }
0x3a8: {  	[hbm4b:s17+s3] =	stream.linear.scatter [tilespmem:s4], [sflag:$0xA], $0x4000, $0x38;
	[tilespmem:$0x1C200] =	vst v63  }
0x3a9: {  	_ =	swait.ge [sflag:s29], $0x4000  }
0x3aa: {  	s20 =	sld [smem:$0x7FD]  }
0x3ab: {  	[sflag:s29] =	ssyncset.done $0x0  }
0x3ac: {  	[sflag:s29] =	ssyncadd.s32 $0xFFFFC000  }
0x3ad: {  	[hbm4b:s20+s3] =	stream.linear.scatter [tilespmem:s9], [sflag:$0xB], $0x4000, $0x38;
	[tilespmem:$0x1C200] =	vst v63  }
0x3ae: {  	_ =	swait.ge [sflag:s26], $0x4000  }
0x3af: {  	[sflag:s26] =	ssyncset.done $0x0  }
0x3b0: {  	[sflag:s26] =	ssyncadd.s32 $0xFFFFC000  }
0x3b1: {  	_ =	swait.ge [sflag:s30], $0x4000  }
0x3b2: {  	[sflag:s30] =	ssyncset.done $0x0  }
0x3b3: {  	[sflag:s30] =	ssyncadd.s32 $0xFFFFC000  }
0x3b4: {  	_ =	swait.ge [sflag:s0], $0x4000  }
0x3b5: {  	[sflag:s0] =	ssyncset.done $0x0  }
0x3b6: {  	[sflag:s0] =	ssyncadd.s32 $0xFFFFC000  }
0x3b7: {  	_ =	swait.ge [sflag:s10], $0x4000  }
0x3b8: {  	[sflag:s10] =	ssyncset.done $0x0  }
0x3b9: {  	[sflag:s10] =	ssyncadd.s32 $0xFFFFC000  }
0x3ba: {  	_ =	swait.ge [sflag:s12], $0x4000  }
0x3bb: {  	[sflag:s12] =	ssyncset.done $0x0  }
0x3bc: {  	[sflag:s12] =	ssyncadd.s32 $0xFFFFC000  }
0x3bd: {  	p0 =	sne.s32 s8, $0x1;
	_ =	swait.ge [sflag:s13], $0x4000  }
.Ltmp0:
0x3be: {  	[sflag:s13] =	ssyncset.done $0x0;
	(pc) =	sbr.rel @p0 .LBB2_1-.Ltmp0, $4  }
0x3bf: {  	[sflag:s13] =	ssyncadd.s32 $0xFFFFC000  }
0x3c0: {  	_ =	swait.ge [sflag:s14], $0x4000  }
0x3c1: {  	[sflag:s14] =	ssyncset.done $0x0  }
0x3c2: {  	s8 =	sadd.s32 $0xFFFFFFFF, s8;
	[sflag:s14] =	ssyncadd.s32 $0xFFFFC000  }
0x3c3: {  	_ =	sfence.sel $0x180000  }
0x3c4: {  	[bflag:$0x0] =	sbarrier.arrive $0xFFFF  }
0x3c5: {  	_ =	strace $0x90000047  }
0x3c6: {  	s0 =	stileid.u32;
	[bflag:$0x2] =	sbarrier.arrive $0xFFFF  }
0x3c7: {  	p0 =	sne.s32 s0, $0x0;
	s0 =	rddreg [dreg:$0x3]  }
0x3c8: {  	s0 =	sadd.s32 @!p0 $0x100000, s0  }
0x3c9: {  	[sflag:s0] =	ssyncadd.tile.s32 @!p0 $0x1;
	_ =	shalt  }
.Lfunc_end2:
_tile_overlayer_lowered:
.L_overlay_start_2:
0x3ca: {  	(tag) =	ssettag $0x2  }
0x3cb: {  	s0 =	rddreg [dreg:$0x0];
	s2 =	stileid.u32  }
0x3cc: {  	s1 =	rddreg [dreg:$0x1];
	p0 =	sne.s32 s2, $0x0  }
0x3cd: {  	s3 =	rddreg [dreg:$0x2];
	[bflag:$0x3] =	sbarrier.arrive $0xFFFF;
	s2 =	simm.s32 @!p0 $0x1C11  }
0x3ce: {  	[timem:s3], [sflag:s2] =	dma.local @!p0 [hbm:s0], s1  }
0x3cf: {  	s0 =	simm.s32 @!p0 $0x11  }
0x3d0: {  	_ =	swait.ge @!p0 [sflag:s0], s1  }
0x3d1: {  	s1 =	ssub.s32 @!p0 $0x0, s1;
	[sflag:s0] =	ssyncset.done @!p0 $0x0  }
0x3d2: {  	[sflag:s0] =	ssyncadd.s32 @!p0 s1  }
0x3d3: {  	[bflag:$0x3] =	sbarrier.arrive $0xFFFF  }
0x3d4: {  	_ =	shalt  }

</sc_bundles>
